<compile_context>
chip_gen: v7x
topology: tpu7x:2x2x1
jax: 0.10.2.dev20260603
libtpu: 0.0.44.dev20260713+nightly
codegen_flags: <defaults>
</compile_context>

<pallas_src>
import functools

import jax
import jax.numpy as jnp
from jax import lax
from jax.experimental import pallas as pl
from jax.experimental.pallas import tpu as pltpu
from jax.experimental.pallas import tpu_sc as plsc

N = 10000
E = 320000
D = 128
H = 128

NC = 2
NS = 16
LN = 16
NW = NC * NS
E_HALF1 = 128000
RPT = 624
RTAIL = N - RPT * NS

_sc_mesh = functools.partial(
    plsc.VectorSubcoreMesh,
    core_axis_name="c", subcore_axis_name="s", num_cores=NC, num_subcores=NS)


def _tables_body(ns_ref, wp_ref, bp_ref, w1a_ref, w1b_ref, be1_ref,
                 a_ref, b_ref):
    nm = jnp.dot(ns_ref[...], wp_ref[...],
                 preferred_element_type=jnp.float32) + bp_ref[...]
    a_ref[...] = jnp.dot(nm, w1a_ref[...],
                         preferred_element_type=jnp.float32) + be1_ref[...]
    b_ref[...] = jnp.dot(nm, w1b_ref[...],
                         preferred_element_type=jnp.float32)


def _make_tables(ns, wp, bp, w1a, w1b, be1):
    blk = 1000
    grid = N // blk
    row_spec = pl.BlockSpec((blk, D), lambda i: (i, 0))
    full = lambda s: pl.BlockSpec(s, lambda i: (0,) * len(s))
    return pl.pallas_call(
        _tables_body,
        grid=(grid,),
        in_specs=[row_spec, full((D, D)), full((1, D)),
                  full((D, H)), full((D, H)), full((1, H))],
        out_specs=[pl.BlockSpec((blk, H), lambda i: (i, 0))] * 2,
        out_shape=[jax.ShapeDtypeStruct((N, H), jnp.float32)] * 2,
    )(ns, wp, bp, w1a, w1b, be1)


def _gather_body(eoff, ew, CH, a_hbm, b_hbm, src_hbm, dst_hbm, h1_hbm,
                 sidx0, sidx1, didx0, didx1, abuf0, abuf1, bbuf0, bbuf1,
                 gi0, gi1, gg0, gg1, gs0, gs1):
    ncht = ew // CH
    cid = lax.axis_index("c")
    sid = lax.axis_index("s")
    wid = sid * NC + cid
    base_i = eoff + wid * ew
    base_o = wid * ew

    sidx = (sidx0, sidx1)
    didx = (didx0, didx1)
    abuf = (abuf0, abuf1)
    bbuf = (bbuf0, bbuf1)
    gi = (gi0, gi1)
    gg = (gg0, gg1)
    gs = (gs0, gs1)

    def idx_issue(c, p):
        sl = pl.ds(base_i + c * CH, CH)
        pltpu.async_copy(src_hbm.at[sl], sidx[p], gi[p])
        pltpu.async_copy(dst_hbm.at[sl], didx[p], gi[p])

    def idx_wait(p):
        pltpu.make_async_copy(src_hbm.at[pl.ds(0, CH)], sidx[p], gi[p]).wait()
        pltpu.make_async_copy(dst_hbm.at[pl.ds(0, CH)], didx[p], gi[p]).wait()

    def gather_issue(p):
        pltpu.async_copy(a_hbm.at[sidx[p]], abuf[p], gg[p])
        pltpu.async_copy(b_hbm.at[didx[p]], bbuf[p], gg[p])

    def gather_wait(p):
        pltpu.make_async_copy(a_hbm.at[sidx[p]], abuf[p], gg[p]).wait()
        pltpu.make_async_copy(b_hbm.at[didx[p]], bbuf[p], gg[p]).wait()

    def store_wait(p):
        pltpu.make_async_copy(
            abuf[p], h1_hbm.at[pl.ds(base_o, CH)], gs[p]).wait()

    def stage(c, p, do_store_wait=True, do_idx=True, do_gather=True):
        pn = 1 - p
        gather_wait(p)
        if do_idx:
            idx_issue(c + 2, p)
        if do_store_wait:
            store_wait(pn)
        if do_gather:
            idx_wait(pn)
            gather_issue(pn)

        def row(r, c2):
            for j in range(H // LN):
                sl = pl.ds(j * LN, LN)
                abuf[p][r, sl] = abuf[p][r, sl] + bbuf[p][r, sl]
            return c2

        lax.fori_loop(0, CH, row, 0)
        pltpu.async_copy(abuf[p], h1_hbm.at[pl.ds(base_o + c * CH, CH)],
                         gs[p])

    sl0 = pl.ds(base_i, CH)
    pltpu.sync_copy(src_hbm.at[sl0], sidx[0])
    pltpu.sync_copy(dst_hbm.at[sl0], didx[0])
    gather_issue(0)
    idx_issue(1, 1)

    stage(0, 0, do_store_wait=False,
          do_idx=(2 <= ncht - 1), do_gather=(1 <= ncht - 1))

    npairs = max(0, (ncht - 3) // 2)

    def pair(k, carry):
        c0 = 2 * k + 1
        stage(c0, 1)
        stage(c0 + 1, 0)
        return carry

    lax.fori_loop(0, npairs, pair, 0)

    for c in range(2 * npairs + 1, ncht):
        stage(c, c % 2, do_idx=(c + 2 <= ncht - 1),
              do_gather=(c + 1 <= ncht - 1))
    store_wait((ncht - 1) % 2)


def _gather_combine(a_tab, b_tab, src, dst, eoff, n_edges, CH):
    ew = n_edges // NW
    kern = pl.kernel(
        functools.partial(_gather_body, eoff, ew, CH),
        out_type=jax.ShapeDtypeStruct((n_edges, H), jnp.float32),
        mesh=_sc_mesh(),
        scratch_types=[
            pltpu.VMEM((CH,), jnp.int32),
            pltpu.VMEM((CH,), jnp.int32),
            pltpu.VMEM((CH,), jnp.int32),
            pltpu.VMEM((CH,), jnp.int32),
            pltpu.VMEM((CH, H), jnp.float32),
            pltpu.VMEM((CH, H), jnp.float32),
            pltpu.VMEM((CH, H), jnp.float32),
            pltpu.VMEM((CH, H), jnp.float32),
            pltpu.SemaphoreType.DMA,
            pltpu.SemaphoreType.DMA,
            pltpu.SemaphoreType.DMA,
            pltpu.SemaphoreType.DMA,
            pltpu.SemaphoreType.DMA,
            pltpu.SemaphoreType.DMA,
        ],
    )
    return kern(a_tab, b_tab, src, dst)


def _edge_mlp_body(h1_ref, w2_ref, b2_ref, out_ref):
    x = jnp.maximum(h1_ref[...], 0.0)
    y = jnp.dot(x, w2_ref[...], preferred_element_type=jnp.float32)
    out_ref[...] = jnp.maximum(y + b2_ref[...], 0.0)


def _edge_mlp(h1, w2, b2):
    n_edges = h1.shape[0]
    blk = 2000
    grid = n_edges // blk
    full = lambda s: pl.BlockSpec(s, lambda i: (0,) * len(s))
    return pl.pallas_call(
        _edge_mlp_body,
        grid=(grid,),
        in_specs=[pl.BlockSpec((blk, H), lambda i: (i, 0)),
                  full((H, H)), full((1, H))],
        out_specs=pl.BlockSpec((blk, H), lambda i: (i, 0)),
        out_shape=jax.ShapeDtypeStruct((n_edges, H), jnp.float32),
    )(h1, w2, b2)


def _scatter_body(eoff, ew, CH, e2_hbm, dst_hbm, zeros_hbm, out_hbm,
                  didx0, didx1, ebuf0, ebuf1, acc, sl0_, sl1_, sc0, sc1):
    ncht = ew // CH
    cid = lax.axis_index("c")
    sid = lax.axis_index("s")
    wid = sid * NC + cid
    base_i = eoff + wid * ew
    base_o = wid * ew
    rbase = sid * RPT

    didx = (didx0, didx1)
    ebuf = (ebuf0, ebuf1)
    sl = (sl0_, sl1_)
    sc = (sc0, sc1)

    pltpu.sync_copy(zeros_hbm.at[pl.ds(rbase, RPT)],
                    acc.at[pl.ds(rbase, RPT)])

    @pl.when(sid == NS - 1)
    def _():
        pltpu.sync_copy(zeros_hbm.at[pl.ds(RPT * NS, RTAIL)],
                        acc.at[pl.ds(RPT * NS, RTAIL)])

    plsc.subcore_barrier()

    def load_issue(c, p):
        pltpu.async_copy(dst_hbm.at[pl.ds(base_i + c * CH, CH)],
                         didx[p], sl[p])
        pltpu.async_copy(e2_hbm.at[pl.ds(base_o + c * CH, CH)],
                         ebuf[p], sl[p])

    def load_wait(p):
        pltpu.make_async_copy(dst_hbm.at[pl.ds(0, CH)], didx[p], sl[p]).wait()
        pltpu.make_async_copy(e2_hbm.at[pl.ds(0, CH)], ebuf[p], sl[p]).wait()

    def scat_issue(p):
        pltpu.async_copy(ebuf[p], acc.at[didx[p]], sc[p], add=True)

    def scat_wait(p):
        pltpu.make_async_copy(ebuf[p], acc.at[didx[p]], sc[p]).wait()

    def stage(c, p, do_scat_wait=True, do_load=True):
        pn = 1 - p
        load_wait(p)
        if do_scat_wait:
            scat_wait(pn)
        if do_load:
            load_issue(c + 1, pn)
        scat_issue(p)

    load_issue(0, 0)
    stage(0, 0, do_scat_wait=False, do_load=(1 <= ncht - 1))

    npairs = max(0, (ncht - 3) // 2)

    def pair(k, carry):
        c0 = 2 * k + 1
        stage(c0, 1)
        stage(c0 + 1, 0)
        return carry

    lax.fori_loop(0, npairs, pair, 0)

    for c in range(2 * npairs + 1, ncht):
        stage(c, c % 2, do_load=(c + 1 <= ncht - 1))
    scat_wait((ncht - 1) % 2)

    plsc.subcore_barrier()
    pltpu.sync_copy(acc.at[pl.ds(rbase, RPT)],
                    out_hbm.at[pl.ds(cid * N + rbase, RPT)])

    @pl.when(sid == NS - 1)
    def _():
        pltpu.sync_copy(acc.at[pl.ds(RPT * NS, RTAIL)],
                        out_hbm.at[pl.ds(cid * N + RPT * NS, RTAIL)])


def _scatter_aggregate(e2, dst, zeros, eoff, CH):
    n_edges = e2.shape[0]
    ew = n_edges // NW
    kern = pl.kernel(
        functools.partial(_scatter_body, eoff, ew, CH),
        out_type=jax.ShapeDtypeStruct((NC * N, H), jnp.float32),
        mesh=_sc_mesh(),
        scratch_types=[
            pltpu.VMEM((CH,), jnp.int32),
            pltpu.VMEM((CH,), jnp.int32),
            pltpu.VMEM((CH, H), jnp.float32),
            pltpu.VMEM((CH, H), jnp.float32),
            pltpu.VMEM_SHARED((N, H), jnp.float32),
            pltpu.SemaphoreType.DMA,
            pltpu.SemaphoreType.DMA,
            pltpu.SemaphoreType.DMA,
            pltpu.SemaphoreType.DMA,
        ],
    )
    return kern(e2, dst, zeros)


def _decode_body(ns_ref, a0_ref, a1_ref, a2_ref, a3_ref,
                 wd1a_ref, wd1b_ref, bd1_ref, wd2_ref, bd2_ref, out_ref):
    aggr = (a0_ref[0] + a1_ref[0]) + (a2_ref[0] + a3_ref[0])
    h = jnp.dot(ns_ref[...], wd1a_ref[...],
                preferred_element_type=jnp.float32)
    h = h + jnp.dot(aggr, wd1b_ref[...],
                    preferred_element_type=jnp.float32)
    h = jnp.maximum(h + bd1_ref[...], 0.0)
    out_ref[...] = jnp.dot(h, wd2_ref[...],
                           preferred_element_type=jnp.float32) + bd2_ref[...]


def _decode(ns, aggr_a, aggr_b, wd1a, wd1b, bd1, wd2, bd2):
    blk = 1000
    grid = N // blk
    full = lambda s: pl.BlockSpec(s, lambda i: (0,) * len(s))
    part = lambda c: pl.BlockSpec((1, blk, H), lambda i, c=c: (c, i, 0))
    return pl.pallas_call(
        _decode_body,
        grid=(grid,),
        in_specs=[pl.BlockSpec((blk, D), lambda i: (i, 0)),
                  part(0), part(1), part(0), part(1),
                  full((D, H)), full((H, H)), full((1, H)),
                  full((H, D)), full((1, D))],
        out_specs=pl.BlockSpec((blk, D), lambda i: (i, 0)),
        out_shape=jax.ShapeDtypeStruct((N, D), jnp.float32),
    )(ns, aggr_a, aggr_a, aggr_b, aggr_b, wd1a, wd1b, bd1, wd2, bd2)


def kernel(node_states, edges, W_prop, b_prop, W_e1, b_e1, W_e2, b_e2,
           W_d1, b_d1, W_d2, b_d2):
    src = edges[0].astype(jnp.int32)
    dst = edges[1].astype(jnp.int32)

    a_tab, b_tab = _make_tables(
        node_states, W_prop, b_prop.reshape(1, D),
        W_e1[:D], W_e1[D:], b_e1.reshape(1, H))

    zeros = jnp.zeros((N, H), jnp.float32)
    eh2 = E - E_HALF1

    h1a = _gather_combine(a_tab, b_tab, src, dst, 0, E_HALF1, 80)
    h1b = _gather_combine(a_tab, b_tab, src, dst, E_HALF1, eh2, 120)
    e2a = _edge_mlp(h1a, W_e2, b_e2.reshape(1, H))
    e2b = _edge_mlp(h1b, W_e2, b_e2.reshape(1, H))
    aggr_a = _scatter_aggregate(e2a, dst, zeros, 0, 80).reshape(NC, N, H)
    aggr_b = _scatter_aggregate(e2b, dst, zeros, E_HALF1, 120).reshape(NC, N, H)

    return _decode(node_states, aggr_a, aggr_b, W_d1[:D], W_d1[D:],
                   b_d1.reshape(1, H), W_d2, b_d2.reshape(1, D))

# --- scband reference (transcript-rebuilt; emitter-appended) ---
"""Pipeline reference for scband-graph-conv-2731599200412 (READ-ONLY COPY).

The authoritative reference and input builder live on the scoring server;
editing this copy changes nothing except your own understanding.
"""

import jax, jax.numpy as jnp
import numpy as np

N = 10000
E = 320000
D = 128
H = 128


def setup_inputs(seed: int = 0) -> dict:
    key = jax.random.key(seed)
    ks = jax.random.split(key, 12)
    node_states = jax.random.normal(ks[0], (N, D), dtype=jnp.float32)
    edges = jax.random.randint(ks[1], (2, E), 0, N, dtype=jnp.int64)
    def glorot(k, shape):
        fan_in, fan_out = shape[0], shape[1]
        lim = np.sqrt(6.0 / (fan_in + fan_out))
        return jax.random.uniform(k, shape, minval=-lim, maxval=lim, dtype=jnp.float32)
    # NodePropagator: linear transform of node states into messages
    W_prop = glorot(ks[2], (D, D)); b_prop = jnp.zeros((D,), jnp.float32)
    # EdgeEncoder MLP (single edge type): [2D] -> 128 -> 128
    W_e1 = glorot(ks[3], (2 * D, H)); b_e1 = jnp.zeros((H,), jnp.float32)
    W_e2 = glorot(ks[4], (H, H)); b_e2 = jnp.zeros((H,), jnp.float32)
    # Node decoder MLP: [D + H] -> 128 -> 128
    W_d1 = glorot(ks[5], (D + H, H)); b_d1 = jnp.zeros((H,), jnp.float32)
    W_d2 = glorot(ks[6], (H, D)); b_d2 = jnp.zeros((D,), jnp.float32)
    return {
        'node_states': node_states,
        'edges': edges,
        'W_prop': W_prop, 'b_prop': b_prop,
        'W_e1': W_e1, 'b_e1': b_e1,
        'W_e2': W_e2, 'b_e2': b_e2,
        'W_d1': W_d1, 'b_d1': b_d1,
        'W_d2': W_d2, 'b_d2': b_d2,
    }


def reference(node_states, edges, W_prop, b_prop, W_e1, b_e1, W_e2, b_e2, W_d1, b_d1, W_d2, b_d2):
    n_nodes = node_states.shape[0]
    src_idx = edges[0]
    dst_idx = edges[1]
    # NodePropagator: project node states into outgoing messages
    node_msgs = node_states @ W_prop + b_prop
    # EdgeEncoder: gather sender/receiver messages, concat, MLP per edge
    src = jnp.take(node_msgs, src_idx, axis=0)
    dst = jnp.take(node_msgs, dst_idx, axis=0)
    e = jnp.concatenate([src, dst], axis=-1)
    e = jax.nn.relu(e @ W_e1 + b_e1)
    e = jax.nn.relu(e @ W_e2 + b_e2)
    # EdgeSumAggregator: scatter-add edge messages to destination nodes
    aggr = jnp.zeros((n_nodes, e.shape[-1]), dtype=e.dtype).at[dst_idx].add(e)
    # Node decoder MLP on [node_states, aggregated messages]
    h = jnp.concatenate([node_states, aggr], axis=-1)
    h = jax.nn.relu(h @ W_d1 + b_d1)
    out = h @ W_d2 + b_d2
    return out

if __name__ == "__main__":
    import jax
    _d = setup_inputs()
    print(jax.jit(kernel)(*tuple(_d.values())))

</pallas_src>

<mosaic_0001>
#map = affine_map<(d0, d1) -> (0, 0)>
#map1 = affine_map<(d0, d1) -> (0)>
module attributes {stable_mosaic.version = 14 : i64} {
  func.func @_gather_body(%arg0: i32, %arg1: i32, %arg2: memref<10000x128xf32, #tpu.memory_space<hbm>>, %arg3: memref<10000x128xf32, #tpu.memory_space<hbm>>, %arg4: memref<320000xi32, #tpu.memory_space<hbm>>, %arg5: memref<320000xi32, #tpu.memory_space<hbm>>, %arg6: memref<192000x128xf32, #tpu.memory_space<hbm>>, %arg7: memref<120xi32, #tpu.memory_space<vmem>>, %arg8: memref<120xi32, #tpu.memory_space<vmem>>, %arg9: memref<120xi32, #tpu.memory_space<vmem>>, %arg10: memref<120xi32, #tpu.memory_space<vmem>>, %arg11: memref<120x128xf32, #tpu.memory_space<vmem>>, %arg12: memref<120x128xf32, #tpu.memory_space<vmem>>, %arg13: memref<120x128xf32, #tpu.memory_space<vmem>>, %arg14: memref<120x128xf32, #tpu.memory_space<vmem>>, %arg15: memref<!tpu.dma_semaphore, #tpu.memory_space<semaphore_mem>>, %arg16: memref<!tpu.dma_semaphore, #tpu.memory_space<semaphore_mem>>, %arg17: memref<!tpu.dma_semaphore, #tpu.memory_space<semaphore_mem>>, %arg18: memref<!tpu.dma_semaphore, #tpu.memory_space<semaphore_mem>>, %arg19: memref<!tpu.dma_semaphore, #tpu.memory_space<semaphore_mem>>, %arg20: memref<!tpu.dma_semaphore, #tpu.memory_space<semaphore_mem>>) attributes {dimension_semantics = [#tpu.dimension_semantics<core_parallel>, #tpu.dimension_semantics<subcore_parallel>], iteration_bounds = array<i64: 2, 16>, scalar_prefetch = 0 : i64, scratch_operands = 14 : i64, tpu.core_type = #tpu.core_type<sc_vector_subcore>, window_params = [{transform_indices = #map}, {transform_indices = #map}, {transform_indices = #map1}, {transform_indices = #map1}, {transform_indices = #map}]} {
    %mul3A = arith.constant 2 : i32
    %mul3A_0 = arith.muli %arg1, %mul3A : i32
    %add3A = arith.addi %mul3A_0, %arg0 : i32
    %mul3A_1 = arith.constant 6000 : i32
    %mul3A_2 = arith.muli %add3A, %mul3A_1 : i32
    %add3A_3 = arith.constant 128000 : i32
    %add3A_4 = arith.addi %add3A_3, %mul3A_2 : i32
    %mul3A_5 = arith.constant 6000 : i32
    %mul3A_6 = arith.muli %add3A, %mul3A_5 : i32
    "tpu.region"() ({
      %run_scoped3A = tpu.sem_alloc : memref<!tpu.dma_semaphore, #tpu.memory_space<semaphore_mem>>
      %dma_start3A_164 = tpu.memref_slice %arg4[%add3A_4] : memref<320000xi32, #tpu.memory_space<hbm>> -> memref<120xi32, #tpu.memory_space<hbm>>
      %dma_start3A_165 = tpu.memref_slice %arg4[%add3A_4] : memref<320000xi32, #tpu.memory_space<hbm>> -> memref<120xi32, #tpu.memory_space<hbm>>
      tpu.enqueue_dma source(%dma_start3A_165 : memref<120xi32, #tpu.memory_space<hbm>>) target(%arg7 : memref<120xi32, #tpu.memory_space<vmem>>) target_semaphore(%run_scoped3A : memref<!tpu.dma_semaphore, #tpu.memory_space<semaphore_mem>>)
      %dma_wait3A_166 = tpu.memref_slice %arg4[%add3A_4] : memref<320000xi32, #tpu.memory_space<hbm>> -> memref<120xi32, #tpu.memory_space<hbm>>
      %dma_wait3A_167 = tpu.memref_slice %arg4[%add3A_4] : memref<320000xi32, #tpu.memory_space<hbm>> -> memref<120xi32, #tpu.memory_space<hbm>>
      tpu.wait_dma2 semaphore(%run_scoped3A : memref<!tpu.dma_semaphore, #tpu.memory_space<semaphore_mem>>) src(%dma_wait3A_167 : memref<120xi32, #tpu.memory_space<hbm>>) dst(%arg7 : memref<120xi32, #tpu.memory_space<vmem>>)
      tpu.yield
    }) : () -> ()
    "tpu.region"() ({
      %run_scoped3A = tpu.sem_alloc : memref<!tpu.dma_semaphore, #tpu.memory_space<semaphore_mem>>
      %dma_start3A_164 = tpu.memref_slice %arg5[%add3A_4] : memref<320000xi32, #tpu.memory_space<hbm>> -> memref<120xi32, #tpu.memory_space<hbm>>
      %dma_start3A_165 = tpu.memref_slice %arg5[%add3A_4] : memref<320000xi32, #tpu.memory_space<hbm>> -> memref<120xi32, #tpu.memory_space<hbm>>
      tpu.enqueue_dma source(%dma_start3A_165 : memref<120xi32, #tpu.memory_space<hbm>>) target(%arg9 : memref<120xi32, #tpu.memory_space<vmem>>) target_semaphore(%run_scoped3A : memref<!tpu.dma_semaphore, #tpu.memory_space<semaphore_mem>>)
      %dma_wait3A_166 = tpu.memref_slice %arg5[%add3A_4] : memref<320000xi32, #tpu.memory_space<hbm>> -> memref<120xi32, #tpu.memory_space<hbm>>
      %dma_wait3A_167 = tpu.memref_slice %arg5[%add3A_4] : memref<320000xi32, #tpu.memory_space<hbm>> -> memref<120xi32, #tpu.memory_space<hbm>>
      tpu.wait_dma2 semaphore(%run_scoped3A : memref<!tpu.dma_semaphore, #tpu.memory_space<semaphore_mem>>) src(%dma_wait3A_167 : memref<120xi32, #tpu.memory_space<hbm>>) dst(%arg9 : memref<120xi32, #tpu.memory_space<vmem>>)
      tpu.yield
    }) : () -> ()
    %dma_start3A = arith.constant 0 : i32
    %dma_start3A_7 = arith.constant 0 : i32
    %dma_start3A_8 = tpu.memref_slice %arg2[%dma_start3A, %dma_start3A_7] : memref<10000x128xf32, #tpu.memory_space<hbm>> -> memref<10000x128xf32, #tpu.memory_space<hbm>>
    tpu.enqueue_indirect_dma source(%dma_start3A_8 : memref<10000x128xf32, #tpu.memory_space<hbm>>) target(%arg11 : memref<120x128xf32, #tpu.memory_space<vmem>>) offsets(%arg7 : memref<120xi32, #tpu.memory_space<vmem>>) semaphore(%arg17 : memref<!tpu.dma_semaphore, #tpu.memory_space<semaphore_mem>>)
    %dma_start3A_9 = arith.constant 0 : i32
    %dma_start3A_10 = arith.constant 0 : i32
    %dma_start3A_11 = tpu.memref_slice %arg3[%dma_start3A_9, %dma_start3A_10] : memref<10000x128xf32, #tpu.memory_space<hbm>> -> memref<10000x128xf32, #tpu.memory_space<hbm>>
    tpu.enqueue_indirect_dma source(%dma_start3A_11 : memref<10000x128xf32, #tpu.memory_space<hbm>>) target(%arg13 : memref<120x128xf32, #tpu.memory_space<vmem>>) offsets(%arg9 : memref<120xi32, #tpu.memory_space<vmem>>) semaphore(%arg17 : memref<!tpu.dma_semaphore, #tpu.memory_space<semaphore_mem>>)
    %add3A_12 = arith.constant 120 : i32
    %add3A_13 = arith.addi %add3A_4, %add3A_12 : i32
    %dma_start3A_14 = tpu.memref_slice %arg4[%add3A_13] : memref<320000xi32, #tpu.memory_space<hbm>> -> memref<120xi32, #tpu.memory_space<hbm>>
    %dma_start3A_15 = tpu.memref_slice %arg4[%add3A_13] : memref<320000xi32, #tpu.memory_space<hbm>> -> memref<120xi32, #tpu.memory_space<hbm>>
    tpu.enqueue_dma source(%dma_start3A_15 : memref<120xi32, #tpu.memory_space<hbm>>) target(%arg8 : memref<120xi32, #tpu.memory_space<vmem>>) target_semaphore(%arg16 : memref<!tpu.dma_semaphore, #tpu.memory_space<semaphore_mem>>)
    %dma_start3A_16 = tpu.memref_slice %arg5[%add3A_13] : memref<320000xi32, #tpu.memory_space<hbm>> -> memref<120xi32, #tpu.memory_space<hbm>>
    %dma_start3A_17 = tpu.memref_slice %arg5[%add3A_13] : memref<320000xi32, #tpu.memory_space<hbm>> -> memref<120xi32, #tpu.memory_space<hbm>>
    tpu.enqueue_dma source(%dma_start3A_17 : memref<120xi32, #tpu.memory_space<hbm>>) target(%arg10 : memref<120xi32, #tpu.memory_space<vmem>>) target_semaphore(%arg16 : memref<!tpu.dma_semaphore, #tpu.memory_space<semaphore_mem>>)
    %dma_wait3A = arith.constant 0 : i32
    %dma_wait3A_18 = arith.constant 0 : i32
    %dma_wait3A_19 = tpu.memref_slice %arg2[%dma_wait3A, %dma_wait3A_18] : memref<10000x128xf32, #tpu.memory_space<hbm>> -> memref<10000x128xf32, #tpu.memory_space<hbm>>
    tpu.wait_indirect_dma semaphore(%arg17 : memref<!tpu.dma_semaphore, #tpu.memory_space<semaphore_mem>>) src(%dma_wait3A_19 : memref<10000x128xf32, #tpu.memory_space<hbm>>) dst(%arg11 : memref<120x128xf32, #tpu.memory_space<vmem>>)
    %dma_wait3A_20 = arith.constant 0 : i32
    %dma_wait3A_21 = arith.constant 0 : i32
    %dma_wait3A_22 = tpu.memref_slice %arg3[%dma_wait3A_20, %dma_wait3A_21] : memref<10000x128xf32, #tpu.memory_space<hbm>> -> memref<10000x128xf32, #tpu.memory_space<hbm>>
    tpu.wait_indirect_dma semaphore(%arg17 : memref<!tpu.dma_semaphore, #tpu.memory_space<semaphore_mem>>) src(%dma_wait3A_22 : memref<10000x128xf32, #tpu.memory_space<hbm>>) dst(%arg13 : memref<120x128xf32, #tpu.memory_space<vmem>>)
    %add3A_23 = arith.constant 240 : i32
    %add3A_24 = arith.addi %add3A_4, %add3A_23 : i32
    %dma_start3A_25 = tpu.memref_slice %arg4[%add3A_24] : memref<320000xi32, #tpu.memory_space<hbm>> -> memref<120xi32, #tpu.memory_space<hbm>>
    %dma_start3A_26 = tpu.memref_slice %arg4[%add3A_24] : memref<320000xi32, #tpu.memory_space<hbm>> -> memref<120xi32, #tpu.memory_space<hbm>>
    tpu.enqueue_dma source(%dma_start3A_26 : memref<120xi32, #tpu.memory_space<hbm>>) target(%arg7 : memref<120xi32, #tpu.memory_space<vmem>>) target_semaphore(%arg15 : memref<!tpu.dma_semaphore, #tpu.memory_space<semaphore_mem>>)
    %dma_start3A_27 = tpu.memref_slice %arg5[%add3A_24] : memref<320000xi32, #tpu.memory_space<hbm>> -> memref<120xi32, #tpu.memory_space<hbm>>
    %dma_start3A_28 = tpu.memref_slice %arg5[%add3A_24] : memref<320000xi32, #tpu.memory_space<hbm>> -> memref<120xi32, #tpu.memory_space<hbm>>
    tpu.enqueue_dma source(%dma_start3A_28 : memref<120xi32, #tpu.memory_space<hbm>>) target(%arg9 : memref<120xi32, #tpu.memory_space<vmem>>) target_semaphore(%arg15 : memref<!tpu.dma_semaphore, #tpu.memory_space<semaphore_mem>>)
    %dma_wait3A_29 = arith.constant 0 : i32
    %dma_wait3A_30 = tpu.memref_slice %arg4[%dma_wait3A_29] : memref<320000xi32, #tpu.memory_space<hbm>> -> memref<120xi32, #tpu.memory_space<hbm>>
    %dma_wait3A_31 = arith.constant 0 : i32
    %dma_wait3A_32 = tpu.memref_slice %arg4[%dma_wait3A_31] : memref<320000xi32, #tpu.memory_space<hbm>> -> memref<120xi32, #tpu.memory_space<hbm>>
    tpu.wait_dma2 semaphore(%arg16 : memref<!tpu.dma_semaphore, #tpu.memory_space<semaphore_mem>>) src(%dma_wait3A_32 : memref<120xi32, #tpu.memory_space<hbm>>) dst(%arg8 : memref<120xi32, #tpu.memory_space<vmem>>)
    %dma_wait3A_33 = arith.constant 0 : i32
    %dma_wait3A_34 = tpu.memref_slice %arg5[%dma_wait3A_33] : memref<320000xi32, #tpu.memory_space<hbm>> -> memref<120xi32, #tpu.memory_space<hbm>>
    %dma_wait3A_35 = arith.constant 0 : i32
    %dma_wait3A_36 = tpu.memref_slice %arg5[%dma_wait3A_35] : memref<320000xi32, #tpu.memory_space<hbm>> -> memref<120xi32, #tpu.memory_space<hbm>>
    tpu.wait_dma2 semaphore(%arg16 : memref<!tpu.dma_semaphore, #tpu.memory_space<semaphore_mem>>) src(%dma_wait3A_36 : memref<120xi32, #tpu.memory_space<hbm>>) dst(%arg10 : memref<120xi32, #tpu.memory_space<vmem>>)
    %dma_start3A_37 = arith.constant 0 : i32
    %dma_start3A_38 = arith.constant 0 : i32
    %dma_start3A_39 = tpu.memref_slice %arg2[%dma_start3A_37, %dma_start3A_38] : memref<10000x128xf32, #tpu.memory_space<hbm>> -> memref<10000x128xf32, #tpu.memory_space<hbm>>
    tpu.enqueue_indirect_dma source(%dma_start3A_39 : memref<10000x128xf32, #tpu.memory_space<hbm>>) target(%arg12 : memref<120x128xf32, #tpu.memory_space<vmem>>) offsets(%arg8 : memref<120xi32, #tpu.memory_space<vmem>>) semaphore(%arg18 : memref<!tpu.dma_semaphore, #tpu.memory_space<semaphore_mem>>)
    %dma_start3A_40 = arith.constant 0 : i32
    %dma_start3A_41 = arith.constant 0 : i32
    %dma_start3A_42 = tpu.memref_slice %arg3[%dma_start3A_40, %dma_start3A_41] : memref<10000x128xf32, #tpu.memory_space<hbm>> -> memref<10000x128xf32, #tpu.memory_space<hbm>>
    tpu.enqueue_indirect_dma source(%dma_start3A_42 : memref<10000x128xf32, #tpu.memory_space<hbm>>) target(%arg14 : memref<120x128xf32, #tpu.memory_space<vmem>>) offsets(%arg10 : memref<120xi32, #tpu.memory_space<vmem>>) semaphore(%arg18 : memref<!tpu.dma_semaphore, #tpu.memory_space<semaphore_mem>>)
    %scan3A = arith.constant 0 : i32
    %scan3A_43 = arith.constant 0 : i32
    %scan3A_44 = arith.constant 120 : i32
    %scan3A_45 = arith.addi %scan3A_43, %scan3A_44 : i32
    %scan3A_46 = arith.constant 1 : i32
    scf.for %scan3A_164 = %scan3A_43 to %scan3A_45 step %scan3A_46  : i32 {
      %get3A = arith.index_cast %scan3A_164 : i32 to index
      %get3A_165 = arith.constant 0 : index
      %get3A_166 = tpu.vector_load %arg11[%get3A, %get3A_165] {strides = array<i32>} : memref<120x128xf32, #tpu.memory_space<vmem>>, vector<1x16xf32>,
      %get3A_167 = vector.shape_cast %get3A_166 : vector<1x16xf32> to vector<16xf32>
      %get3A_168 = arith.index_cast %scan3A_164 : i32 to index
      %get3A_169 = arith.constant 0 : index
      %get3A_170 = tpu.vector_load %arg13[%get3A_168, %get3A_169] {strides = array<i32>} : memref<120x128xf32, #tpu.memory_space<vmem>>, vector<1x16xf32>,
      %get3A_171 = vector.shape_cast %get3A_170 : vector<1x16xf32> to vector<16xf32>
      %add3A_172 = arith.addf %get3A_167, %get3A_171 : vector<16xf32>
      %swap3A = arith.index_cast %scan3A_164 : i32 to index
      %swap3A_173 = arith.constant 0 : index
      %swap3A_174 = tpu.vector_load %arg11[%swap3A, %swap3A_173] {strides = array<i32>} : memref<120x128xf32, #tpu.memory_space<vmem>>, vector<1x16xf32>,
      %swap3A_175 = vector.shape_cast %swap3A_174 : vector<1x16xf32> to vector<16xf32>
      %swap3A_176 = vector.shape_cast %add3A_172 : vector<16xf32> to vector<1x16xf32>
      tpu.vector_store %arg11[%swap3A, %swap3A_173], %swap3A_176 {strides = array<i32>} : memref<120x128xf32, #tpu.memory_space<vmem>>, vector<1x16xf32>,
      %get3A_177 = arith.index_cast %scan3A_164 : i32 to index
      %get3A_178 = arith.constant 16 : index
      %get3A_179 = tpu.vector_load %arg11[%get3A_177, %get3A_178] {strides = array<i32>} : memref<120x128xf32, #tpu.memory_space<vmem>>, vector<1x16xf32>,
      %get3A_180 = vector.shape_cast %get3A_179 : vector<1x16xf32> to vector<16xf32>
      %get3A_181 = arith.index_cast %scan3A_164 : i32 to index
      %get3A_182 = arith.constant 16 : index
      %get3A_183 = tpu.vector_load %arg13[%get3A_181, %get3A_182] {strides = array<i32>} : memref<120x128xf32, #tpu.memory_space<vmem>>, vector<1x16xf32>,
      %get3A_184 = vector.shape_cast %get3A_183 : vector<1x16xf32> to vector<16xf32>
      %add3A_185 = arith.addf %get3A_180, %get3A_184 : vector<16xf32>
      %swap3A_186 = arith.index_cast %scan3A_164 : i32 to index
      %swap3A_187 = arith.constant 16 : index
      %swap3A_188 = tpu.vector_load %arg11[%swap3A_186, %swap3A_187] {strides = array<i32>} : memref<120x128xf32, #tpu.memory_space<vmem>>, vector<1x16xf32>,
      %swap3A_189 = vector.shape_cast %swap3A_188 : vector<1x16xf32> to vector<16xf32>
      %swap3A_190 = vector.shape_cast %add3A_185 : vector<16xf32> to vector<1x16xf32>
      tpu.vector_store %arg11[%swap3A_186, %swap3A_187], %swap3A_190 {strides = array<i32>} : memref<120x128xf32, #tpu.memory_space<vmem>>, vector<1x16xf32>,
      %get3A_191 = arith.index_cast %scan3A_164 : i32 to index
      %get3A_192 = arith.constant 32 : index
      %get3A_193 = tpu.vector_load %arg11[%get3A_191, %get3A_192] {strides = array<i32>} : memref<120x128xf32, #tpu.memory_space<vmem>>, vector<1x16xf32>,
      %get3A_194 = vector.shape_cast %get3A_193 : vector<1x16xf32> to vector<16xf32>
      %get3A_195 = arith.index_cast %scan3A_164 : i32 to index
      %get3A_196 = arith.constant 32 : index
      %get3A_197 = tpu.vector_load %arg13[%get3A_195, %get3A_196] {strides = array<i32>} : memref<120x128xf32, #tpu.memory_space<vmem>>, vector<1x16xf32>,
      %get3A_198 = vector.shape_cast %get3A_197 : vector<1x16xf32> to vector<16xf32>
      %add3A_199 = arith.addf %get3A_194, %get3A_198 : vector<16xf32>
      %swap3A_200 = arith.index_cast %scan3A_164 : i32 to index
      %swap3A_201 = arith.constant 32 : index
      %swap3A_202 = tpu.vector_load %arg11[%swap3A_200, %swap3A_201] {strides = array<i32>} : memref<120x128xf32, #tpu.memory_space<vmem>>, vector<1x16xf32>,
      %swap3A_203 = vector.shape_cast %swap3A_202 : vector<1x16xf32> to vector<16xf32>
      %swap3A_204 = vector.shape_cast %add3A_199 : vector<16xf32> to vector<1x16xf32>
      tpu.vector_store %arg11[%swap3A_200, %swap3A_201], %swap3A_204 {strides = array<i32>} : memref<120x128xf32, #tpu.memory_space<vmem>>, vector<1x16xf32>,
      %get3A_205 = arith.index_cast %scan3A_164 : i32 to index
      %get3A_206 = arith.constant 48 : index
      %get3A_207 = tpu.vector_load %arg11[%get3A_205, %get3A_206] {strides = array<i32>} : memref<120x128xf32, #tpu.memory_space<vmem>>, vector<1x16xf32>,
      %get3A_208 = vector.shape_cast %get3A_207 : vector<1x16xf32> to vector<16xf32>
      %get3A_209 = arith.index_cast %scan3A_164 : i32 to index
      %get3A_210 = arith.constant 48 : index
      %get3A_211 = tpu.vector_load %arg13[%get3A_209, %get3A_210] {strides = array<i32>} : memref<120x128xf32, #tpu.memory_space<vmem>>, vector<1x16xf32>,
      %get3A_212 = vector.shape_cast %get3A_211 : vector<1x16xf32> to vector<16xf32>
      %add3A_213 = arith.addf %get3A_208, %get3A_212 : vector<16xf32>
      %swap3A_214 = arith.index_cast %scan3A_164 : i32 to index
      %swap3A_215 = arith.constant 48 : index
      %swap3A_216 = tpu.vector_load %arg11[%swap3A_214, %swap3A_215] {strides = array<i32>} : memref<120x128xf32, #tpu.memory_space<vmem>>, vector<1x16xf32>,
      %swap3A_217 = vector.shape_cast %swap3A_216 : vector<1x16xf32> to vector<16xf32>
      %swap3A_218 = vector.shape_cast %add3A_213 : vector<16xf32> to vector<1x16xf32>
      tpu.vector_store %arg11[%swap3A_214, %swap3A_215], %swap3A_218 {strides = array<i32>} : memref<120x128xf32, #tpu.memory_space<vmem>>, vector<1x16xf32>,
      %get3A_219 = arith.index_cast %scan3A_164 : i32 to index
      %get3A_220 = arith.constant 64 : index
      %get3A_221 = tpu.vector_load %arg11[%get3A_219, %get3A_220] {strides = array<i32>} : memref<120x128xf32, #tpu.memory_space<vmem>>, vector<1x16xf32>,
      %get3A_222 = vector.shape_cast %get3A_221 : vector<1x16xf32> to vector<16xf32>
      %get3A_223 = arith.index_cast %scan3A_164 : i32 to index
      %get3A_224 = arith.constant 64 : index
      %get3A_225 = tpu.vector_load %arg13[%get3A_223, %get3A_224] {strides = array<i32>} : memref<120x128xf32, #tpu.memory_space<vmem>>, vector<1x16xf32>,
      %get3A_226 = vector.shape_cast %get3A_225 : vector<1x16xf32> to vector<16xf32>
      %add3A_227 = arith.addf %get3A_222, %get3A_226 : vector<16xf32>
      %swap3A_228 = arith.index_cast %scan3A_164 : i32 to index
      %swap3A_229 = arith.constant 64 : index
      %swap3A_230 = tpu.vector_load %arg11[%swap3A_228, %swap3A_229] {strides = array<i32>} : memref<120x128xf32, #tpu.memory_space<vmem>>, vector<1x16xf32>,
      %swap3A_231 = vector.shape_cast %swap3A_230 : vector<1x16xf32> to vector<16xf32>
      %swap3A_232 = vector.shape_cast %add3A_227 : vector<16xf32> to vector<1x16xf32>
      tpu.vector_store %arg11[%swap3A_228, %swap3A_229], %swap3A_232 {strides = array<i32>} : memref<120x128xf32, #tpu.memory_space<vmem>>, vector<1x16xf32>,
      %get3A_233 = arith.index_cast %scan3A_164 : i32 to index
      %get3A_234 = arith.constant 80 : index
      %get3A_235 = tpu.vector_load %arg11[%get3A_233, %get3A_234] {strides = array<i32>} : memref<120x128xf32, #tpu.memory_space<vmem>>, vector<1x16xf32>,
      %get3A_236 = vector.shape_cast %get3A_235 : vector<1x16xf32> to vector<16xf32>
      %get3A_237 = arith.index_cast %scan3A_164 : i32 to index
      %get3A_238 = arith.constant 80 : index
      %get3A_239 = tpu.vector_load %arg13[%get3A_237, %get3A_238] {strides = array<i32>} : memref<120x128xf32, #tpu.memory_space<vmem>>, vector<1x16xf32>,
      %get3A_240 = vector.shape_cast %get3A_239 : vector<1x16xf32> to vector<16xf32>
      %add3A_241 = arith.addf %get3A_236, %get3A_240 : vector<16xf32>
      %swap3A_242 = arith.index_cast %scan3A_164 : i32 to index
      %swap3A_243 = arith.constant 80 : index
      %swap3A_244 = tpu.vector_load %arg11[%swap3A_242, %swap3A_243] {strides = array<i32>} : memref<120x128xf32, #tpu.memory_space<vmem>>, vector<1x16xf32>,
      %swap3A_245 = vector.shape_cast %swap3A_244 : vector<1x16xf32> to vector<16xf32>
      %swap3A_246 = vector.shape_cast %add3A_241 : vector<16xf32> to vector<1x16xf32>
      tpu.vector_store %arg11[%swap3A_242, %swap3A_243], %swap3A_246 {strides = array<i32>} : memref<120x128xf32, #tpu.memory_space<vmem>>, vector<1x16xf32>,
      %get3A_247 = arith.index_cast %scan3A_164 : i32 to index
      %get3A_248 = arith.constant 96 : index
      %get3A_249 = tpu.vector_load %arg11[%get3A_247, %get3A_248] {strides = array<i32>} : memref<120x128xf32, #tpu.memory_space<vmem>>, vector<1x16xf32>,
      %get3A_250 = vector.shape_cast %get3A_249 : vector<1x16xf32> to vector<16xf32>
      %get3A_251 = arith.index_cast %scan3A_164 : i32 to index
      %get3A_252 = arith.constant 96 : index
      %get3A_253 = tpu.vector_load %arg13[%get3A_251, %get3A_252] {strides = array<i32>} : memref<120x128xf32, #tpu.memory_space<vmem>>, vector<1x16xf32>,
      %get3A_254 = vector.shape_cast %get3A_253 : vector<1x16xf32> to vector<16xf32>
      %add3A_255 = arith.addf %get3A_250, %get3A_254 : vector<16xf32>
      %swap3A_256 = arith.index_cast %scan3A_164 : i32 to index
      %swap3A_257 = arith.constant 96 : index
      %swap3A_258 = tpu.vector_load %arg11[%swap3A_256, %swap3A_257] {strides = array<i32>} : memref<120x128xf32, #tpu.memory_space<vmem>>, vector<1x16xf32>,
      %swap3A_259 = vector.shape_cast %swap3A_258 : vector<1x16xf32> to vector<16xf32>
      %swap3A_260 = vector.shape_cast %add3A_255 : vector<16xf32> to vector<1x16xf32>
      tpu.vector_store %arg11[%swap3A_256, %swap3A_257], %swap3A_260 {strides = array<i32>} : memref<120x128xf32, #tpu.memory_space<vmem>>, vector<1x16xf32>,
      %get3A_261 = arith.index_cast %scan3A_164 : i32 to index
      %get3A_262 = arith.constant 112 : index
      %get3A_263 = tpu.vector_load %arg11[%get3A_261, %get3A_262] {strides = array<i32>} : memref<120x128xf32, #tpu.memory_space<vmem>>, vector<1x16xf32>,
      %get3A_264 = vector.shape_cast %get3A_263 : vector<1x16xf32> to vector<16xf32>
      %get3A_265 = arith.index_cast %scan3A_164 : i32 to index
      %get3A_266 = arith.constant 112 : index
      %get3A_267 = tpu.vector_load %arg13[%get3A_265, %get3A_266] {strides = array<i32>} : memref<120x128xf32, #tpu.memory_space<vmem>>, vector<1x16xf32>,
      %get3A_268 = vector.shape_cast %get3A_267 : vector<1x16xf32> to vector<16xf32>
      %add3A_269 = arith.addf %get3A_264, %get3A_268 : vector<16xf32>
      %swap3A_270 = arith.index_cast %scan3A_164 : i32 to index
      %swap3A_271 = arith.constant 112 : index
      %swap3A_272 = tpu.vector_load %arg11[%swap3A_270, %swap3A_271] {strides = array<i32>} : memref<120x128xf32, #tpu.memory_space<vmem>>, vector<1x16xf32>,
      %swap3A_273 = vector.shape_cast %swap3A_272 : vector<1x16xf32> to vector<16xf32>
      %swap3A_274 = vector.shape_cast %add3A_269 : vector<16xf32> to vector<1x16xf32>
      tpu.vector_store %arg11[%swap3A_270, %swap3A_271], %swap3A_274 {strides = array<i32>} : memref<120x128xf32, #tpu.memory_space<vmem>>, vector<1x16xf32>,
    }
    %scan3A_47 = arith.constant 120 : i32
    %add3A_48 = arith.constant 0 : i32
    %add3A_49 = arith.addi %mul3A_6, %add3A_48 : i32
    %dma_start3A_50 = arith.constant 0 : i32
    %dma_start3A_51 = tpu.memref_slice %arg6[%add3A_49, %dma_start3A_50] : memref<192000x128xf32, #tpu.memory_space<hbm>> -> memref<120x128xf32, #tpu.memory_space<hbm>>
    %dma_start3A_52 = arith.constant 0 : i32
    %dma_start3A_53 = tpu.memref_slice %arg6[%add3A_49, %dma_start3A_52] : memref<192000x128xf32, #tpu.memory_space<hbm>> -> memref<120x128xf32, #tpu.memory_space<hbm>>
    tpu.enqueue_dma source(%arg11 : memref<120x128xf32, #tpu.memory_space<vmem>>) target(%dma_start3A_53 : memref<120x128xf32, #tpu.memory_space<hbm>>) target_semaphore(%arg19 : memref<!tpu.dma_semaphore, #tpu.memory_space<semaphore_mem>>)
    %scan3A_54 = arith.constant 0 : i32
    %scan3A_55 = arith.constant 0 : i32
    %scan3A_56 = arith.constant 23 : i32
    %scan3A_57 = arith.addi %scan3A_55, %scan3A_56 : i32
    %scan3A_58 = arith.constant 1 : i32
    scf.for %scan3A_164 = %scan3A_55 to %scan3A_57 step %scan3A_58  : i32 {
      %mul3A_165 = arith.constant 2 : i32
      %mul3A_166 = arith.muli %mul3A_165, %scan3A_164 : i32
      %add3A_167 = arith.constant 1 : i32
      %add3A_168 = arith.addi %mul3A_166, %add3A_167 : i32
      %dma_wait3A_169 = arith.constant 0 : i32
      %dma_wait3A_170 = arith.constant 0 : i32
      %dma_wait3A_171 = tpu.memref_slice %arg2[%dma_wait3A_169, %dma_wait3A_170] : memref<10000x128xf32, #tpu.memory_space<hbm>> -> memref<10000x128xf32, #tpu.memory_space<hbm>>
      tpu.wait_indirect_dma semaphore(%arg18 : memref<!tpu.dma_semaphore, #tpu.memory_space<semaphore_mem>>) src(%dma_wait3A_171 : memref<10000x128xf32, #tpu.memory_space<hbm>>) dst(%arg12 : memref<120x128xf32, #tpu.memory_space<vmem>>)
      %dma_wait3A_172 = arith.constant 0 : i32
      %dma_wait3A_173 = arith.constant 0 : i32
      %dma_wait3A_174 = tpu.memref_slice %arg3[%dma_wait3A_172, %dma_wait3A_173] : memref<10000x128xf32, #tpu.memory_space<hbm>> -> memref<10000x128xf32, #tpu.memory_space<hbm>>
      tpu.wait_indirect_dma semaphore(%arg18 : memref<!tpu.dma_semaphore, #tpu.memory_space<semaphore_mem>>) src(%dma_wait3A_174 : memref<10000x128xf32, #tpu.memory_space<hbm>>) dst(%arg14 : memref<120x128xf32, #tpu.memory_space<vmem>>)
      %add3A_175 = arith.constant 2 : i32
      %add3A_176 = arith.addi %add3A_168, %add3A_175 : i32
      %mul3A_177 = arith.constant 120 : i32
      %mul3A_178 = arith.muli %add3A_176, %mul3A_177 : i32
      %add3A_179 = arith.addi %add3A_4, %mul3A_178 : i32
      %dma_start3A_180 = tpu.memref_slice %arg4[%add3A_179] : memref<320000xi32, #tpu.memory_space<hbm>> -> memref<120xi32, #tpu.memory_space<hbm>>
      %dma_start3A_181 = tpu.memref_slice %arg4[%add3A_179] : memref<320000xi32, #tpu.memory_space<hbm>> -> memref<120xi32, #tpu.memory_space<hbm>>
      tpu.enqueue_dma source(%dma_start3A_181 : memref<120xi32, #tpu.memory_space<hbm>>) target(%arg8 : memref<120xi32, #tpu.memory_space<vmem>>) target_semaphore(%arg16 : memref<!tpu.dma_semaphore, #tpu.memory_space<semaphore_mem>>)
      %dma_start3A_182 = tpu.memref_slice %arg5[%add3A_179] : memref<320000xi32, #tpu.memory_space<hbm>> -> memref<120xi32, #tpu.memory_space<hbm>>
      %dma_start3A_183 = tpu.memref_slice %arg5[%add3A_179] : memref<320000xi32, #tpu.memory_space<hbm>> -> memref<120xi32, #tpu.memory_space<hbm>>
      tpu.enqueue_dma source(%dma_start3A_183 : memref<120xi32, #tpu.memory_space<hbm>>) target(%arg10 : memref<120xi32, #tpu.memory_space<vmem>>) target_semaphore(%arg16 : memref<!tpu.dma_semaphore, #tpu.memory_space<semaphore_mem>>)
      %dma_wait3A_184 = arith.constant 0 : i32
      %dma_wait3A_185 = tpu.memref_slice %arg6[%mul3A_6, %dma_wait3A_184] : memref<192000x128xf32, #tpu.memory_space<hbm>> -> memref<120x128xf32, #tpu.memory_space<hbm>>
      %dma_wait3A_186 = arith.constant 0 : i32
      %dma_wait3A_187 = tpu.memref_slice %arg6[%mul3A_6, %dma_wait3A_186] : memref<192000x128xf32, #tpu.memory_space<hbm>> -> memref<120x128xf32, #tpu.memory_space<hbm>>
      tpu.wait_dma2 semaphore(%arg19 : memref<!tpu.dma_semaphore, #tpu.memory_space<semaphore_mem>>) src(%arg11 : memref<120x128xf32, #tpu.memory_space<vmem>>) dst(%dma_wait3A_187 : memref<120x128xf32, #tpu.memory_space<hbm>>)
      %dma_wait3A_188 = arith.constant 0 : i32
      %dma_wait3A_189 = tpu.memref_slice %arg4[%dma_wait3A_188] : memref<320000xi32, #tpu.memory_space<hbm>> -> memref<120xi32, #tpu.memory_space<hbm>>
      %dma_wait3A_190 = arith.constant 0 : i32
      %dma_wait3A_191 = tpu.memref_slice %arg4[%dma_wait3A_190] : memref<320000xi32, #tpu.memory_space<hbm>> -> memref<120xi32, #tpu.memory_space<hbm>>
      tpu.wait_dma2 semaphore(%arg15 : memref<!tpu.dma_semaphore, #tpu.memory_space<semaphore_mem>>) src(%dma_wait3A_191 : memref<120xi32, #tpu.memory_space<hbm>>) dst(%arg7 : memref<120xi32, #tpu.memory_space<vmem>>)
      %dma_wait3A_192 = arith.constant 0 : i32
      %dma_wait3A_193 = tpu.memref_slice %arg5[%dma_wait3A_192] : memref<320000xi32, #tpu.memory_space<hbm>> -> memref<120xi32, #tpu.memory_space<hbm>>
      %dma_wait3A_194 = arith.constant 0 : i32
      %dma_wait3A_195 = tpu.memref_slice %arg5[%dma_wait3A_194] : memref<320000xi32, #tpu.memory_space<hbm>> -> memref<120xi32, #tpu.memory_space<hbm>>
      tpu.wait_dma2 semaphore(%arg15 : memref<!tpu.dma_semaphore, #tpu.memory_space<semaphore_mem>>) src(%dma_wait3A_195 : memref<120xi32, #tpu.memory_space<hbm>>) dst(%arg9 : memref<120xi32, #tpu.memory_space<vmem>>)
      %dma_start3A_196 = arith.constant 0 : i32
      %dma_start3A_197 = arith.constant 0 : i32
      %dma_start3A_198 = tpu.memref_slice %arg2[%dma_start3A_196, %dma_start3A_197] : memref<10000x128xf32, #tpu.memory_space<hbm>> -> memref<10000x128xf32, #tpu.memory_space<hbm>>
      tpu.enqueue_indirect_dma source(%dma_start3A_198 : memref<10000x128xf32, #tpu.memory_space<hbm>>) target(%arg11 : memref<120x128xf32, #tpu.memory_space<vmem>>) offsets(%arg7 : memref<120xi32, #tpu.memory_space<vmem>>) semaphore(%arg17 : memref<!tpu.dma_semaphore, #tpu.memory_space<semaphore_mem>>)
      %dma_start3A_199 = arith.constant 0 : i32
      %dma_start3A_200 = arith.constant 0 : i32
      %dma_start3A_201 = tpu.memref_slice %arg3[%dma_start3A_199, %dma_start3A_200] : memref<10000x128xf32, #tpu.memory_space<hbm>> -> memref<10000x128xf32, #tpu.memory_space<hbm>>
      tpu.enqueue_indirect_dma source(%dma_start3A_201 : memref<10000x128xf32, #tpu.memory_space<hbm>>) target(%arg13 : memref<120x128xf32, #tpu.memory_space<vmem>>) offsets(%arg9 : memref<120xi32, #tpu.memory_space<vmem>>) semaphore(%arg17 : memref<!tpu.dma_semaphore, #tpu.memory_space<semaphore_mem>>)
      %scan3A_202 = arith.constant 0 : i32
      %scan3A_203 = arith.constant 0 : i32
      %scan3A_204 = arith.constant 120 : i32
      %scan3A_205 = arith.addi %scan3A_203, %scan3A_204 : i32
      %scan3A_206 = arith.constant 1 : i32
      scf.for %scan3A_263 = %scan3A_203 to %scan3A_205 step %scan3A_206  : i32 {
        %get3A = arith.index_cast %scan3A_263 : i32 to index
        %get3A_264 = arith.constant 0 : index
        %get3A_265 = tpu.vector_load %arg12[%get3A, %get3A_264] {strides = array<i32>} : memref<120x128xf32, #tpu.memory_space<vmem>>, vector<1x16xf32>,
        %get3A_266 = vector.shape_cast %get3A_265 : vector<1x16xf32> to vector<16xf32>
        %get3A_267 = arith.index_cast %scan3A_263 : i32 to index
        %get3A_268 = arith.constant 0 : index
        %get3A_269 = tpu.vector_load %arg14[%get3A_267, %get3A_268] {strides = array<i32>} : memref<120x128xf32, #tpu.memory_space<vmem>>, vector<1x16xf32>,
        %get3A_270 = vector.shape_cast %get3A_269 : vector<1x16xf32> to vector<16xf32>
        %add3A_271 = arith.addf %get3A_266, %get3A_270 : vector<16xf32>
        %swap3A = arith.index_cast %scan3A_263 : i32 to index
        %swap3A_272 = arith.constant 0 : index
        %swap3A_273 = tpu.vector_load %arg12[%swap3A, %swap3A_272] {strides = array<i32>} : memref<120x128xf32, #tpu.memory_space<vmem>>, vector<1x16xf32>,
        %swap3A_274 = vector.shape_cast %swap3A_273 : vector<1x16xf32> to vector<16xf32>
        %swap3A_275 = vector.shape_cast %add3A_271 : vector<16xf32> to vector<1x16xf32>
        tpu.vector_store %arg12[%swap3A, %swap3A_272], %swap3A_275 {strides = array<i32>} : memref<120x128xf32, #tpu.memory_space<vmem>>, vector<1x16xf32>,
        %get3A_276 = arith.index_cast %scan3A_263 : i32 to index
        %get3A_277 = arith.constant 16 : index
        %get3A_278 = tpu.vector_load %arg12[%get3A_276, %get3A_277] {strides = array<i32>} : memref<120x128xf32, #tpu.memory_space<vmem>>, vector<1x16xf32>,
        %get3A_279 = vector.shape_cast %get3A_278 : vector<1x16xf32> to vector<16xf32>
        %get3A_280 = arith.index_cast %scan3A_263 : i32 to index
        %get3A_281 = arith.constant 16 : index
        %get3A_282 = tpu.vector_load %arg14[%get3A_280, %get3A_281] {strides = array<i32>} : memref<120x128xf32, #tpu.memory_space<vmem>>, vector<1x16xf32>,
        %get3A_283 = vector.shape_cast %get3A_282 : vector<1x16xf32> to vector<16xf32>
        %add3A_284 = arith.addf %get3A_279, %get3A_283 : vector<16xf32>
        %swap3A_285 = arith.index_cast %scan3A_263 : i32 to index
        %swap3A_286 = arith.constant 16 : index
        %swap3A_287 = tpu.vector_load %arg12[%swap3A_285, %swap3A_286] {strides = array<i32>} : memref<120x128xf32, #tpu.memory_space<vmem>>, vector<1x16xf32>,
        %swap3A_288 = vector.shape_cast %swap3A_287 : vector<1x16xf32> to vector<16xf32>
        %swap3A_289 = vector.shape_cast %add3A_284 : vector<16xf32> to vector<1x16xf32>
        tpu.vector_store %arg12[%swap3A_285, %swap3A_286], %swap3A_289 {strides = array<i32>} : memref<120x128xf32, #tpu.memory_space<vmem>>, vector<1x16xf32>,
        %get3A_290 = arith.index_cast %scan3A_263 : i32 to index
        %get3A_291 = arith.constant 32 : index
        %get3A_292 = tpu.vector_load %arg12[%get3A_290, %get3A_291] {strides = array<i32>} : memref<120x128xf32, #tpu.memory_space<vmem>>, vector<1x16xf32>,
        %get3A_293 = vector.shape_cast %get3A_292 : vector<1x16xf32> to vector<16xf32>
        %get3A_294 = arith.index_cast %scan3A_263 : i32 to index
        %get3A_295 = arith.constant 32 : index
        %get3A_296 = tpu.vector_load %arg14[%get3A_294, %get3A_295] {strides = array<i32>} : memref<120x128xf32, #tpu.memory_space<vmem>>, vector<1x16xf32>,
        %get3A_297 = vector.shape_cast %get3A_296 : vector<1x16xf32> to vector<16xf32>
        %add3A_298 = arith.addf %get3A_293, %get3A_297 : vector<16xf32>
        %swap3A_299 = arith.index_cast %scan3A_263 : i32 to index
        %swap3A_300 = arith.constant 32 : index
        %swap3A_301 = tpu.vector_load %arg12[%swap3A_299, %swap3A_300] {strides = array<i32>} : memref<120x128xf32, #tpu.memory_space<vmem>>, vector<1x16xf32>,
        %swap3A_302 = vector.shape_cast %swap3A_301 : vector<1x16xf32> to vector<16xf32>
        %swap3A_303 = vector.shape_cast %add3A_298 : vector<16xf32> to vector<1x16xf32>
        tpu.vector_store %arg12[%swap3A_299, %swap3A_300], %swap3A_303 {strides = array<i32>} : memref<120x128xf32, #tpu.memory_space<vmem>>, vector<1x16xf32>,
        %get3A_304 = arith.index_cast %scan3A_263 : i32 to index
        %get3A_305 = arith.constant 48 : index
        %get3A_306 = tpu.vector_load %arg12[%get3A_304, %get3A_305] {strides = array<i32>} : memref<120x128xf32, #tpu.memory_space<vmem>>, vector<1x16xf32>,
        %get3A_307 = vector.shape_cast %get3A_306 : vector<1x16xf32> to vector<16xf32>
        %get3A_308 = arith.index_cast %scan3A_263 : i32 to index
        %get3A_309 = arith.constant 48 : index
        %get3A_310 = tpu.vector_load %arg14[%get3A_308, %get3A_309] {strides = array<i32>} : memref<120x128xf32, #tpu.memory_space<vmem>>, vector<1x16xf32>,
        %get3A_311 = vector.shape_cast %get3A_310 : vector<1x16xf32> to vector<16xf32>
        %add3A_312 = arith.addf %get3A_307, %get3A_311 : vector<16xf32>
        %swap3A_313 = arith.index_cast %scan3A_263 : i32 to index
        %swap3A_314 = arith.constant 48 : index
        %swap3A_315 = tpu.vector_load %arg12[%swap3A_313, %swap3A_314] {strides = array<i32>} : memref<120x128xf32, #tpu.memory_space<vmem>>, vector<1x16xf32>,
        %swap3A_316 = vector.shape_cast %swap3A_315 : vector<1x16xf32> to vector<16xf32>
        %swap3A_317 = vector.shape_cast %add3A_312 : vector<16xf32> to vector<1x16xf32>
        tpu.vector_store %arg12[%swap3A_313, %swap3A_314], %swap3A_317 {strides = array<i32>} : memref<120x128xf32, #tpu.memory_space<vmem>>, vector<1x16xf32>,
        %get3A_318 = arith.index_cast %scan3A_263 : i32 to index
        %get3A_319 = arith.constant 64 : index
        %get3A_320 = tpu.vector_load %arg12[%get3A_318, %get3A_319] {strides = array<i32>} : memref<120x128xf32, #tpu.memory_space<vmem>>, vector<1x16xf32>,
        %get3A_321 = vector.shape_cast %get3A_320 : vector<1x16xf32> to vector<16xf32>
        %get3A_322 = arith.index_cast %scan3A_263 : i32 to index
        %get3A_323 = arith.constant 64 : index
        %get3A_324 = tpu.vector_load %arg14[%get3A_322, %get3A_323] {strides = array<i32>} : memref<120x128xf32, #tpu.memory_space<vmem>>, vector<1x16xf32>,
        %get3A_325 = vector.shape_cast %get3A_324 : vector<1x16xf32> to vector<16xf32>
        %add3A_326 = arith.addf %get3A_321, %get3A_325 : vector<16xf32>
        %swap3A_327 = arith.index_cast %scan3A_263 : i32 to index
        %swap3A_328 = arith.constant 64 : index
        %swap3A_329 = tpu.vector_load %arg12[%swap3A_327, %swap3A_328] {strides = array<i32>} : memref<120x128xf32, #tpu.memory_space<vmem>>, vector<1x16xf32>,
        %swap3A_330 = vector.shape_cast %swap3A_329 : vector<1x16xf32> to vector<16xf32>
        %swap3A_331 = vector.shape_cast %add3A_326 : vector<16xf32> to vector<1x16xf32>
        tpu.vector_store %arg12[%swap3A_327, %swap3A_328], %swap3A_331 {strides = array<i32>} : memref<120x128xf32, #tpu.memory_space<vmem>>, vector<1x16xf32>,
        %get3A_332 = arith.index_cast %scan3A_263 : i32 to index
        %get3A_333 = arith.constant 80 : index
        %get3A_334 = tpu.vector_load %arg12[%get3A_332, %get3A_333] {strides = array<i32>} : memref<120x128xf32, #tpu.memory_space<vmem>>, vector<1x16xf32>,
        %get3A_335 = vector.shape_cast %get3A_334 : vector<1x16xf32> to vector<16xf32>
        %get3A_336 = arith.index_cast %scan3A_263 : i32 to index
        %get3A_337 = arith.constant 80 : index
        %get3A_338 = tpu.vector_load %arg14[%get3A_336, %get3A_337] {strides = array<i32>} : memref<120x128xf32, #tpu.memory_space<vmem>>, vector<1x16xf32>,
        %get3A_339 = vector.shape_cast %get3A_338 : vector<1x16xf32> to vector<16xf32>
        %add3A_340 = arith.addf %get3A_335, %get3A_339 : vector<16xf32>
        %swap3A_341 = arith.index_cast %scan3A_263 : i32 to index
        %swap3A_342 = arith.constant 80 : index
        %swap3A_343 = tpu.vector_load %arg12[%swap3A_341, %swap3A_342] {strides = array<i32>} : memref<120x128xf32, #tpu.memory_space<vmem>>, vector<1x16xf32>,
        %swap3A_344 = vector.shape_cast %swap3A_343 : vector<1x16xf32> to vector<16xf32>
        %swap3A_345 = vector.shape_cast %add3A_340 : vector<16xf32> to vector<1x16xf32>
        tpu.vector_store %arg12[%swap3A_341, %swap3A_342], %swap3A_345 {strides = array<i32>} : memref<120x128xf32, #tpu.memory_space<vmem>>, vector<1x16xf32>,
        %get3A_346 = arith.index_cast %scan3A_263 : i32 to index
        %get3A_347 = arith.constant 96 : index
        %get3A_348 = tpu.vector_load %arg12[%get3A_346, %get3A_347] {strides = array<i32>} : memref<120x128xf32, #tpu.memory_space<vmem>>, vector<1x16xf32>,
        %get3A_349 = vector.shape_cast %get3A_348 : vector<1x16xf32> to vector<16xf32>
        %get3A_350 = arith.index_cast %scan3A_263 : i32 to index
        %get3A_351 = arith.constant 96 : index
        %get3A_352 = tpu.vector_load %arg14[%get3A_350, %get3A_351] {strides = array<i32>} : memref<120x128xf32, #tpu.memory_space<vmem>>, vector<1x16xf32>,
        %get3A_353 = vector.shape_cast %get3A_352 : vector<1x16xf32> to vector<16xf32>
        %add3A_354 = arith.addf %get3A_349, %get3A_353 : vector<16xf32>
        %swap3A_355 = arith.index_cast %scan3A_263 : i32 to index
        %swap3A_356 = arith.constant 96 : index
        %swap3A_357 = tpu.vector_load %arg12[%swap3A_355, %swap3A_356] {strides = array<i32>} : memref<120x128xf32, #tpu.memory_space<vmem>>, vector<1x16xf32>,
        %swap3A_358 = vector.shape_cast %swap3A_357 : vector<1x16xf32> to vector<16xf32>
        %swap3A_359 = vector.shape_cast %add3A_354 : vector<16xf32> to vector<1x16xf32>
        tpu.vector_store %arg12[%swap3A_355, %swap3A_356], %swap3A_359 {strides = array<i32>} : memref<120x128xf32, #tpu.memory_space<vmem>>, vector<1x16xf32>,
        %get3A_360 = arith.index_cast %scan3A_263 : i32 to index
        %get3A_361 = arith.constant 112 : index
        %get3A_362 = tpu.vector_load %arg12[%get3A_360, %get3A_361] {strides = array<i32>} : memref<120x128xf32, #tpu.memory_space<vmem>>, vector<1x16xf32>,
        %get3A_363 = vector.shape_cast %get3A_362 : vector<1x16xf32> to vector<16xf32>
        %get3A_364 = arith.index_cast %scan3A_263 : i32 to index
        %get3A_365 = arith.constant 112 : index
        %get3A_366 = tpu.vector_load %arg14[%get3A_364, %get3A_365] {strides = array<i32>} : memref<120x128xf32, #tpu.memory_space<vmem>>, vector<1x16xf32>,
        %get3A_367 = vector.shape_cast %get3A_366 : vector<1x16xf32> to vector<16xf32>
        %add3A_368 = arith.addf %get3A_363, %get3A_367 : vector<16xf32>
        %swap3A_369 = arith.index_cast %scan3A_263 : i32 to index
        %swap3A_370 = arith.constant 112 : index
        %swap3A_371 = tpu.vector_load %arg12[%swap3A_369, %swap3A_370] {strides = array<i32>} : memref<120x128xf32, #tpu.memory_space<vmem>>, vector<1x16xf32>,
        %swap3A_372 = vector.shape_cast %swap3A_371 : vector<1x16xf32> to vector<16xf32>
        %swap3A_373 = vector.shape_cast %add3A_368 : vector<16xf32> to vector<1x16xf32>
        tpu.vector_store %arg12[%swap3A_369, %swap3A_370], %swap3A_373 {strides = array<i32>} : memref<120x128xf32, #tpu.memory_space<vmem>>, vector<1x16xf32>,
      }
      %scan3A_207 = arith.constant 120 : i32
      %mul3A_208 = arith.constant 120 : i32
      %mul3A_209 = arith.muli %add3A_168, %mul3A_208 : i32
      %add3A_210 = arith.addi %mul3A_6, %mul3A_209 : i32
      %dma_start3A_211 = arith.constant 0 : i32
      %dma_start3A_212 = tpu.memref_slice %arg6[%add3A_210, %dma_start3A_211] : memref<192000x128xf32, #tpu.memory_space<hbm>> -> memref<120x128xf32, #tpu.memory_space<hbm>>
      %dma_start3A_213 = arith.constant 0 : i32
      %dma_start3A_214 = tpu.memref_slice %arg6[%add3A_210, %dma_start3A_213] : memref<192000x128xf32, #tpu.memory_space<hbm>> -> memref<120x128xf32, #tpu.memory_space<hbm>>
      tpu.enqueue_dma source(%arg12 : memref<120x128xf32, #tpu.memory_space<vmem>>) target(%dma_start3A_214 : memref<120x128xf32, #tpu.memory_space<hbm>>) target_semaphore(%arg20 : memref<!tpu.dma_semaphore, #tpu.memory_space<semaphore_mem>>)
      %add3A_215 = arith.constant 1 : i32
      %add3A_216 = arith.addi %add3A_168, %add3A_215 : i32
      %dma_wait3A_217 = arith.constant 0 : i32
      %dma_wait3A_218 = arith.constant 0 : i32
      %dma_wait3A_219 = tpu.memref_slice %arg2[%dma_wait3A_217, %dma_wait3A_218] : memref<10000x128xf32, #tpu.memory_space<hbm>> -> memref<10000x128xf32, #tpu.memory_space<hbm>>
      tpu.wait_indirect_dma semaphore(%arg17 : memref<!tpu.dma_semaphore, #tpu.memory_space<semaphore_mem>>) src(%dma_wait3A_219 : memref<10000x128xf32, #tpu.memory_space<hbm>>) dst(%arg11 : memref<120x128xf32, #tpu.memory_space<vmem>>)
      %dma_wait3A_220 = arith.constant 0 : i32
      %dma_wait3A_221 = arith.constant 0 : i32
      %dma_wait3A_222 = tpu.memref_slice %arg3[%dma_wait3A_220, %dma_wait3A_221] : memref<10000x128xf32, #tpu.memory_space<hbm>> -> memref<10000x128xf32, #tpu.memory_space<hbm>>
      tpu.wait_indirect_dma semaphore(%arg17 : memref<!tpu.dma_semaphore, #tpu.memory_space<semaphore_mem>>) src(%dma_wait3A_222 : memref<10000x128xf32, #tpu.memory_space<hbm>>) dst(%arg13 : memref<120x128xf32, #tpu.memory_space<vmem>>)
      %add3A_223 = arith.constant 2 : i32
      %add3A_224 = arith.addi %add3A_216, %add3A_223 : i32
      %mul3A_225 = arith.constant 120 : i32
      %mul3A_226 = arith.muli %add3A_224, %mul3A_225 : i32
      %add3A_227 = arith.addi %add3A_4, %mul3A_226 : i32
      %dma_start3A_228 = tpu.memref_slice %arg4[%add3A_227] : memref<320000xi32, #tpu.memory_space<hbm>> -> memref<120xi32, #tpu.memory_space<hbm>>
      %dma_start3A_229 = tpu.memref_slice %arg4[%add3A_227] : memref<320000xi32, #tpu.memory_space<hbm>> -> memref<120xi32, #tpu.memory_space<hbm>>
      tpu.enqueue_dma source(%dma_start3A_229 : memref<120xi32, #tpu.memory_space<hbm>>) target(%arg7 : memref<120xi32, #tpu.memory_space<vmem>>) target_semaphore(%arg15 : memref<!tpu.dma_semaphore, #tpu.memory_space<semaphore_mem>>)
      %dma_start3A_230 = tpu.memref_slice %arg5[%add3A_227] : memref<320000xi32, #tpu.memory_space<hbm>> -> memref<120xi32, #tpu.memory_space<hbm>>
      %dma_start3A_231 = tpu.memref_slice %arg5[%add3A_227] : memref<320000xi32, #tpu.memory_space<hbm>> -> memref<120xi32, #tpu.memory_space<hbm>>
      tpu.enqueue_dma source(%dma_start3A_231 : memref<120xi32, #tpu.memory_space<hbm>>) target(%arg9 : memref<120xi32, #tpu.memory_space<vmem>>) target_semaphore(%arg15 : memref<!tpu.dma_semaphore, #tpu.memory_space<semaphore_mem>>)
      %dma_wait3A_232 = arith.constant 0 : i32
      %dma_wait3A_233 = tpu.memref_slice %arg6[%mul3A_6, %dma_wait3A_232] : memref<192000x128xf32, #tpu.memory_space<hbm>> -> memref<120x128xf32, #tpu.memory_space<hbm>>
      %dma_wait3A_234 = arith.constant 0 : i32
      %dma_wait3A_235 = tpu.memref_slice %arg6[%mul3A_6, %dma_wait3A_234] : memref<192000x128xf32, #tpu.memory_space<hbm>> -> memref<120x128xf32, #tpu.memory_space<hbm>>
      tpu.wait_dma2 semaphore(%arg20 : memref<!tpu.dma_semaphore, #tpu.memory_space<semaphore_mem>>) src(%arg12 : memref<120x128xf32, #tpu.memory_space<vmem>>) dst(%dma_wait3A_235 : memref<120x128xf32, #tpu.memory_space<hbm>>)
      %dma_wait3A_236 = arith.constant 0 : i32
      %dma_wait3A_237 = tpu.memref_slice %arg4[%dma_wait3A_236] : memref<320000xi32, #tpu.memory_space<hbm>> -> memref<120xi32, #tpu.memory_space<hbm>>
      %dma_wait3A_238 = arith.constant 0 : i32
      %dma_wait3A_239 = tpu.memref_slice %arg4[%dma_wait3A_238] : memref<320000xi32, #tpu.memory_space<hbm>> -> memref<120xi32, #tpu.memory_space<hbm>>
      tpu.wait_dma2 semaphore(%arg16 : memref<!tpu.dma_semaphore, #tpu.memory_space<semaphore_mem>>) src(%dma_wait3A_239 : memref<120xi32, #tpu.memory_space<hbm>>) dst(%arg8 : memref<120xi32, #tpu.memory_space<vmem>>)
      %dma_wait3A_240 = arith.constant 0 : i32
      %dma_wait3A_241 = tpu.memref_slice %arg5[%dma_wait3A_240] : memref<320000xi32, #tpu.memory_space<hbm>> -> memref<120xi32, #tpu.memory_space<hbm>>
      %dma_wait3A_242 = arith.constant 0 : i32
      %dma_wait3A_243 = tpu.memref_slice %arg5[%dma_wait3A_242] : memref<320000xi32, #tpu.memory_space<hbm>> -> memref<120xi32, #tpu.memory_space<hbm>>
      tpu.wait_dma2 semaphore(%arg16 : memref<!tpu.dma_semaphore, #tpu.memory_space<semaphore_mem>>) src(%dma_wait3A_243 : memref<120xi32, #tpu.memory_space<hbm>>) dst(%arg10 : memref<120xi32, #tpu.memory_space<vmem>>)
      %dma_start3A_244 = arith.constant 0 : i32
      %dma_start3A_245 = arith.constant 0 : i32
      %dma_start3A_246 = tpu.memref_slice %arg2[%dma_start3A_244, %dma_start3A_245] : memref<10000x128xf32, #tpu.memory_space<hbm>> -> memref<10000x128xf32, #tpu.memory_space<hbm>>
      tpu.enqueue_indirect_dma source(%dma_start3A_246 : memref<10000x128xf32, #tpu.memory_space<hbm>>) target(%arg12 : memref<120x128xf32, #tpu.memory_space<vmem>>) offsets(%arg8 : memref<120xi32, #tpu.memory_space<vmem>>) semaphore(%arg18 : memref<!tpu.dma_semaphore, #tpu.memory_space<semaphore_mem>>)
      %dma_start3A_247 = arith.constant 0 : i32
      %dma_start3A_248 = arith.constant 0 : i32
      %dma_start3A_249 = tpu.memref_slice %arg3[%dma_start3A_247, %dma_start3A_248] : memref<10000x128xf32, #tpu.memory_space<hbm>> -> memref<10000x128xf32, #tpu.memory_space<hbm>>
      tpu.enqueue_indirect_dma source(%dma_start3A_249 : memref<10000x128xf32, #tpu.memory_space<hbm>>) target(%arg14 : memref<120x128xf32, #tpu.memory_space<vmem>>) offsets(%arg10 : memref<120xi32, #tpu.memory_space<vmem>>) semaphore(%arg18 : memref<!tpu.dma_semaphore, #tpu.memory_space<semaphore_mem>>)
      %scan3A_250 = arith.constant 0 : i32
      %scan3A_251 = arith.constant 0 : i32
      %scan3A_252 = arith.constant 120 : i32
      %scan3A_253 = arith.addi %scan3A_251, %scan3A_252 : i32
      %scan3A_254 = arith.constant 1 : i32
      scf.for %scan3A_263 = %scan3A_251 to %scan3A_253 step %scan3A_254  : i32 {
        %get3A = arith.index_cast %scan3A_263 : i32 to index
        %get3A_264 = arith.constant 0 : index
        %get3A_265 = tpu.vector_load %arg11[%get3A, %get3A_264] {strides = array<i32>} : memref<120x128xf32, #tpu.memory_space<vmem>>, vector<1x16xf32>,
        %get3A_266 = vector.shape_cast %get3A_265 : vector<1x16xf32> to vector<16xf32>
        %get3A_267 = arith.index_cast %scan3A_263 : i32 to index
        %get3A_268 = arith.constant 0 : index
        %get3A_269 = tpu.vector_load %arg13[%get3A_267, %get3A_268] {strides = array<i32>} : memref<120x128xf32, #tpu.memory_space<vmem>>, vector<1x16xf32>,
        %get3A_270 = vector.shape_cast %get3A_269 : vector<1x16xf32> to vector<16xf32>
        %add3A_271 = arith.addf %get3A_266, %get3A_270 : vector<16xf32>
        %swap3A = arith.index_cast %scan3A_263 : i32 to index
        %swap3A_272 = arith.constant 0 : index
        %swap3A_273 = tpu.vector_load %arg11[%swap3A, %swap3A_272] {strides = array<i32>} : memref<120x128xf32, #tpu.memory_space<vmem>>, vector<1x16xf32>,
        %swap3A_274 = vector.shape_cast %swap3A_273 : vector<1x16xf32> to vector<16xf32>
        %swap3A_275 = vector.shape_cast %add3A_271 : vector<16xf32> to vector<1x16xf32>
        tpu.vector_store %arg11[%swap3A, %swap3A_272], %swap3A_275 {strides = array<i32>} : memref<120x128xf32, #tpu.memory_space<vmem>>, vector<1x16xf32>,
        %get3A_276 = arith.index_cast %scan3A_263 : i32 to index
        %get3A_277 = arith.constant 16 : index
        %get3A_278 = tpu.vector_load %arg11[%get3A_276, %get3A_277] {strides = array<i32>} : memref<120x128xf32, #tpu.memory_space<vmem>>, vector<1x16xf32>,
        %get3A_279 = vector.shape_cast %get3A_278 : vector<1x16xf32> to vector<16xf32>
        %get3A_280 = arith.index_cast %scan3A_263 : i32 to index
        %get3A_281 = arith.constant 16 : index
        %get3A_282 = tpu.vector_load %arg13[%get3A_280, %get3A_281] {strides = array<i32>} : memref<120x128xf32, #tpu.memory_space<vmem>>, vector<1x16xf32>,
        %get3A_283 = vector.shape_cast %get3A_282 : vector<1x16xf32> to vector<16xf32>
        %add3A_284 = arith.addf %get3A_279, %get3A_283 : vector<16xf32>
        %swap3A_285 = arith.index_cast %scan3A_263 : i32 to index
        %swap3A_286 = arith.constant 16 : index
        %swap3A_287 = tpu.vector_load %arg11[%swap3A_285, %swap3A_286] {strides = array<i32>} : memref<120x128xf32, #tpu.memory_space<vmem>>, vector<1x16xf32>,
        %swap3A_288 = vector.shape_cast %swap3A_287 : vector<1x16xf32> to vector<16xf32>
        %swap3A_289 = vector.shape_cast %add3A_284 : vector<16xf32> to vector<1x16xf32>
        tpu.vector_store %arg11[%swap3A_285, %swap3A_286], %swap3A_289 {strides = array<i32>} : memref<120x128xf32, #tpu.memory_space<vmem>>, vector<1x16xf32>,
        %get3A_290 = arith.index_cast %scan3A_263 : i32 to index
        %get3A_291 = arith.constant 32 : index
        %get3A_292 = tpu.vector_load %arg11[%get3A_290, %get3A_291] {strides = array<i32>} : memref<120x128xf32, #tpu.memory_space<vmem>>, vector<1x16xf32>,
        %get3A_293 = vector.shape_cast %get3A_292 : vector<1x16xf32> to vector<16xf32>
        %get3A_294 = arith.index_cast %scan3A_263 : i32 to index
        %get3A_295 = arith.constant 32 : index
        %get3A_296 = tpu.vector_load %arg13[%get3A_294, %get3A_295] {strides = array<i32>} : memref<120x128xf32, #tpu.memory_space<vmem>>, vector<1x16xf32>,
        %get3A_297 = vector.shape_cast %get3A_296 : vector<1x16xf32> to vector<16xf32>
        %add3A_298 = arith.addf %get3A_293, %get3A_297 : vector<16xf32>
        %swap3A_299 = arith.index_cast %scan3A_263 : i32 to index
        %swap3A_300 = arith.constant 32 : index
        %swap3A_301 = tpu.vector_load %arg11[%swap3A_299, %swap3A_300] {strides = array<i32>} : memref<120x128xf32, #tpu.memory_space<vmem>>, vector<1x16xf32>,
        %swap3A_302 = vector.shape_cast %swap3A_301 : vector<1x16xf32> to vector<16xf32>
        %swap3A_303 = vector.shape_cast %add3A_298 : vector<16xf32> to vector<1x16xf32>
        tpu.vector_store %arg11[%swap3A_299, %swap3A_300], %swap3A_303 {strides = array<i32>} : memref<120x128xf32, #tpu.memory_space<vmem>>, vector<1x16xf32>,
        %get3A_304 = arith.index_cast %scan3A_263 : i32 to index
        %get3A_305 = arith.constant 48 : index
        %get3A_306 = tpu.vector_load %arg11[%get3A_304, %get3A_305] {strides = array<i32>} : memref<120x128xf32, #tpu.memory_space<vmem>>, vector<1x16xf32>,
        %get3A_307 = vector.shape_cast %get3A_306 : vector<1x16xf32> to vector<16xf32>
        %get3A_308 = arith.index_cast %scan3A_263 : i32 to index
        %get3A_309 = arith.constant 48 : index
        %get3A_310 = tpu.vector_load %arg13[%get3A_308, %get3A_309] {strides = array<i32>} : memref<120x128xf32, #tpu.memory_space<vmem>>, vector<1x16xf32>,
        %get3A_311 = vector.shape_cast %get3A_310 : vector<1x16xf32> to vector<16xf32>
        %add3A_312 = arith.addf %get3A_307, %get3A_311 : vector<16xf32>
        %swap3A_313 = arith.index_cast %scan3A_263 : i32 to index
        %swap3A_314 = arith.constant 48 : index
        %swap3A_315 = tpu.vector_load %arg11[%swap3A_313, %swap3A_314] {strides = array<i32>} : memref<120x128xf32, #tpu.memory_space<vmem>>, vector<1x16xf32>,
        %swap3A_316 = vector.shape_cast %swap3A_315 : vector<1x16xf32> to vector<16xf32>
        %swap3A_317 = vector.shape_cast %add3A_312 : vector<16xf32> to vector<1x16xf32>
        tpu.vector_store %arg11[%swap3A_313, %swap3A_314], %swap3A_317 {strides = array<i32>} : memref<120x128xf32, #tpu.memory_space<vmem>>, vector<1x16xf32>,
        %get3A_318 = arith.index_cast %scan3A_263 : i32 to index
        %get3A_319 = arith.constant 64 : index
        %get3A_320 = tpu.vector_load %arg11[%get3A_318, %get3A_319] {strides = array<i32>} : memref<120x128xf32, #tpu.memory_space<vmem>>, vector<1x16xf32>,
        %get3A_321 = vector.shape_cast %get3A_320 : vector<1x16xf32> to vector<16xf32>
        %get3A_322 = arith.index_cast %scan3A_263 : i32 to index
        %get3A_323 = arith.constant 64 : index
        %get3A_324 = tpu.vector_load %arg13[%get3A_322, %get3A_323] {strides = array<i32>} : memref<120x128xf32, #tpu.memory_space<vmem>>, vector<1x16xf32>,
        %get3A_325 = vector.shape_cast %get3A_324 : vector<1x16xf32> to vector<16xf32>
        %add3A_326 = arith.addf %get3A_321, %get3A_325 : vector<16xf32>
        %swap3A_327 = arith.index_cast %scan3A_263 : i32 to index
        %swap3A_328 = arith.constant 64 : index
        %swap3A_329 = tpu.vector_load %arg11[%swap3A_327, %swap3A_328] {strides = array<i32>} : memref<120x128xf32, #tpu.memory_space<vmem>>, vector<1x16xf32>,
        %swap3A_330 = vector.shape_cast %swap3A_329 : vector<1x16xf32> to vector<16xf32>
        %swap3A_331 = vector.shape_cast %add3A_326 : vector<16xf32> to vector<1x16xf32>
        tpu.vector_store %arg11[%swap3A_327, %swap3A_328], %swap3A_331 {strides = array<i32>} : memref<120x128xf32, #tpu.memory_space<vmem>>, vector<1x16xf32>,
        %get3A_332 = arith.index_cast %scan3A_263 : i32 to index
        %get3A_333 = arith.constant 80 : index
        %get3A_334 = tpu.vector_load %arg11[%get3A_332, %get3A_333] {strides = array<i32>} : memref<120x128xf32, #tpu.memory_space<vmem>>, vector<1x16xf32>,
        %get3A_335 = vector.shape_cast %get3A_334 : vector<1x16xf32> to vector<16xf32>
        %get3A_336 = arith.index_cast %scan3A_263 : i32 to index
        %get3A_337 = arith.constant 80 : index
        %get3A_338 = tpu.vector_load %arg13[%get3A_336, %get3A_337] {strides = array<i32>} : memref<120x128xf32, #tpu.memory_space<vmem>>, vector<1x16xf32>,
        %get3A_339 = vector.shape_cast %get3A_338 : vector<1x16xf32> to vector<16xf32>
        %add3A_340 = arith.addf %get3A_335, %get3A_339 : vector<16xf32>
        %swap3A_341 = arith.index_cast %scan3A_263 : i32 to index
        %swap3A_342 = arith.constant 80 : index
        %swap3A_343 = tpu.vector_load %arg11[%swap3A_341, %swap3A_342] {strides = array<i32>} : memref<120x128xf32, #tpu.memory_space<vmem>>, vector<1x16xf32>,
        %swap3A_344 = vector.shape_cast %swap3A_343 : vector<1x16xf32> to vector<16xf32>
        %swap3A_345 = vector.shape_cast %add3A_340 : vector<16xf32> to vector<1x16xf32>
        tpu.vector_store %arg11[%swap3A_341, %swap3A_342], %swap3A_345 {strides = array<i32>} : memref<120x128xf32, #tpu.memory_space<vmem>>, vector<1x16xf32>,
        %get3A_346 = arith.index_cast %scan3A_263 : i32 to index
        %get3A_347 = arith.constant 96 : index
        %get3A_348 = tpu.vector_load %arg11[%get3A_346, %get3A_347] {strides = array<i32>} : memref<120x128xf32, #tpu.memory_space<vmem>>, vector<1x16xf32>,
        %get3A_349 = vector.shape_cast %get3A_348 : vector<1x16xf32> to vector<16xf32>
        %get3A_350 = arith.index_cast %scan3A_263 : i32 to index
        %get3A_351 = arith.constant 96 : index
        %get3A_352 = tpu.vector_load %arg13[%get3A_350, %get3A_351] {strides = array<i32>} : memref<120x128xf32, #tpu.memory_space<vmem>>, vector<1x16xf32>,
        %get3A_353 = vector.shape_cast %get3A_352 : vector<1x16xf32> to vector<16xf32>
        %add3A_354 = arith.addf %get3A_349, %get3A_353 : vector<16xf32>
        %swap3A_355 = arith.index_cast %scan3A_263 : i32 to index
        %swap3A_356 = arith.constant 96 : index
        %swap3A_357 = tpu.vector_load %arg11[%swap3A_355, %swap3A_356] {strides = array<i32>} : memref<120x128xf32, #tpu.memory_space<vmem>>, vector<1x16xf32>,
        %swap3A_358 = vector.shape_cast %swap3A_357 : vector<1x16xf32> to vector<16xf32>
        %swap3A_359 = vector.shape_cast %add3A_354 : vector<16xf32> to vector<1x16xf32>
        tpu.vector_store %arg11[%swap3A_355, %swap3A_356], %swap3A_359 {strides = array<i32>} : memref<120x128xf32, #tpu.memory_space<vmem>>, vector<1x16xf32>,
        %get3A_360 = arith.index_cast %scan3A_263 : i32 to index
        %get3A_361 = arith.constant 112 : index
        %get3A_362 = tpu.vector_load %arg11[%get3A_360, %get3A_361] {strides = array<i32>} : memref<120x128xf32, #tpu.memory_space<vmem>>, vector<1x16xf32>,
        %get3A_363 = vector.shape_cast %get3A_362 : vector<1x16xf32> to vector<16xf32>
        %get3A_364 = arith.index_cast %scan3A_263 : i32 to index
        %get3A_365 = arith.constant 112 : index
        %get3A_366 = tpu.vector_load %arg13[%get3A_364, %get3A_365] {strides = array<i32>} : memref<120x128xf32, #tpu.memory_space<vmem>>, vector<1x16xf32>,
        %get3A_367 = vector.shape_cast %get3A_366 : vector<1x16xf32> to vector<16xf32>
        %add3A_368 = arith.addf %get3A_363, %get3A_367 : vector<16xf32>
        %swap3A_369 = arith.index_cast %scan3A_263 : i32 to index
        %swap3A_370 = arith.constant 112 : index
        %swap3A_371 = tpu.vector_load %arg11[%swap3A_369, %swap3A_370] {strides = array<i32>} : memref<120x128xf32, #tpu.memory_space<vmem>>, vector<1x16xf32>,
        %swap3A_372 = vector.shape_cast %swap3A_371 : vector<1x16xf32> to vector<16xf32>
        %swap3A_373 = vector.shape_cast %add3A_368 : vector<16xf32> to vector<1x16xf32>
        tpu.vector_store %arg11[%swap3A_369, %swap3A_370], %swap3A_373 {strides = array<i32>} : memref<120x128xf32, #tpu.memory_space<vmem>>, vector<1x16xf32>,
      }
      %scan3A_255 = arith.constant 120 : i32
      %mul3A_256 = arith.constant 120 : i32
      %mul3A_257 = arith.muli %add3A_216, %mul3A_256 : i32
      %add3A_258 = arith.addi %mul3A_6, %mul3A_257 : i32
      %dma_start3A_259 = arith.constant 0 : i32
      %dma_start3A_260 = tpu.memref_slice %arg6[%add3A_258, %dma_start3A_259] : memref<192000x128xf32, #tpu.memory_space<hbm>> -> memref<120x128xf32, #tpu.memory_space<hbm>>
      %dma_start3A_261 = arith.constant 0 : i32
      %dma_start3A_262 = tpu.memref_slice %arg6[%add3A_258, %dma_start3A_261] : memref<192000x128xf32, #tpu.memory_space<hbm>> -> memref<120x128xf32, #tpu.memory_space<hbm>>
      tpu.enqueue_dma source(%arg11 : memref<120x128xf32, #tpu.memory_space<vmem>>) target(%dma_start3A_262 : memref<120x128xf32, #tpu.memory_space<hbm>>) target_semaphore(%arg19 : memref<!tpu.dma_semaphore, #tpu.memory_space<semaphore_mem>>)
    }
    %scan3A_59 = arith.constant 23 : i32
    %dma_wait3A_60 = arith.constant 0 : i32
    %dma_wait3A_61 = arith.constant 0 : i32
    %dma_wait3A_62 = tpu.memref_slice %arg2[%dma_wait3A_60, %dma_wait3A_61] : memref<10000x128xf32, #tpu.memory_space<hbm>> -> memref<10000x128xf32, #tpu.memory_space<hbm>>
    tpu.wait_indirect_dma semaphore(%arg18 : memref<!tpu.dma_semaphore, #tpu.memory_space<semaphore_mem>>) src(%dma_wait3A_62 : memref<10000x128xf32, #tpu.memory_space<hbm>>) dst(%arg12 : memref<120x128xf32, #tpu.memory_space<vmem>>)
    %dma_wait3A_63 = arith.constant 0 : i32
    %dma_wait3A_64 = arith.constant 0 : i32
    %dma_wait3A_65 = tpu.memref_slice %arg3[%dma_wait3A_63, %dma_wait3A_64] : memref<10000x128xf32, #tpu.memory_space<hbm>> -> memref<10000x128xf32, #tpu.memory_space<hbm>>
    tpu.wait_indirect_dma semaphore(%arg18 : memref<!tpu.dma_semaphore, #tpu.memory_space<semaphore_mem>>) src(%dma_wait3A_65 : memref<10000x128xf32, #tpu.memory_space<hbm>>) dst(%arg14 : memref<120x128xf32, #tpu.memory_space<vmem>>)
    %add3A_66 = arith.constant 5880 : i32
    %add3A_67 = arith.addi %add3A_4, %add3A_66 : i32
    %dma_start3A_68 = tpu.memref_slice %arg4[%add3A_67] : memref<320000xi32, #tpu.memory_space<hbm>> -> memref<120xi32, #tpu.memory_space<hbm>>
    %dma_start3A_69 = tpu.memref_slice %arg4[%add3A_67] : memref<320000xi32, #tpu.memory_space<hbm>> -> memref<120xi32, #tpu.memory_space<hbm>>
    tpu.enqueue_dma source(%dma_start3A_69 : memref<120xi32, #tpu.memory_space<hbm>>) target(%arg8 : memref<120xi32, #tpu.memory_space<vmem>>) target_semaphore(%arg16 : memref<!tpu.dma_semaphore, #tpu.memory_space<semaphore_mem>>)
    %dma_start3A_70 = tpu.memref_slice %arg5[%add3A_67] : memref<320000xi32, #tpu.memory_space<hbm>> -> memref<120xi32, #tpu.memory_space<hbm>>
    %dma_start3A_71 = tpu.memref_slice %arg5[%add3A_67] : memref<320000xi32, #tpu.memory_space<hbm>> -> memref<120xi32, #tpu.memory_space<hbm>>
    tpu.enqueue_dma source(%dma_start3A_71 : memref<120xi32, #tpu.memory_space<hbm>>) target(%arg10 : memref<120xi32, #tpu.memory_space<vmem>>) target_semaphore(%arg16 : memref<!tpu.dma_semaphore, #tpu.memory_space<semaphore_mem>>)
    %dma_wait3A_72 = arith.constant 0 : i32
    %dma_wait3A_73 = tpu.memref_slice %arg6[%mul3A_6, %dma_wait3A_72] : memref<192000x128xf32, #tpu.memory_space<hbm>> -> memref<120x128xf32, #tpu.memory_space<hbm>>
    %dma_wait3A_74 = arith.constant 0 : i32
    %dma_wait3A_75 = tpu.memref_slice %arg6[%mul3A_6, %dma_wait3A_74] : memref<192000x128xf32, #tpu.memory_space<hbm>> -> memref<120x128xf32, #tpu.memory_space<hbm>>
    tpu.wait_dma2 semaphore(%arg19 : memref<!tpu.dma_semaphore, #tpu.memory_space<semaphore_mem>>) src(%arg11 : memref<120x128xf32, #tpu.memory_space<vmem>>) dst(%dma_wait3A_75 : memref<120x128xf32, #tpu.memory_space<hbm>>)
    %dma_wait3A_76 = arith.constant 0 : i32
    %dma_wait3A_77 = tpu.memref_slice %arg4[%dma_wait3A_76] : memref<320000xi32, #tpu.memory_space<hbm>> -> memref<120xi32, #tpu.memory_space<hbm>>
    %dma_wait3A_78 = arith.constant 0 : i32
    %dma_wait3A_79 = tpu.memref_slice %arg4[%dma_wait3A_78] : memref<320000xi32, #tpu.memory_space<hbm>> -> memref<120xi32, #tpu.memory_space<hbm>>
    tpu.wait_dma2 semaphore(%arg15 : memref<!tpu.dma_semaphore, #tpu.memory_space<semaphore_mem>>) src(%dma_wait3A_79 : memref<120xi32, #tpu.memory_space<hbm>>) dst(%arg7 : memref<120xi32, #tpu.memory_space<vmem>>)
    %dma_wait3A_80 = arith.constant 0 : i32
    %dma_wait3A_81 = tpu.memref_slice %arg5[%dma_wait3A_80] : memref<320000xi32, #tpu.memory_space<hbm>> -> memref<120xi32, #tpu.memory_space<hbm>>
    %dma_wait3A_82 = arith.constant 0 : i32
    %dma_wait3A_83 = tpu.memref_slice %arg5[%dma_wait3A_82] : memref<320000xi32, #tpu.memory_space<hbm>> -> memref<120xi32, #tpu.memory_space<hbm>>
    tpu.wait_dma2 semaphore(%arg15 : memref<!tpu.dma_semaphore, #tpu.memory_space<semaphore_mem>>) src(%dma_wait3A_83 : memref<120xi32, #tpu.memory_space<hbm>>) dst(%arg9 : memref<120xi32, #tpu.memory_space<vmem>>)
    %dma_start3A_84 = arith.constant 0 : i32
    %dma_start3A_85 = arith.constant 0 : i32
    %dma_start3A_86 = tpu.memref_slice %arg2[%dma_start3A_84, %dma_start3A_85] : memref<10000x128xf32, #tpu.memory_space<hbm>> -> memref<10000x128xf32, #tpu.memory_space<hbm>>
    tpu.enqueue_indirect_dma source(%dma_start3A_86 : memref<10000x128xf32, #tpu.memory_space<hbm>>) target(%arg11 : memref<120x128xf32, #tpu.memory_space<vmem>>) offsets(%arg7 : memref<120xi32, #tpu.memory_space<vmem>>) semaphore(%arg17 : memref<!tpu.dma_semaphore, #tpu.memory_space<semaphore_mem>>)
    %dma_start3A_87 = arith.constant 0 : i32
    %dma_start3A_88 = arith.constant 0 : i32
    %dma_start3A_89 = tpu.memref_slice %arg3[%dma_start3A_87, %dma_start3A_88] : memref<10000x128xf32, #tpu.memory_space<hbm>> -> memref<10000x128xf32, #tpu.memory_space<hbm>>
    tpu.enqueue_indirect_dma source(%dma_start3A_89 : memref<10000x128xf32, #tpu.memory_space<hbm>>) target(%arg13 : memref<120x128xf32, #tpu.memory_space<vmem>>) offsets(%arg9 : memref<120xi32, #tpu.memory_space<vmem>>) semaphore(%arg17 : memref<!tpu.dma_semaphore, #tpu.memory_space<semaphore_mem>>)
    %scan3A_90 = arith.constant 0 : i32
    %scan3A_91 = arith.constant 0 : i32
    %scan3A_92 = arith.constant 120 : i32
    %scan3A_93 = arith.addi %scan3A_91, %scan3A_92 : i32
    %scan3A_94 = arith.constant 1 : i32
    scf.for %scan3A_164 = %scan3A_91 to %scan3A_93 step %scan3A_94  : i32 {
      %get3A = arith.index_cast %scan3A_164 : i32 to index
      %get3A_165 = arith.constant 0 : index
      %get3A_166 = tpu.vector_load %arg12[%get3A, %get3A_165] {strides = array<i32>} : memref<120x128xf32, #tpu.memory_space<vmem>>, vector<1x16xf32>,
      %get3A_167 = vector.shape_cast %get3A_166 : vector<1x16xf32> to vector<16xf32>
      %get3A_168 = arith.index_cast %scan3A_164 : i32 to index
      %get3A_169 = arith.constant 0 : index
      %get3A_170 = tpu.vector_load %arg14[%get3A_168, %get3A_169] {strides = array<i32>} : memref<120x128xf32, #tpu.memory_space<vmem>>, vector<1x16xf32>,
      %get3A_171 = vector.shape_cast %get3A_170 : vector<1x16xf32> to vector<16xf32>
      %add3A_172 = arith.addf %get3A_167, %get3A_171 : vector<16xf32>
      %swap3A = arith.index_cast %scan3A_164 : i32 to index
      %swap3A_173 = arith.constant 0 : index
      %swap3A_174 = tpu.vector_load %arg12[%swap3A, %swap3A_173] {strides = array<i32>} : memref<120x128xf32, #tpu.memory_space<vmem>>, vector<1x16xf32>,
      %swap3A_175 = vector.shape_cast %swap3A_174 : vector<1x16xf32> to vector<16xf32>
      %swap3A_176 = vector.shape_cast %add3A_172 : vector<16xf32> to vector<1x16xf32>
      tpu.vector_store %arg12[%swap3A, %swap3A_173], %swap3A_176 {strides = array<i32>} : memref<120x128xf32, #tpu.memory_space<vmem>>, vector<1x16xf32>,
      %get3A_177 = arith.index_cast %scan3A_164 : i32 to index
      %get3A_178 = arith.constant 16 : index
      %get3A_179 = tpu.vector_load %arg12[%get3A_177, %get3A_178] {strides = array<i32>} : memref<120x128xf32, #tpu.memory_space<vmem>>, vector<1x16xf32>,
      %get3A_180 = vector.shape_cast %get3A_179 : vector<1x16xf32> to vector<16xf32>
      %get3A_181 = arith.index_cast %scan3A_164 : i32 to index
      %get3A_182 = arith.constant 16 : index
      %get3A_183 = tpu.vector_load %arg14[%get3A_181, %get3A_182] {strides = array<i32>} : memref<120x128xf32, #tpu.memory_space<vmem>>, vector<1x16xf32>,
      %get3A_184 = vector.shape_cast %get3A_183 : vector<1x16xf32> to vector<16xf32>
      %add3A_185 = arith.addf %get3A_180, %get3A_184 : vector<16xf32>
      %swap3A_186 = arith.index_cast %scan3A_164 : i32 to index
      %swap3A_187 = arith.constant 16 : index
      %swap3A_188 = tpu.vector_load %arg12[%swap3A_186, %swap3A_187] {strides = array<i32>} : memref<120x128xf32, #tpu.memory_space<vmem>>, vector<1x16xf32>,
      %swap3A_189 = vector.shape_cast %swap3A_188 : vector<1x16xf32> to vector<16xf32>
      %swap3A_190 = vector.shape_cast %add3A_185 : vector<16xf32> to vector<1x16xf32>
      tpu.vector_store %arg12[%swap3A_186, %swap3A_187], %swap3A_190 {strides = array<i32>} : memref<120x128xf32, #tpu.memory_space<vmem>>, vector<1x16xf32>,
      %get3A_191 = arith.index_cast %scan3A_164 : i32 to index
      %get3A_192 = arith.constant 32 : index
      %get3A_193 = tpu.vector_load %arg12[%get3A_191, %get3A_192] {strides = array<i32>} : memref<120x128xf32, #tpu.memory_space<vmem>>, vector<1x16xf32>,
      %get3A_194 = vector.shape_cast %get3A_193 : vector<1x16xf32> to vector<16xf32>
      %get3A_195 = arith.index_cast %scan3A_164 : i32 to index
      %get3A_196 = arith.constant 32 : index
      %get3A_197 = tpu.vector_load %arg14[%get3A_195, %get3A_196] {strides = array<i32>} : memref<120x128xf32, #tpu.memory_space<vmem>>, vector<1x16xf32>,
      %get3A_198 = vector.shape_cast %get3A_197 : vector<1x16xf32> to vector<16xf32>
      %add3A_199 = arith.addf %get3A_194, %get3A_198 : vector<16xf32>
      %swap3A_200 = arith.index_cast %scan3A_164 : i32 to index
      %swap3A_201 = arith.constant 32 : index
      %swap3A_202 = tpu.vector_load %arg12[%swap3A_200, %swap3A_201] {strides = array<i32>} : memref<120x128xf32, #tpu.memory_space<vmem>>, vector<1x16xf32>,
      %swap3A_203 = vector.shape_cast %swap3A_202 : vector<1x16xf32> to vector<16xf32>
      %swap3A_204 = vector.shape_cast %add3A_199 : vector<16xf32> to vector<1x16xf32>
      tpu.vector_store %arg12[%swap3A_200, %swap3A_201], %swap3A_204 {strides = array<i32>} : memref<120x128xf32, #tpu.memory_space<vmem>>, vector<1x16xf32>,
      %get3A_205 = arith.index_cast %scan3A_164 : i32 to index
      %get3A_206 = arith.constant 48 : index
      %get3A_207 = tpu.vector_load %arg12[%get3A_205, %get3A_206] {strides = array<i32>} : memref<120x128xf32, #tpu.memory_space<vmem>>, vector<1x16xf32>,
      %get3A_208 = vector.shape_cast %get3A_207 : vector<1x16xf32> to vector<16xf32>
      %get3A_209 = arith.index_cast %scan3A_164 : i32 to index
      %get3A_210 = arith.constant 48 : index
      %get3A_211 = tpu.vector_load %arg14[%get3A_209, %get3A_210] {strides = array<i32>} : memref<120x128xf32, #tpu.memory_space<vmem>>, vector<1x16xf32>,
      %get3A_212 = vector.shape_cast %get3A_211 : vector<1x16xf32> to vector<16xf32>
      %add3A_213 = arith.addf %get3A_208, %get3A_212 : vector<16xf32>
      %swap3A_214 = arith.index_cast %scan3A_164 : i32 to index
      %swap3A_215 = arith.constant 48 : index
      %swap3A_216 = tpu.vector_load %arg12[%swap3A_214, %swap3A_215] {strides = array<i32>} : memref<120x128xf32, #tpu.memory_space<vmem>>, vector<1x16xf32>,
      %swap3A_217 = vector.shape_cast %swap3A_216 : vector<1x16xf32> to vector<16xf32>
      %swap3A_218 = vector.shape_cast %add3A_213 : vector<16xf32> to vector<1x16xf32>
      tpu.vector_store %arg12[%swap3A_214, %swap3A_215], %swap3A_218 {strides = array<i32>} : memref<120x128xf32, #tpu.memory_space<vmem>>, vector<1x16xf32>,
      %get3A_219 = arith.index_cast %scan3A_164 : i32 to index
      %get3A_220 = arith.constant 64 : index
      %get3A_221 = tpu.vector_load %arg12[%get3A_219, %get3A_220] {strides = array<i32>} : memref<120x128xf32, #tpu.memory_space<vmem>>, vector<1x16xf32>,
      %get3A_222 = vector.shape_cast %get3A_221 : vector<1x16xf32> to vector<16xf32>
      %get3A_223 = arith.index_cast %scan3A_164 : i32 to index
      %get3A_224 = arith.constant 64 : index
      %get3A_225 = tpu.vector_load %arg14[%get3A_223, %get3A_224] {strides = array<i32>} : memref<120x128xf32, #tpu.memory_space<vmem>>, vector<1x16xf32>,
      %get3A_226 = vector.shape_cast %get3A_225 : vector<1x16xf32> to vector<16xf32>
      %add3A_227 = arith.addf %get3A_222, %get3A_226 : vector<16xf32>
      %swap3A_228 = arith.index_cast %scan3A_164 : i32 to index
      %swap3A_229 = arith.constant 64 : index
      %swap3A_230 = tpu.vector_load %arg12[%swap3A_228, %swap3A_229] {strides = array<i32>} : memref<120x128xf32, #tpu.memory_space<vmem>>, vector<1x16xf32>,
      %swap3A_231 = vector.shape_cast %swap3A_230 : vector<1x16xf32> to vector<16xf32>
      %swap3A_232 = vector.shape_cast %add3A_227 : vector<16xf32> to vector<1x16xf32>
      tpu.vector_store %arg12[%swap3A_228, %swap3A_229], %swap3A_232 {strides = array<i32>} : memref<120x128xf32, #tpu.memory_space<vmem>>, vector<1x16xf32>,
      %get3A_233 = arith.index_cast %scan3A_164 : i32 to index
      %get3A_234 = arith.constant 80 : index
      %get3A_235 = tpu.vector_load %arg12[%get3A_233, %get3A_234] {strides = array<i32>} : memref<120x128xf32, #tpu.memory_space<vmem>>, vector<1x16xf32>,
      %get3A_236 = vector.shape_cast %get3A_235 : vector<1x16xf32> to vector<16xf32>
      %get3A_237 = arith.index_cast %scan3A_164 : i32 to index
      %get3A_238 = arith.constant 80 : index
      %get3A_239 = tpu.vector_load %arg14[%get3A_237, %get3A_238] {strides = array<i32>} : memref<120x128xf32, #tpu.memory_space<vmem>>, vector<1x16xf32>,
      %get3A_240 = vector.shape_cast %get3A_239 : vector<1x16xf32> to vector<16xf32>
      %add3A_241 = arith.addf %get3A_236, %get3A_240 : vector<16xf32>
      %swap3A_242 = arith.index_cast %scan3A_164 : i32 to index
      %swap3A_243 = arith.constant 80 : index
      %swap3A_244 = tpu.vector_load %arg12[%swap3A_242, %swap3A_243] {strides = array<i32>} : memref<120x128xf32, #tpu.memory_space<vmem>>, vector<1x16xf32>,
      %swap3A_245 = vector.shape_cast %swap3A_244 : vector<1x16xf32> to vector<16xf32>
      %swap3A_246 = vector.shape_cast %add3A_241 : vector<16xf32> to vector<1x16xf32>
      tpu.vector_store %arg12[%swap3A_242, %swap3A_243], %swap3A_246 {strides = array<i32>} : memref<120x128xf32, #tpu.memory_space<vmem>>, vector<1x16xf32>,
      %get3A_247 = arith.index_cast %scan3A_164 : i32 to index
      %get3A_248 = arith.constant 96 : index
      %get3A_249 = tpu.vector_load %arg12[%get3A_247, %get3A_248] {strides = array<i32>} : memref<120x128xf32, #tpu.memory_space<vmem>>, vector<1x16xf32>,
      %get3A_250 = vector.shape_cast %get3A_249 : vector<1x16xf32> to vector<16xf32>
      %get3A_251 = arith.index_cast %scan3A_164 : i32 to index
      %get3A_252 = arith.constant 96 : index
      %get3A_253 = tpu.vector_load %arg14[%get3A_251, %get3A_252] {strides = array<i32>} : memref<120x128xf32, #tpu.memory_space<vmem>>, vector<1x16xf32>,
      %get3A_254 = vector.shape_cast %get3A_253 : vector<1x16xf32> to vector<16xf32>
      %add3A_255 = arith.addf %get3A_250, %get3A_254 : vector<16xf32>
      %swap3A_256 = arith.index_cast %scan3A_164 : i32 to index
      %swap3A_257 = arith.constant 96 : index
      %swap3A_258 = tpu.vector_load %arg12[%swap3A_256, %swap3A_257] {strides = array<i32>} : memref<120x128xf32, #tpu.memory_space<vmem>>, vector<1x16xf32>,
      %swap3A_259 = vector.shape_cast %swap3A_258 : vector<1x16xf32> to vector<16xf32>
      %swap3A_260 = vector.shape_cast %add3A_255 : vector<16xf32> to vector<1x16xf32>
      tpu.vector_store %arg12[%swap3A_256, %swap3A_257], %swap3A_260 {strides = array<i32>} : memref<120x128xf32, #tpu.memory_space<vmem>>, vector<1x16xf32>,
      %get3A_261 = arith.index_cast %scan3A_164 : i32 to index
      %get3A_262 = arith.constant 112 : index
      %get3A_263 = tpu.vector_load %arg12[%get3A_261, %get3A_262] {strides = array<i32>} : memref<120x128xf32, #tpu.memory_space<vmem>>, vector<1x16xf32>,
      %get3A_264 = vector.shape_cast %get3A_263 : vector<1x16xf32> to vector<16xf32>
      %get3A_265 = arith.index_cast %scan3A_164 : i32 to index
      %get3A_266 = arith.constant 112 : index
      %get3A_267 = tpu.vector_load %arg14[%get3A_265, %get3A_266] {strides = array<i32>} : memref<120x128xf32, #tpu.memory_space<vmem>>, vector<1x16xf32>,
      %get3A_268 = vector.shape_cast %get3A_267 : vector<1x16xf32> to vector<16xf32>
      %add3A_269 = arith.addf %get3A_264, %get3A_268 : vector<16xf32>
      %swap3A_270 = arith.index_cast %scan3A_164 : i32 to index
      %swap3A_271 = arith.constant 112 : index
      %swap3A_272 = tpu.vector_load %arg12[%swap3A_270, %swap3A_271] {strides = array<i32>} : memref<120x128xf32, #tpu.memory_space<vmem>>, vector<1x16xf32>,
      %swap3A_273 = vector.shape_cast %swap3A_272 : vector<1x16xf32> to vector<16xf32>
      %swap3A_274 = vector.shape_cast %add3A_269 : vector<16xf32> to vector<1x16xf32>
      tpu.vector_store %arg12[%swap3A_270, %swap3A_271], %swap3A_274 {strides = array<i32>} : memref<120x128xf32, #tpu.memory_space<vmem>>, vector<1x16xf32>,
    }
    %scan3A_95 = arith.constant 120 : i32
    %add3A_96 = arith.constant 5640 : i32
    %add3A_97 = arith.addi %mul3A_6, %add3A_96 : i32
    %dma_start3A_98 = arith.constant 0 : i32
    %dma_start3A_99 = tpu.memref_slice %arg6[%add3A_97, %dma_start3A_98] : memref<192000x128xf32, #tpu.memory_space<hbm>> -> memref<120x128xf32, #tpu.memory_space<hbm>>
    %dma_start3A_100 = arith.constant 0 : i32
    %dma_start3A_101 = tpu.memref_slice %arg6[%add3A_97, %dma_start3A_100] : memref<192000x128xf32, #tpu.memory_space<hbm>> -> memref<120x128xf32, #tpu.memory_space<hbm>>
    tpu.enqueue_dma source(%arg12 : memref<120x128xf32, #tpu.memory_space<vmem>>) target(%dma_start3A_101 : memref<120x128xf32, #tpu.memory_space<hbm>>) target_semaphore(%arg20 : memref<!tpu.dma_semaphore, #tpu.memory_space<semaphore_mem>>)
    %dma_wait3A_102 = arith.constant 0 : i32
    %dma_wait3A_103 = arith.constant 0 : i32
    %dma_wait3A_104 = tpu.memref_slice %arg2[%dma_wait3A_102, %dma_wait3A_103] : memref<10000x128xf32, #tpu.memory_space<hbm>> -> memref<10000x128xf32, #tpu.memory_space<hbm>>
    tpu.wait_indirect_dma semaphore(%arg17 : memref<!tpu.dma_semaphore, #tpu.memory_space<semaphore_mem>>) src(%dma_wait3A_104 : memref<10000x128xf32, #tpu.memory_space<hbm>>) dst(%arg11 : memref<120x128xf32, #tpu.memory_space<vmem>>)
    %dma_wait3A_105 = arith.constant 0 : i32
    %dma_wait3A_106 = arith.constant 0 : i32
    %dma_wait3A_107 = tpu.memref_slice %arg3[%dma_wait3A_105, %dma_wait3A_106] : memref<10000x128xf32, #tpu.memory_space<hbm>> -> memref<10000x128xf32, #tpu.memory_space<hbm>>
    tpu.wait_indirect_dma semaphore(%arg17 : memref<!tpu.dma_semaphore, #tpu.memory_space<semaphore_mem>>) src(%dma_wait3A_107 : memref<10000x128xf32, #tpu.memory_space<hbm>>) dst(%arg13 : memref<120x128xf32, #tpu.memory_space<vmem>>)
    %dma_wait3A_108 = arith.constant 0 : i32
    %dma_wait3A_109 = tpu.memref_slice %arg6[%mul3A_6, %dma_wait3A_108] : memref<192000x128xf32, #tpu.memory_space<hbm>> -> memref<120x128xf32, #tpu.memory_space<hbm>>
    %dma_wait3A_110 = arith.constant 0 : i32
    %dma_wait3A_111 = tpu.memref_slice %arg6[%mul3A_6, %dma_wait3A_110] : memref<192000x128xf32, #tpu.memory_space<hbm>> -> memref<120x128xf32, #tpu.memory_space<hbm>>
    tpu.wait_dma2 semaphore(%arg20 : memref<!tpu.dma_semaphore, #tpu.memory_space<semaphore_mem>>) src(%arg12 : memref<120x128xf32, #tpu.memory_space<vmem>>) dst(%dma_wait3A_111 : memref<120x128xf32, #tpu.memory_space<hbm>>)
    %dma_wait3A_112 = arith.constant 0 : i32
    %dma_wait3A_113 = tpu.memref_slice %arg4[%dma_wait3A_112] : memref<320000xi32, #tpu.memory_space<hbm>> -> memref<120xi32, #tpu.memory_space<hbm>>
    %dma_wait3A_114 = arith.constant 0 : i32
    %dma_wait3A_115 = tpu.memref_slice %arg4[%dma_wait3A_114] : memref<320000xi32, #tpu.memory_space<hbm>> -> memref<120xi32, #tpu.memory_space<hbm>>
    tpu.wait_dma2 semaphore(%arg16 : memref<!tpu.dma_semaphore, #tpu.memory_space<semaphore_mem>>) src(%dma_wait3A_115 : memref<120xi32, #tpu.memory_space<hbm>>) dst(%arg8 : memref<120xi32, #tpu.memory_space<vmem>>)
    %dma_wait3A_116 = arith.constant 0 : i32
    %dma_wait3A_117 = tpu.memref_slice %arg5[%dma_wait3A_116] : memref<320000xi32, #tpu.memory_space<hbm>> -> memref<120xi32, #tpu.memory_space<hbm>>
    %dma_wait3A_118 = arith.constant 0 : i32
    %dma_wait3A_119 = tpu.memref_slice %arg5[%dma_wait3A_118] : memref<320000xi32, #tpu.memory_space<hbm>> -> memref<120xi32, #tpu.memory_space<hbm>>
    tpu.wait_dma2 semaphore(%arg16 : memref<!tpu.dma_semaphore, #tpu.memory_space<semaphore_mem>>) src(%dma_wait3A_119 : memref<120xi32, #tpu.memory_space<hbm>>) dst(%arg10 : memref<120xi32, #tpu.memory_space<vmem>>)
    %dma_start3A_120 = arith.constant 0 : i32
    %dma_start3A_121 = arith.constant 0 : i32
    %dma_start3A_122 = tpu.memref_slice %arg2[%dma_start3A_120, %dma_start3A_121] : memref<10000x128xf32, #tpu.memory_space<hbm>> -> memref<10000x128xf32, #tpu.memory_space<hbm>>
    tpu.enqueue_indirect_dma source(%dma_start3A_122 : memref<10000x128xf32, #tpu.memory_space<hbm>>) target(%arg12 : memref<120x128xf32, #tpu.memory_space<vmem>>) offsets(%arg8 : memref<120xi32, #tpu.memory_space<vmem>>) semaphore(%arg18 : memref<!tpu.dma_semaphore, #tpu.memory_space<semaphore_mem>>)
    %dma_start3A_123 = arith.constant 0 : i32
    %dma_start3A_124 = arith.constant 0 : i32
    %dma_start3A_125 = tpu.memref_slice %arg3[%dma_start3A_123, %dma_start3A_124] : memref<10000x128xf32, #tpu.memory_space<hbm>> -> memref<10000x128xf32, #tpu.memory_space<hbm>>
    tpu.enqueue_indirect_dma source(%dma_start3A_125 : memref<10000x128xf32, #tpu.memory_space<hbm>>) target(%arg14 : memref<120x128xf32, #tpu.memory_space<vmem>>) offsets(%arg10 : memref<120xi32, #tpu.memory_space<vmem>>) semaphore(%arg18 : memref<!tpu.dma_semaphore, #tpu.memory_space<semaphore_mem>>)
    %scan3A_126 = arith.constant 0 : i32
    %scan3A_127 = arith.constant 0 : i32
    %scan3A_128 = arith.constant 120 : i32
    %scan3A_129 = arith.addi %scan3A_127, %scan3A_128 : i32
    %scan3A_130 = arith.constant 1 : i32
    scf.for %scan3A_164 = %scan3A_127 to %scan3A_129 step %scan3A_130  : i32 {
      %get3A = arith.index_cast %scan3A_164 : i32 to index
      %get3A_165 = arith.constant 0 : index
      %get3A_166 = tpu.vector_load %arg11[%get3A, %get3A_165] {strides = array<i32>} : memref<120x128xf32, #tpu.memory_space<vmem>>, vector<1x16xf32>,
      %get3A_167 = vector.shape_cast %get3A_166 : vector<1x16xf32> to vector<16xf32>
      %get3A_168 = arith.index_cast %scan3A_164 : i32 to index
      %get3A_169 = arith.constant 0 : index
      %get3A_170 = tpu.vector_load %arg13[%get3A_168, %get3A_169] {strides = array<i32>} : memref<120x128xf32, #tpu.memory_space<vmem>>, vector<1x16xf32>,
      %get3A_171 = vector.shape_cast %get3A_170 : vector<1x16xf32> to vector<16xf32>
      %add3A_172 = arith.addf %get3A_167, %get3A_171 : vector<16xf32>
      %swap3A = arith.index_cast %scan3A_164 : i32 to index
      %swap3A_173 = arith.constant 0 : index
      %swap3A_174 = tpu.vector_load %arg11[%swap3A, %swap3A_173] {strides = array<i32>} : memref<120x128xf32, #tpu.memory_space<vmem>>, vector<1x16xf32>,
      %swap3A_175 = vector.shape_cast %swap3A_174 : vector<1x16xf32> to vector<16xf32>
      %swap3A_176 = vector.shape_cast %add3A_172 : vector<16xf32> to vector<1x16xf32>
      tpu.vector_store %arg11[%swap3A, %swap3A_173], %swap3A_176 {strides = array<i32>} : memref<120x128xf32, #tpu.memory_space<vmem>>, vector<1x16xf32>,
      %get3A_177 = arith.index_cast %scan3A_164 : i32 to index
      %get3A_178 = arith.constant 16 : index
      %get3A_179 = tpu.vector_load %arg11[%get3A_177, %get3A_178] {strides = array<i32>} : memref<120x128xf32, #tpu.memory_space<vmem>>, vector<1x16xf32>,
      %get3A_180 = vector.shape_cast %get3A_179 : vector<1x16xf32> to vector<16xf32>
      %get3A_181 = arith.index_cast %scan3A_164 : i32 to index
      %get3A_182 = arith.constant 16 : index
      %get3A_183 = tpu.vector_load %arg13[%get3A_181, %get3A_182] {strides = array<i32>} : memref<120x128xf32, #tpu.memory_space<vmem>>, vector<1x16xf32>,
      %get3A_184 = vector.shape_cast %get3A_183 : vector<1x16xf32> to vector<16xf32>
      %add3A_185 = arith.addf %get3A_180, %get3A_184 : vector<16xf32>
      %swap3A_186 = arith.index_cast %scan3A_164 : i32 to index
      %swap3A_187 = arith.constant 16 : index
      %swap3A_188 = tpu.vector_load %arg11[%swap3A_186, %swap3A_187] {strides = array<i32>} : memref<120x128xf32, #tpu.memory_space<vmem>>, vector<1x16xf32>,
      %swap3A_189 = vector.shape_cast %swap3A_188 : vector<1x16xf32> to vector<16xf32>
      %swap3A_190 = vector.shape_cast %add3A_185 : vector<16xf32> to vector<1x16xf32>
      tpu.vector_store %arg11[%swap3A_186, %swap3A_187], %swap3A_190 {strides = array<i32>} : memref<120x128xf32, #tpu.memory_space<vmem>>, vector<1x16xf32>,
      %get3A_191 = arith.index_cast %scan3A_164 : i32 to index
      %get3A_192 = arith.constant 32 : index
      %get3A_193 = tpu.vector_load %arg11[%get3A_191, %get3A_192] {strides = array<i32>} : memref<120x128xf32, #tpu.memory_space<vmem>>, vector<1x16xf32>,
      %get3A_194 = vector.shape_cast %get3A_193 : vector<1x16xf32> to vector<16xf32>
      %get3A_195 = arith.index_cast %scan3A_164 : i32 to index
      %get3A_196 = arith.constant 32 : index
      %get3A_197 = tpu.vector_load %arg13[%get3A_195, %get3A_196] {strides = array<i32>} : memref<120x128xf32, #tpu.memory_space<vmem>>, vector<1x16xf32>,
      %get3A_198 = vector.shape_cast %get3A_197 : vector<1x16xf32> to vector<16xf32>
      %add3A_199 = arith.addf %get3A_194, %get3A_198 : vector<16xf32>
      %swap3A_200 = arith.index_cast %scan3A_164 : i32 to index
      %swap3A_201 = arith.constant 32 : index
      %swap3A_202 = tpu.vector_load %arg11[%swap3A_200, %swap3A_201] {strides = array<i32>} : memref<120x128xf32, #tpu.memory_space<vmem>>, vector<1x16xf32>,
      %swap3A_203 = vector.shape_cast %swap3A_202 : vector<1x16xf32> to vector<16xf32>
      %swap3A_204 = vector.shape_cast %add3A_199 : vector<16xf32> to vector<1x16xf32>
      tpu.vector_store %arg11[%swap3A_200, %swap3A_201], %swap3A_204 {strides = array<i32>} : memref<120x128xf32, #tpu.memory_space<vmem>>, vector<1x16xf32>,
      %get3A_205 = arith.index_cast %scan3A_164 : i32 to index
      %get3A_206 = arith.constant 48 : index
      %get3A_207 = tpu.vector_load %arg11[%get3A_205, %get3A_206] {strides = array<i32>} : memref<120x128xf32, #tpu.memory_space<vmem>>, vector<1x16xf32>,
      %get3A_208 = vector.shape_cast %get3A_207 : vector<1x16xf32> to vector<16xf32>
      %get3A_209 = arith.index_cast %scan3A_164 : i32 to index
      %get3A_210 = arith.constant 48 : index
      %get3A_211 = tpu.vector_load %arg13[%get3A_209, %get3A_210] {strides = array<i32>} : memref<120x128xf32, #tpu.memory_space<vmem>>, vector<1x16xf32>,
      %get3A_212 = vector.shape_cast %get3A_211 : vector<1x16xf32> to vector<16xf32>
      %add3A_213 = arith.addf %get3A_208, %get3A_212 : vector<16xf32>
      %swap3A_214 = arith.index_cast %scan3A_164 : i32 to index
      %swap3A_215 = arith.constant 48 : index
      %swap3A_216 = tpu.vector_load %arg11[%swap3A_214, %swap3A_215] {strides = array<i32>} : memref<120x128xf32, #tpu.memory_space<vmem>>, vector<1x16xf32>,
      %swap3A_217 = vector.shape_cast %swap3A_216 : vector<1x16xf32> to vector<16xf32>
      %swap3A_218 = vector.shape_cast %add3A_213 : vector<16xf32> to vector<1x16xf32>
      tpu.vector_store %arg11[%swap3A_214, %swap3A_215], %swap3A_218 {strides = array<i32>} : memref<120x128xf32, #tpu.memory_space<vmem>>, vector<1x16xf32>,
      %get3A_219 = arith.index_cast %scan3A_164 : i32 to index
      %get3A_220 = arith.constant 64 : index
      %get3A_221 = tpu.vector_load %arg11[%get3A_219, %get3A_220] {strides = array<i32>} : memref<120x128xf32, #tpu.memory_space<vmem>>, vector<1x16xf32>,
      %get3A_222 = vector.shape_cast %get3A_221 : vector<1x16xf32> to vector<16xf32>
      %get3A_223 = arith.index_cast %scan3A_164 : i32 to index
      %get3A_224 = arith.constant 64 : index
      %get3A_225 = tpu.vector_load %arg13[%get3A_223, %get3A_224] {strides = array<i32>} : memref<120x128xf32, #tpu.memory_space<vmem>>, vector<1x16xf32>,
      %get3A_226 = vector.shape_cast %get3A_225 : vector<1x16xf32> to vector<16xf32>
      %add3A_227 = arith.addf %get3A_222, %get3A_226 : vector<16xf32>
      %swap3A_228 = arith.index_cast %scan3A_164 : i32 to index
      %swap3A_229 = arith.constant 64 : index
      %swap3A_230 = tpu.vector_load %arg11[%swap3A_228, %swap3A_229] {strides = array<i32>} : memref<120x128xf32, #tpu.memory_space<vmem>>, vector<1x16xf32>,
      %swap3A_231 = vector.shape_cast %swap3A_230 : vector<1x16xf32> to vector<16xf32>
      %swap3A_232 = vector.shape_cast %add3A_227 : vector<16xf32> to vector<1x16xf32>
      tpu.vector_store %arg11[%swap3A_228, %swap3A_229], %swap3A_232 {strides = array<i32>} : memref<120x128xf32, #tpu.memory_space<vmem>>, vector<1x16xf32>,
      %get3A_233 = arith.index_cast %scan3A_164 : i32 to index
      %get3A_234 = arith.constant 80 : index
      %get3A_235 = tpu.vector_load %arg11[%get3A_233, %get3A_234] {strides = array<i32>} : memref<120x128xf32, #tpu.memory_space<vmem>>, vector<1x16xf32>,
      %get3A_236 = vector.shape_cast %get3A_235 : vector<1x16xf32> to vector<16xf32>
      %get3A_237 = arith.index_cast %scan3A_164 : i32 to index
      %get3A_238 = arith.constant 80 : index
      %get3A_239 = tpu.vector_load %arg13[%get3A_237, %get3A_238] {strides = array<i32>} : memref<120x128xf32, #tpu.memory_space<vmem>>, vector<1x16xf32>,
      %get3A_240 = vector.shape_cast %get3A_239 : vector<1x16xf32> to vector<16xf32>
      %add3A_241 = arith.addf %get3A_236, %get3A_240 : vector<16xf32>
      %swap3A_242 = arith.index_cast %scan3A_164 : i32 to index
      %swap3A_243 = arith.constant 80 : index
      %swap3A_244 = tpu.vector_load %arg11[%swap3A_242, %swap3A_243] {strides = array<i32>} : memref<120x128xf32, #tpu.memory_space<vmem>>, vector<1x16xf32>,
      %swap3A_245 = vector.shape_cast %swap3A_244 : vector<1x16xf32> to vector<16xf32>
      %swap3A_246 = vector.shape_cast %add3A_241 : vector<16xf32> to vector<1x16xf32>
      tpu.vector_store %arg11[%swap3A_242, %swap3A_243], %swap3A_246 {strides = array<i32>} : memref<120x128xf32, #tpu.memory_space<vmem>>, vector<1x16xf32>,
      %get3A_247 = arith.index_cast %scan3A_164 : i32 to index
      %get3A_248 = arith.constant 96 : index
      %get3A_249 = tpu.vector_load %arg11[%get3A_247, %get3A_248] {strides = array<i32>} : memref<120x128xf32, #tpu.memory_space<vmem>>, vector<1x16xf32>,
      %get3A_250 = vector.shape_cast %get3A_249 : vector<1x16xf32> to vector<16xf32>
      %get3A_251 = arith.index_cast %scan3A_164 : i32 to index
      %get3A_252 = arith.constant 96 : index
      %get3A_253 = tpu.vector_load %arg13[%get3A_251, %get3A_252] {strides = array<i32>} : memref<120x128xf32, #tpu.memory_space<vmem>>, vector<1x16xf32>,
      %get3A_254 = vector.shape_cast %get3A_253 : vector<1x16xf32> to vector<16xf32>
      %add3A_255 = arith.addf %get3A_250, %get3A_254 : vector<16xf32>
      %swap3A_256 = arith.index_cast %scan3A_164 : i32 to index
      %swap3A_257 = arith.constant 96 : index
      %swap3A_258 = tpu.vector_load %arg11[%swap3A_256, %swap3A_257] {strides = array<i32>} : memref<120x128xf32, #tpu.memory_space<vmem>>, vector<1x16xf32>,
      %swap3A_259 = vector.shape_cast %swap3A_258 : vector<1x16xf32> to vector<16xf32>
      %swap3A_260 = vector.shape_cast %add3A_255 : vector<16xf32> to vector<1x16xf32>
      tpu.vector_store %arg11[%swap3A_256, %swap3A_257], %swap3A_260 {strides = array<i32>} : memref<120x128xf32, #tpu.memory_space<vmem>>, vector<1x16xf32>,
      %get3A_261 = arith.index_cast %scan3A_164 : i32 to index
      %get3A_262 = arith.constant 112 : index
      %get3A_263 = tpu.vector_load %arg11[%get3A_261, %get3A_262] {strides = array<i32>} : memref<120x128xf32, #tpu.memory_space<vmem>>, vector<1x16xf32>,
      %get3A_264 = vector.shape_cast %get3A_263 : vector<1x16xf32> to vector<16xf32>
      %get3A_265 = arith.index_cast %scan3A_164 : i32 to index
      %get3A_266 = arith.constant 112 : index
      %get3A_267 = tpu.vector_load %arg13[%get3A_265, %get3A_266] {strides = array<i32>} : memref<120x128xf32, #tpu.memory_space<vmem>>, vector<1x16xf32>,
      %get3A_268 = vector.shape_cast %get3A_267 : vector<1x16xf32> to vector<16xf32>
      %add3A_269 = arith.addf %get3A_264, %get3A_268 : vector<16xf32>
      %swap3A_270 = arith.index_cast %scan3A_164 : i32 to index
      %swap3A_271 = arith.constant 112 : index
      %swap3A_272 = tpu.vector_load %arg11[%swap3A_270, %swap3A_271] {strides = array<i32>} : memref<120x128xf32, #tpu.memory_space<vmem>>, vector<1x16xf32>,
      %swap3A_273 = vector.shape_cast %swap3A_272 : vector<1x16xf32> to vector<16xf32>
      %swap3A_274 = vector.shape_cast %add3A_269 : vector<16xf32> to vector<1x16xf32>
      tpu.vector_store %arg11[%swap3A_270, %swap3A_271], %swap3A_274 {strides = array<i32>} : memref<120x128xf32, #tpu.memory_space<vmem>>, vector<1x16xf32>,
    }
    %scan3A_131 = arith.constant 120 : i32
    %add3A_132 = arith.constant 5760 : i32
    %add3A_133 = arith.addi %mul3A_6, %add3A_132 : i32
    %dma_start3A_134 = arith.constant 0 : i32
    %dma_start3A_135 = tpu.memref_slice %arg6[%add3A_133, %dma_start3A_134] : memref<192000x128xf32, #tpu.memory_space<hbm>> -> memref<120x128xf32, #tpu.memory_space<hbm>>
    %dma_start3A_136 = arith.constant 0 : i32
    %dma_start3A_137 = tpu.memref_slice %arg6[%add3A_133, %dma_start3A_136] : memref<192000x128xf32, #tpu.memory_space<hbm>> -> memref<120x128xf32, #tpu.memory_space<hbm>>
    tpu.enqueue_dma source(%arg11 : memref<120x128xf32, #tpu.memory_space<vmem>>) target(%dma_start3A_137 : memref<120x128xf32, #tpu.memory_space<hbm>>) target_semaphore(%arg19 : memref<!tpu.dma_semaphore, #tpu.memory_space<semaphore_mem>>)
    %dma_wait3A_138 = arith.constant 0 : i32
    %dma_wait3A_139 = arith.constant 0 : i32
    %dma_wait3A_140 = tpu.memref_slice %arg2[%dma_wait3A_138, %dma_wait3A_139] : memref<10000x128xf32, #tpu.memory_space<hbm>> -> memref<10000x128xf32, #tpu.memory_space<hbm>>
    tpu.wait_indirect_dma semaphore(%arg18 : memref<!tpu.dma_semaphore, #tpu.memory_space<semaphore_mem>>) src(%dma_wait3A_140 : memref<10000x128xf32, #tpu.memory_space<hbm>>) dst(%arg12 : memref<120x128xf32, #tpu.memory_space<vmem>>)
    %dma_wait3A_141 = arith.constant 0 : i32
    %dma_wait3A_142 = arith.constant 0 : i32
    %dma_wait3A_143 = tpu.memref_slice %arg3[%dma_wait3A_141, %dma_wait3A_142] : memref<10000x128xf32, #tpu.memory_space<hbm>> -> memref<10000x128xf32, #tpu.memory_space<hbm>>
    tpu.wait_indirect_dma semaphore(%arg18 : memref<!tpu.dma_semaphore, #tpu.memory_space<semaphore_mem>>) src(%dma_wait3A_143 : memref<10000x128xf32, #tpu.memory_space<hbm>>) dst(%arg14 : memref<120x128xf32, #tpu.memory_space<vmem>>)
    %dma_wait3A_144 = arith.constant 0 : i32
    %dma_wait3A_145 = tpu.memref_slice %arg6[%mul3A_6, %dma_wait3A_144] : memref<192000x128xf32, #tpu.memory_space<hbm>> -> memref<120x128xf32, #tpu.memory_space<hbm>>
    %dma_wait3A_146 = arith.constant 0 : i32
    %dma_wait3A_147 = tpu.memref_slice %arg6[%mul3A_6, %dma_wait3A_146] : memref<192000x128xf32, #tpu.memory_space<hbm>> -> memref<120x128xf32, #tpu.memory_space<hbm>>
    tpu.wait_dma2 semaphore(%arg19 : memref<!tpu.dma_semaphore, #tpu.memory_space<semaphore_mem>>) src(%arg11 : memref<120x128xf32, #tpu.memory_space<vmem>>) dst(%dma_wait3A_147 : memref<120x128xf32, #tpu.memory_space<hbm>>)
    %scan3A_148 = arith.constant 0 : i32
    %scan3A_149 = arith.constant 0 : i32
    %scan3A_150 = arith.constant 120 : i32
    %scan3A_151 = arith.addi %scan3A_149, %scan3A_150 : i32
    %scan3A_152 = arith.constant 1 : i32
    scf.for %scan3A_164 = %scan3A_149 to %scan3A_151 step %scan3A_152  : i32 {
      %get3A = arith.index_cast %scan3A_164 : i32 to index
      %get3A_165 = arith.constant 0 : index
      %get3A_166 = tpu.vector_load %arg12[%get3A, %get3A_165] {strides = array<i32>} : memref<120x128xf32, #tpu.memory_space<vmem>>, vector<1x16xf32>,
      %get3A_167 = vector.shape_cast %get3A_166 : vector<1x16xf32> to vector<16xf32>
      %get3A_168 = arith.index_cast %scan3A_164 : i32 to index
      %get3A_169 = arith.constant 0 : index
      %get3A_170 = tpu.vector_load %arg14[%get3A_168, %get3A_169] {strides = array<i32>} : memref<120x128xf32, #tpu.memory_space<vmem>>, vector<1x16xf32>,
      %get3A_171 = vector.shape_cast %get3A_170 : vector<1x16xf32> to vector<16xf32>
      %add3A_172 = arith.addf %get3A_167, %get3A_171 : vector<16xf32>
      %swap3A = arith.index_cast %scan3A_164 : i32 to index
      %swap3A_173 = arith.constant 0 : index
      %swap3A_174 = tpu.vector_load %arg12[%swap3A, %swap3A_173] {strides = array<i32>} : memref<120x128xf32, #tpu.memory_space<vmem>>, vector<1x16xf32>,
      %swap3A_175 = vector.shape_cast %swap3A_174 : vector<1x16xf32> to vector<16xf32>
      %swap3A_176 = vector.shape_cast %add3A_172 : vector<16xf32> to vector<1x16xf32>
      tpu.vector_store %arg12[%swap3A, %swap3A_173], %swap3A_176 {strides = array<i32>} : memref<120x128xf32, #tpu.memory_space<vmem>>, vector<1x16xf32>,
      %get3A_177 = arith.index_cast %scan3A_164 : i32 to index
      %get3A_178 = arith.constant 16 : index
      %get3A_179 = tpu.vector_load %arg12[%get3A_177, %get3A_178] {strides = array<i32>} : memref<120x128xf32, #tpu.memory_space<vmem>>, vector<1x16xf32>,
      %get3A_180 = vector.shape_cast %get3A_179 : vector<1x16xf32> to vector<16xf32>
      %get3A_181 = arith.index_cast %scan3A_164 : i32 to index
      %get3A_182 = arith.constant 16 : index
      %get3A_183 = tpu.vector_load %arg14[%get3A_181, %get3A_182] {strides = array<i32>} : memref<120x128xf32, #tpu.memory_space<vmem>>, vector<1x16xf32>,
      %get3A_184 = vector.shape_cast %get3A_183 : vector<1x16xf32> to vector<16xf32>
      %add3A_185 = arith.addf %get3A_180, %get3A_184 : vector<16xf32>
      %swap3A_186 = arith.index_cast %scan3A_164 : i32 to index
      %swap3A_187 = arith.constant 16 : index
      %swap3A_188 = tpu.vector_load %arg12[%swap3A_186, %swap3A_187] {strides = array<i32>} : memref<120x128xf32, #tpu.memory_space<vmem>>, vector<1x16xf32>,
      %swap3A_189 = vector.shape_cast %swap3A_188 : vector<1x16xf32> to vector<16xf32>
      %swap3A_190 = vector.shape_cast %add3A_185 : vector<16xf32> to vector<1x16xf32>
      tpu.vector_store %arg12[%swap3A_186, %swap3A_187], %swap3A_190 {strides = array<i32>} : memref<120x128xf32, #tpu.memory_space<vmem>>, vector<1x16xf32>,
      %get3A_191 = arith.index_cast %scan3A_164 : i32 to index
      %get3A_192 = arith.constant 32 : index
      %get3A_193 = tpu.vector_load %arg12[%get3A_191, %get3A_192] {strides = array<i32>} : memref<120x128xf32, #tpu.memory_space<vmem>>, vector<1x16xf32>,
      %get3A_194 = vector.shape_cast %get3A_193 : vector<1x16xf32> to vector<16xf32>
      %get3A_195 = arith.index_cast %scan3A_164 : i32 to index
      %get3A_196 = arith.constant 32 : index
      %get3A_197 = tpu.vector_load %arg14[%get3A_195, %get3A_196] {strides = array<i32>} : memref<120x128xf32, #tpu.memory_space<vmem>>, vector<1x16xf32>,
      %get3A_198 = vector.shape_cast %get3A_197 : vector<1x16xf32> to vector<16xf32>
      %add3A_199 = arith.addf %get3A_194, %get3A_198 : vector<16xf32>
      %swap3A_200 = arith.index_cast %scan3A_164 : i32 to index
      %swap3A_201 = arith.constant 32 : index
      %swap3A_202 = tpu.vector_load %arg12[%swap3A_200, %swap3A_201] {strides = array<i32>} : memref<120x128xf32, #tpu.memory_space<vmem>>, vector<1x16xf32>,
      %swap3A_203 = vector.shape_cast %swap3A_202 : vector<1x16xf32> to vector<16xf32>
      %swap3A_204 = vector.shape_cast %add3A_199 : vector<16xf32> to vector<1x16xf32>
      tpu.vector_store %arg12[%swap3A_200, %swap3A_201], %swap3A_204 {strides = array<i32>} : memref<120x128xf32, #tpu.memory_space<vmem>>, vector<1x16xf32>,
      %get3A_205 = arith.index_cast %scan3A_164 : i32 to index
      %get3A_206 = arith.constant 48 : index
      %get3A_207 = tpu.vector_load %arg12[%get3A_205, %get3A_206] {strides = array<i32>} : memref<120x128xf32, #tpu.memory_space<vmem>>, vector<1x16xf32>,
      %get3A_208 = vector.shape_cast %get3A_207 : vector<1x16xf32> to vector<16xf32>
      %get3A_209 = arith.index_cast %scan3A_164 : i32 to index
      %get3A_210 = arith.constant 48 : index
      %get3A_211 = tpu.vector_load %arg14[%get3A_209, %get3A_210] {strides = array<i32>} : memref<120x128xf32, #tpu.memory_space<vmem>>, vector<1x16xf32>,
      %get3A_212 = vector.shape_cast %get3A_211 : vector<1x16xf32> to vector<16xf32>
      %add3A_213 = arith.addf %get3A_208, %get3A_212 : vector<16xf32>
      %swap3A_214 = arith.index_cast %scan3A_164 : i32 to index
      %swap3A_215 = arith.constant 48 : index
      %swap3A_216 = tpu.vector_load %arg12[%swap3A_214, %swap3A_215] {strides = array<i32>} : memref<120x128xf32, #tpu.memory_space<vmem>>, vector<1x16xf32>,
      %swap3A_217 = vector.shape_cast %swap3A_216 : vector<1x16xf32> to vector<16xf32>
      %swap3A_218 = vector.shape_cast %add3A_213 : vector<16xf32> to vector<1x16xf32>
      tpu.vector_store %arg12[%swap3A_214, %swap3A_215], %swap3A_218 {strides = array<i32>} : memref<120x128xf32, #tpu.memory_space<vmem>>, vector<1x16xf32>,
      %get3A_219 = arith.index_cast %scan3A_164 : i32 to index
      %get3A_220 = arith.constant 64 : index
      %get3A_221 = tpu.vector_load %arg12[%get3A_219, %get3A_220] {strides = array<i32>} : memref<120x128xf32, #tpu.memory_space<vmem>>, vector<1x16xf32>,
      %get3A_222 = vector.shape_cast %get3A_221 : vector<1x16xf32> to vector<16xf32>
      %get3A_223 = arith.index_cast %scan3A_164 : i32 to index
      %get3A_224 = arith.constant 64 : index
      %get3A_225 = tpu.vector_load %arg14[%get3A_223, %get3A_224] {strides = array<i32>} : memref<120x128xf32, #tpu.memory_space<vmem>>, vector<1x16xf32>,
      %get3A_226 = vector.shape_cast %get3A_225 : vector<1x16xf32> to vector<16xf32>
      %add3A_227 = arith.addf %get3A_222, %get3A_226 : vector<16xf32>
      %swap3A_228 = arith.index_cast %scan3A_164 : i32 to index
      %swap3A_229 = arith.constant 64 : index
      %swap3A_230 = tpu.vector_load %arg12[%swap3A_228, %swap3A_229] {strides = array<i32>} : memref<120x128xf32, #tpu.memory_space<vmem>>, vector<1x16xf32>,
      %swap3A_231 = vector.shape_cast %swap3A_230 : vector<1x16xf32> to vector<16xf32>
      %swap3A_232 = vector.shape_cast %add3A_227 : vector<16xf32> to vector<1x16xf32>
      tpu.vector_store %arg12[%swap3A_228, %swap3A_229], %swap3A_232 {strides = array<i32>} : memref<120x128xf32, #tpu.memory_space<vmem>>, vector<1x16xf32>,
      %get3A_233 = arith.index_cast %scan3A_164 : i32 to index
      %get3A_234 = arith.constant 80 : index
      %get3A_235 = tpu.vector_load %arg12[%get3A_233, %get3A_234] {strides = array<i32>} : memref<120x128xf32, #tpu.memory_space<vmem>>, vector<1x16xf32>,
      %get3A_236 = vector.shape_cast %get3A_235 : vector<1x16xf32> to vector<16xf32>
      %get3A_237 = arith.index_cast %scan3A_164 : i32 to index
      %get3A_238 = arith.constant 80 : index
      %get3A_239 = tpu.vector_load %arg14[%get3A_237, %get3A_238] {strides = array<i32>} : memref<120x128xf32, #tpu.memory_space<vmem>>, vector<1x16xf32>,
      %get3A_240 = vector.shape_cast %get3A_239 : vector<1x16xf32> to vector<16xf32>
      %add3A_241 = arith.addf %get3A_236, %get3A_240 : vector<16xf32>
      %swap3A_242 = arith.index_cast %scan3A_164 : i32 to index
      %swap3A_243 = arith.constant 80 : index
      %swap3A_244 = tpu.vector_load %arg12[%swap3A_242, %swap3A_243] {strides = array<i32>} : memref<120x128xf32, #tpu.memory_space<vmem>>, vector<1x16xf32>,
      %swap3A_245 = vector.shape_cast %swap3A_244 : vector<1x16xf32> to vector<16xf32>
      %swap3A_246 = vector.shape_cast %add3A_241 : vector<16xf32> to vector<1x16xf32>
      tpu.vector_store %arg12[%swap3A_242, %swap3A_243], %swap3A_246 {strides = array<i32>} : memref<120x128xf32, #tpu.memory_space<vmem>>, vector<1x16xf32>,
      %get3A_247 = arith.index_cast %scan3A_164 : i32 to index
      %get3A_248 = arith.constant 96 : index
      %get3A_249 = tpu.vector_load %arg12[%get3A_247, %get3A_248] {strides = array<i32>} : memref<120x128xf32, #tpu.memory_space<vmem>>, vector<1x16xf32>,
      %get3A_250 = vector.shape_cast %get3A_249 : vector<1x16xf32> to vector<16xf32>
      %get3A_251 = arith.index_cast %scan3A_164 : i32 to index
      %get3A_252 = arith.constant 96 : index
      %get3A_253 = tpu.vector_load %arg14[%get3A_251, %get3A_252] {strides = array<i32>} : memref<120x128xf32, #tpu.memory_space<vmem>>, vector<1x16xf32>,
      %get3A_254 = vector.shape_cast %get3A_253 : vector<1x16xf32> to vector<16xf32>
      %add3A_255 = arith.addf %get3A_250, %get3A_254 : vector<16xf32>
      %swap3A_256 = arith.index_cast %scan3A_164 : i32 to index
      %swap3A_257 = arith.constant 96 : index
      %swap3A_258 = tpu.vector_load %arg12[%swap3A_256, %swap3A_257] {strides = array<i32>} : memref<120x128xf32, #tpu.memory_space<vmem>>, vector<1x16xf32>,
      %swap3A_259 = vector.shape_cast %swap3A_258 : vector<1x16xf32> to vector<16xf32>
      %swap3A_260 = vector.shape_cast %add3A_255 : vector<16xf32> to vector<1x16xf32>
      tpu.vector_store %arg12[%swap3A_256, %swap3A_257], %swap3A_260 {strides = array<i32>} : memref<120x128xf32, #tpu.memory_space<vmem>>, vector<1x16xf32>,
      %get3A_261 = arith.index_cast %scan3A_164 : i32 to index
      %get3A_262 = arith.constant 112 : index
      %get3A_263 = tpu.vector_load %arg12[%get3A_261, %get3A_262] {strides = array<i32>} : memref<120x128xf32, #tpu.memory_space<vmem>>, vector<1x16xf32>,
      %get3A_264 = vector.shape_cast %get3A_263 : vector<1x16xf32> to vector<16xf32>
      %get3A_265 = arith.index_cast %scan3A_164 : i32 to index
      %get3A_266 = arith.constant 112 : index
      %get3A_267 = tpu.vector_load %arg14[%get3A_265, %get3A_266] {strides = array<i32>} : memref<120x128xf32, #tpu.memory_space<vmem>>, vector<1x16xf32>,
      %get3A_268 = vector.shape_cast %get3A_267 : vector<1x16xf32> to vector<16xf32>
      %add3A_269 = arith.addf %get3A_264, %get3A_268 : vector<16xf32>
      %swap3A_270 = arith.index_cast %scan3A_164 : i32 to index
      %swap3A_271 = arith.constant 112 : index
      %swap3A_272 = tpu.vector_load %arg12[%swap3A_270, %swap3A_271] {strides = array<i32>} : memref<120x128xf32, #tpu.memory_space<vmem>>, vector<1x16xf32>,
      %swap3A_273 = vector.shape_cast %swap3A_272 : vector<1x16xf32> to vector<16xf32>
      %swap3A_274 = vector.shape_cast %add3A_269 : vector<16xf32> to vector<1x16xf32>
      tpu.vector_store %arg12[%swap3A_270, %swap3A_271], %swap3A_274 {strides = array<i32>} : memref<120x128xf32, #tpu.memory_space<vmem>>, vector<1x16xf32>,
    }
    %scan3A_153 = arith.constant 120 : i32
    %add3A_154 = arith.constant 5880 : i32
    %add3A_155 = arith.addi %mul3A_6, %add3A_154 : i32
    %dma_start3A_156 = arith.constant 0 : i32
    %dma_start3A_157 = tpu.memref_slice %arg6[%add3A_155, %dma_start3A_156] : memref<192000x128xf32, #tpu.memory_space<hbm>> -> memref<120x128xf32, #tpu.memory_space<hbm>>
    %dma_start3A_158 = arith.constant 0 : i32
    %dma_start3A_159 = tpu.memref_slice %arg6[%add3A_155, %dma_start3A_158] : memref<192000x128xf32, #tpu.memory_space<hbm>> -> memref<120x128xf32, #tpu.memory_space<hbm>>
    tpu.enqueue_dma source(%arg12 : memref<120x128xf32, #tpu.memory_space<vmem>>) target(%dma_start3A_159 : memref<120x128xf32, #tpu.memory_space<hbm>>) target_semaphore(%arg20 : memref<!tpu.dma_semaphore, #tpu.memory_space<semaphore_mem>>)
    %dma_wait3A_160 = arith.constant 0 : i32
    %dma_wait3A_161 = tpu.memref_slice %arg6[%mul3A_6, %dma_wait3A_160] : memref<192000x128xf32, #tpu.memory_space<hbm>> -> memref<120x128xf32, #tpu.memory_space<hbm>>
    %dma_wait3A_162 = arith.constant 0 : i32
    %dma_wait3A_163 = tpu.memref_slice %arg6[%mul3A_6, %dma_wait3A_162] : memref<192000x128xf32, #tpu.memory_space<hbm>> -> memref<120x128xf32, #tpu.memory_space<hbm>>
    tpu.wait_dma2 semaphore(%arg20 : memref<!tpu.dma_semaphore, #tpu.memory_space<semaphore_mem>>) src(%arg12 : memref<120x128xf32, #tpu.memory_space<vmem>>) dst(%dma_wait3A_163 : memref<120x128xf32, #tpu.memory_space<hbm>>)
    return
  }
}

#map = affine_map<(d0, d1) -> (0, 0)>
#map1 = affine_map<(d0, d1) -> (0)>
module attributes {stable_mosaic.version = 14 : i64} {
  func.func @_scatter_body(%arg0: i32, %arg1: i32, %arg2: memref<192000x128xf32, #tpu.memory_space<hbm>>, %arg3: memref<320000xi32, #tpu.memory_space<hbm>>, %arg4: memref<10000x128xf32, #tpu.memory_space<hbm>>, %arg5: memref<20000x128xf32, #tpu.memory_space<hbm>>, %arg6: memref<120xi32, #tpu.memory_space<vmem>>, %arg7: memref<120xi32, #tpu.memory_space<vmem>>, %arg8: memref<120x128xf32, #tpu.memory_space<vmem>>, %arg9: memref<120x128xf32, #tpu.memory_space<vmem>>, %arg10: memref<10000x128xf32, #tpu.memory_space<vmem_shared>>, %arg11: memref<!tpu.dma_semaphore, #tpu.memory_space<semaphore_mem>>, %arg12: memref<!tpu.dma_semaphore, #tpu.memory_space<semaphore_mem>>, %arg13: memref<!tpu.dma_semaphore, #tpu.memory_space<semaphore_mem>>, %arg14: memref<!tpu.dma_semaphore, #tpu.memory_space<semaphore_mem>>) attributes {dimension_semantics = [#tpu.dimension_semantics<core_parallel>, #tpu.dimension_semantics<subcore_parallel>], iteration_bounds = array<i64: 2, 16>, scalar_prefetch = 0 : i64, scratch_operands = 9 : i64, tpu.core_type = #tpu.core_type<sc_vector_subcore>, window_params = [{transform_indices = #map}, {transform_indices = #map1}, {transform_indices = #map}, {transform_indices = #map}]} {
    %mul3A = arith.constant 2 : i32
    %mul3A_0 = arith.muli %arg1, %mul3A : i32
    %add3A = arith.addi %mul3A_0, %arg0 : i32
    %mul3A_1 = arith.constant 6000 : i32
    %mul3A_2 = arith.muli %add3A, %mul3A_1 : i32
    %add3A_3 = arith.constant 128000 : i32
    %add3A_4 = arith.addi %add3A_3, %mul3A_2 : i32
    %mul3A_5 = arith.constant 6000 : i32
    %mul3A_6 = arith.muli %add3A, %mul3A_5 : i32
    %mul3A_7 = arith.constant 624 : i32
    %mul3A_8 = arith.muli %arg1, %mul3A_7 : i32
    "tpu.region"() ({
      %run_scoped3A = tpu.sem_alloc : memref<!tpu.dma_semaphore, #tpu.memory_space<semaphore_mem>>
      %dma_start3A_127 = arith.constant 0 : i32
      %dma_start3A_128 = tpu.memref_slice %arg10[%mul3A_8, %dma_start3A_127] : memref<10000x128xf32, #tpu.memory_space<vmem_shared>> -> memref<624x128xf32, #tpu.memory_space<vmem_shared>>
      %dma_start3A_129 = arith.constant 0 : i32
      %dma_start3A_130 = tpu.memref_slice %arg4[%mul3A_8, %dma_start3A_129] : memref<10000x128xf32, #tpu.memory_space<hbm>> -> memref<624x128xf32, #tpu.memory_space<hbm>>
      tpu.enqueue_dma source(%dma_start3A_130 : memref<624x128xf32, #tpu.memory_space<hbm>>) target(%dma_start3A_128 : memref<624x128xf32, #tpu.memory_space<vmem_shared>>) target_semaphore(%run_scoped3A : memref<!tpu.dma_semaphore, #tpu.memory_space<semaphore_mem>>)
      %dma_wait3A_131 = arith.constant 0 : i32
      %dma_wait3A_132 = tpu.memref_slice %arg10[%mul3A_8, %dma_wait3A_131] : memref<10000x128xf32, #tpu.memory_space<vmem_shared>> -> memref<624x128xf32, #tpu.memory_space<vmem_shared>>
      %dma_wait3A_133 = arith.constant 0 : i32
      %dma_wait3A_134 = tpu.memref_slice %arg4[%mul3A_8, %dma_wait3A_133] : memref<10000x128xf32, #tpu.memory_space<hbm>> -> memref<624x128xf32, #tpu.memory_space<hbm>>
      tpu.wait_dma2 semaphore(%run_scoped3A : memref<!tpu.dma_semaphore, #tpu.memory_space<semaphore_mem>>) src(%dma_wait3A_134 : memref<624x128xf32, #tpu.memory_space<hbm>>) dst(%dma_wait3A_132 : memref<624x128xf32, #tpu.memory_space<vmem_shared>>)
      tpu.yield
    }) : () -> ()
    %eq3A = arith.constant 15 : i32
    %eq3A_9 = arith.cmpi eq, %arg1, %eq3A : i32
    %convert_element_type3A = arith.extui %eq3A_9 : i1 to i32
    %cond3A = arith.constant 0 : i32
    %cond3A_10 = arith.cmpi ne, %convert_element_type3A, %cond3A : i32
    scf.if %cond3A_10 {
      "tpu.region"() ({
        %run_scoped3A = tpu.sem_alloc : memref<!tpu.dma_semaphore, #tpu.memory_space<semaphore_mem>>
        %dma_start3A_127 = arith.constant 9984 : i32
        %dma_start3A_128 = arith.constant 0 : i32
        %dma_start3A_129 = tpu.memref_slice %arg10[%dma_start3A_127, %dma_start3A_128] : memref<10000x128xf32, #tpu.memory_space<vmem_shared>> -> memref<16x128xf32, #tpu.memory_space<vmem_shared>>
        %dma_start3A_130 = arith.constant 9984 : i32
        %dma_start3A_131 = arith.constant 0 : i32
        %dma_start3A_132 = tpu.memref_slice %arg4[%dma_start3A_130, %dma_start3A_131] : memref<10000x128xf32, #tpu.memory_space<hbm>> -> memref<16x128xf32, #tpu.memory_space<hbm>>
        tpu.enqueue_dma source(%dma_start3A_132 : memref<16x128xf32, #tpu.memory_space<hbm>>) target(%dma_start3A_129 : memref<16x128xf32, #tpu.memory_space<vmem_shared>>) target_semaphore(%run_scoped3A : memref<!tpu.dma_semaphore, #tpu.memory_space<semaphore_mem>>)
        %dma_wait3A_133 = arith.constant 9984 : i32
        %dma_wait3A_134 = arith.constant 0 : i32
        %dma_wait3A_135 = tpu.memref_slice %arg10[%dma_wait3A_133, %dma_wait3A_134] : memref<10000x128xf32, #tpu.memory_space<vmem_shared>> -> memref<16x128xf32, #tpu.memory_space<vmem_shared>>
        %dma_wait3A_136 = arith.constant 9984 : i32
        %dma_wait3A_137 = arith.constant 0 : i32
        %dma_wait3A_138 = tpu.memref_slice %arg4[%dma_wait3A_136, %dma_wait3A_137] : memref<10000x128xf32, #tpu.memory_space<hbm>> -> memref<16x128xf32, #tpu.memory_space<hbm>>
        tpu.wait_dma2 semaphore(%run_scoped3A : memref<!tpu.dma_semaphore, #tpu.memory_space<semaphore_mem>>) src(%dma_wait3A_138 : memref<16x128xf32, #tpu.memory_space<hbm>>) dst(%dma_wait3A_135 : memref<16x128xf32, #tpu.memory_space<vmem_shared>>)
        tpu.yield
      }) : () -> ()
    } else {
    }
    %barrier3A = arith.constant 0 : index
    tpu.barrier barrier_id(%barrier3A)
    %add3A_11 = arith.constant 0 : i32
    %add3A_12 = arith.addi %add3A_4, %add3A_11 : i32
    %dma_start3A = tpu.memref_slice %arg3[%add3A_12] : memref<320000xi32, #tpu.memory_space<hbm>> -> memref<120xi32, #tpu.memory_space<hbm>>
    %dma_start3A_13 = tpu.memref_slice %arg3[%add3A_12] : memref<320000xi32, #tpu.memory_space<hbm>> -> memref<120xi32, #tpu.memory_space<hbm>>
    tpu.enqueue_dma source(%dma_start3A_13 : memref<120xi32, #tpu.memory_space<hbm>>) target(%arg6 : memref<120xi32, #tpu.memory_space<vmem>>) target_semaphore(%arg11 : memref<!tpu.dma_semaphore, #tpu.memory_space<semaphore_mem>>)
    %add3A_14 = arith.constant 0 : i32
    %add3A_15 = arith.addi %mul3A_6, %add3A_14 : i32
    %dma_start3A_16 = arith.constant 0 : i32
    %dma_start3A_17 = tpu.memref_slice %arg2[%add3A_15, %dma_start3A_16] : memref<192000x128xf32, #tpu.memory_space<hbm>> -> memref<120x128xf32, #tpu.memory_space<hbm>>
    %dma_start3A_18 = arith.constant 0 : i32
    %dma_start3A_19 = tpu.memref_slice %arg2[%add3A_15, %dma_start3A_18] : memref<192000x128xf32, #tpu.memory_space<hbm>> -> memref<120x128xf32, #tpu.memory_space<hbm>>
    tpu.enqueue_dma source(%dma_start3A_19 : memref<120x128xf32, #tpu.memory_space<hbm>>) target(%arg8 : memref<120x128xf32, #tpu.memory_space<vmem>>) target_semaphore(%arg11 : memref<!tpu.dma_semaphore, #tpu.memory_space<semaphore_mem>>)
    %dma_wait3A = arith.constant 0 : i32
    %dma_wait3A_20 = tpu.memref_slice %arg3[%dma_wait3A] : memref<320000xi32, #tpu.memory_space<hbm>> -> memref<120xi32, #tpu.memory_space<hbm>>
    %dma_wait3A_21 = arith.constant 0 : i32
    %dma_wait3A_22 = tpu.memref_slice %arg3[%dma_wait3A_21] : memref<320000xi32, #tpu.memory_space<hbm>> -> memref<120xi32, #tpu.memory_space<hbm>>
    tpu.wait_dma2 semaphore(%arg11 : memref<!tpu.dma_semaphore, #tpu.memory_space<semaphore_mem>>) src(%dma_wait3A_22 : memref<120xi32, #tpu.memory_space<hbm>>) dst(%arg6 : memref<120xi32, #tpu.memory_space<vmem>>)
    %dma_wait3A_23 = arith.constant 0 : i32
    %dma_wait3A_24 = arith.constant 0 : i32
    %dma_wait3A_25 = tpu.memref_slice %arg2[%dma_wait3A_23, %dma_wait3A_24] : memref<192000x128xf32, #tpu.memory_space<hbm>> -> memref<120x128xf32, #tpu.memory_space<hbm>>
    %dma_wait3A_26 = arith.constant 0 : i32
    %dma_wait3A_27 = arith.constant 0 : i32
    %dma_wait3A_28 = tpu.memref_slice %arg2[%dma_wait3A_26, %dma_wait3A_27] : memref<192000x128xf32, #tpu.memory_space<hbm>> -> memref<120x128xf32, #tpu.memory_space<hbm>>
    tpu.wait_dma2 semaphore(%arg11 : memref<!tpu.dma_semaphore, #tpu.memory_space<semaphore_mem>>) src(%dma_wait3A_28 : memref<120x128xf32, #tpu.memory_space<hbm>>) dst(%arg8 : memref<120x128xf32, #tpu.memory_space<vmem>>)
    %add3A_29 = arith.constant 120 : i32
    %add3A_30 = arith.addi %add3A_4, %add3A_29 : i32
    %dma_start3A_31 = tpu.memref_slice %arg3[%add3A_30] : memref<320000xi32, #tpu.memory_space<hbm>> -> memref<120xi32, #tpu.memory_space<hbm>>
    %dma_start3A_32 = tpu.memref_slice %arg3[%add3A_30] : memref<320000xi32, #tpu.memory_space<hbm>> -> memref<120xi32, #tpu.memory_space<hbm>>
    tpu.enqueue_dma source(%dma_start3A_32 : memref<120xi32, #tpu.memory_space<hbm>>) target(%arg7 : memref<120xi32, #tpu.memory_space<vmem>>) target_semaphore(%arg12 : memref<!tpu.dma_semaphore, #tpu.memory_space<semaphore_mem>>)
    %add3A_33 = arith.constant 120 : i32
    %add3A_34 = arith.addi %mul3A_6, %add3A_33 : i32
    %dma_start3A_35 = arith.constant 0 : i32
    %dma_start3A_36 = tpu.memref_slice %arg2[%add3A_34, %dma_start3A_35] : memref<192000x128xf32, #tpu.memory_space<hbm>> -> memref<120x128xf32, #tpu.memory_space<hbm>>
    %dma_start3A_37 = arith.constant 0 : i32
    %dma_start3A_38 = tpu.memref_slice %arg2[%add3A_34, %dma_start3A_37] : memref<192000x128xf32, #tpu.memory_space<hbm>> -> memref<120x128xf32, #tpu.memory_space<hbm>>
    tpu.enqueue_dma source(%dma_start3A_38 : memref<120x128xf32, #tpu.memory_space<hbm>>) target(%arg9 : memref<120x128xf32, #tpu.memory_space<vmem>>) target_semaphore(%arg12 : memref<!tpu.dma_semaphore, #tpu.memory_space<semaphore_mem>>)
    %dma_start3A_39 = arith.constant 0 : i32
    %dma_start3A_40 = arith.constant 0 : i32
    %dma_start3A_41 = tpu.memref_slice %arg10[%dma_start3A_39, %dma_start3A_40] : memref<10000x128xf32, #tpu.memory_space<vmem_shared>> -> memref<10000x128xf32, #tpu.memory_space<vmem_shared>>
    tpu.enqueue_indirect_dma source(%arg8 : memref<120x128xf32, #tpu.memory_space<vmem>>) target(%dma_start3A_41 : memref<10000x128xf32, #tpu.memory_space<vmem_shared>>) offsets(%arg6 : memref<120xi32, #tpu.memory_space<vmem>>) semaphore(%arg13 : memref<!tpu.dma_semaphore, #tpu.memory_space<semaphore_mem>>) {add = true}
    %scan3A = arith.constant 0 : i32
    %scan3A_42 = arith.constant 0 : i32
    %scan3A_43 = arith.constant 23 : i32
    %scan3A_44 = arith.addi %scan3A_42, %scan3A_43 : i32
    %scan3A_45 = arith.constant 1 : i32
    scf.for %scan3A_127 = %scan3A_42 to %scan3A_44 step %scan3A_45  : i32 {
      %mul3A_128 = arith.constant 2 : i32
      %mul3A_129 = arith.muli %mul3A_128, %scan3A_127 : i32
      %add3A_130 = arith.constant 1 : i32
      %add3A_131 = arith.addi %mul3A_129, %add3A_130 : i32
      %dma_wait3A_132 = arith.constant 0 : i32
      %dma_wait3A_133 = tpu.memref_slice %arg3[%dma_wait3A_132] : memref<320000xi32, #tpu.memory_space<hbm>> -> memref<120xi32, #tpu.memory_space<hbm>>
      %dma_wait3A_134 = arith.constant 0 : i32
      %dma_wait3A_135 = tpu.memref_slice %arg3[%dma_wait3A_134] : memref<320000xi32, #tpu.memory_space<hbm>> -> memref<120xi32, #tpu.memory_space<hbm>>
      tpu.wait_dma2 semaphore(%arg12 : memref<!tpu.dma_semaphore, #tpu.memory_space<semaphore_mem>>) src(%dma_wait3A_135 : memref<120xi32, #tpu.memory_space<hbm>>) dst(%arg7 : memref<120xi32, #tpu.memory_space<vmem>>)
      %dma_wait3A_136 = arith.constant 0 : i32
      %dma_wait3A_137 = arith.constant 0 : i32
      %dma_wait3A_138 = tpu.memref_slice %arg2[%dma_wait3A_136, %dma_wait3A_137] : memref<192000x128xf32, #tpu.memory_space<hbm>> -> memref<120x128xf32, #tpu.memory_space<hbm>>
      %dma_wait3A_139 = arith.constant 0 : i32
      %dma_wait3A_140 = arith.constant 0 : i32
      %dma_wait3A_141 = tpu.memref_slice %arg2[%dma_wait3A_139, %dma_wait3A_140] : memref<192000x128xf32, #tpu.memory_space<hbm>> -> memref<120x128xf32, #tpu.memory_space<hbm>>
      tpu.wait_dma2 semaphore(%arg12 : memref<!tpu.dma_semaphore, #tpu.memory_space<semaphore_mem>>) src(%dma_wait3A_141 : memref<120x128xf32, #tpu.memory_space<hbm>>) dst(%arg9 : memref<120x128xf32, #tpu.memory_space<vmem>>)
      %dma_wait3A_142 = arith.constant 0 : i32
      %dma_wait3A_143 = arith.constant 0 : i32
      %dma_wait3A_144 = tpu.memref_slice %arg10[%dma_wait3A_142, %dma_wait3A_143] : memref<10000x128xf32, #tpu.memory_space<vmem_shared>> -> memref<10000x128xf32, #tpu.memory_space<vmem_shared>>
      tpu.wait_indirect_dma semaphore(%arg13 : memref<!tpu.dma_semaphore, #tpu.memory_space<semaphore_mem>>) src(%arg8 : memref<120x128xf32, #tpu.memory_space<vmem>>) dst(%dma_wait3A_144 : memref<10000x128xf32, #tpu.memory_space<vmem_shared>>)
      %add3A_145 = arith.constant 1 : i32
      %add3A_146 = arith.addi %add3A_131, %add3A_145 : i32
      %mul3A_147 = arith.constant 120 : i32
      %mul3A_148 = arith.muli %add3A_146, %mul3A_147 : i32
      %add3A_149 = arith.addi %add3A_4, %mul3A_148 : i32
      %dma_start3A_150 = tpu.memref_slice %arg3[%add3A_149] : memref<320000xi32, #tpu.memory_space<hbm>> -> memref<120xi32, #tpu.memory_space<hbm>>
      %dma_start3A_151 = tpu.memref_slice %arg3[%add3A_149] : memref<320000xi32, #tpu.memory_space<hbm>> -> memref<120xi32, #tpu.memory_space<hbm>>
      tpu.enqueue_dma source(%dma_start3A_151 : memref<120xi32, #tpu.memory_space<hbm>>) target(%arg6 : memref<120xi32, #tpu.memory_space<vmem>>) target_semaphore(%arg11 : memref<!tpu.dma_semaphore, #tpu.memory_space<semaphore_mem>>)
      %mul3A_152 = arith.constant 120 : i32
      %mul3A_153 = arith.muli %add3A_146, %mul3A_152 : i32
      %add3A_154 = arith.addi %mul3A_6, %mul3A_153 : i32
      %dma_start3A_155 = arith.constant 0 : i32
      %dma_start3A_156 = tpu.memref_slice %arg2[%add3A_154, %dma_start3A_155] : memref<192000x128xf32, #tpu.memory_space<hbm>> -> memref<120x128xf32, #tpu.memory_space<hbm>>
      %dma_start3A_157 = arith.constant 0 : i32
      %dma_start3A_158 = tpu.memref_slice %arg2[%add3A_154, %dma_start3A_157] : memref<192000x128xf32, #tpu.memory_space<hbm>> -> memref<120x128xf32, #tpu.memory_space<hbm>>
      tpu.enqueue_dma source(%dma_start3A_158 : memref<120x128xf32, #tpu.memory_space<hbm>>) target(%arg8 : memref<120x128xf32, #tpu.memory_space<vmem>>) target_semaphore(%arg11 : memref<!tpu.dma_semaphore, #tpu.memory_space<semaphore_mem>>)
      %dma_start3A_159 = arith.constant 0 : i32
      %dma_start3A_160 = arith.constant 0 : i32
      %dma_start3A_161 = tpu.memref_slice %arg10[%dma_start3A_159, %dma_start3A_160] : memref<10000x128xf32, #tpu.memory_space<vmem_shared>> -> memref<10000x128xf32, #tpu.memory_space<vmem_shared>>
      tpu.enqueue_indirect_dma source(%arg9 : memref<120x128xf32, #tpu.memory_space<vmem>>) target(%dma_start3A_161 : memref<10000x128xf32, #tpu.memory_space<vmem_shared>>) offsets(%arg7 : memref<120xi32, #tpu.memory_space<vmem>>) semaphore(%arg14 : memref<!tpu.dma_semaphore, #tpu.memory_space<semaphore_mem>>) {add = true}
      %add3A_162 = arith.constant 1 : i32
      %add3A_163 = arith.addi %add3A_131, %add3A_162 : i32
      %dma_wait3A_164 = arith.constant 0 : i32
      %dma_wait3A_165 = tpu.memref_slice %arg3[%dma_wait3A_164] : memref<320000xi32, #tpu.memory_space<hbm>> -> memref<120xi32, #tpu.memory_space<hbm>>
      %dma_wait3A_166 = arith.constant 0 : i32
      %dma_wait3A_167 = tpu.memref_slice %arg3[%dma_wait3A_166] : memref<320000xi32, #tpu.memory_space<hbm>> -> memref<120xi32, #tpu.memory_space<hbm>>
      tpu.wait_dma2 semaphore(%arg11 : memref<!tpu.dma_semaphore, #tpu.memory_space<semaphore_mem>>) src(%dma_wait3A_167 : memref<120xi32, #tpu.memory_space<hbm>>) dst(%arg6 : memref<120xi32, #tpu.memory_space<vmem>>)
      %dma_wait3A_168 = arith.constant 0 : i32
      %dma_wait3A_169 = arith.constant 0 : i32
      %dma_wait3A_170 = tpu.memref_slice %arg2[%dma_wait3A_168, %dma_wait3A_169] : memref<192000x128xf32, #tpu.memory_space<hbm>> -> memref<120x128xf32, #tpu.memory_space<hbm>>
      %dma_wait3A_171 = arith.constant 0 : i32
      %dma_wait3A_172 = arith.constant 0 : i32
      %dma_wait3A_173 = tpu.memref_slice %arg2[%dma_wait3A_171, %dma_wait3A_172] : memref<192000x128xf32, #tpu.memory_space<hbm>> -> memref<120x128xf32, #tpu.memory_space<hbm>>
      tpu.wait_dma2 semaphore(%arg11 : memref<!tpu.dma_semaphore, #tpu.memory_space<semaphore_mem>>) src(%dma_wait3A_173 : memref<120x128xf32, #tpu.memory_space<hbm>>) dst(%arg8 : memref<120x128xf32, #tpu.memory_space<vmem>>)
      %dma_wait3A_174 = arith.constant 0 : i32
      %dma_wait3A_175 = arith.constant 0 : i32
      %dma_wait3A_176 = tpu.memref_slice %arg10[%dma_wait3A_174, %dma_wait3A_175] : memref<10000x128xf32, #tpu.memory_space<vmem_shared>> -> memref<10000x128xf32, #tpu.memory_space<vmem_shared>>
      tpu.wait_indirect_dma semaphore(%arg14 : memref<!tpu.dma_semaphore, #tpu.memory_space<semaphore_mem>>) src(%arg9 : memref<120x128xf32, #tpu.memory_space<vmem>>) dst(%dma_wait3A_176 : memref<10000x128xf32, #tpu.memory_space<vmem_shared>>)
      %add3A_177 = arith.constant 1 : i32
      %add3A_178 = arith.addi %add3A_163, %add3A_177 : i32
      %mul3A_179 = arith.constant 120 : i32
      %mul3A_180 = arith.muli %add3A_178, %mul3A_179 : i32
      %add3A_181 = arith.addi %add3A_4, %mul3A_180 : i32
      %dma_start3A_182 = tpu.memref_slice %arg3[%add3A_181] : memref<320000xi32, #tpu.memory_space<hbm>> -> memref<120xi32, #tpu.memory_space<hbm>>
      %dma_start3A_183 = tpu.memref_slice %arg3[%add3A_181] : memref<320000xi32, #tpu.memory_space<hbm>> -> memref<120xi32, #tpu.memory_space<hbm>>
      tpu.enqueue_dma source(%dma_start3A_183 : memref<120xi32, #tpu.memory_space<hbm>>) target(%arg7 : memref<120xi32, #tpu.memory_space<vmem>>) target_semaphore(%arg12 : memref<!tpu.dma_semaphore, #tpu.memory_space<semaphore_mem>>)
      %mul3A_184 = arith.constant 120 : i32
      %mul3A_185 = arith.muli %add3A_178, %mul3A_184 : i32
      %add3A_186 = arith.addi %mul3A_6, %mul3A_185 : i32
      %dma_start3A_187 = arith.constant 0 : i32
      %dma_start3A_188 = tpu.memref_slice %arg2[%add3A_186, %dma_start3A_187] : memref<192000x128xf32, #tpu.memory_space<hbm>> -> memref<120x128xf32, #tpu.memory_space<hbm>>
      %dma_start3A_189 = arith.constant 0 : i32
      %dma_start3A_190 = tpu.memref_slice %arg2[%add3A_186, %dma_start3A_189] : memref<192000x128xf32, #tpu.memory_space<hbm>> -> memref<120x128xf32, #tpu.memory_space<hbm>>
      tpu.enqueue_dma source(%dma_start3A_190 : memref<120x128xf32, #tpu.memory_space<hbm>>) target(%arg9 : memref<120x128xf32, #tpu.memory_space<vmem>>) target_semaphore(%arg12 : memref<!tpu.dma_semaphore, #tpu.memory_space<semaphore_mem>>)
      %dma_start3A_191 = arith.constant 0 : i32
      %dma_start3A_192 = arith.constant 0 : i32
      %dma_start3A_193 = tpu.memref_slice %arg10[%dma_start3A_191, %dma_start3A_192] : memref<10000x128xf32, #tpu.memory_space<vmem_shared>> -> memref<10000x128xf32, #tpu.memory_space<vmem_shared>>
      tpu.enqueue_indirect_dma source(%arg8 : memref<120x128xf32, #tpu.memory_space<vmem>>) target(%dma_start3A_193 : memref<10000x128xf32, #tpu.memory_space<vmem_shared>>) offsets(%arg6 : memref<120xi32, #tpu.memory_space<vmem>>) semaphore(%arg13 : memref<!tpu.dma_semaphore, #tpu.memory_space<semaphore_mem>>) {add = true}
    }
    %scan3A_46 = arith.constant 23 : i32
    %dma_wait3A_47 = arith.constant 0 : i32
    %dma_wait3A_48 = tpu.memref_slice %arg3[%dma_wait3A_47] : memref<320000xi32, #tpu.memory_space<hbm>> -> memref<120xi32, #tpu.memory_space<hbm>>
    %dma_wait3A_49 = arith.constant 0 : i32
    %dma_wait3A_50 = tpu.memref_slice %arg3[%dma_wait3A_49] : memref<320000xi32, #tpu.memory_space<hbm>> -> memref<120xi32, #tpu.memory_space<hbm>>
    tpu.wait_dma2 semaphore(%arg12 : memref<!tpu.dma_semaphore, #tpu.memory_space<semaphore_mem>>) src(%dma_wait3A_50 : memref<120xi32, #tpu.memory_space<hbm>>) dst(%arg7 : memref<120xi32, #tpu.memory_space<vmem>>)
    %dma_wait3A_51 = arith.constant 0 : i32
    %dma_wait3A_52 = arith.constant 0 : i32
    %dma_wait3A_53 = tpu.memref_slice %arg2[%dma_wait3A_51, %dma_wait3A_52] : memref<192000x128xf32, #tpu.memory_space<hbm>> -> memref<120x128xf32, #tpu.memory_space<hbm>>
    %dma_wait3A_54 = arith.constant 0 : i32
    %dma_wait3A_55 = arith.constant 0 : i32
    %dma_wait3A_56 = tpu.memref_slice %arg2[%dma_wait3A_54, %dma_wait3A_55] : memref<192000x128xf32, #tpu.memory_space<hbm>> -> memref<120x128xf32, #tpu.memory_space<hbm>>
    tpu.wait_dma2 semaphore(%arg12 : memref<!tpu.dma_semaphore, #tpu.memory_space<semaphore_mem>>) src(%dma_wait3A_56 : memref<120x128xf32, #tpu.memory_space<hbm>>) dst(%arg9 : memref<120x128xf32, #tpu.memory_space<vmem>>)
    %dma_wait3A_57 = arith.constant 0 : i32
    %dma_wait3A_58 = arith.constant 0 : i32
    %dma_wait3A_59 = tpu.memref_slice %arg10[%dma_wait3A_57, %dma_wait3A_58] : memref<10000x128xf32, #tpu.memory_space<vmem_shared>> -> memref<10000x128xf32, #tpu.memory_space<vmem_shared>>
    tpu.wait_indirect_dma semaphore(%arg13 : memref<!tpu.dma_semaphore, #tpu.memory_space<semaphore_mem>>) src(%arg8 : memref<120x128xf32, #tpu.memory_space<vmem>>) dst(%dma_wait3A_59 : memref<10000x128xf32, #tpu.memory_space<vmem_shared>>)
    %add3A_60 = arith.constant 5760 : i32
    %add3A_61 = arith.addi %add3A_4, %add3A_60 : i32
    %dma_start3A_62 = tpu.memref_slice %arg3[%add3A_61] : memref<320000xi32, #tpu.memory_space<hbm>> -> memref<120xi32, #tpu.memory_space<hbm>>
    %dma_start3A_63 = tpu.memref_slice %arg3[%add3A_61] : memref<320000xi32, #tpu.memory_space<hbm>> -> memref<120xi32, #tpu.memory_space<hbm>>
    tpu.enqueue_dma source(%dma_start3A_63 : memref<120xi32, #tpu.memory_space<hbm>>) target(%arg6 : memref<120xi32, #tpu.memory_space<vmem>>) target_semaphore(%arg11 : memref<!tpu.dma_semaphore, #tpu.memory_space<semaphore_mem>>)
    %add3A_64 = arith.constant 5760 : i32
    %add3A_65 = arith.addi %mul3A_6, %add3A_64 : i32
    %dma_start3A_66 = arith.constant 0 : i32
    %dma_start3A_67 = tpu.memref_slice %arg2[%add3A_65, %dma_start3A_66] : memref<192000x128xf32, #tpu.memory_space<hbm>> -> memref<120x128xf32, #tpu.memory_space<hbm>>
    %dma_start3A_68 = arith.constant 0 : i32
    %dma_start3A_69 = tpu.memref_slice %arg2[%add3A_65, %dma_start3A_68] : memref<192000x128xf32, #tpu.memory_space<hbm>> -> memref<120x128xf32, #tpu.memory_space<hbm>>
    tpu.enqueue_dma source(%dma_start3A_69 : memref<120x128xf32, #tpu.memory_space<hbm>>) target(%arg8 : memref<120x128xf32, #tpu.memory_space<vmem>>) target_semaphore(%arg11 : memref<!tpu.dma_semaphore, #tpu.memory_space<semaphore_mem>>)
    %dma_start3A_70 = arith.constant 0 : i32
    %dma_start3A_71 = arith.constant 0 : i32
    %dma_start3A_72 = tpu.memref_slice %arg10[%dma_start3A_70, %dma_start3A_71] : memref<10000x128xf32, #tpu.memory_space<vmem_shared>> -> memref<10000x128xf32, #tpu.memory_space<vmem_shared>>
    tpu.enqueue_indirect_dma source(%arg9 : memref<120x128xf32, #tpu.memory_space<vmem>>) target(%dma_start3A_72 : memref<10000x128xf32, #tpu.memory_space<vmem_shared>>) offsets(%arg7 : memref<120xi32, #tpu.memory_space<vmem>>) semaphore(%arg14 : memref<!tpu.dma_semaphore, #tpu.memory_space<semaphore_mem>>) {add = true}
    %dma_wait3A_73 = arith.constant 0 : i32
    %dma_wait3A_74 = tpu.memref_slice %arg3[%dma_wait3A_73] : memref<320000xi32, #tpu.memory_space<hbm>> -> memref<120xi32, #tpu.memory_space<hbm>>
    %dma_wait3A_75 = arith.constant 0 : i32
    %dma_wait3A_76 = tpu.memref_slice %arg3[%dma_wait3A_75] : memref<320000xi32, #tpu.memory_space<hbm>> -> memref<120xi32, #tpu.memory_space<hbm>>
    tpu.wait_dma2 semaphore(%arg11 : memref<!tpu.dma_semaphore, #tpu.memory_space<semaphore_mem>>) src(%dma_wait3A_76 : memref<120xi32, #tpu.memory_space<hbm>>) dst(%arg6 : memref<120xi32, #tpu.memory_space<vmem>>)
    %dma_wait3A_77 = arith.constant 0 : i32
    %dma_wait3A_78 = arith.constant 0 : i32
    %dma_wait3A_79 = tpu.memref_slice %arg2[%dma_wait3A_77, %dma_wait3A_78] : memref<192000x128xf32, #tpu.memory_space<hbm>> -> memref<120x128xf32, #tpu.memory_space<hbm>>
    %dma_wait3A_80 = arith.constant 0 : i32
    %dma_wait3A_81 = arith.constant 0 : i32
    %dma_wait3A_82 = tpu.memref_slice %arg2[%dma_wait3A_80, %dma_wait3A_81] : memref<192000x128xf32, #tpu.memory_space<hbm>> -> memref<120x128xf32, #tpu.memory_space<hbm>>
    tpu.wait_dma2 semaphore(%arg11 : memref<!tpu.dma_semaphore, #tpu.memory_space<semaphore_mem>>) src(%dma_wait3A_82 : memref<120x128xf32, #tpu.memory_space<hbm>>) dst(%arg8 : memref<120x128xf32, #tpu.memory_space<vmem>>)
    %dma_wait3A_83 = arith.constant 0 : i32
    %dma_wait3A_84 = arith.constant 0 : i32
    %dma_wait3A_85 = tpu.memref_slice %arg10[%dma_wait3A_83, %dma_wait3A_84] : memref<10000x128xf32, #tpu.memory_space<vmem_shared>> -> memref<10000x128xf32, #tpu.memory_space<vmem_shared>>
    tpu.wait_indirect_dma semaphore(%arg14 : memref<!tpu.dma_semaphore, #tpu.memory_space<semaphore_mem>>) src(%arg9 : memref<120x128xf32, #tpu.memory_space<vmem>>) dst(%dma_wait3A_85 : memref<10000x128xf32, #tpu.memory_space<vmem_shared>>)
    %add3A_86 = arith.constant 5880 : i32
    %add3A_87 = arith.addi %add3A_4, %add3A_86 : i32
    %dma_start3A_88 = tpu.memref_slice %arg3[%add3A_87] : memref<320000xi32, #tpu.memory_space<hbm>> -> memref<120xi32, #tpu.memory_space<hbm>>
    %dma_start3A_89 = tpu.memref_slice %arg3[%add3A_87] : memref<320000xi32, #tpu.memory_space<hbm>> -> memref<120xi32, #tpu.memory_space<hbm>>
    tpu.enqueue_dma source(%dma_start3A_89 : memref<120xi32, #tpu.memory_space<hbm>>) target(%arg7 : memref<120xi32, #tpu.memory_space<vmem>>) target_semaphore(%arg12 : memref<!tpu.dma_semaphore, #tpu.memory_space<semaphore_mem>>)
    %add3A_90 = arith.constant 5880 : i32
    %add3A_91 = arith.addi %mul3A_6, %add3A_90 : i32
    %dma_start3A_92 = arith.constant 0 : i32
    %dma_start3A_93 = tpu.memref_slice %arg2[%add3A_91, %dma_start3A_92] : memref<192000x128xf32, #tpu.memory_space<hbm>> -> memref<120x128xf32, #tpu.memory_space<hbm>>
    %dma_start3A_94 = arith.constant 0 : i32
    %dma_start3A_95 = tpu.memref_slice %arg2[%add3A_91, %dma_start3A_94] : memref<192000x128xf32, #tpu.memory_space<hbm>> -> memref<120x128xf32, #tpu.memory_space<hbm>>
    tpu.enqueue_dma source(%dma_start3A_95 : memref<120x128xf32, #tpu.memory_space<hbm>>) target(%arg9 : memref<120x128xf32, #tpu.memory_space<vmem>>) target_semaphore(%arg12 : memref<!tpu.dma_semaphore, #tpu.memory_space<semaphore_mem>>)
    %dma_start3A_96 = arith.constant 0 : i32
    %dma_start3A_97 = arith.constant 0 : i32
    %dma_start3A_98 = tpu.memref_slice %arg10[%dma_start3A_96, %dma_start3A_97] : memref<10000x128xf32, #tpu.memory_space<vmem_shared>> -> memref<10000x128xf32, #tpu.memory_space<vmem_shared>>
    tpu.enqueue_indirect_dma source(%arg8 : memref<120x128xf32, #tpu.memory_space<vmem>>) target(%dma_start3A_98 : memref<10000x128xf32, #tpu.memory_space<vmem_shared>>) offsets(%arg6 : memref<120xi32, #tpu.memory_space<vmem>>) semaphore(%arg13 : memref<!tpu.dma_semaphore, #tpu.memory_space<semaphore_mem>>) {add = true}
    %dma_wait3A_99 = arith.constant 0 : i32
    %dma_wait3A_100 = tpu.memref_slice %arg3[%dma_wait3A_99] : memref<320000xi32, #tpu.memory_space<hbm>> -> memref<120xi32, #tpu.memory_space<hbm>>
    %dma_wait3A_101 = arith.constant 0 : i32
    %dma_wait3A_102 = tpu.memref_slice %arg3[%dma_wait3A_101] : memref<320000xi32, #tpu.memory_space<hbm>> -> memref<120xi32, #tpu.memory_space<hbm>>
    tpu.wait_dma2 semaphore(%arg12 : memref<!tpu.dma_semaphore, #tpu.memory_space<semaphore_mem>>) src(%dma_wait3A_102 : memref<120xi32, #tpu.memory_space<hbm>>) dst(%arg7 : memref<120xi32, #tpu.memory_space<vmem>>)
    %dma_wait3A_103 = arith.constant 0 : i32
    %dma_wait3A_104 = arith.constant 0 : i32
    %dma_wait3A_105 = tpu.memref_slice %arg2[%dma_wait3A_103, %dma_wait3A_104] : memref<192000x128xf32, #tpu.memory_space<hbm>> -> memref<120x128xf32, #tpu.memory_space<hbm>>
    %dma_wait3A_106 = arith.constant 0 : i32
    %dma_wait3A_107 = arith.constant 0 : i32
    %dma_wait3A_108 = tpu.memref_slice %arg2[%dma_wait3A_106, %dma_wait3A_107] : memref<192000x128xf32, #tpu.memory_space<hbm>> -> memref<120x128xf32, #tpu.memory_space<hbm>>
    tpu.wait_dma2 semaphore(%arg12 : memref<!tpu.dma_semaphore, #tpu.memory_space<semaphore_mem>>) src(%dma_wait3A_108 : memref<120x128xf32, #tpu.memory_space<hbm>>) dst(%arg9 : memref<120x128xf32, #tpu.memory_space<vmem>>)
    %dma_wait3A_109 = arith.constant 0 : i32
    %dma_wait3A_110 = arith.constant 0 : i32
    %dma_wait3A_111 = tpu.memref_slice %arg10[%dma_wait3A_109, %dma_wait3A_110] : memref<10000x128xf32, #tpu.memory_space<vmem_shared>> -> memref<10000x128xf32, #tpu.memory_space<vmem_shared>>
    tpu.wait_indirect_dma semaphore(%arg13 : memref<!tpu.dma_semaphore, #tpu.memory_space<semaphore_mem>>) src(%arg8 : memref<120x128xf32, #tpu.memory_space<vmem>>) dst(%dma_wait3A_111 : memref<10000x128xf32, #tpu.memory_space<vmem_shared>>)
    %dma_start3A_112 = arith.constant 0 : i32
    %dma_start3A_113 = arith.constant 0 : i32
    %dma_start3A_114 = tpu.memref_slice %arg10[%dma_start3A_112, %dma_start3A_113] : memref<10000x128xf32, #tpu.memory_space<vmem_shared>> -> memref<10000x128xf32, #tpu.memory_space<vmem_shared>>
    tpu.enqueue_indirect_dma source(%arg9 : memref<120x128xf32, #tpu.memory_space<vmem>>) target(%dma_start3A_114 : memref<10000x128xf32, #tpu.memory_space<vmem_shared>>) offsets(%arg7 : memref<120xi32, #tpu.memory_space<vmem>>) semaphore(%arg14 : memref<!tpu.dma_semaphore, #tpu.memory_space<semaphore_mem>>) {add = true}
    %dma_wait3A_115 = arith.constant 0 : i32
    %dma_wait3A_116 = arith.constant 0 : i32
    %dma_wait3A_117 = tpu.memref_slice %arg10[%dma_wait3A_115, %dma_wait3A_116] : memref<10000x128xf32, #tpu.memory_space<vmem_shared>> -> memref<10000x128xf32, #tpu.memory_space<vmem_shared>>
    tpu.wait_indirect_dma semaphore(%arg14 : memref<!tpu.dma_semaphore, #tpu.memory_space<semaphore_mem>>) src(%arg9 : memref<120x128xf32, #tpu.memory_space<vmem>>) dst(%dma_wait3A_117 : memref<10000x128xf32, #tpu.memory_space<vmem_shared>>)
    %barrier3A_118 = arith.constant 0 : index
    tpu.barrier barrier_id(%barrier3A_118)
    %mul3A_119 = arith.constant 10000 : i32
    %mul3A_120 = arith.muli %arg0, %mul3A_119 : i32
    %add3A_121 = arith.addi %mul3A_120, %mul3A_8 : i32
    "tpu.region"() ({
      %run_scoped3A = tpu.sem_alloc : memref<!tpu.dma_semaphore, #tpu.memory_space<semaphore_mem>>
      %dma_start3A_127 = arith.constant 0 : i32
      %dma_start3A_128 = tpu.memref_slice %arg5[%add3A_121, %dma_start3A_127] : memref<20000x128xf32, #tpu.memory_space<hbm>> -> memref<624x128xf32, #tpu.memory_space<hbm>>
      %dma_start3A_129 = arith.constant 0 : i32
      %dma_start3A_130 = tpu.memref_slice %arg10[%mul3A_8, %dma_start3A_129] : memref<10000x128xf32, #tpu.memory_space<vmem_shared>> -> memref<624x128xf32, #tpu.memory_space<vmem_shared>>
      tpu.enqueue_dma source(%dma_start3A_130 : memref<624x128xf32, #tpu.memory_space<vmem_shared>>) target(%dma_start3A_128 : memref<624x128xf32, #tpu.memory_space<hbm>>) target_semaphore(%run_scoped3A : memref<!tpu.dma_semaphore, #tpu.memory_space<semaphore_mem>>)
      %dma_wait3A_131 = arith.constant 0 : i32
      %dma_wait3A_132 = tpu.memref_slice %arg5[%add3A_121, %dma_wait3A_131] : memref<20000x128xf32, #tpu.memory_space<hbm>> -> memref<624x128xf32, #tpu.memory_space<hbm>>
      %dma_wait3A_133 = arith.constant 0 : i32
      %dma_wait3A_134 = tpu.memref_slice %arg10[%mul3A_8, %dma_wait3A_133] : memref<10000x128xf32, #tpu.memory_space<vmem_shared>> -> memref<624x128xf32, #tpu.memory_space<vmem_shared>>
      tpu.wait_dma2 semaphore(%run_scoped3A : memref<!tpu.dma_semaphore, #tpu.memory_space<semaphore_mem>>) src(%dma_wait3A_134 : memref<624x128xf32, #tpu.memory_space<vmem_shared>>) dst(%dma_wait3A_132 : memref<624x128xf32, #tpu.memory_space<hbm>>)
      tpu.yield
    }) : () -> ()
    %eq3A_122 = arith.constant 15 : i32
    %eq3A_123 = arith.cmpi eq, %arg1, %eq3A_122 : i32
    %convert_element_type3A_124 = arith.extui %eq3A_123 : i1 to i32
    %cond3A_125 = arith.constant 0 : i32
    %cond3A_126 = arith.cmpi ne, %convert_element_type3A_124, %cond3A_125 : i32
    scf.if %cond3A_126 {
      %mul3A_127 = arith.constant 10000 : i32
      %mul3A_128 = arith.muli %arg0, %mul3A_127 : i32
      %add3A_129 = arith.constant 9984 : i32
      %add3A_130 = arith.addi %mul3A_128, %add3A_129 : i32
      "tpu.region"() ({
        %run_scoped3A = tpu.sem_alloc : memref<!tpu.dma_semaphore, #tpu.memory_space<semaphore_mem>>
        %dma_start3A_131 = arith.constant 0 : i32
        %dma_start3A_132 = tpu.memref_slice %arg5[%add3A_130, %dma_start3A_131] : memref<20000x128xf32, #tpu.memory_space<hbm>> -> memref<16x128xf32, #tpu.memory_space<hbm>>
        %dma_start3A_133 = arith.constant 9984 : i32
        %dma_start3A_134 = arith.constant 0 : i32
        %dma_start3A_135 = tpu.memref_slice %arg10[%dma_start3A_133, %dma_start3A_134] : memref<10000x128xf32, #tpu.memory_space<vmem_shared>> -> memref<16x128xf32, #tpu.memory_space<vmem_shared>>
        tpu.enqueue_dma source(%dma_start3A_135 : memref<16x128xf32, #tpu.memory_space<vmem_shared>>) target(%dma_start3A_132 : memref<16x128xf32, #tpu.memory_space<hbm>>) target_semaphore(%run_scoped3A : memref<!tpu.dma_semaphore, #tpu.memory_space<semaphore_mem>>)
        %dma_wait3A_136 = arith.constant 0 : i32
        %dma_wait3A_137 = tpu.memref_slice %arg5[%add3A_130, %dma_wait3A_136] : memref<20000x128xf32, #tpu.memory_space<hbm>> -> memref<16x128xf32, #tpu.memory_space<hbm>>
        %dma_wait3A_138 = arith.constant 9984 : i32
        %dma_wait3A_139 = arith.constant 0 : i32
        %dma_wait3A_140 = tpu.memref_slice %arg10[%dma_wait3A_138, %dma_wait3A_139] : memref<10000x128xf32, #tpu.memory_space<vmem_shared>> -> memref<16x128xf32, #tpu.memory_space<vmem_shared>>
        tpu.wait_dma2 semaphore(%run_scoped3A : memref<!tpu.dma_semaphore, #tpu.memory_space<semaphore_mem>>) src(%dma_wait3A_140 : memref<16x128xf32, #tpu.memory_space<vmem_shared>>) dst(%dma_wait3A_137 : memref<16x128xf32, #tpu.memory_space<hbm>>)
        tpu.yield
      }) : () -> ()
    } else {
    }
    return
  }
}

#map = affine_map<(d0, d1) -> (0, 0)>
#map1 = affine_map<(d0, d1) -> (0)>
module attributes {stable_mosaic.version = 14 : i64} {
  func.func @_gather_body(%arg0: i32, %arg1: i32, %arg2: memref<10000x128xf32, #tpu.memory_space<hbm>>, %arg3: memref<10000x128xf32, #tpu.memory_space<hbm>>, %arg4: memref<320000xi32, #tpu.memory_space<hbm>>, %arg5: memref<320000xi32, #tpu.memory_space<hbm>>, %arg6: memref<128000x128xf32, #tpu.memory_space<hbm>>, %arg7: memref<80xi32, #tpu.memory_space<vmem>>, %arg8: memref<80xi32, #tpu.memory_space<vmem>>, %arg9: memref<80xi32, #tpu.memory_space<vmem>>, %arg10: memref<80xi32, #tpu.memory_space<vmem>>, %arg11: memref<80x128xf32, #tpu.memory_space<vmem>>, %arg12: memref<80x128xf32, #tpu.memory_space<vmem>>, %arg13: memref<80x128xf32, #tpu.memory_space<vmem>>, %arg14: memref<80x128xf32, #tpu.memory_space<vmem>>, %arg15: memref<!tpu.dma_semaphore, #tpu.memory_space<semaphore_mem>>, %arg16: memref<!tpu.dma_semaphore, #tpu.memory_space<semaphore_mem>>, %arg17: memref<!tpu.dma_semaphore, #tpu.memory_space<semaphore_mem>>, %arg18: memref<!tpu.dma_semaphore, #tpu.memory_space<semaphore_mem>>, %arg19: memref<!tpu.dma_semaphore, #tpu.memory_space<semaphore_mem>>, %arg20: memref<!tpu.dma_semaphore, #tpu.memory_space<semaphore_mem>>) attributes {dimension_semantics = [#tpu.dimension_semantics<core_parallel>, #tpu.dimension_semantics<subcore_parallel>], iteration_bounds = array<i64: 2, 16>, scalar_prefetch = 0 : i64, scratch_operands = 14 : i64, tpu.core_type = #tpu.core_type<sc_vector_subcore>, window_params = [{transform_indices = #map}, {transform_indices = #map}, {transform_indices = #map1}, {transform_indices = #map1}, {transform_indices = #map}]} {
    %mul3A = arith.constant 2 : i32
    %mul3A_0 = arith.muli %arg1, %mul3A : i32
    %add3A = arith.addi %mul3A_0, %arg0 : i32
    %mul3A_1 = arith.constant 4000 : i32
    %mul3A_2 = arith.muli %add3A, %mul3A_1 : i32
    %add3A_3 = arith.constant 0 : i32
    %add3A_4 = arith.addi %add3A_3, %mul3A_2 : i32
    %mul3A_5 = arith.constant 4000 : i32
    %mul3A_6 = arith.muli %add3A, %mul3A_5 : i32
    "tpu.region"() ({
      %run_scoped3A = tpu.sem_alloc : memref<!tpu.dma_semaphore, #tpu.memory_space<semaphore_mem>>
      %dma_start3A_164 = tpu.memref_slice %arg4[%add3A_4] : memref<320000xi32, #tpu.memory_space<hbm>> -> memref<80xi32, #tpu.memory_space<hbm>>
      %dma_start3A_165 = tpu.memref_slice %arg4[%add3A_4] : memref<320000xi32, #tpu.memory_space<hbm>> -> memref<80xi32, #tpu.memory_space<hbm>>
      tpu.enqueue_dma source(%dma_start3A_165 : memref<80xi32, #tpu.memory_space<hbm>>) target(%arg7 : memref<80xi32, #tpu.memory_space<vmem>>) target_semaphore(%run_scoped3A : memref<!tpu.dma_semaphore, #tpu.memory_space<semaphore_mem>>)
      %dma_wait3A_166 = tpu.memref_slice %arg4[%add3A_4] : memref<320000xi32, #tpu.memory_space<hbm>> -> memref<80xi32, #tpu.memory_space<hbm>>
      %dma_wait3A_167 = tpu.memref_slice %arg4[%add3A_4] : memref<320000xi32, #tpu.memory_space<hbm>> -> memref<80xi32, #tpu.memory_space<hbm>>
      tpu.wait_dma2 semaphore(%run_scoped3A : memref<!tpu.dma_semaphore, #tpu.memory_space<semaphore_mem>>) src(%dma_wait3A_167 : memref<80xi32, #tpu.memory_space<hbm>>) dst(%arg7 : memref<80xi32, #tpu.memory_space<vmem>>)
      tpu.yield
    }) : () -> ()
    "tpu.region"() ({
      %run_scoped3A = tpu.sem_alloc : memref<!tpu.dma_semaphore, #tpu.memory_space<semaphore_mem>>
      %dma_start3A_164 = tpu.memref_slice %arg5[%add3A_4] : memref<320000xi32, #tpu.memory_space<hbm>> -> memref<80xi32, #tpu.memory_space<hbm>>
      %dma_start3A_165 = tpu.memref_slice %arg5[%add3A_4] : memref<320000xi32, #tpu.memory_space<hbm>> -> memref<80xi32, #tpu.memory_space<hbm>>
      tpu.enqueue_dma source(%dma_start3A_165 : memref<80xi32, #tpu.memory_space<hbm>>) target(%arg9 : memref<80xi32, #tpu.memory_space<vmem>>) target_semaphore(%run_scoped3A : memref<!tpu.dma_semaphore, #tpu.memory_space<semaphore_mem>>)
      %dma_wait3A_166 = tpu.memref_slice %arg5[%add3A_4] : memref<320000xi32, #tpu.memory_space<hbm>> -> memref<80xi32, #tpu.memory_space<hbm>>
      %dma_wait3A_167 = tpu.memref_slice %arg5[%add3A_4] : memref<320000xi32, #tpu.memory_space<hbm>> -> memref<80xi32, #tpu.memory_space<hbm>>
      tpu.wait_dma2 semaphore(%run_scoped3A : memref<!tpu.dma_semaphore, #tpu.memory_space<semaphore_mem>>) src(%dma_wait3A_167 : memref<80xi32, #tpu.memory_space<hbm>>) dst(%arg9 : memref<80xi32, #tpu.memory_space<vmem>>)
      tpu.yield
    }) : () -> ()
    %dma_start3A = arith.constant 0 : i32
    %dma_start3A_7 = arith.constant 0 : i32
    %dma_start3A_8 = tpu.memref_slice %arg2[%dma_start3A, %dma_start3A_7] : memref<10000x128xf32, #tpu.memory_space<hbm>> -> memref<10000x128xf32, #tpu.memory_space<hbm>>
    tpu.enqueue_indirect_dma source(%dma_start3A_8 : memref<10000x128xf32, #tpu.memory_space<hbm>>) target(%arg11 : memref<80x128xf32, #tpu.memory_space<vmem>>) offsets(%arg7 : memref<80xi32, #tpu.memory_space<vmem>>) semaphore(%arg17 : memref<!tpu.dma_semaphore, #tpu.memory_space<semaphore_mem>>)
    %dma_start3A_9 = arith.constant 0 : i32
    %dma_start3A_10 = arith.constant 0 : i32
    %dma_start3A_11 = tpu.memref_slice %arg3[%dma_start3A_9, %dma_start3A_10] : memref<10000x128xf32, #tpu.memory_space<hbm>> -> memref<10000x128xf32, #tpu.memory_space<hbm>>
    tpu.enqueue_indirect_dma source(%dma_start3A_11 : memref<10000x128xf32, #tpu.memory_space<hbm>>) target(%arg13 : memref<80x128xf32, #tpu.memory_space<vmem>>) offsets(%arg9 : memref<80xi32, #tpu.memory_space<vmem>>) semaphore(%arg17 : memref<!tpu.dma_semaphore, #tpu.memory_space<semaphore_mem>>)
    %add3A_12 = arith.constant 80 : i32
    %add3A_13 = arith.addi %add3A_4, %add3A_12 : i32
    %dma_start3A_14 = tpu.memref_slice %arg4[%add3A_13] : memref<320000xi32, #tpu.memory_space<hbm>> -> memref<80xi32, #tpu.memory_space<hbm>>
    %dma_start3A_15 = tpu.memref_slice %arg4[%add3A_13] : memref<320000xi32, #tpu.memory_space<hbm>> -> memref<80xi32, #tpu.memory_space<hbm>>
    tpu.enqueue_dma source(%dma_start3A_15 : memref<80xi32, #tpu.memory_space<hbm>>) target(%arg8 : memref<80xi32, #tpu.memory_space<vmem>>) target_semaphore(%arg16 : memref<!tpu.dma_semaphore, #tpu.memory_space<semaphore_mem>>)
    %dma_start3A_16 = tpu.memref_slice %arg5[%add3A_13] : memref<320000xi32, #tpu.memory_space<hbm>> -> memref<80xi32, #tpu.memory_space<hbm>>
    %dma_start3A_17 = tpu.memref_slice %arg5[%add3A_13] : memref<320000xi32, #tpu.memory_space<hbm>> -> memref<80xi32, #tpu.memory_space<hbm>>
    tpu.enqueue_dma source(%dma_start3A_17 : memref<80xi32, #tpu.memory_space<hbm>>) target(%arg10 : memref<80xi32, #tpu.memory_space<vmem>>) target_semaphore(%arg16 : memref<!tpu.dma_semaphore, #tpu.memory_space<semaphore_mem>>)
    %dma_wait3A = arith.constant 0 : i32
    %dma_wait3A_18 = arith.constant 0 : i32
    %dma_wait3A_19 = tpu.memref_slice %arg2[%dma_wait3A, %dma_wait3A_18] : memref<10000x128xf32, #tpu.memory_space<hbm>> -> memref<10000x128xf32, #tpu.memory_space<hbm>>
    tpu.wait_indirect_dma semaphore(%arg17 : memref<!tpu.dma_semaphore, #tpu.memory_space<semaphore_mem>>) src(%dma_wait3A_19 : memref<10000x128xf32, #tpu.memory_space<hbm>>) dst(%arg11 : memref<80x128xf32, #tpu.memory_space<vmem>>)
    %dma_wait3A_20 = arith.constant 0 : i32
    %dma_wait3A_21 = arith.constant 0 : i32
    %dma_wait3A_22 = tpu.memref_slice %arg3[%dma_wait3A_20, %dma_wait3A_21] : memref<10000x128xf32, #tpu.memory_space<hbm>> -> memref<10000x128xf32, #tpu.memory_space<hbm>>
    tpu.wait_indirect_dma semaphore(%arg17 : memref<!tpu.dma_semaphore, #tpu.memory_space<semaphore_mem>>) src(%dma_wait3A_22 : memref<10000x128xf32, #tpu.memory_space<hbm>>) dst(%arg13 : memref<80x128xf32, #tpu.memory_space<vmem>>)
    %add3A_23 = arith.constant 160 : i32
    %add3A_24 = arith.addi %add3A_4, %add3A_23 : i32
    %dma_start3A_25 = tpu.memref_slice %arg4[%add3A_24] : memref<320000xi32, #tpu.memory_space<hbm>> -> memref<80xi32, #tpu.memory_space<hbm>>
    %dma_start3A_26 = tpu.memref_slice %arg4[%add3A_24] : memref<320000xi32, #tpu.memory_space<hbm>> -> memref<80xi32, #tpu.memory_space<hbm>>
    tpu.enqueue_dma source(%dma_start3A_26 : memref<80xi32, #tpu.memory_space<hbm>>) target(%arg7 : memref<80xi32, #tpu.memory_space<vmem>>) target_semaphore(%arg15 : memref<!tpu.dma_semaphore, #tpu.memory_space<semaphore_mem>>)
    %dma_start3A_27 = tpu.memref_slice %arg5[%add3A_24] : memref<320000xi32, #tpu.memory_space<hbm>> -> memref<80xi32, #tpu.memory_space<hbm>>
    %dma_start3A_28 = tpu.memref_slice %arg5[%add3A_24] : memref<320000xi32, #tpu.memory_space<hbm>> -> memref<80xi32, #tpu.memory_space<hbm>>
    tpu.enqueue_dma source(%dma_start3A_28 : memref<80xi32, #tpu.memory_space<hbm>>) target(%arg9 : memref<80xi32, #tpu.memory_space<vmem>>) target_semaphore(%arg15 : memref<!tpu.dma_semaphore, #tpu.memory_space<semaphore_mem>>)
    %dma_wait3A_29 = arith.constant 0 : i32
    %dma_wait3A_30 = tpu.memref_slice %arg4[%dma_wait3A_29] : memref<320000xi32, #tpu.memory_space<hbm>> -> memref<80xi32, #tpu.memory_space<hbm>>
    %dma_wait3A_31 = arith.constant 0 : i32
    %dma_wait3A_32 = tpu.memref_slice %arg4[%dma_wait3A_31] : memref<320000xi32, #tpu.memory_space<hbm>> -> memref<80xi32, #tpu.memory_space<hbm>>
    tpu.wait_dma2 semaphore(%arg16 : memref<!tpu.dma_semaphore, #tpu.memory_space<semaphore_mem>>) src(%dma_wait3A_32 : memref<80xi32, #tpu.memory_space<hbm>>) dst(%arg8 : memref<80xi32, #tpu.memory_space<vmem>>)
    %dma_wait3A_33 = arith.constant 0 : i32
    %dma_wait3A_34 = tpu.memref_slice %arg5[%dma_wait3A_33] : memref<320000xi32, #tpu.memory_space<hbm>> -> memref<80xi32, #tpu.memory_space<hbm>>
    %dma_wait3A_35 = arith.constant 0 : i32
    %dma_wait3A_36 = tpu.memref_slice %arg5[%dma_wait3A_35] : memref<320000xi32, #tpu.memory_space<hbm>> -> memref<80xi32, #tpu.memory_space<hbm>>
    tpu.wait_dma2 semaphore(%arg16 : memref<!tpu.dma_semaphore, #tpu.memory_space<semaphore_mem>>) src(%dma_wait3A_36 : memref<80xi32, #tpu.memory_space<hbm>>) dst(%arg10 : memref<80xi32, #tpu.memory_space<vmem>>)
    %dma_start3A_37 = arith.constant 0 : i32
    %dma_start3A_38 = arith.constant 0 : i32
    %dma_start3A_39 = tpu.memref_slice %arg2[%dma_start3A_37, %dma_start3A_38] : memref<10000x128xf32, #tpu.memory_space<hbm>> -> memref<10000x128xf32, #tpu.memory_space<hbm>>
    tpu.enqueue_indirect_dma source(%dma_start3A_39 : memref<10000x128xf32, #tpu.memory_space<hbm>>) target(%arg12 : memref<80x128xf32, #tpu.memory_space<vmem>>) offsets(%arg8 : memref<80xi32, #tpu.memory_space<vmem>>) semaphore(%arg18 : memref<!tpu.dma_semaphore, #tpu.memory_space<semaphore_mem>>)
    %dma_start3A_40 = arith.constant 0 : i32
    %dma_start3A_41 = arith.constant 0 : i32
    %dma_start3A_42 = tpu.memref_slice %arg3[%dma_start3A_40, %dma_start3A_41] : memref<10000x128xf32, #tpu.memory_space<hbm>> -> memref<10000x128xf32, #tpu.memory_space<hbm>>
    tpu.enqueue_indirect_dma source(%dma_start3A_42 : memref<10000x128xf32, #tpu.memory_space<hbm>>) target(%arg14 : memref<80x128xf32, #tpu.memory_space<vmem>>) offsets(%arg10 : memref<80xi32, #tpu.memory_space<vmem>>) semaphore(%arg18 : memref<!tpu.dma_semaphore, #tpu.memory_space<semaphore_mem>>)
    %scan3A = arith.constant 0 : i32
    %scan3A_43 = arith.constant 0 : i32
    %scan3A_44 = arith.constant 80 : i32
    %scan3A_45 = arith.addi %scan3A_43, %scan3A_44 : i32
    %scan3A_46 = arith.constant 1 : i32
    scf.for %scan3A_164 = %scan3A_43 to %scan3A_45 step %scan3A_46  : i32 {
      %get3A = arith.index_cast %scan3A_164 : i32 to index
      %get3A_165 = arith.constant 0 : index
      %get3A_166 = tpu.vector_load %arg11[%get3A, %get3A_165] {strides = array<i32>} : memref<80x128xf32, #tpu.memory_space<vmem>>, vector<1x16xf32>,
      %get3A_167 = vector.shape_cast %get3A_166 : vector<1x16xf32> to vector<16xf32>
      %get3A_168 = arith.index_cast %scan3A_164 : i32 to index
      %get3A_169 = arith.constant 0 : index
      %get3A_170 = tpu.vector_load %arg13[%get3A_168, %get3A_169] {strides = array<i32>} : memref<80x128xf32, #tpu.memory_space<vmem>>, vector<1x16xf32>,
      %get3A_171 = vector.shape_cast %get3A_170 : vector<1x16xf32> to vector<16xf32>
      %add3A_172 = arith.addf %get3A_167, %get3A_171 : vector<16xf32>
      %swap3A = arith.index_cast %scan3A_164 : i32 to index
      %swap3A_173 = arith.constant 0 : index
      %swap3A_174 = tpu.vector_load %arg11[%swap3A, %swap3A_173] {strides = array<i32>} : memref<80x128xf32, #tpu.memory_space<vmem>>, vector<1x16xf32>,
      %swap3A_175 = vector.shape_cast %swap3A_174 : vector<1x16xf32> to vector<16xf32>
      %swap3A_176 = vector.shape_cast %add3A_172 : vector<16xf32> to vector<1x16xf32>
      tpu.vector_store %arg11[%swap3A, %swap3A_173], %swap3A_176 {strides = array<i32>} : memref<80x128xf32, #tpu.memory_space<vmem>>, vector<1x16xf32>,
      %get3A_177 = arith.index_cast %scan3A_164 : i32 to index
      %get3A_178 = arith.constant 16 : index
      %get3A_179 = tpu.vector_load %arg11[%get3A_177, %get3A_178] {strides = array<i32>} : memref<80x128xf32, #tpu.memory_space<vmem>>, vector<1x16xf32>,
      %get3A_180 = vector.shape_cast %get3A_179 : vector<1x16xf32> to vector<16xf32>
      %get3A_181 = arith.index_cast %scan3A_164 : i32 to index
      %get3A_182 = arith.constant 16 : index
      %get3A_183 = tpu.vector_load %arg13[%get3A_181, %get3A_182] {strides = array<i32>} : memref<80x128xf32, #tpu.memory_space<vmem>>, vector<1x16xf32>,
      %get3A_184 = vector.shape_cast %get3A_183 : vector<1x16xf32> to vector<16xf32>
      %add3A_185 = arith.addf %get3A_180, %get3A_184 : vector<16xf32>
      %swap3A_186 = arith.index_cast %scan3A_164 : i32 to index
      %swap3A_187 = arith.constant 16 : index
      %swap3A_188 = tpu.vector_load %arg11[%swap3A_186, %swap3A_187] {strides = array<i32>} : memref<80x128xf32, #tpu.memory_space<vmem>>, vector<1x16xf32>,
      %swap3A_189 = vector.shape_cast %swap3A_188 : vector<1x16xf32> to vector<16xf32>
      %swap3A_190 = vector.shape_cast %add3A_185 : vector<16xf32> to vector<1x16xf32>
      tpu.vector_store %arg11[%swap3A_186, %swap3A_187], %swap3A_190 {strides = array<i32>} : memref<80x128xf32, #tpu.memory_space<vmem>>, vector<1x16xf32>,
      %get3A_191 = arith.index_cast %scan3A_164 : i32 to index
      %get3A_192 = arith.constant 32 : index
      %get3A_193 = tpu.vector_load %arg11[%get3A_191, %get3A_192] {strides = array<i32>} : memref<80x128xf32, #tpu.memory_space<vmem>>, vector<1x16xf32>,
      %get3A_194 = vector.shape_cast %get3A_193 : vector<1x16xf32> to vector<16xf32>
      %get3A_195 = arith.index_cast %scan3A_164 : i32 to index
      %get3A_196 = arith.constant 32 : index
      %get3A_197 = tpu.vector_load %arg13[%get3A_195, %get3A_196] {strides = array<i32>} : memref<80x128xf32, #tpu.memory_space<vmem>>, vector<1x16xf32>,
      %get3A_198 = vector.shape_cast %get3A_197 : vector<1x16xf32> to vector<16xf32>
      %add3A_199 = arith.addf %get3A_194, %get3A_198 : vector<16xf32>
      %swap3A_200 = arith.index_cast %scan3A_164 : i32 to index
      %swap3A_201 = arith.constant 32 : index
      %swap3A_202 = tpu.vector_load %arg11[%swap3A_200, %swap3A_201] {strides = array<i32>} : memref<80x128xf32, #tpu.memory_space<vmem>>, vector<1x16xf32>,
      %swap3A_203 = vector.shape_cast %swap3A_202 : vector<1x16xf32> to vector<16xf32>
      %swap3A_204 = vector.shape_cast %add3A_199 : vector<16xf32> to vector<1x16xf32>
      tpu.vector_store %arg11[%swap3A_200, %swap3A_201], %swap3A_204 {strides = array<i32>} : memref<80x128xf32, #tpu.memory_space<vmem>>, vector<1x16xf32>,
      %get3A_205 = arith.index_cast %scan3A_164 : i32 to index
      %get3A_206 = arith.constant 48 : index
      %get3A_207 = tpu.vector_load %arg11[%get3A_205, %get3A_206] {strides = array<i32>} : memref<80x128xf32, #tpu.memory_space<vmem>>, vector<1x16xf32>,
      %get3A_208 = vector.shape_cast %get3A_207 : vector<1x16xf32> to vector<16xf32>
      %get3A_209 = arith.index_cast %scan3A_164 : i32 to index
      %get3A_210 = arith.constant 48 : index
      %get3A_211 = tpu.vector_load %arg13[%get3A_209, %get3A_210] {strides = array<i32>} : memref<80x128xf32, #tpu.memory_space<vmem>>, vector<1x16xf32>,
      %get3A_212 = vector.shape_cast %get3A_211 : vector<1x16xf32> to vector<16xf32>
      %add3A_213 = arith.addf %get3A_208, %get3A_212 : vector<16xf32>
      %swap3A_214 = arith.index_cast %scan3A_164 : i32 to index
      %swap3A_215 = arith.constant 48 : index
      %swap3A_216 = tpu.vector_load %arg11[%swap3A_214, %swap3A_215] {strides = array<i32>} : memref<80x128xf32, #tpu.memory_space<vmem>>, vector<1x16xf32>,
      %swap3A_217 = vector.shape_cast %swap3A_216 : vector<1x16xf32> to vector<16xf32>
      %swap3A_218 = vector.shape_cast %add3A_213 : vector<16xf32> to vector<1x16xf32>
      tpu.vector_store %arg11[%swap3A_214, %swap3A_215], %swap3A_218 {strides = array<i32>} : memref<80x128xf32, #tpu.memory_space<vmem>>, vector<1x16xf32>,
      %get3A_219 = arith.index_cast %scan3A_164 : i32 to index
      %get3A_220 = arith.constant 64 : index
      %get3A_221 = tpu.vector_load %arg11[%get3A_219, %get3A_220] {strides = array<i32>} : memref<80x128xf32, #tpu.memory_space<vmem>>, vector<1x16xf32>,
      %get3A_222 = vector.shape_cast %get3A_221 : vector<1x16xf32> to vector<16xf32>
      %get3A_223 = arith.index_cast %scan3A_164 : i32 to index
      %get3A_224 = arith.constant 64 : index
      %get3A_225 = tpu.vector_load %arg13[%get3A_223, %get3A_224] {strides = array<i32>} : memref<80x128xf32, #tpu.memory_space<vmem>>, vector<1x16xf32>,
      %get3A_226 = vector.shape_cast %get3A_225 : vector<1x16xf32> to vector<16xf32>
      %add3A_227 = arith.addf %get3A_222, %get3A_226 : vector<16xf32>
      %swap3A_228 = arith.index_cast %scan3A_164 : i32 to index
      %swap3A_229 = arith.constant 64 : index
      %swap3A_230 = tpu.vector_load %arg11[%swap3A_228, %swap3A_229] {strides = array<i32>} : memref<80x128xf32, #tpu.memory_space<vmem>>, vector<1x16xf32>,
      %swap3A_231 = vector.shape_cast %swap3A_230 : vector<1x16xf32> to vector<16xf32>
      %swap3A_232 = vector.shape_cast %add3A_227 : vector<16xf32> to vector<1x16xf32>
      tpu.vector_store %arg11[%swap3A_228, %swap3A_229], %swap3A_232 {strides = array<i32>} : memref<80x128xf32, #tpu.memory_space<vmem>>, vector<1x16xf32>,
      %get3A_233 = arith.index_cast %scan3A_164 : i32 to index
      %get3A_234 = arith.constant 80 : index
      %get3A_235 = tpu.vector_load %arg11[%get3A_233, %get3A_234] {strides = array<i32>} : memref<80x128xf32, #tpu.memory_space<vmem>>, vector<1x16xf32>,
      %get3A_236 = vector.shape_cast %get3A_235 : vector<1x16xf32> to vector<16xf32>
      %get3A_237 = arith.index_cast %scan3A_164 : i32 to index
      %get3A_238 = arith.constant 80 : index
      %get3A_239 = tpu.vector_load %arg13[%get3A_237, %get3A_238] {strides = array<i32>} : memref<80x128xf32, #tpu.memory_space<vmem>>, vector<1x16xf32>,
      %get3A_240 = vector.shape_cast %get3A_239 : vector<1x16xf32> to vector<16xf32>
      %add3A_241 = arith.addf %get3A_236, %get3A_240 : vector<16xf32>
      %swap3A_242 = arith.index_cast %scan3A_164 : i32 to index
      %swap3A_243 = arith.constant 80 : index
      %swap3A_244 = tpu.vector_load %arg11[%swap3A_242, %swap3A_243] {strides = array<i32>} : memref<80x128xf32, #tpu.memory_space<vmem>>, vector<1x16xf32>,
      %swap3A_245 = vector.shape_cast %swap3A_244 : vector<1x16xf32> to vector<16xf32>
      %swap3A_246 = vector.shape_cast %add3A_241 : vector<16xf32> to vector<1x16xf32>
      tpu.vector_store %arg11[%swap3A_242, %swap3A_243], %swap3A_246 {strides = array<i32>} : memref<80x128xf32, #tpu.memory_space<vmem>>, vector<1x16xf32>,
      %get3A_247 = arith.index_cast %scan3A_164 : i32 to index
      %get3A_248 = arith.constant 96 : index
      %get3A_249 = tpu.vector_load %arg11[%get3A_247, %get3A_248] {strides = array<i32>} : memref<80x128xf32, #tpu.memory_space<vmem>>, vector<1x16xf32>,
      %get3A_250 = vector.shape_cast %get3A_249 : vector<1x16xf32> to vector<16xf32>
      %get3A_251 = arith.index_cast %scan3A_164 : i32 to index
      %get3A_252 = arith.constant 96 : index
      %get3A_253 = tpu.vector_load %arg13[%get3A_251, %get3A_252] {strides = array<i32>} : memref<80x128xf32, #tpu.memory_space<vmem>>, vector<1x16xf32>,
      %get3A_254 = vector.shape_cast %get3A_253 : vector<1x16xf32> to vector<16xf32>
      %add3A_255 = arith.addf %get3A_250, %get3A_254 : vector<16xf32>
      %swap3A_256 = arith.index_cast %scan3A_164 : i32 to index
      %swap3A_257 = arith.constant 96 : index
      %swap3A_258 = tpu.vector_load %arg11[%swap3A_256, %swap3A_257] {strides = array<i32>} : memref<80x128xf32, #tpu.memory_space<vmem>>, vector<1x16xf32>,
      %swap3A_259 = vector.shape_cast %swap3A_258 : vector<1x16xf32> to vector<16xf32>
      %swap3A_260 = vector.shape_cast %add3A_255 : vector<16xf32> to vector<1x16xf32>
      tpu.vector_store %arg11[%swap3A_256, %swap3A_257], %swap3A_260 {strides = array<i32>} : memref<80x128xf32, #tpu.memory_space<vmem>>, vector<1x16xf32>,
      %get3A_261 = arith.index_cast %scan3A_164 : i32 to index
      %get3A_262 = arith.constant 112 : index
      %get3A_263 = tpu.vector_load %arg11[%get3A_261, %get3A_262] {strides = array<i32>} : memref<80x128xf32, #tpu.memory_space<vmem>>, vector<1x16xf32>,
      %get3A_264 = vector.shape_cast %get3A_263 : vector<1x16xf32> to vector<16xf32>
      %get3A_265 = arith.index_cast %scan3A_164 : i32 to index
      %get3A_266 = arith.constant 112 : index
      %get3A_267 = tpu.vector_load %arg13[%get3A_265, %get3A_266] {strides = array<i32>} : memref<80x128xf32, #tpu.memory_space<vmem>>, vector<1x16xf32>,
      %get3A_268 = vector.shape_cast %get3A_267 : vector<1x16xf32> to vector<16xf32>
      %add3A_269 = arith.addf %get3A_264, %get3A_268 : vector<16xf32>
      %swap3A_270 = arith.index_cast %scan3A_164 : i32 to index
      %swap3A_271 = arith.constant 112 : index
      %swap3A_272 = tpu.vector_load %arg11[%swap3A_270, %swap3A_271] {strides = array<i32>} : memref<80x128xf32, #tpu.memory_space<vmem>>, vector<1x16xf32>,
      %swap3A_273 = vector.shape_cast %swap3A_272 : vector<1x16xf32> to vector<16xf32>
      %swap3A_274 = vector.shape_cast %add3A_269 : vector<16xf32> to vector<1x16xf32>
      tpu.vector_store %arg11[%swap3A_270, %swap3A_271], %swap3A_274 {strides = array<i32>} : memref<80x128xf32, #tpu.memory_space<vmem>>, vector<1x16xf32>,
    }
    %scan3A_47 = arith.constant 80 : i32
    %add3A_48 = arith.constant 0 : i32
    %add3A_49 = arith.addi %mul3A_6, %add3A_48 : i32
    %dma_start3A_50 = arith.constant 0 : i32
    %dma_start3A_51 = tpu.memref_slice %arg6[%add3A_49, %dma_start3A_50] : memref<128000x128xf32, #tpu.memory_space<hbm>> -> memref<80x128xf32, #tpu.memory_space<hbm>>
    %dma_start3A_52 = arith.constant 0 : i32
    %dma_start3A_53 = tpu.memref_slice %arg6[%add3A_49, %dma_start3A_52] : memref<128000x128xf32, #tpu.memory_space<hbm>> -> memref<80x128xf32, #tpu.memory_space<hbm>>
    tpu.enqueue_dma source(%arg11 : memref<80x128xf32, #tpu.memory_space<vmem>>) target(%dma_start3A_53 : memref<80x128xf32, #tpu.memory_space<hbm>>) target_semaphore(%arg19 : memref<!tpu.dma_semaphore, #tpu.memory_space<semaphore_mem>>)
    %scan3A_54 = arith.constant 0 : i32
    %scan3A_55 = arith.constant 0 : i32
    %scan3A_56 = arith.constant 23 : i32
    %scan3A_57 = arith.addi %scan3A_55, %scan3A_56 : i32
    %scan3A_58 = arith.constant 1 : i32
    scf.for %scan3A_164 = %scan3A_55 to %scan3A_57 step %scan3A_58  : i32 {
      %mul3A_165 = arith.constant 2 : i32
      %mul3A_166 = arith.muli %mul3A_165, %scan3A_164 : i32
      %add3A_167 = arith.constant 1 : i32
      %add3A_168 = arith.addi %mul3A_166, %add3A_167 : i32
      %dma_wait3A_169 = arith.constant 0 : i32
      %dma_wait3A_170 = arith.constant 0 : i32
      %dma_wait3A_171 = tpu.memref_slice %arg2[%dma_wait3A_169, %dma_wait3A_170] : memref<10000x128xf32, #tpu.memory_space<hbm>> -> memref<10000x128xf32, #tpu.memory_space<hbm>>
      tpu.wait_indirect_dma semaphore(%arg18 : memref<!tpu.dma_semaphore, #tpu.memory_space<semaphore_mem>>) src(%dma_wait3A_171 : memref<10000x128xf32, #tpu.memory_space<hbm>>) dst(%arg12 : memref<80x128xf32, #tpu.memory_space<vmem>>)
      %dma_wait3A_172 = arith.constant 0 : i32
      %dma_wait3A_173 = arith.constant 0 : i32
      %dma_wait3A_174 = tpu.memref_slice %arg3[%dma_wait3A_172, %dma_wait3A_173] : memref<10000x128xf32, #tpu.memory_space<hbm>> -> memref<10000x128xf32, #tpu.memory_space<hbm>>
      tpu.wait_indirect_dma semaphore(%arg18 : memref<!tpu.dma_semaphore, #tpu.memory_space<semaphore_mem>>) src(%dma_wait3A_174 : memref<10000x128xf32, #tpu.memory_space<hbm>>) dst(%arg14 : memref<80x128xf32, #tpu.memory_space<vmem>>)
      %add3A_175 = arith.constant 2 : i32
      %add3A_176 = arith.addi %add3A_168, %add3A_175 : i32
      %mul3A_177 = arith.constant 80 : i32
      %mul3A_178 = arith.muli %add3A_176, %mul3A_177 : i32
      %add3A_179 = arith.addi %add3A_4, %mul3A_178 : i32
      %dma_start3A_180 = tpu.memref_slice %arg4[%add3A_179] : memref<320000xi32, #tpu.memory_space<hbm>> -> memref<80xi32, #tpu.memory_space<hbm>>
      %dma_start3A_181 = tpu.memref_slice %arg4[%add3A_179] : memref<320000xi32, #tpu.memory_space<hbm>> -> memref<80xi32, #tpu.memory_space<hbm>>
      tpu.enqueue_dma source(%dma_start3A_181 : memref<80xi32, #tpu.memory_space<hbm>>) target(%arg8 : memref<80xi32, #tpu.memory_space<vmem>>) target_semaphore(%arg16 : memref<!tpu.dma_semaphore, #tpu.memory_space<semaphore_mem>>)
      %dma_start3A_182 = tpu.memref_slice %arg5[%add3A_179] : memref<320000xi32, #tpu.memory_space<hbm>> -> memref<80xi32, #tpu.memory_space<hbm>>
      %dma_start3A_183 = tpu.memref_slice %arg5[%add3A_179] : memref<320000xi32, #tpu.memory_space<hbm>> -> memref<80xi32, #tpu.memory_space<hbm>>
      tpu.enqueue_dma source(%dma_start3A_183 : memref<80xi32, #tpu.memory_space<hbm>>) target(%arg10 : memref<80xi32, #tpu.memory_space<vmem>>) target_semaphore(%arg16 : memref<!tpu.dma_semaphore, #tpu.memory_space<semaphore_mem>>)
      %dma_wait3A_184 = arith.constant 0 : i32
      %dma_wait3A_185 = tpu.memref_slice %arg6[%mul3A_6, %dma_wait3A_184] : memref<128000x128xf32, #tpu.memory_space<hbm>> -> memref<80x128xf32, #tpu.memory_space<hbm>>
      %dma_wait3A_186 = arith.constant 0 : i32
      %dma_wait3A_187 = tpu.memref_slice %arg6[%mul3A_6, %dma_wait3A_186] : memref<128000x128xf32, #tpu.memory_space<hbm>> -> memref<80x128xf32, #tpu.memory_space<hbm>>
      tpu.wait_dma2 semaphore(%arg19 : memref<!tpu.dma_semaphore, #tpu.memory_space<semaphore_mem>>) src(%arg11 : memref<80x128xf32, #tpu.memory_space<vmem>>) dst(%dma_wait3A_187 : memref<80x128xf32, #tpu.memory_space<hbm>>)
      %dma_wait3A_188 = arith.constant 0 : i32
      %dma_wait3A_189 = tpu.memref_slice %arg4[%dma_wait3A_188] : memref<320000xi32, #tpu.memory_space<hbm>> -> memref<80xi32, #tpu.memory_space<hbm>>
      %dma_wait3A_190 = arith.constant 0 : i32
      %dma_wait3A_191 = tpu.memref_slice %arg4[%dma_wait3A_190] : memref<320000xi32, #tpu.memory_space<hbm>> -> memref<80xi32, #tpu.memory_space<hbm>>
      tpu.wait_dma2 semaphore(%arg15 : memref<!tpu.dma_semaphore, #tpu.memory_space<semaphore_mem>>) src(%dma_wait3A_191 : memref<80xi32, #tpu.memory_space<hbm>>) dst(%arg7 : memref<80xi32, #tpu.memory_space<vmem>>)
      %dma_wait3A_192 = arith.constant 0 : i32
      %dma_wait3A_193 = tpu.memref_slice %arg5[%dma_wait3A_192] : memref<320000xi32, #tpu.memory_space<hbm>> -> memref<80xi32, #tpu.memory_space<hbm>>
      %dma_wait3A_194 = arith.constant 0 : i32
      %dma_wait3A_195 = tpu.memref_slice %arg5[%dma_wait3A_194] : memref<320000xi32, #tpu.memory_space<hbm>> -> memref<80xi32, #tpu.memory_space<hbm>>
      tpu.wait_dma2 semaphore(%arg15 : memref<!tpu.dma_semaphore, #tpu.memory_space<semaphore_mem>>) src(%dma_wait3A_195 : memref<80xi32, #tpu.memory_space<hbm>>) dst(%arg9 : memref<80xi32, #tpu.memory_space<vmem>>)
      %dma_start3A_196 = arith.constant 0 : i32
      %dma_start3A_197 = arith.constant 0 : i32
      %dma_start3A_198 = tpu.memref_slice %arg2[%dma_start3A_196, %dma_start3A_197] : memref<10000x128xf32, #tpu.memory_space<hbm>> -> memref<10000x128xf32, #tpu.memory_space<hbm>>
      tpu.enqueue_indirect_dma source(%dma_start3A_198 : memref<10000x128xf32, #tpu.memory_space<hbm>>) target(%arg11 : memref<80x128xf32, #tpu.memory_space<vmem>>) offsets(%arg7 : memref<80xi32, #tpu.memory_space<vmem>>) semaphore(%arg17 : memref<!tpu.dma_semaphore, #tpu.memory_space<semaphore_mem>>)
      %dma_start3A_199 = arith.constant 0 : i32
      %dma_start3A_200 = arith.constant 0 : i32
      %dma_start3A_201 = tpu.memref_slice %arg3[%dma_start3A_199, %dma_start3A_200] : memref<10000x128xf32, #tpu.memory_space<hbm>> -> memref<10000x128xf32, #tpu.memory_space<hbm>>
      tpu.enqueue_indirect_dma source(%dma_start3A_201 : memref<10000x128xf32, #tpu.memory_space<hbm>>) target(%arg13 : memref<80x128xf32, #tpu.memory_space<vmem>>) offsets(%arg9 : memref<80xi32, #tpu.memory_space<vmem>>) semaphore(%arg17 : memref<!tpu.dma_semaphore, #tpu.memory_space<semaphore_mem>>)
      %scan3A_202 = arith.constant 0 : i32
      %scan3A_203 = arith.constant 0 : i32
      %scan3A_204 = arith.constant 80 : i32
      %scan3A_205 = arith.addi %scan3A_203, %scan3A_204 : i32
      %scan3A_206 = arith.constant 1 : i32
      scf.for %scan3A_263 = %scan3A_203 to %scan3A_205 step %scan3A_206  : i32 {
        %get3A = arith.index_cast %scan3A_263 : i32 to index
        %get3A_264 = arith.constant 0 : index
        %get3A_265 = tpu.vector_load %arg12[%get3A, %get3A_264] {strides = array<i32>} : memref<80x128xf32, #tpu.memory_space<vmem>>, vector<1x16xf32>,
        %get3A_266 = vector.shape_cast %get3A_265 : vector<1x16xf32> to vector<16xf32>
        %get3A_267 = arith.index_cast %scan3A_263 : i32 to index
        %get3A_268 = arith.constant 0 : index
        %get3A_269 = tpu.vector_load %arg14[%get3A_267, %get3A_268] {strides = array<i32>} : memref<80x128xf32, #tpu.memory_space<vmem>>, vector<1x16xf32>,
        %get3A_270 = vector.shape_cast %get3A_269 : vector<1x16xf32> to vector<16xf32>
        %add3A_271 = arith.addf %get3A_266, %get3A_270 : vector<16xf32>
        %swap3A = arith.index_cast %scan3A_263 : i32 to index
        %swap3A_272 = arith.constant 0 : index
        %swap3A_273 = tpu.vector_load %arg12[%swap3A, %swap3A_272] {strides = array<i32>} : memref<80x128xf32, #tpu.memory_space<vmem>>, vector<1x16xf32>,
        %swap3A_274 = vector.shape_cast %swap3A_273 : vector<1x16xf32> to vector<16xf32>
        %swap3A_275 = vector.shape_cast %add3A_271 : vector<16xf32> to vector<1x16xf32>
        tpu.vector_store %arg12[%swap3A, %swap3A_272], %swap3A_275 {strides = array<i32>} : memref<80x128xf32, #tpu.memory_space<vmem>>, vector<1x16xf32>,
        %get3A_276 = arith.index_cast %scan3A_263 : i32 to index
        %get3A_277 = arith.constant 16 : index
        %get3A_278 = tpu.vector_load %arg12[%get3A_276, %get3A_277] {strides = array<i32>} : memref<80x128xf32, #tpu.memory_space<vmem>>, vector<1x16xf32>,
        %get3A_279 = vector.shape_cast %get3A_278 : vector<1x16xf32> to vector<16xf32>
        %get3A_280 = arith.index_cast %scan3A_263 : i32 to index
        %get3A_281 = arith.constant 16 : index
        %get3A_282 = tpu.vector_load %arg14[%get3A_280, %get3A_281] {strides = array<i32>} : memref<80x128xf32, #tpu.memory_space<vmem>>, vector<1x16xf32>,
        %get3A_283 = vector.shape_cast %get3A_282 : vector<1x16xf32> to vector<16xf32>
        %add3A_284 = arith.addf %get3A_279, %get3A_283 : vector<16xf32>
        %swap3A_285 = arith.index_cast %scan3A_263 : i32 to index
        %swap3A_286 = arith.constant 16 : index
        %swap3A_287 = tpu.vector_load %arg12[%swap3A_285, %swap3A_286] {strides = array<i32>} : memref<80x128xf32, #tpu.memory_space<vmem>>, vector<1x16xf32>,
        %swap3A_288 = vector.shape_cast %swap3A_287 : vector<1x16xf32> to vector<16xf32>
        %swap3A_289 = vector.shape_cast %add3A_284 : vector<16xf32> to vector<1x16xf32>
        tpu.vector_store %arg12[%swap3A_285, %swap3A_286], %swap3A_289 {strides = array<i32>} : memref<80x128xf32, #tpu.memory_space<vmem>>, vector<1x16xf32>,
        %get3A_290 = arith.index_cast %scan3A_263 : i32 to index
        %get3A_291 = arith.constant 32 : index
        %get3A_292 = tpu.vector_load %arg12[%get3A_290, %get3A_291] {strides = array<i32>} : memref<80x128xf32, #tpu.memory_space<vmem>>, vector<1x16xf32>,
        %get3A_293 = vector.shape_cast %get3A_292 : vector<1x16xf32> to vector<16xf32>
        %get3A_294 = arith.index_cast %scan3A_263 : i32 to index
        %get3A_295 = arith.constant 32 : index
        %get3A_296 = tpu.vector_load %arg14[%get3A_294, %get3A_295] {strides = array<i32>} : memref<80x128xf32, #tpu.memory_space<vmem>>, vector<1x16xf32>,
        %get3A_297 = vector.shape_cast %get3A_296 : vector<1x16xf32> to vector<16xf32>
        %add3A_298 = arith.addf %get3A_293, %get3A_297 : vector<16xf32>
        %swap3A_299 = arith.index_cast %scan3A_263 : i32 to index
        %swap3A_300 = arith.constant 32 : index
        %swap3A_301 = tpu.vector_load %arg12[%swap3A_299, %swap3A_300] {strides = array<i32>} : memref<80x128xf32, #tpu.memory_space<vmem>>, vector<1x16xf32>,
        %swap3A_302 = vector.shape_cast %swap3A_301 : vector<1x16xf32> to vector<16xf32>
        %swap3A_303 = vector.shape_cast %add3A_298 : vector<16xf32> to vector<1x16xf32>
        tpu.vector_store %arg12[%swap3A_299, %swap3A_300], %swap3A_303 {strides = array<i32>} : memref<80x128xf32, #tpu.memory_space<vmem>>, vector<1x16xf32>,
        %get3A_304 = arith.index_cast %scan3A_263 : i32 to index
        %get3A_305 = arith.constant 48 : index
        %get3A_306 = tpu.vector_load %arg12[%get3A_304, %get3A_305] {strides = array<i32>} : memref<80x128xf32, #tpu.memory_space<vmem>>, vector<1x16xf32>,
        %get3A_307 = vector.shape_cast %get3A_306 : vector<1x16xf32> to vector<16xf32>
        %get3A_308 = arith.index_cast %scan3A_263 : i32 to index
        %get3A_309 = arith.constant 48 : index
        %get3A_310 = tpu.vector_load %arg14[%get3A_308, %get3A_309] {strides = array<i32>} : memref<80x128xf32, #tpu.memory_space<vmem>>, vector<1x16xf32>,
        %get3A_311 = vector.shape_cast %get3A_310 : vector<1x16xf32> to vector<16xf32>
        %add3A_312 = arith.addf %get3A_307, %get3A_311 : vector<16xf32>
        %swap3A_313 = arith.index_cast %scan3A_263 : i32 to index
        %swap3A_314 = arith.constant 48 : index
        %swap3A_315 = tpu.vector_load %arg12[%swap3A_313, %swap3A_314] {strides = array<i32>} : memref<80x128xf32, #tpu.memory_space<vmem>>, vector<1x16xf32>,
        %swap3A_316 = vector.shape_cast %swap3A_315 : vector<1x16xf32> to vector<16xf32>
        %swap3A_317 = vector.shape_cast %add3A_312 : vector<16xf32> to vector<1x16xf32>
        tpu.vector_store %arg12[%swap3A_313, %swap3A_314], %swap3A_317 {strides = array<i32>} : memref<80x128xf32, #tpu.memory_space<vmem>>, vector<1x16xf32>,
        %get3A_318 = arith.index_cast %scan3A_263 : i32 to index
        %get3A_319 = arith.constant 64 : index
        %get3A_320 = tpu.vector_load %arg12[%get3A_318, %get3A_319] {strides = array<i32>} : memref<80x128xf32, #tpu.memory_space<vmem>>, vector<1x16xf32>,
        %get3A_321 = vector.shape_cast %get3A_320 : vector<1x16xf32> to vector<16xf32>
        %get3A_322 = arith.index_cast %scan3A_263 : i32 to index
        %get3A_323 = arith.constant 64 : index
        %get3A_324 = tpu.vector_load %arg14[%get3A_322, %get3A_323] {strides = array<i32>} : memref<80x128xf32, #tpu.memory_space<vmem>>, vector<1x16xf32>,
        %get3A_325 = vector.shape_cast %get3A_324 : vector<1x16xf32> to vector<16xf32>
        %add3A_326 = arith.addf %get3A_321, %get3A_325 : vector<16xf32>
        %swap3A_327 = arith.index_cast %scan3A_263 : i32 to index
        %swap3A_328 = arith.constant 64 : index
        %swap3A_329 = tpu.vector_load %arg12[%swap3A_327, %swap3A_328] {strides = array<i32>} : memref<80x128xf32, #tpu.memory_space<vmem>>, vector<1x16xf32>,
        %swap3A_330 = vector.shape_cast %swap3A_329 : vector<1x16xf32> to vector<16xf32>
        %swap3A_331 = vector.shape_cast %add3A_326 : vector<16xf32> to vector<1x16xf32>
        tpu.vector_store %arg12[%swap3A_327, %swap3A_328], %swap3A_331 {strides = array<i32>} : memref<80x128xf32, #tpu.memory_space<vmem>>, vector<1x16xf32>,
        %get3A_332 = arith.index_cast %scan3A_263 : i32 to index
        %get3A_333 = arith.constant 80 : index
        %get3A_334 = tpu.vector_load %arg12[%get3A_332, %get3A_333] {strides = array<i32>} : memref<80x128xf32, #tpu.memory_space<vmem>>, vector<1x16xf32>,
        %get3A_335 = vector.shape_cast %get3A_334 : vector<1x16xf32> to vector<16xf32>
        %get3A_336 = arith.index_cast %scan3A_263 : i32 to index
        %get3A_337 = arith.constant 80 : index
        %get3A_338 = tpu.vector_load %arg14[%get3A_336, %get3A_337] {strides = array<i32>} : memref<80x128xf32, #tpu.memory_space<vmem>>, vector<1x16xf32>,
        %get3A_339 = vector.shape_cast %get3A_338 : vector<1x16xf32> to vector<16xf32>
        %add3A_340 = arith.addf %get3A_335, %get3A_339 : vector<16xf32>
        %swap3A_341 = arith.index_cast %scan3A_263 : i32 to index
        %swap3A_342 = arith.constant 80 : index
        %swap3A_343 = tpu.vector_load %arg12[%swap3A_341, %swap3A_342] {strides = array<i32>} : memref<80x128xf32, #tpu.memory_space<vmem>>, vector<1x16xf32>,
        %swap3A_344 = vector.shape_cast %swap3A_343 : vector<1x16xf32> to vector<16xf32>
        %swap3A_345 = vector.shape_cast %add3A_340 : vector<16xf32> to vector<1x16xf32>
        tpu.vector_store %arg12[%swap3A_341, %swap3A_342], %swap3A_345 {strides = array<i32>} : memref<80x128xf32, #tpu.memory_space<vmem>>, vector<1x16xf32>,
        %get3A_346 = arith.index_cast %scan3A_263 : i32 to index
        %get3A_347 = arith.constant 96 : index
        %get3A_348 = tpu.vector_load %arg12[%get3A_346, %get3A_347] {strides = array<i32>} : memref<80x128xf32, #tpu.memory_space<vmem>>, vector<1x16xf32>,
        %get3A_349 = vector.shape_cast %get3A_348 : vector<1x16xf32> to vector<16xf32>
        %get3A_350 = arith.index_cast %scan3A_263 : i32 to index
        %get3A_351 = arith.constant 96 : index
        %get3A_352 = tpu.vector_load %arg14[%get3A_350, %get3A_351] {strides = array<i32>} : memref<80x128xf32, #tpu.memory_space<vmem>>, vector<1x16xf32>,
        %get3A_353 = vector.shape_cast %get3A_352 : vector<1x16xf32> to vector<16xf32>
        %add3A_354 = arith.addf %get3A_349, %get3A_353 : vector<16xf32>
        %swap3A_355 = arith.index_cast %scan3A_263 : i32 to index
        %swap3A_356 = arith.constant 96 : index
        %swap3A_357 = tpu.vector_load %arg12[%swap3A_355, %swap3A_356] {strides = array<i32>} : memref<80x128xf32, #tpu.memory_space<vmem>>, vector<1x16xf32>,
        %swap3A_358 = vector.shape_cast %swap3A_357 : vector<1x16xf32> to vector<16xf32>
        %swap3A_359 = vector.shape_cast %add3A_354 : vector<16xf32> to vector<1x16xf32>
        tpu.vector_store %arg12[%swap3A_355, %swap3A_356], %swap3A_359 {strides = array<i32>} : memref<80x128xf32, #tpu.memory_space<vmem>>, vector<1x16xf32>,
        %get3A_360 = arith.index_cast %scan3A_263 : i32 to index
        %get3A_361 = arith.constant 112 : index
        %get3A_362 = tpu.vector_load %arg12[%get3A_360, %get3A_361] {strides = array<i32>} : memref<80x128xf32, #tpu.memory_space<vmem>>, vector<1x16xf32>,
        %get3A_363 = vector.shape_cast %get3A_362 : vector<1x16xf32> to vector<16xf32>
        %get3A_364 = arith.index_cast %scan3A_263 : i32 to index
        %get3A_365 = arith.constant 112 : index
        %get3A_366 = tpu.vector_load %arg14[%get3A_364, %get3A_365] {strides = array<i32>} : memref<80x128xf32, #tpu.memory_space<vmem>>, vector<1x16xf32>,
        %get3A_367 = vector.shape_cast %get3A_366 : vector<1x16xf32> to vector<16xf32>
        %add3A_368 = arith.addf %get3A_363, %get3A_367 : vector<16xf32>
        %swap3A_369 = arith.index_cast %scan3A_263 : i32 to index
        %swap3A_370 = arith.constant 112 : index
        %swap3A_371 = tpu.vector_load %arg12[%swap3A_369, %swap3A_370] {strides = array<i32>} : memref<80x128xf32, #tpu.memory_space<vmem>>, vector<1x16xf32>,
        %swap3A_372 = vector.shape_cast %swap3A_371 : vector<1x16xf32> to vector<16xf32>
        %swap3A_373 = vector.shape_cast %add3A_368 : vector<16xf32> to vector<1x16xf32>
        tpu.vector_store %arg12[%swap3A_369, %swap3A_370], %swap3A_373 {strides = array<i32>} : memref<80x128xf32, #tpu.memory_space<vmem>>, vector<1x16xf32>,
      }
      %scan3A_207 = arith.constant 80 : i32
      %mul3A_208 = arith.constant 80 : i32
      %mul3A_209 = arith.muli %add3A_168, %mul3A_208 : i32
      %add3A_210 = arith.addi %mul3A_6, %mul3A_209 : i32
      %dma_start3A_211 = arith.constant 0 : i32
      %dma_start3A_212 = tpu.memref_slice %arg6[%add3A_210, %dma_start3A_211] : memref<128000x128xf32, #tpu.memory_space<hbm>> -> memref<80x128xf32, #tpu.memory_space<hbm>>
      %dma_start3A_213 = arith.constant 0 : i32
      %dma_start3A_214 = tpu.memref_slice %arg6[%add3A_210, %dma_start3A_213] : memref<128000x128xf32, #tpu.memory_space<hbm>> -> memref<80x128xf32, #tpu.memory_space<hbm>>
      tpu.enqueue_dma source(%arg12 : memref<80x128xf32, #tpu.memory_space<vmem>>) target(%dma_start3A_214 : memref<80x128xf32, #tpu.memory_space<hbm>>) target_semaphore(%arg20 : memref<!tpu.dma_semaphore, #tpu.memory_space<semaphore_mem>>)
      %add3A_215 = arith.constant 1 : i32
      %add3A_216 = arith.addi %add3A_168, %add3A_215 : i32
      %dma_wait3A_217 = arith.constant 0 : i32
      %dma_wait3A_218 = arith.constant 0 : i32
      %dma_wait3A_219 = tpu.memref_slice %arg2[%dma_wait3A_217, %dma_wait3A_218] : memref<10000x128xf32, #tpu.memory_space<hbm>> -> memref<10000x128xf32, #tpu.memory_space<hbm>>
      tpu.wait_indirect_dma semaphore(%arg17 : memref<!tpu.dma_semaphore, #tpu.memory_space<semaphore_mem>>) src(%dma_wait3A_219 : memref<10000x128xf32, #tpu.memory_space<hbm>>) dst(%arg11 : memref<80x128xf32, #tpu.memory_space<vmem>>)
      %dma_wait3A_220 = arith.constant 0 : i32
      %dma_wait3A_221 = arith.constant 0 : i32
      %dma_wait3A_222 = tpu.memref_slice %arg3[%dma_wait3A_220, %dma_wait3A_221] : memref<10000x128xf32, #tpu.memory_space<hbm>> -> memref<10000x128xf32, #tpu.memory_space<hbm>>
      tpu.wait_indirect_dma semaphore(%arg17 : memref<!tpu.dma_semaphore, #tpu.memory_space<semaphore_mem>>) src(%dma_wait3A_222 : memref<10000x128xf32, #tpu.memory_space<hbm>>) dst(%arg13 : memref<80x128xf32, #tpu.memory_space<vmem>>)
      %add3A_223 = arith.constant 2 : i32
      %add3A_224 = arith.addi %add3A_216, %add3A_223 : i32
      %mul3A_225 = arith.constant 80 : i32
      %mul3A_226 = arith.muli %add3A_224, %mul3A_225 : i32
      %add3A_227 = arith.addi %add3A_4, %mul3A_226 : i32
      %dma_start3A_228 = tpu.memref_slice %arg4[%add3A_227] : memref<320000xi32, #tpu.memory_space<hbm>> -> memref<80xi32, #tpu.memory_space<hbm>>
      %dma_start3A_229 = tpu.memref_slice %arg4[%add3A_227] : memref<320000xi32, #tpu.memory_space<hbm>> -> memref<80xi32, #tpu.memory_space<hbm>>
      tpu.enqueue_dma source(%dma_start3A_229 : memref<80xi32, #tpu.memory_space<hbm>>) target(%arg7 : memref<80xi32, #tpu.memory_space<vmem>>) target_semaphore(%arg15 : memref<!tpu.dma_semaphore, #tpu.memory_space<semaphore_mem>>)
      %dma_start3A_230 = tpu.memref_slice %arg5[%add3A_227] : memref<320000xi32, #tpu.memory_space<hbm>> -> memref<80xi32, #tpu.memory_space<hbm>>
      %dma_start3A_231 = tpu.memref_slice %arg5[%add3A_227] : memref<320000xi32, #tpu.memory_space<hbm>> -> memref<80xi32, #tpu.memory_space<hbm>>
      tpu.enqueue_dma source(%dma_start3A_231 : memref<80xi32, #tpu.memory_space<hbm>>) target(%arg9 : memref<80xi32, #tpu.memory_space<vmem>>) target_semaphore(%arg15 : memref<!tpu.dma_semaphore, #tpu.memory_space<semaphore_mem>>)
      %dma_wait3A_232 = arith.constant 0 : i32
      %dma_wait3A_233 = tpu.memref_slice %arg6[%mul3A_6, %dma_wait3A_232] : memref<128000x128xf32, #tpu.memory_space<hbm>> -> memref<80x128xf32, #tpu.memory_space<hbm>>
      %dma_wait3A_234 = arith.constant 0 : i32
      %dma_wait3A_235 = tpu.memref_slice %arg6[%mul3A_6, %dma_wait3A_234] : memref<128000x128xf32, #tpu.memory_space<hbm>> -> memref<80x128xf32, #tpu.memory_space<hbm>>
      tpu.wait_dma2 semaphore(%arg20 : memref<!tpu.dma_semaphore, #tpu.memory_space<semaphore_mem>>) src(%arg12 : memref<80x128xf32, #tpu.memory_space<vmem>>) dst(%dma_wait3A_235 : memref<80x128xf32, #tpu.memory_space<hbm>>)
      %dma_wait3A_236 = arith.constant 0 : i32
      %dma_wait3A_237 = tpu.memref_slice %arg4[%dma_wait3A_236] : memref<320000xi32, #tpu.memory_space<hbm>> -> memref<80xi32, #tpu.memory_space<hbm>>
      %dma_wait3A_238 = arith.constant 0 : i32
      %dma_wait3A_239 = tpu.memref_slice %arg4[%dma_wait3A_238] : memref<320000xi32, #tpu.memory_space<hbm>> -> memref<80xi32, #tpu.memory_space<hbm>>
      tpu.wait_dma2 semaphore(%arg16 : memref<!tpu.dma_semaphore, #tpu.memory_space<semaphore_mem>>) src(%dma_wait3A_239 : memref<80xi32, #tpu.memory_space<hbm>>) dst(%arg8 : memref<80xi32, #tpu.memory_space<vmem>>)
      %dma_wait3A_240 = arith.constant 0 : i32
      %dma_wait3A_241 = tpu.memref_slice %arg5[%dma_wait3A_240] : memref<320000xi32, #tpu.memory_space<hbm>> -> memref<80xi32, #tpu.memory_space<hbm>>
      %dma_wait3A_242 = arith.constant 0 : i32
      %dma_wait3A_243 = tpu.memref_slice %arg5[%dma_wait3A_242] : memref<320000xi32, #tpu.memory_space<hbm>> -> memref<80xi32, #tpu.memory_space<hbm>>
      tpu.wait_dma2 semaphore(%arg16 : memref<!tpu.dma_semaphore, #tpu.memory_space<semaphore_mem>>) src(%dma_wait3A_243 : memref<80xi32, #tpu.memory_space<hbm>>) dst(%arg10 : memref<80xi32, #tpu.memory_space<vmem>>)
      %dma_start3A_244 = arith.constant 0 : i32
      %dma_start3A_245 = arith.constant 0 : i32
      %dma_start3A_246 = tpu.memref_slice %arg2[%dma_start3A_244, %dma_start3A_245] : memref<10000x128xf32, #tpu.memory_space<hbm>> -> memref<10000x128xf32, #tpu.memory_space<hbm>>
      tpu.enqueue_indirect_dma source(%dma_start3A_246 : memref<10000x128xf32, #tpu.memory_space<hbm>>) target(%arg12 : memref<80x128xf32, #tpu.memory_space<vmem>>) offsets(%arg8 : memref<80xi32, #tpu.memory_space<vmem>>) semaphore(%arg18 : memref<!tpu.dma_semaphore, #tpu.memory_space<semaphore_mem>>)
      %dma_start3A_247 = arith.constant 0 : i32
      %dma_start3A_248 = arith.constant 0 : i32
      %dma_start3A_249 = tpu.memref_slice %arg3[%dma_start3A_247, %dma_start3A_248] : memref<10000x128xf32, #tpu.memory_space<hbm>> -> memref<10000x128xf32, #tpu.memory_space<hbm>>
      tpu.enqueue_indirect_dma source(%dma_start3A_249 : memref<10000x128xf32, #tpu.memory_space<hbm>>) target(%arg14 : memref<80x128xf32, #tpu.memory_space<vmem>>) offsets(%arg10 : memref<80xi32, #tpu.memory_space<vmem>>) semaphore(%arg18 : memref<!tpu.dma_semaphore, #tpu.memory_space<semaphore_mem>>)
      %scan3A_250 = arith.constant 0 : i32
      %scan3A_251 = arith.constant 0 : i32
      %scan3A_252 = arith.constant 80 : i32
      %scan3A_253 = arith.addi %scan3A_251, %scan3A_252 : i32
      %scan3A_254 = arith.constant 1 : i32
      scf.for %scan3A_263 = %scan3A_251 to %scan3A_253 step %scan3A_254  : i32 {
        %get3A = arith.index_cast %scan3A_263 : i32 to index
        %get3A_264 = arith.constant 0 : index
        %get3A_265 = tpu.vector_load %arg11[%get3A, %get3A_264] {strides = array<i32>} : memref<80x128xf32, #tpu.memory_space<vmem>>, vector<1x16xf32>,
        %get3A_266 = vector.shape_cast %get3A_265 : vector<1x16xf32> to vector<16xf32>
        %get3A_267 = arith.index_cast %scan3A_263 : i32 to index
        %get3A_268 = arith.constant 0 : index
        %get3A_269 = tpu.vector_load %arg13[%get3A_267, %get3A_268] {strides = array<i32>} : memref<80x128xf32, #tpu.memory_space<vmem>>, vector<1x16xf32>,
        %get3A_270 = vector.shape_cast %get3A_269 : vector<1x16xf32> to vector<16xf32>
        %add3A_271 = arith.addf %get3A_266, %get3A_270 : vector<16xf32>
        %swap3A = arith.index_cast %scan3A_263 : i32 to index
        %swap3A_272 = arith.constant 0 : index
        %swap3A_273 = tpu.vector_load %arg11[%swap3A, %swap3A_272] {strides = array<i32>} : memref<80x128xf32, #tpu.memory_space<vmem>>, vector<1x16xf32>,
        %swap3A_274 = vector.shape_cast %swap3A_273 : vector<1x16xf32> to vector<16xf32>
        %swap3A_275 = vector.shape_cast %add3A_271 : vector<16xf32> to vector<1x16xf32>
        tpu.vector_store %arg11[%swap3A, %swap3A_272], %swap3A_275 {strides = array<i32>} : memref<80x128xf32, #tpu.memory_space<vmem>>, vector<1x16xf32>,
        %get3A_276 = arith.index_cast %scan3A_263 : i32 to index
        %get3A_277 = arith.constant 16 : index
        %get3A_278 = tpu.vector_load %arg11[%get3A_276, %get3A_277] {strides = array<i32>} : memref<80x128xf32, #tpu.memory_space<vmem>>, vector<1x16xf32>,
        %get3A_279 = vector.shape_cast %get3A_278 : vector<1x16xf32> to vector<16xf32>
        %get3A_280 = arith.index_cast %scan3A_263 : i32 to index
        %get3A_281 = arith.constant 16 : index
        %get3A_282 = tpu.vector_load %arg13[%get3A_280, %get3A_281] {strides = array<i32>} : memref<80x128xf32, #tpu.memory_space<vmem>>, vector<1x16xf32>,
        %get3A_283 = vector.shape_cast %get3A_282 : vector<1x16xf32> to vector<16xf32>
        %add3A_284 = arith.addf %get3A_279, %get3A_283 : vector<16xf32>
        %swap3A_285 = arith.index_cast %scan3A_263 : i32 to index
        %swap3A_286 = arith.constant 16 : index
        %swap3A_287 = tpu.vector_load %arg11[%swap3A_285, %swap3A_286] {strides = array<i32>} : memref<80x128xf32, #tpu.memory_space<vmem>>, vector<1x16xf32>,
        %swap3A_288 = vector.shape_cast %swap3A_287 : vector<1x16xf32> to vector<16xf32>
        %swap3A_289 = vector.shape_cast %add3A_284 : vector<16xf32> to vector<1x16xf32>
        tpu.vector_store %arg11[%swap3A_285, %swap3A_286], %swap3A_289 {strides = array<i32>} : memref<80x128xf32, #tpu.memory_space<vmem>>, vector<1x16xf32>,
        %get3A_290 = arith.index_cast %scan3A_263 : i32 to index
        %get3A_291 = arith.constant 32 : index
        %get3A_292 = tpu.vector_load %arg11[%get3A_290, %get3A_291] {strides = array<i32>} : memref<80x128xf32, #tpu.memory_space<vmem>>, vector<1x16xf32>,
        %get3A_293 = vector.shape_cast %get3A_292 : vector<1x16xf32> to vector<16xf32>
        %get3A_294 = arith.index_cast %scan3A_263 : i32 to index
        %get3A_295 = arith.constant 32 : index
        %get3A_296 = tpu.vector_load %arg13[%get3A_294, %get3A_295] {strides = array<i32>} : memref<80x128xf32, #tpu.memory_space<vmem>>, vector<1x16xf32>,
        %get3A_297 = vector.shape_cast %get3A_296 : vector<1x16xf32> to vector<16xf32>
        %add3A_298 = arith.addf %get3A_293, %get3A_297 : vector<16xf32>
        %swap3A_299 = arith.index_cast %scan3A_263 : i32 to index
        %swap3A_300 = arith.constant 32 : index
        %swap3A_301 = tpu.vector_load %arg11[%swap3A_299, %swap3A_300] {strides = array<i32>} : memref<80x128xf32, #tpu.memory_space<vmem>>, vector<1x16xf32>,
        %swap3A_302 = vector.shape_cast %swap3A_301 : vector<1x16xf32> to vector<16xf32>
        %swap3A_303 = vector.shape_cast %add3A_298 : vector<16xf32> to vector<1x16xf32>
        tpu.vector_store %arg11[%swap3A_299, %swap3A_300], %swap3A_303 {strides = array<i32>} : memref<80x128xf32, #tpu.memory_space<vmem>>, vector<1x16xf32>,
        %get3A_304 = arith.index_cast %scan3A_263 : i32 to index
        %get3A_305 = arith.constant 48 : index
        %get3A_306 = tpu.vector_load %arg11[%get3A_304, %get3A_305] {strides = array<i32>} : memref<80x128xf32, #tpu.memory_space<vmem>>, vector<1x16xf32>,
        %get3A_307 = vector.shape_cast %get3A_306 : vector<1x16xf32> to vector<16xf32>
        %get3A_308 = arith.index_cast %scan3A_263 : i32 to index
        %get3A_309 = arith.constant 48 : index
        %get3A_310 = tpu.vector_load %arg13[%get3A_308, %get3A_309] {strides = array<i32>} : memref<80x128xf32, #tpu.memory_space<vmem>>, vector<1x16xf32>,
        %get3A_311 = vector.shape_cast %get3A_310 : vector<1x16xf32> to vector<16xf32>
        %add3A_312 = arith.addf %get3A_307, %get3A_311 : vector<16xf32>
        %swap3A_313 = arith.index_cast %scan3A_263 : i32 to index
        %swap3A_314 = arith.constant 48 : index
        %swap3A_315 = tpu.vector_load %arg11[%swap3A_313, %swap3A_314] {strides = array<i32>} : memref<80x128xf32, #tpu.memory_space<vmem>>, vector<1x16xf32>,
        %swap3A_316 = vector.shape_cast %swap3A_315 : vector<1x16xf32> to vector<16xf32>
        %swap3A_317 = vector.shape_cast %add3A_312 : vector<16xf32> to vector<1x16xf32>
        tpu.vector_store %arg11[%swap3A_313, %swap3A_314], %swap3A_317 {strides = array<i32>} : memref<80x128xf32, #tpu.memory_space<vmem>>, vector<1x16xf32>,
        %get3A_318 = arith.index_cast %scan3A_263 : i32 to index
        %get3A_319 = arith.constant 64 : index
        %get3A_320 = tpu.vector_load %arg11[%get3A_318, %get3A_319] {strides = array<i32>} : memref<80x128xf32, #tpu.memory_space<vmem>>, vector<1x16xf32>,
        %get3A_321 = vector.shape_cast %get3A_320 : vector<1x16xf32> to vector<16xf32>
        %get3A_322 = arith.index_cast %scan3A_263 : i32 to index
        %get3A_323 = arith.constant 64 : index
        %get3A_324 = tpu.vector_load %arg13[%get3A_322, %get3A_323] {strides = array<i32>} : memref<80x128xf32, #tpu.memory_space<vmem>>, vector<1x16xf32>,
        %get3A_325 = vector.shape_cast %get3A_324 : vector<1x16xf32> to vector<16xf32>
        %add3A_326 = arith.addf %get3A_321, %get3A_325 : vector<16xf32>
        %swap3A_327 = arith.index_cast %scan3A_263 : i32 to index
        %swap3A_328 = arith.constant 64 : index
        %swap3A_329 = tpu.vector_load %arg11[%swap3A_327, %swap3A_328] {strides = array<i32>} : memref<80x128xf32, #tpu.memory_space<vmem>>, vector<1x16xf32>,
        %swap3A_330 = vector.shape_cast %swap3A_329 : vector<1x16xf32> to vector<16xf32>
        %swap3A_331 = vector.shape_cast %add3A_326 : vector<16xf32> to vector<1x16xf32>
        tpu.vector_store %arg11[%swap3A_327, %swap3A_328], %swap3A_331 {strides = array<i32>} : memref<80x128xf32, #tpu.memory_space<vmem>>, vector<1x16xf32>,
        %get3A_332 = arith.index_cast %scan3A_263 : i32 to index
        %get3A_333 = arith.constant 80 : index
        %get3A_334 = tpu.vector_load %arg11[%get3A_332, %get3A_333] {strides = array<i32>} : memref<80x128xf32, #tpu.memory_space<vmem>>, vector<1x16xf32>,
        %get3A_335 = vector.shape_cast %get3A_334 : vector<1x16xf32> to vector<16xf32>
        %get3A_336 = arith.index_cast %scan3A_263 : i32 to index
        %get3A_337 = arith.constant 80 : index
        %get3A_338 = tpu.vector_load %arg13[%get3A_336, %get3A_337] {strides = array<i32>} : memref<80x128xf32, #tpu.memory_space<vmem>>, vector<1x16xf32>,
        %get3A_339 = vector.shape_cast %get3A_338 : vector<1x16xf32> to vector<16xf32>
        %add3A_340 = arith.addf %get3A_335, %get3A_339 : vector<16xf32>
        %swap3A_341 = arith.index_cast %scan3A_263 : i32 to index
        %swap3A_342 = arith.constant 80 : index
        %swap3A_343 = tpu.vector_load %arg11[%swap3A_341, %swap3A_342] {strides = array<i32>} : memref<80x128xf32, #tpu.memory_space<vmem>>, vector<1x16xf32>,
        %swap3A_344 = vector.shape_cast %swap3A_343 : vector<1x16xf32> to vector<16xf32>
        %swap3A_345 = vector.shape_cast %add3A_340 : vector<16xf32> to vector<1x16xf32>
        tpu.vector_store %arg11[%swap3A_341, %swap3A_342], %swap3A_345 {strides = array<i32>} : memref<80x128xf32, #tpu.memory_space<vmem>>, vector<1x16xf32>,
        %get3A_346 = arith.index_cast %scan3A_263 : i32 to index
        %get3A_347 = arith.constant 96 : index
        %get3A_348 = tpu.vector_load %arg11[%get3A_346, %get3A_347] {strides = array<i32>} : memref<80x128xf32, #tpu.memory_space<vmem>>, vector<1x16xf32>,
        %get3A_349 = vector.shape_cast %get3A_348 : vector<1x16xf32> to vector<16xf32>
        %get3A_350 = arith.index_cast %scan3A_263 : i32 to index
        %get3A_351 = arith.constant 96 : index
        %get3A_352 = tpu.vector_load %arg13[%get3A_350, %get3A_351] {strides = array<i32>} : memref<80x128xf32, #tpu.memory_space<vmem>>, vector<1x16xf32>,
        %get3A_353 = vector.shape_cast %get3A_352 : vector<1x16xf32> to vector<16xf32>
        %add3A_354 = arith.addf %get3A_349, %get3A_353 : vector<16xf32>
        %swap3A_355 = arith.index_cast %scan3A_263 : i32 to index
        %swap3A_356 = arith.constant 96 : index
        %swap3A_357 = tpu.vector_load %arg11[%swap3A_355, %swap3A_356] {strides = array<i32>} : memref<80x128xf32, #tpu.memory_space<vmem>>, vector<1x16xf32>,
        %swap3A_358 = vector.shape_cast %swap3A_357 : vector<1x16xf32> to vector<16xf32>
        %swap3A_359 = vector.shape_cast %add3A_354 : vector<16xf32> to vector<1x16xf32>
        tpu.vector_store %arg11[%swap3A_355, %swap3A_356], %swap3A_359 {strides = array<i32>} : memref<80x128xf32, #tpu.memory_space<vmem>>, vector<1x16xf32>,
        %get3A_360 = arith.index_cast %scan3A_263 : i32 to index
        %get3A_361 = arith.constant 112 : index
        %get3A_362 = tpu.vector_load %arg11[%get3A_360, %get3A_361] {strides = array<i32>} : memref<80x128xf32, #tpu.memory_space<vmem>>, vector<1x16xf32>,
        %get3A_363 = vector.shape_cast %get3A_362 : vector<1x16xf32> to vector<16xf32>
        %get3A_364 = arith.index_cast %scan3A_263 : i32 to index
        %get3A_365 = arith.constant 112 : index
        %get3A_366 = tpu.vector_load %arg13[%get3A_364, %get3A_365] {strides = array<i32>} : memref<80x128xf32, #tpu.memory_space<vmem>>, vector<1x16xf32>,
        %get3A_367 = vector.shape_cast %get3A_366 : vector<1x16xf32> to vector<16xf32>
        %add3A_368 = arith.addf %get3A_363, %get3A_367 : vector<16xf32>
        %swap3A_369 = arith.index_cast %scan3A_263 : i32 to index
        %swap3A_370 = arith.constant 112 : index
        %swap3A_371 = tpu.vector_load %arg11[%swap3A_369, %swap3A_370] {strides = array<i32>} : memref<80x128xf32, #tpu.memory_space<vmem>>, vector<1x16xf32>,
        %swap3A_372 = vector.shape_cast %swap3A_371 : vector<1x16xf32> to vector<16xf32>
        %swap3A_373 = vector.shape_cast %add3A_368 : vector<16xf32> to vector<1x16xf32>
        tpu.vector_store %arg11[%swap3A_369, %swap3A_370], %swap3A_373 {strides = array<i32>} : memref<80x128xf32, #tpu.memory_space<vmem>>, vector<1x16xf32>,
      }
      %scan3A_255 = arith.constant 80 : i32
      %mul3A_256 = arith.constant 80 : i32
      %mul3A_257 = arith.muli %add3A_216, %mul3A_256 : i32
      %add3A_258 = arith.addi %mul3A_6, %mul3A_257 : i32
      %dma_start3A_259 = arith.constant 0 : i32
      %dma_start3A_260 = tpu.memref_slice %arg6[%add3A_258, %dma_start3A_259] : memref<128000x128xf32, #tpu.memory_space<hbm>> -> memref<80x128xf32, #tpu.memory_space<hbm>>
      %dma_start3A_261 = arith.constant 0 : i32
      %dma_start3A_262 = tpu.memref_slice %arg6[%add3A_258, %dma_start3A_261] : memref<128000x128xf32, #tpu.memory_space<hbm>> -> memref<80x128xf32, #tpu.memory_space<hbm>>
      tpu.enqueue_dma source(%arg11 : memref<80x128xf32, #tpu.memory_space<vmem>>) target(%dma_start3A_262 : memref<80x128xf32, #tpu.memory_space<hbm>>) target_semaphore(%arg19 : memref<!tpu.dma_semaphore, #tpu.memory_space<semaphore_mem>>)
    }
    %scan3A_59 = arith.constant 23 : i32
    %dma_wait3A_60 = arith.constant 0 : i32
    %dma_wait3A_61 = arith.constant 0 : i32
    %dma_wait3A_62 = tpu.memref_slice %arg2[%dma_wait3A_60, %dma_wait3A_61] : memref<10000x128xf32, #tpu.memory_space<hbm>> -> memref<10000x128xf32, #tpu.memory_space<hbm>>
    tpu.wait_indirect_dma semaphore(%arg18 : memref<!tpu.dma_semaphore, #tpu.memory_space<semaphore_mem>>) src(%dma_wait3A_62 : memref<10000x128xf32, #tpu.memory_space<hbm>>) dst(%arg12 : memref<80x128xf32, #tpu.memory_space<vmem>>)
    %dma_wait3A_63 = arith.constant 0 : i32
    %dma_wait3A_64 = arith.constant 0 : i32
    %dma_wait3A_65 = tpu.memref_slice %arg3[%dma_wait3A_63, %dma_wait3A_64] : memref<10000x128xf32, #tpu.memory_space<hbm>> -> memref<10000x128xf32, #tpu.memory_space<hbm>>
    tpu.wait_indirect_dma semaphore(%arg18 : memref<!tpu.dma_semaphore, #tpu.memory_space<semaphore_mem>>) src(%dma_wait3A_65 : memref<10000x128xf32, #tpu.memory_space<hbm>>) dst(%arg14 : memref<80x128xf32, #tpu.memory_space<vmem>>)
    %add3A_66 = arith.constant 3920 : i32
    %add3A_67 = arith.addi %add3A_4, %add3A_66 : i32
    %dma_start3A_68 = tpu.memref_slice %arg4[%add3A_67] : memref<320000xi32, #tpu.memory_space<hbm>> -> memref<80xi32, #tpu.memory_space<hbm>>
    %dma_start3A_69 = tpu.memref_slice %arg4[%add3A_67] : memref<320000xi32, #tpu.memory_space<hbm>> -> memref<80xi32, #tpu.memory_space<hbm>>
    tpu.enqueue_dma source(%dma_start3A_69 : memref<80xi32, #tpu.memory_space<hbm>>) target(%arg8 : memref<80xi32, #tpu.memory_space<vmem>>) target_semaphore(%arg16 : memref<!tpu.dma_semaphore, #tpu.memory_space<semaphore_mem>>)
    %dma_start3A_70 = tpu.memref_slice %arg5[%add3A_67] : memref<320000xi32, #tpu.memory_space<hbm>> -> memref<80xi32, #tpu.memory_space<hbm>>
    %dma_start3A_71 = tpu.memref_slice %arg5[%add3A_67] : memref<320000xi32, #tpu.memory_space<hbm>> -> memref<80xi32, #tpu.memory_space<hbm>>
    tpu.enqueue_dma source(%dma_start3A_71 : memref<80xi32, #tpu.memory_space<hbm>>) target(%arg10 : memref<80xi32, #tpu.memory_space<vmem>>) target_semaphore(%arg16 : memref<!tpu.dma_semaphore, #tpu.memory_space<semaphore_mem>>)
    %dma_wait3A_72 = arith.constant 0 : i32
    %dma_wait3A_73 = tpu.memref_slice %arg6[%mul3A_6, %dma_wait3A_72] : memref<128000x128xf32, #tpu.memory_space<hbm>> -> memref<80x128xf32, #tpu.memory_space<hbm>>
    %dma_wait3A_74 = arith.constant 0 : i32
    %dma_wait3A_75 = tpu.memref_slice %arg6[%mul3A_6, %dma_wait3A_74] : memref<128000x128xf32, #tpu.memory_space<hbm>> -> memref<80x128xf32, #tpu.memory_space<hbm>>
    tpu.wait_dma2 semaphore(%arg19 : memref<!tpu.dma_semaphore, #tpu.memory_space<semaphore_mem>>) src(%arg11 : memref<80x128xf32, #tpu.memory_space<vmem>>) dst(%dma_wait3A_75 : memref<80x128xf32, #tpu.memory_space<hbm>>)
    %dma_wait3A_76 = arith.constant 0 : i32
    %dma_wait3A_77 = tpu.memref_slice %arg4[%dma_wait3A_76] : memref<320000xi32, #tpu.memory_space<hbm>> -> memref<80xi32, #tpu.memory_space<hbm>>
    %dma_wait3A_78 = arith.constant 0 : i32
    %dma_wait3A_79 = tpu.memref_slice %arg4[%dma_wait3A_78] : memref<320000xi32, #tpu.memory_space<hbm>> -> memref<80xi32, #tpu.memory_space<hbm>>
    tpu.wait_dma2 semaphore(%arg15 : memref<!tpu.dma_semaphore, #tpu.memory_space<semaphore_mem>>) src(%dma_wait3A_79 : memref<80xi32, #tpu.memory_space<hbm>>) dst(%arg7 : memref<80xi32, #tpu.memory_space<vmem>>)
    %dma_wait3A_80 = arith.constant 0 : i32
    %dma_wait3A_81 = tpu.memref_slice %arg5[%dma_wait3A_80] : memref<320000xi32, #tpu.memory_space<hbm>> -> memref<80xi32, #tpu.memory_space<hbm>>
    %dma_wait3A_82 = arith.constant 0 : i32
    %dma_wait3A_83 = tpu.memref_slice %arg5[%dma_wait3A_82] : memref<320000xi32, #tpu.memory_space<hbm>> -> memref<80xi32, #tpu.memory_space<hbm>>
    tpu.wait_dma2 semaphore(%arg15 : memref<!tpu.dma_semaphore, #tpu.memory_space<semaphore_mem>>) src(%dma_wait3A_83 : memref<80xi32, #tpu.memory_space<hbm>>) dst(%arg9 : memref<80xi32, #tpu.memory_space<vmem>>)
    %dma_start3A_84 = arith.constant 0 : i32
    %dma_start3A_85 = arith.constant 0 : i32
    %dma_start3A_86 = tpu.memref_slice %arg2[%dma_start3A_84, %dma_start3A_85] : memref<10000x128xf32, #tpu.memory_space<hbm>> -> memref<10000x128xf32, #tpu.memory_space<hbm>>
    tpu.enqueue_indirect_dma source(%dma_start3A_86 : memref<10000x128xf32, #tpu.memory_space<hbm>>) target(%arg11 : memref<80x128xf32, #tpu.memory_space<vmem>>) offsets(%arg7 : memref<80xi32, #tpu.memory_space<vmem>>) semaphore(%arg17 : memref<!tpu.dma_semaphore, #tpu.memory_space<semaphore_mem>>)
    %dma_start3A_87 = arith.constant 0 : i32
    %dma_start3A_88 = arith.constant 0 : i32
    %dma_start3A_89 = tpu.memref_slice %arg3[%dma_start3A_87, %dma_start3A_88] : memref<10000x128xf32, #tpu.memory_space<hbm>> -> memref<10000x128xf32, #tpu.memory_space<hbm>>
    tpu.enqueue_indirect_dma source(%dma_start3A_89 : memref<10000x128xf32, #tpu.memory_space<hbm>>) target(%arg13 : memref<80x128xf32, #tpu.memory_space<vmem>>) offsets(%arg9 : memref<80xi32, #tpu.memory_space<vmem>>) semaphore(%arg17 : memref<!tpu.dma_semaphore, #tpu.memory_space<semaphore_mem>>)
    %scan3A_90 = arith.constant 0 : i32
    %scan3A_91 = arith.constant 0 : i32
    %scan3A_92 = arith.constant 80 : i32
    %scan3A_93 = arith.addi %scan3A_91, %scan3A_92 : i32
    %scan3A_94 = arith.constant 1 : i32
    scf.for %scan3A_164 = %scan3A_91 to %scan3A_93 step %scan3A_94  : i32 {
      %get3A = arith.index_cast %scan3A_164 : i32 to index
      %get3A_165 = arith.constant 0 : index
      %get3A_166 = tpu.vector_load %arg12[%get3A, %get3A_165] {strides = array<i32>} : memref<80x128xf32, #tpu.memory_space<vmem>>, vector<1x16xf32>,
      %get3A_167 = vector.shape_cast %get3A_166 : vector<1x16xf32> to vector<16xf32>
      %get3A_168 = arith.index_cast %scan3A_164 : i32 to index
      %get3A_169 = arith.constant 0 : index
      %get3A_170 = tpu.vector_load %arg14[%get3A_168, %get3A_169] {strides = array<i32>} : memref<80x128xf32, #tpu.memory_space<vmem>>, vector<1x16xf32>,
      %get3A_171 = vector.shape_cast %get3A_170 : vector<1x16xf32> to vector<16xf32>
      %add3A_172 = arith.addf %get3A_167, %get3A_171 : vector<16xf32>
      %swap3A = arith.index_cast %scan3A_164 : i32 to index
      %swap3A_173 = arith.constant 0 : index
      %swap3A_174 = tpu.vector_load %arg12[%swap3A, %swap3A_173] {strides = array<i32>} : memref<80x128xf32, #tpu.memory_space<vmem>>, vector<1x16xf32>,
      %swap3A_175 = vector.shape_cast %swap3A_174 : vector<1x16xf32> to vector<16xf32>
      %swap3A_176 = vector.shape_cast %add3A_172 : vector<16xf32> to vector<1x16xf32>
      tpu.vector_store %arg12[%swap3A, %swap3A_173], %swap3A_176 {strides = array<i32>} : memref<80x128xf32, #tpu.memory_space<vmem>>, vector<1x16xf32>,
      %get3A_177 = arith.index_cast %scan3A_164 : i32 to index
      %get3A_178 = arith.constant 16 : index
      %get3A_179 = tpu.vector_load %arg12[%get3A_177, %get3A_178] {strides = array<i32>} : memref<80x128xf32, #tpu.memory_space<vmem>>, vector<1x16xf32>,
      %get3A_180 = vector.shape_cast %get3A_179 : vector<1x16xf32> to vector<16xf32>
      %get3A_181 = arith.index_cast %scan3A_164 : i32 to index
      %get3A_182 = arith.constant 16 : index
      %get3A_183 = tpu.vector_load %arg14[%get3A_181, %get3A_182] {strides = array<i32>} : memref<80x128xf32, #tpu.memory_space<vmem>>, vector<1x16xf32>,
      %get3A_184 = vector.shape_cast %get3A_183 : vector<1x16xf32> to vector<16xf32>
      %add3A_185 = arith.addf %get3A_180, %get3A_184 : vector<16xf32>
      %swap3A_186 = arith.index_cast %scan3A_164 : i32 to index
      %swap3A_187 = arith.constant 16 : index
      %swap3A_188 = tpu.vector_load %arg12[%swap3A_186, %swap3A_187] {strides = array<i32>} : memref<80x128xf32, #tpu.memory_space<vmem>>, vector<1x16xf32>,
      %swap3A_189 = vector.shape_cast %swap3A_188 : vector<1x16xf32> to vector<16xf32>
      %swap3A_190 = vector.shape_cast %add3A_185 : vector<16xf32> to vector<1x16xf32>
      tpu.vector_store %arg12[%swap3A_186, %swap3A_187], %swap3A_190 {strides = array<i32>} : memref<80x128xf32, #tpu.memory_space<vmem>>, vector<1x16xf32>,
      %get3A_191 = arith.index_cast %scan3A_164 : i32 to index
      %get3A_192 = arith.constant 32 : index
      %get3A_193 = tpu.vector_load %arg12[%get3A_191, %get3A_192] {strides = array<i32>} : memref<80x128xf32, #tpu.memory_space<vmem>>, vector<1x16xf32>,
      %get3A_194 = vector.shape_cast %get3A_193 : vector<1x16xf32> to vector<16xf32>
      %get3A_195 = arith.index_cast %scan3A_164 : i32 to index
      %get3A_196 = arith.constant 32 : index
      %get3A_197 = tpu.vector_load %arg14[%get3A_195, %get3A_196] {strides = array<i32>} : memref<80x128xf32, #tpu.memory_space<vmem>>, vector<1x16xf32>,
      %get3A_198 = vector.shape_cast %get3A_197 : vector<1x16xf32> to vector<16xf32>
      %add3A_199 = arith.addf %get3A_194, %get3A_198 : vector<16xf32>
      %swap3A_200 = arith.index_cast %scan3A_164 : i32 to index
      %swap3A_201 = arith.constant 32 : index
      %swap3A_202 = tpu.vector_load %arg12[%swap3A_200, %swap3A_201] {strides = array<i32>} : memref<80x128xf32, #tpu.memory_space<vmem>>, vector<1x16xf32>,
      %swap3A_203 = vector.shape_cast %swap3A_202 : vector<1x16xf32> to vector<16xf32>
      %swap3A_204 = vector.shape_cast %add3A_199 : vector<16xf32> to vector<1x16xf32>
      tpu.vector_store %arg12[%swap3A_200, %swap3A_201], %swap3A_204 {strides = array<i32>} : memref<80x128xf32, #tpu.memory_space<vmem>>, vector<1x16xf32>,
      %get3A_205 = arith.index_cast %scan3A_164 : i32 to index
      %get3A_206 = arith.constant 48 : index
      %get3A_207 = tpu.vector_load %arg12[%get3A_205, %get3A_206] {strides = array<i32>} : memref<80x128xf32, #tpu.memory_space<vmem>>, vector<1x16xf32>,
      %get3A_208 = vector.shape_cast %get3A_207 : vector<1x16xf32> to vector<16xf32>
      %get3A_209 = arith.index_cast %scan3A_164 : i32 to index
      %get3A_210 = arith.constant 48 : index
      %get3A_211 = tpu.vector_load %arg14[%get3A_209, %get3A_210] {strides = array<i32>} : memref<80x128xf32, #tpu.memory_space<vmem>>, vector<1x16xf32>,
      %get3A_212 = vector.shape_cast %get3A_211 : vector<1x16xf32> to vector<16xf32>
      %add3A_213 = arith.addf %get3A_208, %get3A_212 : vector<16xf32>
      %swap3A_214 = arith.index_cast %scan3A_164 : i32 to index
      %swap3A_215 = arith.constant 48 : index
      %swap3A_216 = tpu.vector_load %arg12[%swap3A_214, %swap3A_215] {strides = array<i32>} : memref<80x128xf32, #tpu.memory_space<vmem>>, vector<1x16xf32>,
      %swap3A_217 = vector.shape_cast %swap3A_216 : vector<1x16xf32> to vector<16xf32>
      %swap3A_218 = vector.shape_cast %add3A_213 : vector<16xf32> to vector<1x16xf32>
      tpu.vector_store %arg12[%swap3A_214, %swap3A_215], %swap3A_218 {strides = array<i32>} : memref<80x128xf32, #tpu.memory_space<vmem>>, vector<1x16xf32>,
      %get3A_219 = arith.index_cast %scan3A_164 : i32 to index
      %get3A_220 = arith.constant 64 : index
      %get3A_221 = tpu.vector_load %arg12[%get3A_219, %get3A_220] {strides = array<i32>} : memref<80x128xf32, #tpu.memory_space<vmem>>, vector<1x16xf32>,
      %get3A_222 = vector.shape_cast %get3A_221 : vector<1x16xf32> to vector<16xf32>
      %get3A_223 = arith.index_cast %scan3A_164 : i32 to index
      %get3A_224 = arith.constant 64 : index
      %get3A_225 = tpu.vector_load %arg14[%get3A_223, %get3A_224] {strides = array<i32>} : memref<80x128xf32, #tpu.memory_space<vmem>>, vector<1x16xf32>,
      %get3A_226 = vector.shape_cast %get3A_225 : vector<1x16xf32> to vector<16xf32>
      %add3A_227 = arith.addf %get3A_222, %get3A_226 : vector<16xf32>
      %swap3A_228 = arith.index_cast %scan3A_164 : i32 to index
      %swap3A_229 = arith.constant 64 : index
      %swap3A_230 = tpu.vector_load %arg12[%swap3A_228, %swap3A_229] {strides = array<i32>} : memref<80x128xf32, #tpu.memory_space<vmem>>, vector<1x16xf32>,
      %swap3A_231 = vector.shape_cast %swap3A_230 : vector<1x16xf32> to vector<16xf32>
      %swap3A_232 = vector.shape_cast %add3A_227 : vector<16xf32> to vector<1x16xf32>
      tpu.vector_store %arg12[%swap3A_228, %swap3A_229], %swap3A_232 {strides = array<i32>} : memref<80x128xf32, #tpu.memory_space<vmem>>, vector<1x16xf32>,
      %get3A_233 = arith.index_cast %scan3A_164 : i32 to index
      %get3A_234 = arith.constant 80 : index
      %get3A_235 = tpu.vector_load %arg12[%get3A_233, %get3A_234] {strides = array<i32>} : memref<80x128xf32, #tpu.memory_space<vmem>>, vector<1x16xf32>,
      %get3A_236 = vector.shape_cast %get3A_235 : vector<1x16xf32> to vector<16xf32>
      %get3A_237 = arith.index_cast %scan3A_164 : i32 to index
      %get3A_238 = arith.constant 80 : index
      %get3A_239 = tpu.vector_load %arg14[%get3A_237, %get3A_238] {strides = array<i32>} : memref<80x128xf32, #tpu.memory_space<vmem>>, vector<1x16xf32>,
      %get3A_240 = vector.shape_cast %get3A_239 : vector<1x16xf32> to vector<16xf32>
      %add3A_241 = arith.addf %get3A_236, %get3A_240 : vector<16xf32>
      %swap3A_242 = arith.index_cast %scan3A_164 : i32 to index
      %swap3A_243 = arith.constant 80 : index
      %swap3A_244 = tpu.vector_load %arg12[%swap3A_242, %swap3A_243] {strides = array<i32>} : memref<80x128xf32, #tpu.memory_space<vmem>>, vector<1x16xf32>,
      %swap3A_245 = vector.shape_cast %swap3A_244 : vector<1x16xf32> to vector<16xf32>
      %swap3A_246 = vector.shape_cast %add3A_241 : vector<16xf32> to vector<1x16xf32>
      tpu.vector_store %arg12[%swap3A_242, %swap3A_243], %swap3A_246 {strides = array<i32>} : memref<80x128xf32, #tpu.memory_space<vmem>>, vector<1x16xf32>,
      %get3A_247 = arith.index_cast %scan3A_164 : i32 to index
      %get3A_248 = arith.constant 96 : index
      %get3A_249 = tpu.vector_load %arg12[%get3A_247, %get3A_248] {strides = array<i32>} : memref<80x128xf32, #tpu.memory_space<vmem>>, vector<1x16xf32>,
      %get3A_250 = vector.shape_cast %get3A_249 : vector<1x16xf32> to vector<16xf32>
      %get3A_251 = arith.index_cast %scan3A_164 : i32 to index
      %get3A_252 = arith.constant 96 : index
      %get3A_253 = tpu.vector_load %arg14[%get3A_251, %get3A_252] {strides = array<i32>} : memref<80x128xf32, #tpu.memory_space<vmem>>, vector<1x16xf32>,
      %get3A_254 = vector.shape_cast %get3A_253 : vector<1x16xf32> to vector<16xf32>
      %add3A_255 = arith.addf %get3A_250, %get3A_254 : vector<16xf32>
      %swap3A_256 = arith.index_cast %scan3A_164 : i32 to index
      %swap3A_257 = arith.constant 96 : index
      %swap3A_258 = tpu.vector_load %arg12[%swap3A_256, %swap3A_257] {strides = array<i32>} : memref<80x128xf32, #tpu.memory_space<vmem>>, vector<1x16xf32>,
      %swap3A_259 = vector.shape_cast %swap3A_258 : vector<1x16xf32> to vector<16xf32>
      %swap3A_260 = vector.shape_cast %add3A_255 : vector<16xf32> to vector<1x16xf32>
      tpu.vector_store %arg12[%swap3A_256, %swap3A_257], %swap3A_260 {strides = array<i32>} : memref<80x128xf32, #tpu.memory_space<vmem>>, vector<1x16xf32>,
      %get3A_261 = arith.index_cast %scan3A_164 : i32 to index
      %get3A_262 = arith.constant 112 : index
      %get3A_263 = tpu.vector_load %arg12[%get3A_261, %get3A_262] {strides = array<i32>} : memref<80x128xf32, #tpu.memory_space<vmem>>, vector<1x16xf32>,
      %get3A_264 = vector.shape_cast %get3A_263 : vector<1x16xf32> to vector<16xf32>
      %get3A_265 = arith.index_cast %scan3A_164 : i32 to index
      %get3A_266 = arith.constant 112 : index
      %get3A_267 = tpu.vector_load %arg14[%get3A_265, %get3A_266] {strides = array<i32>} : memref<80x128xf32, #tpu.memory_space<vmem>>, vector<1x16xf32>,
      %get3A_268 = vector.shape_cast %get3A_267 : vector<1x16xf32> to vector<16xf32>
      %add3A_269 = arith.addf %get3A_264, %get3A_268 : vector<16xf32>
      %swap3A_270 = arith.index_cast %scan3A_164 : i32 to index
      %swap3A_271 = arith.constant 112 : index
      %swap3A_272 = tpu.vector_load %arg12[%swap3A_270, %swap3A_271] {strides = array<i32>} : memref<80x128xf32, #tpu.memory_space<vmem>>, vector<1x16xf32>,
      %swap3A_273 = vector.shape_cast %swap3A_272 : vector<1x16xf32> to vector<16xf32>
      %swap3A_274 = vector.shape_cast %add3A_269 : vector<16xf32> to vector<1x16xf32>
      tpu.vector_store %arg12[%swap3A_270, %swap3A_271], %swap3A_274 {strides = array<i32>} : memref<80x128xf32, #tpu.memory_space<vmem>>, vector<1x16xf32>,
    }
    %scan3A_95 = arith.constant 80 : i32
    %add3A_96 = arith.constant 3760 : i32
    %add3A_97 = arith.addi %mul3A_6, %add3A_96 : i32
    %dma_start3A_98 = arith.constant 0 : i32
    %dma_start3A_99 = tpu.memref_slice %arg6[%add3A_97, %dma_start3A_98] : memref<128000x128xf32, #tpu.memory_space<hbm>> -> memref<80x128xf32, #tpu.memory_space<hbm>>
    %dma_start3A_100 = arith.constant 0 : i32
    %dma_start3A_101 = tpu.memref_slice %arg6[%add3A_97, %dma_start3A_100] : memref<128000x128xf32, #tpu.memory_space<hbm>> -> memref<80x128xf32, #tpu.memory_space<hbm>>
    tpu.enqueue_dma source(%arg12 : memref<80x128xf32, #tpu.memory_space<vmem>>) target(%dma_start3A_101 : memref<80x128xf32, #tpu.memory_space<hbm>>) target_semaphore(%arg20 : memref<!tpu.dma_semaphore, #tpu.memory_space<semaphore_mem>>)
    %dma_wait3A_102 = arith.constant 0 : i32
    %dma_wait3A_103 = arith.constant 0 : i32
    %dma_wait3A_104 = tpu.memref_slice %arg2[%dma_wait3A_102, %dma_wait3A_103] : memref<10000x128xf32, #tpu.memory_space<hbm>> -> memref<10000x128xf32, #tpu.memory_space<hbm>>
    tpu.wait_indirect_dma semaphore(%arg17 : memref<!tpu.dma_semaphore, #tpu.memory_space<semaphore_mem>>) src(%dma_wait3A_104 : memref<10000x128xf32, #tpu.memory_space<hbm>>) dst(%arg11 : memref<80x128xf32, #tpu.memory_space<vmem>>)
    %dma_wait3A_105 = arith.constant 0 : i32
    %dma_wait3A_106 = arith.constant 0 : i32
    %dma_wait3A_107 = tpu.memref_slice %arg3[%dma_wait3A_105, %dma_wait3A_106] : memref<10000x128xf32, #tpu.memory_space<hbm>> -> memref<10000x128xf32, #tpu.memory_space<hbm>>
    tpu.wait_indirect_dma semaphore(%arg17 : memref<!tpu.dma_semaphore, #tpu.memory_space<semaphore_mem>>) src(%dma_wait3A_107 : memref<10000x128xf32, #tpu.memory_space<hbm>>) dst(%arg13 : memref<80x128xf32, #tpu.memory_space<vmem>>)
    %dma_wait3A_108 = arith.constant 0 : i32
    %dma_wait3A_109 = tpu.memref_slice %arg6[%mul3A_6, %dma_wait3A_108] : memref<128000x128xf32, #tpu.memory_space<hbm>> -> memref<80x128xf32, #tpu.memory_space<hbm>>
    %dma_wait3A_110 = arith.constant 0 : i32
    %dma_wait3A_111 = tpu.memref_slice %arg6[%mul3A_6, %dma_wait3A_110] : memref<128000x128xf32, #tpu.memory_space<hbm>> -> memref<80x128xf32, #tpu.memory_space<hbm>>
    tpu.wait_dma2 semaphore(%arg20 : memref<!tpu.dma_semaphore, #tpu.memory_space<semaphore_mem>>) src(%arg12 : memref<80x128xf32, #tpu.memory_space<vmem>>) dst(%dma_wait3A_111 : memref<80x128xf32, #tpu.memory_space<hbm>>)
    %dma_wait3A_112 = arith.constant 0 : i32
    %dma_wait3A_113 = tpu.memref_slice %arg4[%dma_wait3A_112] : memref<320000xi32, #tpu.memory_space<hbm>> -> memref<80xi32, #tpu.memory_space<hbm>>
    %dma_wait3A_114 = arith.constant 0 : i32
    %dma_wait3A_115 = tpu.memref_slice %arg4[%dma_wait3A_114] : memref<320000xi32, #tpu.memory_space<hbm>> -> memref<80xi32, #tpu.memory_space<hbm>>
    tpu.wait_dma2 semaphore(%arg16 : memref<!tpu.dma_semaphore, #tpu.memory_space<semaphore_mem>>) src(%dma_wait3A_115 : memref<80xi32, #tpu.memory_space<hbm>>) dst(%arg8 : memref<80xi32, #tpu.memory_space<vmem>>)
    %dma_wait3A_116 = arith.constant 0 : i32
    %dma_wait3A_117 = tpu.memref_slice %arg5[%dma_wait3A_116] : memref<320000xi32, #tpu.memory_space<hbm>> -> memref<80xi32, #tpu.memory_space<hbm>>
    %dma_wait3A_118 = arith.constant 0 : i32
    %dma_wait3A_119 = tpu.memref_slice %arg5[%dma_wait3A_118] : memref<320000xi32, #tpu.memory_space<hbm>> -> memref<80xi32, #tpu.memory_space<hbm>>
    tpu.wait_dma2 semaphore(%arg16 : memref<!tpu.dma_semaphore, #tpu.memory_space<semaphore_mem>>) src(%dma_wait3A_119 : memref<80xi32, #tpu.memory_space<hbm>>) dst(%arg10 : memref<80xi32, #tpu.memory_space<vmem>>)
    %dma_start3A_120 = arith.constant 0 : i32
    %dma_start3A_121 = arith.constant 0 : i32
    %dma_start3A_122 = tpu.memref_slice %arg2[%dma_start3A_120, %dma_start3A_121] : memref<10000x128xf32, #tpu.memory_space<hbm>> -> memref<10000x128xf32, #tpu.memory_space<hbm>>
    tpu.enqueue_indirect_dma source(%dma_start3A_122 : memref<10000x128xf32, #tpu.memory_space<hbm>>) target(%arg12 : memref<80x128xf32, #tpu.memory_space<vmem>>) offsets(%arg8 : memref<80xi32, #tpu.memory_space<vmem>>) semaphore(%arg18 : memref<!tpu.dma_semaphore, #tpu.memory_space<semaphore_mem>>)
    %dma_start3A_123 = arith.constant 0 : i32
    %dma_start3A_124 = arith.constant 0 : i32
    %dma_start3A_125 = tpu.memref_slice %arg3[%dma_start3A_123, %dma_start3A_124] : memref<10000x128xf32, #tpu.memory_space<hbm>> -> memref<10000x128xf32, #tpu.memory_space<hbm>>
    tpu.enqueue_indirect_dma source(%dma_start3A_125 : memref<10000x128xf32, #tpu.memory_space<hbm>>) target(%arg14 : memref<80x128xf32, #tpu.memory_space<vmem>>) offsets(%arg10 : memref<80xi32, #tpu.memory_space<vmem>>) semaphore(%arg18 : memref<!tpu.dma_semaphore, #tpu.memory_space<semaphore_mem>>)
    %scan3A_126 = arith.constant 0 : i32
    %scan3A_127 = arith.constant 0 : i32
    %scan3A_128 = arith.constant 80 : i32
    %scan3A_129 = arith.addi %scan3A_127, %scan3A_128 : i32
    %scan3A_130 = arith.constant 1 : i32
    scf.for %scan3A_164 = %scan3A_127 to %scan3A_129 step %scan3A_130  : i32 {
      %get3A = arith.index_cast %scan3A_164 : i32 to index
      %get3A_165 = arith.constant 0 : index
      %get3A_166 = tpu.vector_load %arg11[%get3A, %get3A_165] {strides = array<i32>} : memref<80x128xf32, #tpu.memory_space<vmem>>, vector<1x16xf32>,
      %get3A_167 = vector.shape_cast %get3A_166 : vector<1x16xf32> to vector<16xf32>
      %get3A_168 = arith.index_cast %scan3A_164 : i32 to index
      %get3A_169 = arith.constant 0 : index
      %get3A_170 = tpu.vector_load %arg13[%get3A_168, %get3A_169] {strides = array<i32>} : memref<80x128xf32, #tpu.memory_space<vmem>>, vector<1x16xf32>,
      %get3A_171 = vector.shape_cast %get3A_170 : vector<1x16xf32> to vector<16xf32>
      %add3A_172 = arith.addf %get3A_167, %get3A_171 : vector<16xf32>
      %swap3A = arith.index_cast %scan3A_164 : i32 to index
      %swap3A_173 = arith.constant 0 : index
      %swap3A_174 = tpu.vector_load %arg11[%swap3A, %swap3A_173] {strides = array<i32>} : memref<80x128xf32, #tpu.memory_space<vmem>>, vector<1x16xf32>,
      %swap3A_175 = vector.shape_cast %swap3A_174 : vector<1x16xf32> to vector<16xf32>
      %swap3A_176 = vector.shape_cast %add3A_172 : vector<16xf32> to vector<1x16xf32>
      tpu.vector_store %arg11[%swap3A, %swap3A_173], %swap3A_176 {strides = array<i32>} : memref<80x128xf32, #tpu.memory_space<vmem>>, vector<1x16xf32>,
      %get3A_177 = arith.index_cast %scan3A_164 : i32 to index
      %get3A_178 = arith.constant 16 : index
      %get3A_179 = tpu.vector_load %arg11[%get3A_177, %get3A_178] {strides = array<i32>} : memref<80x128xf32, #tpu.memory_space<vmem>>, vector<1x16xf32>,
      %get3A_180 = vector.shape_cast %get3A_179 : vector<1x16xf32> to vector<16xf32>
      %get3A_181 = arith.index_cast %scan3A_164 : i32 to index
      %get3A_182 = arith.constant 16 : index
      %get3A_183 = tpu.vector_load %arg13[%get3A_181, %get3A_182] {strides = array<i32>} : memref<80x128xf32, #tpu.memory_space<vmem>>, vector<1x16xf32>,
      %get3A_184 = vector.shape_cast %get3A_183 : vector<1x16xf32> to vector<16xf32>
      %add3A_185 = arith.addf %get3A_180, %get3A_184 : vector<16xf32>
      %swap3A_186 = arith.index_cast %scan3A_164 : i32 to index
      %swap3A_187 = arith.constant 16 : index
      %swap3A_188 = tpu.vector_load %arg11[%swap3A_186, %swap3A_187] {strides = array<i32>} : memref<80x128xf32, #tpu.memory_space<vmem>>, vector<1x16xf32>,
      %swap3A_189 = vector.shape_cast %swap3A_188 : vector<1x16xf32> to vector<16xf32>
      %swap3A_190 = vector.shape_cast %add3A_185 : vector<16xf32> to vector<1x16xf32>
      tpu.vector_store %arg11[%swap3A_186, %swap3A_187], %swap3A_190 {strides = array<i32>} : memref<80x128xf32, #tpu.memory_space<vmem>>, vector<1x16xf32>,
      %get3A_191 = arith.index_cast %scan3A_164 : i32 to index
      %get3A_192 = arith.constant 32 : index
      %get3A_193 = tpu.vector_load %arg11[%get3A_191, %get3A_192] {strides = array<i32>} : memref<80x128xf32, #tpu.memory_space<vmem>>, vector<1x16xf32>,
      %get3A_194 = vector.shape_cast %get3A_193 : vector<1x16xf32> to vector<16xf32>
      %get3A_195 = arith.index_cast %scan3A_164 : i32 to index
      %get3A_196 = arith.constant 32 : index
      %get3A_197 = tpu.vector_load %arg13[%get3A_195, %get3A_196] {strides = array<i32>} : memref<80x128xf32, #tpu.memory_space<vmem>>, vector<1x16xf32>,
      %get3A_198 = vector.shape_cast %get3A_197 : vector<1x16xf32> to vector<16xf32>
      %add3A_199 = arith.addf %get3A_194, %get3A_198 : vector<16xf32>
      %swap3A_200 = arith.index_cast %scan3A_164 : i32 to index
      %swap3A_201 = arith.constant 32 : index
      %swap3A_202 = tpu.vector_load %arg11[%swap3A_200, %swap3A_201] {strides = array<i32>} : memref<80x128xf32, #tpu.memory_space<vmem>>, vector<1x16xf32>,
      %swap3A_203 = vector.shape_cast %swap3A_202 : vector<1x16xf32> to vector<16xf32>
      %swap3A_204 = vector.shape_cast %add3A_199 : vector<16xf32> to vector<1x16xf32>
      tpu.vector_store %arg11[%swap3A_200, %swap3A_201], %swap3A_204 {strides = array<i32>} : memref<80x128xf32, #tpu.memory_space<vmem>>, vector<1x16xf32>,
      %get3A_205 = arith.index_cast %scan3A_164 : i32 to index
      %get3A_206 = arith.constant 48 : index
      %get3A_207 = tpu.vector_load %arg11[%get3A_205, %get3A_206] {strides = array<i32>} : memref<80x128xf32, #tpu.memory_space<vmem>>, vector<1x16xf32>,
      %get3A_208 = vector.shape_cast %get3A_207 : vector<1x16xf32> to vector<16xf32>
      %get3A_209 = arith.index_cast %scan3A_164 : i32 to index
      %get3A_210 = arith.constant 48 : index
      %get3A_211 = tpu.vector_load %arg13[%get3A_209, %get3A_210] {strides = array<i32>} : memref<80x128xf32, #tpu.memory_space<vmem>>, vector<1x16xf32>,
      %get3A_212 = vector.shape_cast %get3A_211 : vector<1x16xf32> to vector<16xf32>
      %add3A_213 = arith.addf %get3A_208, %get3A_212 : vector<16xf32>
      %swap3A_214 = arith.index_cast %scan3A_164 : i32 to index
      %swap3A_215 = arith.constant 48 : index
      %swap3A_216 = tpu.vector_load %arg11[%swap3A_214, %swap3A_215] {strides = array<i32>} : memref<80x128xf32, #tpu.memory_space<vmem>>, vector<1x16xf32>,
      %swap3A_217 = vector.shape_cast %swap3A_216 : vector<1x16xf32> to vector<16xf32>
      %swap3A_218 = vector.shape_cast %add3A_213 : vector<16xf32> to vector<1x16xf32>
      tpu.vector_store %arg11[%swap3A_214, %swap3A_215], %swap3A_218 {strides = array<i32>} : memref<80x128xf32, #tpu.memory_space<vmem>>, vector<1x16xf32>,
      %get3A_219 = arith.index_cast %scan3A_164 : i32 to index
      %get3A_220 = arith.constant 64 : index
      %get3A_221 = tpu.vector_load %arg11[%get3A_219, %get3A_220] {strides = array<i32>} : memref<80x128xf32, #tpu.memory_space<vmem>>, vector<1x16xf32>,
      %get3A_222 = vector.shape_cast %get3A_221 : vector<1x16xf32> to vector<16xf32>
      %get3A_223 = arith.index_cast %scan3A_164 : i32 to index
      %get3A_224 = arith.constant 64 : index
      %get3A_225 = tpu.vector_load %arg13[%get3A_223, %get3A_224] {strides = array<i32>} : memref<80x128xf32, #tpu.memory_space<vmem>>, vector<1x16xf32>,
      %get3A_226 = vector.shape_cast %get3A_225 : vector<1x16xf32> to vector<16xf32>
      %add3A_227 = arith.addf %get3A_222, %get3A_226 : vector<16xf32>
      %swap3A_228 = arith.index_cast %scan3A_164 : i32 to index
      %swap3A_229 = arith.constant 64 : index
      %swap3A_230 = tpu.vector_load %arg11[%swap3A_228, %swap3A_229] {strides = array<i32>} : memref<80x128xf32, #tpu.memory_space<vmem>>, vector<1x16xf32>,
      %swap3A_231 = vector.shape_cast %swap3A_230 : vector<1x16xf32> to vector<16xf32>
      %swap3A_232 = vector.shape_cast %add3A_227 : vector<16xf32> to vector<1x16xf32>
      tpu.vector_store %arg11[%swap3A_228, %swap3A_229], %swap3A_232 {strides = array<i32>} : memref<80x128xf32, #tpu.memory_space<vmem>>, vector<1x16xf32>,
      %get3A_233 = arith.index_cast %scan3A_164 : i32 to index
      %get3A_234 = arith.constant 80 : index
      %get3A_235 = tpu.vector_load %arg11[%get3A_233, %get3A_234] {strides = array<i32>} : memref<80x128xf32, #tpu.memory_space<vmem>>, vector<1x16xf32>,
      %get3A_236 = vector.shape_cast %get3A_235 : vector<1x16xf32> to vector<16xf32>
      %get3A_237 = arith.index_cast %scan3A_164 : i32 to index
      %get3A_238 = arith.constant 80 : index
      %get3A_239 = tpu.vector_load %arg13[%get3A_237, %get3A_238] {strides = array<i32>} : memref<80x128xf32, #tpu.memory_space<vmem>>, vector<1x16xf32>,
      %get3A_240 = vector.shape_cast %get3A_239 : vector<1x16xf32> to vector<16xf32>
      %add3A_241 = arith.addf %get3A_236, %get3A_240 : vector<16xf32>
      %swap3A_242 = arith.index_cast %scan3A_164 : i32 to index
      %swap3A_243 = arith.constant 80 : index
      %swap3A_244 = tpu.vector_load %arg11[%swap3A_242, %swap3A_243] {strides = array<i32>} : memref<80x128xf32, #tpu.memory_space<vmem>>, vector<1x16xf32>,
      %swap3A_245 = vector.shape_cast %swap3A_244 : vector<1x16xf32> to vector<16xf32>
      %swap3A_246 = vector.shape_cast %add3A_241 : vector<16xf32> to vector<1x16xf32>
      tpu.vector_store %arg11[%swap3A_242, %swap3A_243], %swap3A_246 {strides = array<i32>} : memref<80x128xf32, #tpu.memory_space<vmem>>, vector<1x16xf32>,
      %get3A_247 = arith.index_cast %scan3A_164 : i32 to index
      %get3A_248 = arith.constant 96 : index
      %get3A_249 = tpu.vector_load %arg11[%get3A_247, %get3A_248] {strides = array<i32>} : memref<80x128xf32, #tpu.memory_space<vmem>>, vector<1x16xf32>,
      %get3A_250 = vector.shape_cast %get3A_249 : vector<1x16xf32> to vector<16xf32>
      %get3A_251 = arith.index_cast %scan3A_164 : i32 to index
      %get3A_252 = arith.constant 96 : index
      %get3A_253 = tpu.vector_load %arg13[%get3A_251, %get3A_252] {strides = array<i32>} : memref<80x128xf32, #tpu.memory_space<vmem>>, vector<1x16xf32>,
      %get3A_254 = vector.shape_cast %get3A_253 : vector<1x16xf32> to vector<16xf32>
      %add3A_255 = arith.addf %get3A_250, %get3A_254 : vector<16xf32>
      %swap3A_256 = arith.index_cast %scan3A_164 : i32 to index
      %swap3A_257 = arith.constant 96 : index
      %swap3A_258 = tpu.vector_load %arg11[%swap3A_256, %swap3A_257] {strides = array<i32>} : memref<80x128xf32, #tpu.memory_space<vmem>>, vector<1x16xf32>,
      %swap3A_259 = vector.shape_cast %swap3A_258 : vector<1x16xf32> to vector<16xf32>
      %swap3A_260 = vector.shape_cast %add3A_255 : vector<16xf32> to vector<1x16xf32>
      tpu.vector_store %arg11[%swap3A_256, %swap3A_257], %swap3A_260 {strides = array<i32>} : memref<80x128xf32, #tpu.memory_space<vmem>>, vector<1x16xf32>,
      %get3A_261 = arith.index_cast %scan3A_164 : i32 to index
      %get3A_262 = arith.constant 112 : index
      %get3A_263 = tpu.vector_load %arg11[%get3A_261, %get3A_262] {strides = array<i32>} : memref<80x128xf32, #tpu.memory_space<vmem>>, vector<1x16xf32>,
      %get3A_264 = vector.shape_cast %get3A_263 : vector<1x16xf32> to vector<16xf32>
      %get3A_265 = arith.index_cast %scan3A_164 : i32 to index
      %get3A_266 = arith.constant 112 : index
      %get3A_267 = tpu.vector_load %arg13[%get3A_265, %get3A_266] {strides = array<i32>} : memref<80x128xf32, #tpu.memory_space<vmem>>, vector<1x16xf32>,
      %get3A_268 = vector.shape_cast %get3A_267 : vector<1x16xf32> to vector<16xf32>
      %add3A_269 = arith.addf %get3A_264, %get3A_268 : vector<16xf32>
      %swap3A_270 = arith.index_cast %scan3A_164 : i32 to index
      %swap3A_271 = arith.constant 112 : index
      %swap3A_272 = tpu.vector_load %arg11[%swap3A_270, %swap3A_271] {strides = array<i32>} : memref<80x128xf32, #tpu.memory_space<vmem>>, vector<1x16xf32>,
      %swap3A_273 = vector.shape_cast %swap3A_272 : vector<1x16xf32> to vector<16xf32>
      %swap3A_274 = vector.shape_cast %add3A_269 : vector<16xf32> to vector<1x16xf32>
      tpu.vector_store %arg11[%swap3A_270, %swap3A_271], %swap3A_274 {strides = array<i32>} : memref<80x128xf32, #tpu.memory_space<vmem>>, vector<1x16xf32>,
    }
    %scan3A_131 = arith.constant 80 : i32
    %add3A_132 = arith.constant 3840 : i32
    %add3A_133 = arith.addi %mul3A_6, %add3A_132 : i32
    %dma_start3A_134 = arith.constant 0 : i32
    %dma_start3A_135 = tpu.memref_slice %arg6[%add3A_133, %dma_start3A_134] : memref<128000x128xf32, #tpu.memory_space<hbm>> -> memref<80x128xf32, #tpu.memory_space<hbm>>
    %dma_start3A_136 = arith.constant 0 : i32
    %dma_start3A_137 = tpu.memref_slice %arg6[%add3A_133, %dma_start3A_136] : memref<128000x128xf32, #tpu.memory_space<hbm>> -> memref<80x128xf32, #tpu.memory_space<hbm>>
    tpu.enqueue_dma source(%arg11 : memref<80x128xf32, #tpu.memory_space<vmem>>) target(%dma_start3A_137 : memref<80x128xf32, #tpu.memory_space<hbm>>) target_semaphore(%arg19 : memref<!tpu.dma_semaphore, #tpu.memory_space<semaphore_mem>>)
    %dma_wait3A_138 = arith.constant 0 : i32
    %dma_wait3A_139 = arith.constant 0 : i32
    %dma_wait3A_140 = tpu.memref_slice %arg2[%dma_wait3A_138, %dma_wait3A_139] : memref<10000x128xf32, #tpu.memory_space<hbm>> -> memref<10000x128xf32, #tpu.memory_space<hbm>>
    tpu.wait_indirect_dma semaphore(%arg18 : memref<!tpu.dma_semaphore, #tpu.memory_space<semaphore_mem>>) src(%dma_wait3A_140 : memref<10000x128xf32, #tpu.memory_space<hbm>>) dst(%arg12 : memref<80x128xf32, #tpu.memory_space<vmem>>)
    %dma_wait3A_141 = arith.constant 0 : i32
    %dma_wait3A_142 = arith.constant 0 : i32
    %dma_wait3A_143 = tpu.memref_slice %arg3[%dma_wait3A_141, %dma_wait3A_142] : memref<10000x128xf32, #tpu.memory_space<hbm>> -> memref<10000x128xf32, #tpu.memory_space<hbm>>
    tpu.wait_indirect_dma semaphore(%arg18 : memref<!tpu.dma_semaphore, #tpu.memory_space<semaphore_mem>>) src(%dma_wait3A_143 : memref<10000x128xf32, #tpu.memory_space<hbm>>) dst(%arg14 : memref<80x128xf32, #tpu.memory_space<vmem>>)
    %dma_wait3A_144 = arith.constant 0 : i32
    %dma_wait3A_145 = tpu.memref_slice %arg6[%mul3A_6, %dma_wait3A_144] : memref<128000x128xf32, #tpu.memory_space<hbm>> -> memref<80x128xf32, #tpu.memory_space<hbm>>
    %dma_wait3A_146 = arith.constant 0 : i32
    %dma_wait3A_147 = tpu.memref_slice %arg6[%mul3A_6, %dma_wait3A_146] : memref<128000x128xf32, #tpu.memory_space<hbm>> -> memref<80x128xf32, #tpu.memory_space<hbm>>
    tpu.wait_dma2 semaphore(%arg19 : memref<!tpu.dma_semaphore, #tpu.memory_space<semaphore_mem>>) src(%arg11 : memref<80x128xf32, #tpu.memory_space<vmem>>) dst(%dma_wait3A_147 : memref<80x128xf32, #tpu.memory_space<hbm>>)
    %scan3A_148 = arith.constant 0 : i32
    %scan3A_149 = arith.constant 0 : i32
    %scan3A_150 = arith.constant 80 : i32
    %scan3A_151 = arith.addi %scan3A_149, %scan3A_150 : i32
    %scan3A_152 = arith.constant 1 : i32
    scf.for %scan3A_164 = %scan3A_149 to %scan3A_151 step %scan3A_152  : i32 {
      %get3A = arith.index_cast %scan3A_164 : i32 to index
      %get3A_165 = arith.constant 0 : index
      %get3A_166 = tpu.vector_load %arg12[%get3A, %get3A_165] {strides = array<i32>} : memref<80x128xf32, #tpu.memory_space<vmem>>, vector<1x16xf32>,
      %get3A_167 = vector.shape_cast %get3A_166 : vector<1x16xf32> to vector<16xf32>
      %get3A_168 = arith.index_cast %scan3A_164 : i32 to index
      %get3A_169 = arith.constant 0 : index
      %get3A_170 = tpu.vector_load %arg14[%get3A_168, %get3A_169] {strides = array<i32>} : memref<80x128xf32, #tpu.memory_space<vmem>>, vector<1x16xf32>,
      %get3A_171 = vector.shape_cast %get3A_170 : vector<1x16xf32> to vector<16xf32>
      %add3A_172 = arith.addf %get3A_167, %get3A_171 : vector<16xf32>
      %swap3A = arith.index_cast %scan3A_164 : i32 to index
      %swap3A_173 = arith.constant 0 : index
      %swap3A_174 = tpu.vector_load %arg12[%swap3A, %swap3A_173] {strides = array<i32>} : memref<80x128xf32, #tpu.memory_space<vmem>>, vector<1x16xf32>,
      %swap3A_175 = vector.shape_cast %swap3A_174 : vector<1x16xf32> to vector<16xf32>
      %swap3A_176 = vector.shape_cast %add3A_172 : vector<16xf32> to vector<1x16xf32>
      tpu.vector_store %arg12[%swap3A, %swap3A_173], %swap3A_176 {strides = array<i32>} : memref<80x128xf32, #tpu.memory_space<vmem>>, vector<1x16xf32>,
      %get3A_177 = arith.index_cast %scan3A_164 : i32 to index
      %get3A_178 = arith.constant 16 : index
      %get3A_179 = tpu.vector_load %arg12[%get3A_177, %get3A_178] {strides = array<i32>} : memref<80x128xf32, #tpu.memory_space<vmem>>, vector<1x16xf32>,
      %get3A_180 = vector.shape_cast %get3A_179 : vector<1x16xf32> to vector<16xf32>
      %get3A_181 = arith.index_cast %scan3A_164 : i32 to index
      %get3A_182 = arith.constant 16 : index
      %get3A_183 = tpu.vector_load %arg14[%get3A_181, %get3A_182] {strides = array<i32>} : memref<80x128xf32, #tpu.memory_space<vmem>>, vector<1x16xf32>,
      %get3A_184 = vector.shape_cast %get3A_183 : vector<1x16xf32> to vector<16xf32>
      %add3A_185 = arith.addf %get3A_180, %get3A_184 : vector<16xf32>
      %swap3A_186 = arith.index_cast %scan3A_164 : i32 to index
      %swap3A_187 = arith.constant 16 : index
      %swap3A_188 = tpu.vector_load %arg12[%swap3A_186, %swap3A_187] {strides = array<i32>} : memref<80x128xf32, #tpu.memory_space<vmem>>, vector<1x16xf32>,
      %swap3A_189 = vector.shape_cast %swap3A_188 : vector<1x16xf32> to vector<16xf32>
      %swap3A_190 = vector.shape_cast %add3A_185 : vector<16xf32> to vector<1x16xf32>
      tpu.vector_store %arg12[%swap3A_186, %swap3A_187], %swap3A_190 {strides = array<i32>} : memref<80x128xf32, #tpu.memory_space<vmem>>, vector<1x16xf32>,
      %get3A_191 = arith.index_cast %scan3A_164 : i32 to index
      %get3A_192 = arith.constant 32 : index
      %get3A_193 = tpu.vector_load %arg12[%get3A_191, %get3A_192] {strides = array<i32>} : memref<80x128xf32, #tpu.memory_space<vmem>>, vector<1x16xf32>,
      %get3A_194 = vector.shape_cast %get3A_193 : vector<1x16xf32> to vector<16xf32>
      %get3A_195 = arith.index_cast %scan3A_164 : i32 to index
      %get3A_196 = arith.constant 32 : index
      %get3A_197 = tpu.vector_load %arg14[%get3A_195, %get3A_196] {strides = array<i32>} : memref<80x128xf32, #tpu.memory_space<vmem>>, vector<1x16xf32>,
      %get3A_198 = vector.shape_cast %get3A_197 : vector<1x16xf32> to vector<16xf32>
      %add3A_199 = arith.addf %get3A_194, %get3A_198 : vector<16xf32>
      %swap3A_200 = arith.index_cast %scan3A_164 : i32 to index
      %swap3A_201 = arith.constant 32 : index
      %swap3A_202 = tpu.vector_load %arg12[%swap3A_200, %swap3A_201] {strides = array<i32>} : memref<80x128xf32, #tpu.memory_space<vmem>>, vector<1x16xf32>,
      %swap3A_203 = vector.shape_cast %swap3A_202 : vector<1x16xf32> to vector<16xf32>
      %swap3A_204 = vector.shape_cast %add3A_199 : vector<16xf32> to vector<1x16xf32>
      tpu.vector_store %arg12[%swap3A_200, %swap3A_201], %swap3A_204 {strides = array<i32>} : memref<80x128xf32, #tpu.memory_space<vmem>>, vector<1x16xf32>,
      %get3A_205 = arith.index_cast %scan3A_164 : i32 to index
      %get3A_206 = arith.constant 48 : index
      %get3A_207 = tpu.vector_load %arg12[%get3A_205, %get3A_206] {strides = array<i32>} : memref<80x128xf32, #tpu.memory_space<vmem>>, vector<1x16xf32>,
      %get3A_208 = vector.shape_cast %get3A_207 : vector<1x16xf32> to vector<16xf32>
      %get3A_209 = arith.index_cast %scan3A_164 : i32 to index
      %get3A_210 = arith.constant 48 : index
      %get3A_211 = tpu.vector_load %arg14[%get3A_209, %get3A_210] {strides = array<i32>} : memref<80x128xf32, #tpu.memory_space<vmem>>, vector<1x16xf32>,
      %get3A_212 = vector.shape_cast %get3A_211 : vector<1x16xf32> to vector<16xf32>
      %add3A_213 = arith.addf %get3A_208, %get3A_212 : vector<16xf32>
      %swap3A_214 = arith.index_cast %scan3A_164 : i32 to index
      %swap3A_215 = arith.constant 48 : index
      %swap3A_216 = tpu.vector_load %arg12[%swap3A_214, %swap3A_215] {strides = array<i32>} : memref<80x128xf32, #tpu.memory_space<vmem>>, vector<1x16xf32>,
      %swap3A_217 = vector.shape_cast %swap3A_216 : vector<1x16xf32> to vector<16xf32>
      %swap3A_218 = vector.shape_cast %add3A_213 : vector<16xf32> to vector<1x16xf32>
      tpu.vector_store %arg12[%swap3A_214, %swap3A_215], %swap3A_218 {strides = array<i32>} : memref<80x128xf32, #tpu.memory_space<vmem>>, vector<1x16xf32>,
      %get3A_219 = arith.index_cast %scan3A_164 : i32 to index
      %get3A_220 = arith.constant 64 : index
      %get3A_221 = tpu.vector_load %arg12[%get3A_219, %get3A_220] {strides = array<i32>} : memref<80x128xf32, #tpu.memory_space<vmem>>, vector<1x16xf32>,
      %get3A_222 = vector.shape_cast %get3A_221 : vector<1x16xf32> to vector<16xf32>
      %get3A_223 = arith.index_cast %scan3A_164 : i32 to index
      %get3A_224 = arith.constant 64 : index
      %get3A_225 = tpu.vector_load %arg14[%get3A_223, %get3A_224] {strides = array<i32>} : memref<80x128xf32, #tpu.memory_space<vmem>>, vector<1x16xf32>,
      %get3A_226 = vector.shape_cast %get3A_225 : vector<1x16xf32> to vector<16xf32>
      %add3A_227 = arith.addf %get3A_222, %get3A_226 : vector<16xf32>
      %swap3A_228 = arith.index_cast %scan3A_164 : i32 to index
      %swap3A_229 = arith.constant 64 : index
      %swap3A_230 = tpu.vector_load %arg12[%swap3A_228, %swap3A_229] {strides = array<i32>} : memref<80x128xf32, #tpu.memory_space<vmem>>, vector<1x16xf32>,
      %swap3A_231 = vector.shape_cast %swap3A_230 : vector<1x16xf32> to vector<16xf32>
      %swap3A_232 = vector.shape_cast %add3A_227 : vector<16xf32> to vector<1x16xf32>
      tpu.vector_store %arg12[%swap3A_228, %swap3A_229], %swap3A_232 {strides = array<i32>} : memref<80x128xf32, #tpu.memory_space<vmem>>, vector<1x16xf32>,
      %get3A_233 = arith.index_cast %scan3A_164 : i32 to index
      %get3A_234 = arith.constant 80 : index
      %get3A_235 = tpu.vector_load %arg12[%get3A_233, %get3A_234] {strides = array<i32>} : memref<80x128xf32, #tpu.memory_space<vmem>>, vector<1x16xf32>,
      %get3A_236 = vector.shape_cast %get3A_235 : vector<1x16xf32> to vector<16xf32>
      %get3A_237 = arith.index_cast %scan3A_164 : i32 to index
      %get3A_238 = arith.constant 80 : index
      %get3A_239 = tpu.vector_load %arg14[%get3A_237, %get3A_238] {strides = array<i32>} : memref<80x128xf32, #tpu.memory_space<vmem>>, vector<1x16xf32>,
      %get3A_240 = vector.shape_cast %get3A_239 : vector<1x16xf32> to vector<16xf32>
      %add3A_241 = arith.addf %get3A_236, %get3A_240 : vector<16xf32>
      %swap3A_242 = arith.index_cast %scan3A_164 : i32 to index
      %swap3A_243 = arith.constant 80 : index
      %swap3A_244 = tpu.vector_load %arg12[%swap3A_242, %swap3A_243] {strides = array<i32>} : memref<80x128xf32, #tpu.memory_space<vmem>>, vector<1x16xf32>,
      %swap3A_245 = vector.shape_cast %swap3A_244 : vector<1x16xf32> to vector<16xf32>
      %swap3A_246 = vector.shape_cast %add3A_241 : vector<16xf32> to vector<1x16xf32>
      tpu.vector_store %arg12[%swap3A_242, %swap3A_243], %swap3A_246 {strides = array<i32>} : memref<80x128xf32, #tpu.memory_space<vmem>>, vector<1x16xf32>,
      %get3A_247 = arith.index_cast %scan3A_164 : i32 to index
      %get3A_248 = arith.constant 96 : index
      %get3A_249 = tpu.vector_load %arg12[%get3A_247, %get3A_248] {strides = array<i32>} : memref<80x128xf32, #tpu.memory_space<vmem>>, vector<1x16xf32>,
      %get3A_250 = vector.shape_cast %get3A_249 : vector<1x16xf32> to vector<16xf32>
      %get3A_251 = arith.index_cast %scan3A_164 : i32 to index
      %get3A_252 = arith.constant 96 : index
      %get3A_253 = tpu.vector_load %arg14[%get3A_251, %get3A_252] {strides = array<i32>} : memref<80x128xf32, #tpu.memory_space<vmem>>, vector<1x16xf32>,
      %get3A_254 = vector.shape_cast %get3A_253 : vector<1x16xf32> to vector<16xf32>
      %add3A_255 = arith.addf %get3A_250, %get3A_254 : vector<16xf32>
      %swap3A_256 = arith.index_cast %scan3A_164 : i32 to index
      %swap3A_257 = arith.constant 96 : index
      %swap3A_258 = tpu.vector_load %arg12[%swap3A_256, %swap3A_257] {strides = array<i32>} : memref<80x128xf32, #tpu.memory_space<vmem>>, vector<1x16xf32>,
      %swap3A_259 = vector.shape_cast %swap3A_258 : vector<1x16xf32> to vector<16xf32>
      %swap3A_260 = vector.shape_cast %add3A_255 : vector<16xf32> to vector<1x16xf32>
      tpu.vector_store %arg12[%swap3A_256, %swap3A_257], %swap3A_260 {strides = array<i32>} : memref<80x128xf32, #tpu.memory_space<vmem>>, vector<1x16xf32>,
      %get3A_261 = arith.index_cast %scan3A_164 : i32 to index
      %get3A_262 = arith.constant 112 : index
      %get3A_263 = tpu.vector_load %arg12[%get3A_261, %get3A_262] {strides = array<i32>} : memref<80x128xf32, #tpu.memory_space<vmem>>, vector<1x16xf32>,
      %get3A_264 = vector.shape_cast %get3A_263 : vector<1x16xf32> to vector<16xf32>
      %get3A_265 = arith.index_cast %scan3A_164 : i32 to index
      %get3A_266 = arith.constant 112 : index
      %get3A_267 = tpu.vector_load %arg14[%get3A_265, %get3A_266] {strides = array<i32>} : memref<80x128xf32, #tpu.memory_space<vmem>>, vector<1x16xf32>,
      %get3A_268 = vector.shape_cast %get3A_267 : vector<1x16xf32> to vector<16xf32>
      %add3A_269 = arith.addf %get3A_264, %get3A_268 : vector<16xf32>
      %swap3A_270 = arith.index_cast %scan3A_164 : i32 to index
      %swap3A_271 = arith.constant 112 : index
      %swap3A_272 = tpu.vector_load %arg12[%swap3A_270, %swap3A_271] {strides = array<i32>} : memref<80x128xf32, #tpu.memory_space<vmem>>, vector<1x16xf32>,
      %swap3A_273 = vector.shape_cast %swap3A_272 : vector<1x16xf32> to vector<16xf32>
      %swap3A_274 = vector.shape_cast %add3A_269 : vector<16xf32> to vector<1x16xf32>
      tpu.vector_store %arg12[%swap3A_270, %swap3A_271], %swap3A_274 {strides = array<i32>} : memref<80x128xf32, #tpu.memory_space<vmem>>, vector<1x16xf32>,
    }
    %scan3A_153 = arith.constant 80 : i32
    %add3A_154 = arith.constant 3920 : i32
    %add3A_155 = arith.addi %mul3A_6, %add3A_154 : i32
    %dma_start3A_156 = arith.constant 0 : i32
    %dma_start3A_157 = tpu.memref_slice %arg6[%add3A_155, %dma_start3A_156] : memref<128000x128xf32, #tpu.memory_space<hbm>> -> memref<80x128xf32, #tpu.memory_space<hbm>>
    %dma_start3A_158 = arith.constant 0 : i32
    %dma_start3A_159 = tpu.memref_slice %arg6[%add3A_155, %dma_start3A_158] : memref<128000x128xf32, #tpu.memory_space<hbm>> -> memref<80x128xf32, #tpu.memory_space<hbm>>
    tpu.enqueue_dma source(%arg12 : memref<80x128xf32, #tpu.memory_space<vmem>>) target(%dma_start3A_159 : memref<80x128xf32, #tpu.memory_space<hbm>>) target_semaphore(%arg20 : memref<!tpu.dma_semaphore, #tpu.memory_space<semaphore_mem>>)
    %dma_wait3A_160 = arith.constant 0 : i32
    %dma_wait3A_161 = tpu.memref_slice %arg6[%mul3A_6, %dma_wait3A_160] : memref<128000x128xf32, #tpu.memory_space<hbm>> -> memref<80x128xf32, #tpu.memory_space<hbm>>
    %dma_wait3A_162 = arith.constant 0 : i32
    %dma_wait3A_163 = tpu.memref_slice %arg6[%mul3A_6, %dma_wait3A_162] : memref<128000x128xf32, #tpu.memory_space<hbm>> -> memref<80x128xf32, #tpu.memory_space<hbm>>
    tpu.wait_dma2 semaphore(%arg20 : memref<!tpu.dma_semaphore, #tpu.memory_space<semaphore_mem>>) src(%arg12 : memref<80x128xf32, #tpu.memory_space<vmem>>) dst(%dma_wait3A_163 : memref<80x128xf32, #tpu.memory_space<hbm>>)
    return
  }
}

#map = affine_map<(d0, d1) -> (0, 0)>
#map1 = affine_map<(d0, d1) -> (0)>
module attributes {stable_mosaic.version = 14 : i64} {
  func.func @_scatter_body(%arg0: i32, %arg1: i32, %arg2: memref<128000x128xf32, #tpu.memory_space<hbm>>, %arg3: memref<320000xi32, #tpu.memory_space<hbm>>, %arg4: memref<10000x128xf32, #tpu.memory_space<hbm>>, %arg5: memref<20000x128xf32, #tpu.memory_space<hbm>>, %arg6: memref<80xi32, #tpu.memory_space<vmem>>, %arg7: memref<80xi32, #tpu.memory_space<vmem>>, %arg8: memref<80x128xf32, #tpu.memory_space<vmem>>, %arg9: memref<80x128xf32, #tpu.memory_space<vmem>>, %arg10: memref<10000x128xf32, #tpu.memory_space<vmem_shared>>, %arg11: memref<!tpu.dma_semaphore, #tpu.memory_space<semaphore_mem>>, %arg12: memref<!tpu.dma_semaphore, #tpu.memory_space<semaphore_mem>>, %arg13: memref<!tpu.dma_semaphore, #tpu.memory_space<semaphore_mem>>, %arg14: memref<!tpu.dma_semaphore, #tpu.memory_space<semaphore_mem>>) attributes {dimension_semantics = [#tpu.dimension_semantics<core_parallel>, #tpu.dimension_semantics<subcore_parallel>], iteration_bounds = array<i64: 2, 16>, scalar_prefetch = 0 : i64, scratch_operands = 9 : i64, tpu.core_type = #tpu.core_type<sc_vector_subcore>, window_params = [{transform_indices = #map}, {transform_indices = #map1}, {transform_indices = #map}, {transform_indices = #map}]} {
    %mul3A = arith.constant 2 : i32
    %mul3A_0 = arith.muli %arg1, %mul3A : i32
    %add3A = arith.addi %mul3A_0, %arg0 : i32
    %mul3A_1 = arith.constant 4000 : i32
    %mul3A_2 = arith.muli %add3A, %mul3A_1 : i32
    %add3A_3 = arith.constant 0 : i32
    %add3A_4 = arith.addi %add3A_3, %mul3A_2 : i32
    %mul3A_5 = arith.constant 4000 : i32
    %mul3A_6 = arith.muli %add3A, %mul3A_5 : i32
    %mul3A_7 = arith.constant 624 : i32
    %mul3A_8 = arith.muli %arg1, %mul3A_7 : i32
    "tpu.region"() ({
      %run_scoped3A = tpu.sem_alloc : memref<!tpu.dma_semaphore, #tpu.memory_space<semaphore_mem>>
      %dma_start3A_127 = arith.constant 0 : i32
      %dma_start3A_128 = tpu.memref_slice %arg10[%mul3A_8, %dma_start3A_127] : memref<10000x128xf32, #tpu.memory_space<vmem_shared>> -> memref<624x128xf32, #tpu.memory_space<vmem_shared>>
      %dma_start3A_129 = arith.constant 0 : i32
      %dma_start3A_130 = tpu.memref_slice %arg4[%mul3A_8, %dma_start3A_129] : memref<10000x128xf32, #tpu.memory_space<hbm>> -> memref<624x128xf32, #tpu.memory_space<hbm>>
      tpu.enqueue_dma source(%dma_start3A_130 : memref<624x128xf32, #tpu.memory_space<hbm>>) target(%dma_start3A_128 : memref<624x128xf32, #tpu.memory_space<vmem_shared>>) target_semaphore(%run_scoped3A : memref<!tpu.dma_semaphore, #tpu.memory_space<semaphore_mem>>)
      %dma_wait3A_131 = arith.constant 0 : i32
      %dma_wait3A_132 = tpu.memref_slice %arg10[%mul3A_8, %dma_wait3A_131] : memref<10000x128xf32, #tpu.memory_space<vmem_shared>> -> memref<624x128xf32, #tpu.memory_space<vmem_shared>>
      %dma_wait3A_133 = arith.constant 0 : i32
      %dma_wait3A_134 = tpu.memref_slice %arg4[%mul3A_8, %dma_wait3A_133] : memref<10000x128xf32, #tpu.memory_space<hbm>> -> memref<624x128xf32, #tpu.memory_space<hbm>>
      tpu.wait_dma2 semaphore(%run_scoped3A : memref<!tpu.dma_semaphore, #tpu.memory_space<semaphore_mem>>) src(%dma_wait3A_134 : memref<624x128xf32, #tpu.memory_space<hbm>>) dst(%dma_wait3A_132 : memref<624x128xf32, #tpu.memory_space<vmem_shared>>)
      tpu.yield
    }) : () -> ()
    %eq3A = arith.constant 15 : i32
    %eq3A_9 = arith.cmpi eq, %arg1, %eq3A : i32
    %convert_element_type3A = arith.extui %eq3A_9 : i1 to i32
    %cond3A = arith.constant 0 : i32
    %cond3A_10 = arith.cmpi ne, %convert_element_type3A, %cond3A : i32
    scf.if %cond3A_10 {
      "tpu.region"() ({
        %run_scoped3A = tpu.sem_alloc : memref<!tpu.dma_semaphore, #tpu.memory_space<semaphore_mem>>
        %dma_start3A_127 = arith.constant 9984 : i32
        %dma_start3A_128 = arith.constant 0 : i32
        %dma_start3A_129 = tpu.memref_slice %arg10[%dma_start3A_127, %dma_start3A_128] : memref<10000x128xf32, #tpu.memory_space<vmem_shared>> -> memref<16x128xf32, #tpu.memory_space<vmem_shared>>
        %dma_start3A_130 = arith.constant 9984 : i32
        %dma_start3A_131 = arith.constant 0 : i32
        %dma_start3A_132 = tpu.memref_slice %arg4[%dma_start3A_130, %dma_start3A_131] : memref<10000x128xf32, #tpu.memory_space<hbm>> -> memref<16x128xf32, #tpu.memory_space<hbm>>
        tpu.enqueue_dma source(%dma_start3A_132 : memref<16x128xf32, #tpu.memory_space<hbm>>) target(%dma_start3A_129 : memref<16x128xf32, #tpu.memory_space<vmem_shared>>) target_semaphore(%run_scoped3A : memref<!tpu.dma_semaphore, #tpu.memory_space<semaphore_mem>>)
        %dma_wait3A_133 = arith.constant 9984 : i32
        %dma_wait3A_134 = arith.constant 0 : i32
        %dma_wait3A_135 = tpu.memref_slice %arg10[%dma_wait3A_133, %dma_wait3A_134] : memref<10000x128xf32, #tpu.memory_space<vmem_shared>> -> memref<16x128xf32, #tpu.memory_space<vmem_shared>>
        %dma_wait3A_136 = arith.constant 9984 : i32
        %dma_wait3A_137 = arith.constant 0 : i32
        %dma_wait3A_138 = tpu.memref_slice %arg4[%dma_wait3A_136, %dma_wait3A_137] : memref<10000x128xf32, #tpu.memory_space<hbm>> -> memref<16x128xf32, #tpu.memory_space<hbm>>
        tpu.wait_dma2 semaphore(%run_scoped3A : memref<!tpu.dma_semaphore, #tpu.memory_space<semaphore_mem>>) src(%dma_wait3A_138 : memref<16x128xf32, #tpu.memory_space<hbm>>) dst(%dma_wait3A_135 : memref<16x128xf32, #tpu.memory_space<vmem_shared>>)
        tpu.yield
      }) : () -> ()
    } else {
    }
    %barrier3A = arith.constant 0 : index
    tpu.barrier barrier_id(%barrier3A)
    %add3A_11 = arith.constant 0 : i32
    %add3A_12 = arith.addi %add3A_4, %add3A_11 : i32
    %dma_start3A = tpu.memref_slice %arg3[%add3A_12] : memref<320000xi32, #tpu.memory_space<hbm>> -> memref<80xi32, #tpu.memory_space<hbm>>
    %dma_start3A_13 = tpu.memref_slice %arg3[%add3A_12] : memref<320000xi32, #tpu.memory_space<hbm>> -> memref<80xi32, #tpu.memory_space<hbm>>
    tpu.enqueue_dma source(%dma_start3A_13 : memref<80xi32, #tpu.memory_space<hbm>>) target(%arg6 : memref<80xi32, #tpu.memory_space<vmem>>) target_semaphore(%arg11 : memref<!tpu.dma_semaphore, #tpu.memory_space<semaphore_mem>>)
    %add3A_14 = arith.constant 0 : i32
    %add3A_15 = arith.addi %mul3A_6, %add3A_14 : i32
    %dma_start3A_16 = arith.constant 0 : i32
    %dma_start3A_17 = tpu.memref_slice %arg2[%add3A_15, %dma_start3A_16] : memref<128000x128xf32, #tpu.memory_space<hbm>> -> memref<80x128xf32, #tpu.memory_space<hbm>>
    %dma_start3A_18 = arith.constant 0 : i32
    %dma_start3A_19 = tpu.memref_slice %arg2[%add3A_15, %dma_start3A_18] : memref<128000x128xf32, #tpu.memory_space<hbm>> -> memref<80x128xf32, #tpu.memory_space<hbm>>
    tpu.enqueue_dma source(%dma_start3A_19 : memref<80x128xf32, #tpu.memory_space<hbm>>) target(%arg8 : memref<80x128xf32, #tpu.memory_space<vmem>>) target_semaphore(%arg11 : memref<!tpu.dma_semaphore, #tpu.memory_space<semaphore_mem>>)
    %dma_wait3A = arith.constant 0 : i32
    %dma_wait3A_20 = tpu.memref_slice %arg3[%dma_wait3A] : memref<320000xi32, #tpu.memory_space<hbm>> -> memref<80xi32, #tpu.memory_space<hbm>>
    %dma_wait3A_21 = arith.constant 0 : i32
    %dma_wait3A_22 = tpu.memref_slice %arg3[%dma_wait3A_21] : memref<320000xi32, #tpu.memory_space<hbm>> -> memref<80xi32, #tpu.memory_space<hbm>>
    tpu.wait_dma2 semaphore(%arg11 : memref<!tpu.dma_semaphore, #tpu.memory_space<semaphore_mem>>) src(%dma_wait3A_22 : memref<80xi32, #tpu.memory_space<hbm>>) dst(%arg6 : memref<80xi32, #tpu.memory_space<vmem>>)
    %dma_wait3A_23 = arith.constant 0 : i32
    %dma_wait3A_24 = arith.constant 0 : i32
    %dma_wait3A_25 = tpu.memref_slice %arg2[%dma_wait3A_23, %dma_wait3A_24] : memref<128000x128xf32, #tpu.memory_space<hbm>> -> memref<80x128xf32, #tpu.memory_space<hbm>>
    %dma_wait3A_26 = arith.constant 0 : i32
    %dma_wait3A_27 = arith.constant 0 : i32
    %dma_wait3A_28 = tpu.memref_slice %arg2[%dma_wait3A_26, %dma_wait3A_27] : memref<128000x128xf32, #tpu.memory_space<hbm>> -> memref<80x128xf32, #tpu.memory_space<hbm>>
    tpu.wait_dma2 semaphore(%arg11 : memref<!tpu.dma_semaphore, #tpu.memory_space<semaphore_mem>>) src(%dma_wait3A_28 : memref<80x128xf32, #tpu.memory_space<hbm>>) dst(%arg8 : memref<80x128xf32, #tpu.memory_space<vmem>>)
    %add3A_29 = arith.constant 80 : i32
    %add3A_30 = arith.addi %add3A_4, %add3A_29 : i32
    %dma_start3A_31 = tpu.memref_slice %arg3[%add3A_30] : memref<320000xi32, #tpu.memory_space<hbm>> -> memref<80xi32, #tpu.memory_space<hbm>>
    %dma_start3A_32 = tpu.memref_slice %arg3[%add3A_30] : memref<320000xi32, #tpu.memory_space<hbm>> -> memref<80xi32, #tpu.memory_space<hbm>>
    tpu.enqueue_dma source(%dma_start3A_32 : memref<80xi32, #tpu.memory_space<hbm>>) target(%arg7 : memref<80xi32, #tpu.memory_space<vmem>>) target_semaphore(%arg12 : memref<!tpu.dma_semaphore, #tpu.memory_space<semaphore_mem>>)
    %add3A_33 = arith.constant 80 : i32
    %add3A_34 = arith.addi %mul3A_6, %add3A_33 : i32
    %dma_start3A_35 = arith.constant 0 : i32
    %dma_start3A_36 = tpu.memref_slice %arg2[%add3A_34, %dma_start3A_35] : memref<128000x128xf32, #tpu.memory_space<hbm>> -> memref<80x128xf32, #tpu.memory_space<hbm>>
    %dma_start3A_37 = arith.constant 0 : i32
    %dma_start3A_38 = tpu.memref_slice %arg2[%add3A_34, %dma_start3A_37] : memref<128000x128xf32, #tpu.memory_space<hbm>> -> memref<80x128xf32, #tpu.memory_space<hbm>>
    tpu.enqueue_dma source(%dma_start3A_38 : memref<80x128xf32, #tpu.memory_space<hbm>>) target(%arg9 : memref<80x128xf32, #tpu.memory_space<vmem>>) target_semaphore(%arg12 : memref<!tpu.dma_semaphore, #tpu.memory_space<semaphore_mem>>)
    %dma_start3A_39 = arith.constant 0 : i32
    %dma_start3A_40 = arith.constant 0 : i32
    %dma_start3A_41 = tpu.memref_slice %arg10[%dma_start3A_39, %dma_start3A_40] : memref<10000x128xf32, #tpu.memory_space<vmem_shared>> -> memref<10000x128xf32, #tpu.memory_space<vmem_shared>>
    tpu.enqueue_indirect_dma source(%arg8 : memref<80x128xf32, #tpu.memory_space<vmem>>) target(%dma_start3A_41 : memref<10000x128xf32, #tpu.memory_space<vmem_shared>>) offsets(%arg6 : memref<80xi32, #tpu.memory_space<vmem>>) semaphore(%arg13 : memref<!tpu.dma_semaphore, #tpu.memory_space<semaphore_mem>>) {add = true}
    %scan3A = arith.constant 0 : i32
    %scan3A_42 = arith.constant 0 : i32
    %scan3A_43 = arith.constant 23 : i32
    %scan3A_44 = arith.addi %scan3A_42, %scan3A_43 : i32
    %scan3A_45 = arith.constant 1 : i32
    scf.for %scan3A_127 = %scan3A_42 to %scan3A_44 step %scan3A_45  : i32 {
      %mul3A_128 = arith.constant 2 : i32
      %mul3A_129 = arith.muli %mul3A_128, %scan3A_127 : i32
      %add3A_130 = arith.constant 1 : i32
      %add3A_131 = arith.addi %mul3A_129, %add3A_130 : i32
      %dma_wait3A_132 = arith.constant 0 : i32
      %dma_wait3A_133 = tpu.memref_slice %arg3[%dma_wait3A_132] : memref<320000xi32, #tpu.memory_space<hbm>> -> memref<80xi32, #tpu.memory_space<hbm>>
      %dma_wait3A_134 = arith.constant 0 : i32
      %dma_wait3A_135 = tpu.memref_slice %arg3[%dma_wait3A_134] : memref<320000xi32, #tpu.memory_space<hbm>> -> memref<80xi32, #tpu.memory_space<hbm>>
      tpu.wait_dma2 semaphore(%arg12 : memref<!tpu.dma_semaphore, #tpu.memory_space<semaphore_mem>>) src(%dma_wait3A_135 : memref<80xi32, #tpu.memory_space<hbm>>) dst(%arg7 : memref<80xi32, #tpu.memory_space<vmem>>)
      %dma_wait3A_136 = arith.constant 0 : i32
      %dma_wait3A_137 = arith.constant 0 : i32
      %dma_wait3A_138 = tpu.memref_slice %arg2[%dma_wait3A_136, %dma_wait3A_137] : memref<128000x128xf32, #tpu.memory_space<hbm>> -> memref<80x128xf32, #tpu.memory_space<hbm>>
      %dma_wait3A_139 = arith.constant 0 : i32
      %dma_wait3A_140 = arith.constant 0 : i32
      %dma_wait3A_141 = tpu.memref_slice %arg2[%dma_wait3A_139, %dma_wait3A_140] : memref<128000x128xf32, #tpu.memory_space<hbm>> -> memref<80x128xf32, #tpu.memory_space<hbm>>
      tpu.wait_dma2 semaphore(%arg12 : memref<!tpu.dma_semaphore, #tpu.memory_space<semaphore_mem>>) src(%dma_wait3A_141 : memref<80x128xf32, #tpu.memory_space<hbm>>) dst(%arg9 : memref<80x128xf32, #tpu.memory_space<vmem>>)
      %dma_wait3A_142 = arith.constant 0 : i32
      %dma_wait3A_143 = arith.constant 0 : i32
      %dma_wait3A_144 = tpu.memref_slice %arg10[%dma_wait3A_142, %dma_wait3A_143] : memref<10000x128xf32, #tpu.memory_space<vmem_shared>> -> memref<10000x128xf32, #tpu.memory_space<vmem_shared>>
      tpu.wait_indirect_dma semaphore(%arg13 : memref<!tpu.dma_semaphore, #tpu.memory_space<semaphore_mem>>) src(%arg8 : memref<80x128xf32, #tpu.memory_space<vmem>>) dst(%dma_wait3A_144 : memref<10000x128xf32, #tpu.memory_space<vmem_shared>>)
      %add3A_145 = arith.constant 1 : i32
      %add3A_146 = arith.addi %add3A_131, %add3A_145 : i32
      %mul3A_147 = arith.constant 80 : i32
      %mul3A_148 = arith.muli %add3A_146, %mul3A_147 : i32
      %add3A_149 = arith.addi %add3A_4, %mul3A_148 : i32
      %dma_start3A_150 = tpu.memref_slice %arg3[%add3A_149] : memref<320000xi32, #tpu.memory_space<hbm>> -> memref<80xi32, #tpu.memory_space<hbm>>
      %dma_start3A_151 = tpu.memref_slice %arg3[%add3A_149] : memref<320000xi32, #tpu.memory_space<hbm>> -> memref<80xi32, #tpu.memory_space<hbm>>
      tpu.enqueue_dma source(%dma_start3A_151 : memref<80xi32, #tpu.memory_space<hbm>>) target(%arg6 : memref<80xi32, #tpu.memory_space<vmem>>) target_semaphore(%arg11 : memref<!tpu.dma_semaphore, #tpu.memory_space<semaphore_mem>>)
      %mul3A_152 = arith.constant 80 : i32
      %mul3A_153 = arith.muli %add3A_146, %mul3A_152 : i32
      %add3A_154 = arith.addi %mul3A_6, %mul3A_153 : i32
      %dma_start3A_155 = arith.constant 0 : i32
      %dma_start3A_156 = tpu.memref_slice %arg2[%add3A_154, %dma_start3A_155] : memref<128000x128xf32, #tpu.memory_space<hbm>> -> memref<80x128xf32, #tpu.memory_space<hbm>>
      %dma_start3A_157 = arith.constant 0 : i32
      %dma_start3A_158 = tpu.memref_slice %arg2[%add3A_154, %dma_start3A_157] : memref<128000x128xf32, #tpu.memory_space<hbm>> -> memref<80x128xf32, #tpu.memory_space<hbm>>
      tpu.enqueue_dma source(%dma_start3A_158 : memref<80x128xf32, #tpu.memory_space<hbm>>) target(%arg8 : memref<80x128xf32, #tpu.memory_space<vmem>>) target_semaphore(%arg11 : memref<!tpu.dma_semaphore, #tpu.memory_space<semaphore_mem>>)
      %dma_start3A_159 = arith.constant 0 : i32
      %dma_start3A_160 = arith.constant 0 : i32
      %dma_start3A_161 = tpu.memref_slice %arg10[%dma_start3A_159, %dma_start3A_160] : memref<10000x128xf32, #tpu.memory_space<vmem_shared>> -> memref<10000x128xf32, #tpu.memory_space<vmem_shared>>
      tpu.enqueue_indirect_dma source(%arg9 : memref<80x128xf32, #tpu.memory_space<vmem>>) target(%dma_start3A_161 : memref<10000x128xf32, #tpu.memory_space<vmem_shared>>) offsets(%arg7 : memref<80xi32, #tpu.memory_space<vmem>>) semaphore(%arg14 : memref<!tpu.dma_semaphore, #tpu.memory_space<semaphore_mem>>) {add = true}
      %add3A_162 = arith.constant 1 : i32
      %add3A_163 = arith.addi %add3A_131, %add3A_162 : i32
      %dma_wait3A_164 = arith.constant 0 : i32
      %dma_wait3A_165 = tpu.memref_slice %arg3[%dma_wait3A_164] : memref<320000xi32, #tpu.memory_space<hbm>> -> memref<80xi32, #tpu.memory_space<hbm>>
      %dma_wait3A_166 = arith.constant 0 : i32
      %dma_wait3A_167 = tpu.memref_slice %arg3[%dma_wait3A_166] : memref<320000xi32, #tpu.memory_space<hbm>> -> memref<80xi32, #tpu.memory_space<hbm>>
      tpu.wait_dma2 semaphore(%arg11 : memref<!tpu.dma_semaphore, #tpu.memory_space<semaphore_mem>>) src(%dma_wait3A_167 : memref<80xi32, #tpu.memory_space<hbm>>) dst(%arg6 : memref<80xi32, #tpu.memory_space<vmem>>)
      %dma_wait3A_168 = arith.constant 0 : i32
      %dma_wait3A_169 = arith.constant 0 : i32
      %dma_wait3A_170 = tpu.memref_slice %arg2[%dma_wait3A_168, %dma_wait3A_169] : memref<128000x128xf32, #tpu.memory_space<hbm>> -> memref<80x128xf32, #tpu.memory_space<hbm>>
      %dma_wait3A_171 = arith.constant 0 : i32
      %dma_wait3A_172 = arith.constant 0 : i32
      %dma_wait3A_173 = tpu.memref_slice %arg2[%dma_wait3A_171, %dma_wait3A_172] : memref<128000x128xf32, #tpu.memory_space<hbm>> -> memref<80x128xf32, #tpu.memory_space<hbm>>
      tpu.wait_dma2 semaphore(%arg11 : memref<!tpu.dma_semaphore, #tpu.memory_space<semaphore_mem>>) src(%dma_wait3A_173 : memref<80x128xf32, #tpu.memory_space<hbm>>) dst(%arg8 : memref<80x128xf32, #tpu.memory_space<vmem>>)
      %dma_wait3A_174 = arith.constant 0 : i32
      %dma_wait3A_175 = arith.constant 0 : i32
      %dma_wait3A_176 = tpu.memref_slice %arg10[%dma_wait3A_174, %dma_wait3A_175] : memref<10000x128xf32, #tpu.memory_space<vmem_shared>> -> memref<10000x128xf32, #tpu.memory_space<vmem_shared>>
      tpu.wait_indirect_dma semaphore(%arg14 : memref<!tpu.dma_semaphore, #tpu.memory_space<semaphore_mem>>) src(%arg9 : memref<80x128xf32, #tpu.memory_space<vmem>>) dst(%dma_wait3A_176 : memref<10000x128xf32, #tpu.memory_space<vmem_shared>>)
      %add3A_177 = arith.constant 1 : i32
      %add3A_178 = arith.addi %add3A_163, %add3A_177 : i32
      %mul3A_179 = arith.constant 80 : i32
      %mul3A_180 = arith.muli %add3A_178, %mul3A_179 : i32
      %add3A_181 = arith.addi %add3A_4, %mul3A_180 : i32
      %dma_start3A_182 = tpu.memref_slice %arg3[%add3A_181] : memref<320000xi32, #tpu.memory_space<hbm>> -> memref<80xi32, #tpu.memory_space<hbm>>
      %dma_start3A_183 = tpu.memref_slice %arg3[%add3A_181] : memref<320000xi32, #tpu.memory_space<hbm>> -> memref<80xi32, #tpu.memory_space<hbm>>
      tpu.enqueue_dma source(%dma_start3A_183 : memref<80xi32, #tpu.memory_space<hbm>>) target(%arg7 : memref<80xi32, #tpu.memory_space<vmem>>) target_semaphore(%arg12 : memref<!tpu.dma_semaphore, #tpu.memory_space<semaphore_mem>>)
      %mul3A_184 = arith.constant 80 : i32
      %mul3A_185 = arith.muli %add3A_178, %mul3A_184 : i32
      %add3A_186 = arith.addi %mul3A_6, %mul3A_185 : i32
      %dma_start3A_187 = arith.constant 0 : i32
      %dma_start3A_188 = tpu.memref_slice %arg2[%add3A_186, %dma_start3A_187] : memref<128000x128xf32, #tpu.memory_space<hbm>> -> memref<80x128xf32, #tpu.memory_space<hbm>>
      %dma_start3A_189 = arith.constant 0 : i32
      %dma_start3A_190 = tpu.memref_slice %arg2[%add3A_186, %dma_start3A_189] : memref<128000x128xf32, #tpu.memory_space<hbm>> -> memref<80x128xf32, #tpu.memory_space<hbm>>
      tpu.enqueue_dma source(%dma_start3A_190 : memref<80x128xf32, #tpu.memory_space<hbm>>) target(%arg9 : memref<80x128xf32, #tpu.memory_space<vmem>>) target_semaphore(%arg12 : memref<!tpu.dma_semaphore, #tpu.memory_space<semaphore_mem>>)
      %dma_start3A_191 = arith.constant 0 : i32
      %dma_start3A_192 = arith.constant 0 : i32
      %dma_start3A_193 = tpu.memref_slice %arg10[%dma_start3A_191, %dma_start3A_192] : memref<10000x128xf32, #tpu.memory_space<vmem_shared>> -> memref<10000x128xf32, #tpu.memory_space<vmem_shared>>
      tpu.enqueue_indirect_dma source(%arg8 : memref<80x128xf32, #tpu.memory_space<vmem>>) target(%dma_start3A_193 : memref<10000x128xf32, #tpu.memory_space<vmem_shared>>) offsets(%arg6 : memref<80xi32, #tpu.memory_space<vmem>>) semaphore(%arg13 : memref<!tpu.dma_semaphore, #tpu.memory_space<semaphore_mem>>) {add = true}
    }
    %scan3A_46 = arith.constant 23 : i32
    %dma_wait3A_47 = arith.constant 0 : i32
    %dma_wait3A_48 = tpu.memref_slice %arg3[%dma_wait3A_47] : memref<320000xi32, #tpu.memory_space<hbm>> -> memref<80xi32, #tpu.memory_space<hbm>>
    %dma_wait3A_49 = arith.constant 0 : i32
    %dma_wait3A_50 = tpu.memref_slice %arg3[%dma_wait3A_49] : memref<320000xi32, #tpu.memory_space<hbm>> -> memref<80xi32, #tpu.memory_space<hbm>>
    tpu.wait_dma2 semaphore(%arg12 : memref<!tpu.dma_semaphore, #tpu.memory_space<semaphore_mem>>) src(%dma_wait3A_50 : memref<80xi32, #tpu.memory_space<hbm>>) dst(%arg7 : memref<80xi32, #tpu.memory_space<vmem>>)
    %dma_wait3A_51 = arith.constant 0 : i32
    %dma_wait3A_52 = arith.constant 0 : i32
    %dma_wait3A_53 = tpu.memref_slice %arg2[%dma_wait3A_51, %dma_wait3A_52] : memref<128000x128xf32, #tpu.memory_space<hbm>> -> memref<80x128xf32, #tpu.memory_space<hbm>>
    %dma_wait3A_54 = arith.constant 0 : i32
    %dma_wait3A_55 = arith.constant 0 : i32
    %dma_wait3A_56 = tpu.memref_slice %arg2[%dma_wait3A_54, %dma_wait3A_55] : memref<128000x128xf32, #tpu.memory_space<hbm>> -> memref<80x128xf32, #tpu.memory_space<hbm>>
    tpu.wait_dma2 semaphore(%arg12 : memref<!tpu.dma_semaphore, #tpu.memory_space<semaphore_mem>>) src(%dma_wait3A_56 : memref<80x128xf32, #tpu.memory_space<hbm>>) dst(%arg9 : memref<80x128xf32, #tpu.memory_space<vmem>>)
    %dma_wait3A_57 = arith.constant 0 : i32
    %dma_wait3A_58 = arith.constant 0 : i32
    %dma_wait3A_59 = tpu.memref_slice %arg10[%dma_wait3A_57, %dma_wait3A_58] : memref<10000x128xf32, #tpu.memory_space<vmem_shared>> -> memref<10000x128xf32, #tpu.memory_space<vmem_shared>>
    tpu.wait_indirect_dma semaphore(%arg13 : memref<!tpu.dma_semaphore, #tpu.memory_space<semaphore_mem>>) src(%arg8 : memref<80x128xf32, #tpu.memory_space<vmem>>) dst(%dma_wait3A_59 : memref<10000x128xf32, #tpu.memory_space<vmem_shared>>)
    %add3A_60 = arith.constant 3840 : i32
    %add3A_61 = arith.addi %add3A_4, %add3A_60 : i32
    %dma_start3A_62 = tpu.memref_slice %arg3[%add3A_61] : memref<320000xi32, #tpu.memory_space<hbm>> -> memref<80xi32, #tpu.memory_space<hbm>>
    %dma_start3A_63 = tpu.memref_slice %arg3[%add3A_61] : memref<320000xi32, #tpu.memory_space<hbm>> -> memref<80xi32, #tpu.memory_space<hbm>>
    tpu.enqueue_dma source(%dma_start3A_63 : memref<80xi32, #tpu.memory_space<hbm>>) target(%arg6 : memref<80xi32, #tpu.memory_space<vmem>>) target_semaphore(%arg11 : memref<!tpu.dma_semaphore, #tpu.memory_space<semaphore_mem>>)
    %add3A_64 = arith.constant 3840 : i32
    %add3A_65 = arith.addi %mul3A_6, %add3A_64 : i32
    %dma_start3A_66 = arith.constant 0 : i32
    %dma_start3A_67 = tpu.memref_slice %arg2[%add3A_65, %dma_start3A_66] : memref<128000x128xf32, #tpu.memory_space<hbm>> -> memref<80x128xf32, #tpu.memory_space<hbm>>
    %dma_start3A_68 = arith.constant 0 : i32
    %dma_start3A_69 = tpu.memref_slice %arg2[%add3A_65, %dma_start3A_68] : memref<128000x128xf32, #tpu.memory_space<hbm>> -> memref<80x128xf32, #tpu.memory_space<hbm>>
    tpu.enqueue_dma source(%dma_start3A_69 : memref<80x128xf32, #tpu.memory_space<hbm>>) target(%arg8 : memref<80x128xf32, #tpu.memory_space<vmem>>) target_semaphore(%arg11 : memref<!tpu.dma_semaphore, #tpu.memory_space<semaphore_mem>>)
    %dma_start3A_70 = arith.constant 0 : i32
    %dma_start3A_71 = arith.constant 0 : i32
    %dma_start3A_72 = tpu.memref_slice %arg10[%dma_start3A_70, %dma_start3A_71] : memref<10000x128xf32, #tpu.memory_space<vmem_shared>> -> memref<10000x128xf32, #tpu.memory_space<vmem_shared>>
    tpu.enqueue_indirect_dma source(%arg9 : memref<80x128xf32, #tpu.memory_space<vmem>>) target(%dma_start3A_72 : memref<10000x128xf32, #tpu.memory_space<vmem_shared>>) offsets(%arg7 : memref<80xi32, #tpu.memory_space<vmem>>) semaphore(%arg14 : memref<!tpu.dma_semaphore, #tpu.memory_space<semaphore_mem>>) {add = true}
    %dma_wait3A_73 = arith.constant 0 : i32
    %dma_wait3A_74 = tpu.memref_slice %arg3[%dma_wait3A_73] : memref<320000xi32, #tpu.memory_space<hbm>> -> memref<80xi32, #tpu.memory_space<hbm>>
    %dma_wait3A_75 = arith.constant 0 : i32
    %dma_wait3A_76 = tpu.memref_slice %arg3[%dma_wait3A_75] : memref<320000xi32, #tpu.memory_space<hbm>> -> memref<80xi32, #tpu.memory_space<hbm>>
    tpu.wait_dma2 semaphore(%arg11 : memref<!tpu.dma_semaphore, #tpu.memory_space<semaphore_mem>>) src(%dma_wait3A_76 : memref<80xi32, #tpu.memory_space<hbm>>) dst(%arg6 : memref<80xi32, #tpu.memory_space<vmem>>)
    %dma_wait3A_77 = arith.constant 0 : i32
    %dma_wait3A_78 = arith.constant 0 : i32
    %dma_wait3A_79 = tpu.memref_slice %arg2[%dma_wait3A_77, %dma_wait3A_78] : memref<128000x128xf32, #tpu.memory_space<hbm>> -> memref<80x128xf32, #tpu.memory_space<hbm>>
    %dma_wait3A_80 = arith.constant 0 : i32
    %dma_wait3A_81 = arith.constant 0 : i32
    %dma_wait3A_82 = tpu.memref_slice %arg2[%dma_wait3A_80, %dma_wait3A_81] : memref<128000x128xf32, #tpu.memory_space<hbm>> -> memref<80x128xf32, #tpu.memory_space<hbm>>
    tpu.wait_dma2 semaphore(%arg11 : memref<!tpu.dma_semaphore, #tpu.memory_space<semaphore_mem>>) src(%dma_wait3A_82 : memref<80x128xf32, #tpu.memory_space<hbm>>) dst(%arg8 : memref<80x128xf32, #tpu.memory_space<vmem>>)
    %dma_wait3A_83 = arith.constant 0 : i32
    %dma_wait3A_84 = arith.constant 0 : i32
    %dma_wait3A_85 = tpu.memref_slice %arg10[%dma_wait3A_83, %dma_wait3A_84] : memref<10000x128xf32, #tpu.memory_space<vmem_shared>> -> memref<10000x128xf32, #tpu.memory_space<vmem_shared>>
    tpu.wait_indirect_dma semaphore(%arg14 : memref<!tpu.dma_semaphore, #tpu.memory_space<semaphore_mem>>) src(%arg9 : memref<80x128xf32, #tpu.memory_space<vmem>>) dst(%dma_wait3A_85 : memref<10000x128xf32, #tpu.memory_space<vmem_shared>>)
    %add3A_86 = arith.constant 3920 : i32
    %add3A_87 = arith.addi %add3A_4, %add3A_86 : i32
    %dma_start3A_88 = tpu.memref_slice %arg3[%add3A_87] : memref<320000xi32, #tpu.memory_space<hbm>> -> memref<80xi32, #tpu.memory_space<hbm>>
    %dma_start3A_89 = tpu.memref_slice %arg3[%add3A_87] : memref<320000xi32, #tpu.memory_space<hbm>> -> memref<80xi32, #tpu.memory_space<hbm>>
    tpu.enqueue_dma source(%dma_start3A_89 : memref<80xi32, #tpu.memory_space<hbm>>) target(%arg7 : memref<80xi32, #tpu.memory_space<vmem>>) target_semaphore(%arg12 : memref<!tpu.dma_semaphore, #tpu.memory_space<semaphore_mem>>)
    %add3A_90 = arith.constant 3920 : i32
    %add3A_91 = arith.addi %mul3A_6, %add3A_90 : i32
    %dma_start3A_92 = arith.constant 0 : i32
    %dma_start3A_93 = tpu.memref_slice %arg2[%add3A_91, %dma_start3A_92] : memref<128000x128xf32, #tpu.memory_space<hbm>> -> memref<80x128xf32, #tpu.memory_space<hbm>>
    %dma_start3A_94 = arith.constant 0 : i32
    %dma_start3A_95 = tpu.memref_slice %arg2[%add3A_91, %dma_start3A_94] : memref<128000x128xf32, #tpu.memory_space<hbm>> -> memref<80x128xf32, #tpu.memory_space<hbm>>
    tpu.enqueue_dma source(%dma_start3A_95 : memref<80x128xf32, #tpu.memory_space<hbm>>) target(%arg9 : memref<80x128xf32, #tpu.memory_space<vmem>>) target_semaphore(%arg12 : memref<!tpu.dma_semaphore, #tpu.memory_space<semaphore_mem>>)
    %dma_start3A_96 = arith.constant 0 : i32
    %dma_start3A_97 = arith.constant 0 : i32
    %dma_start3A_98 = tpu.memref_slice %arg10[%dma_start3A_96, %dma_start3A_97] : memref<10000x128xf32, #tpu.memory_space<vmem_shared>> -> memref<10000x128xf32, #tpu.memory_space<vmem_shared>>
    tpu.enqueue_indirect_dma source(%arg8 : memref<80x128xf32, #tpu.memory_space<vmem>>) target(%dma_start3A_98 : memref<10000x128xf32, #tpu.memory_space<vmem_shared>>) offsets(%arg6 : memref<80xi32, #tpu.memory_space<vmem>>) semaphore(%arg13 : memref<!tpu.dma_semaphore, #tpu.memory_space<semaphore_mem>>) {add = true}
    %dma_wait3A_99 = arith.constant 0 : i32
    %dma_wait3A_100 = tpu.memref_slice %arg3[%dma_wait3A_99] : memref<320000xi32, #tpu.memory_space<hbm>> -> memref<80xi32, #tpu.memory_space<hbm>>
    %dma_wait3A_101 = arith.constant 0 : i32
    %dma_wait3A_102 = tpu.memref_slice %arg3[%dma_wait3A_101] : memref<320000xi32, #tpu.memory_space<hbm>> -> memref<80xi32, #tpu.memory_space<hbm>>
    tpu.wait_dma2 semaphore(%arg12 : memref<!tpu.dma_semaphore, #tpu.memory_space<semaphore_mem>>) src(%dma_wait3A_102 : memref<80xi32, #tpu.memory_space<hbm>>) dst(%arg7 : memref<80xi32, #tpu.memory_space<vmem>>)
    %dma_wait3A_103 = arith.constant 0 : i32
    %dma_wait3A_104 = arith.constant 0 : i32
    %dma_wait3A_105 = tpu.memref_slice %arg2[%dma_wait3A_103, %dma_wait3A_104] : memref<128000x128xf32, #tpu.memory_space<hbm>> -> memref<80x128xf32, #tpu.memory_space<hbm>>
    %dma_wait3A_106 = arith.constant 0 : i32
    %dma_wait3A_107 = arith.constant 0 : i32
    %dma_wait3A_108 = tpu.memref_slice %arg2[%dma_wait3A_106, %dma_wait3A_107] : memref<128000x128xf32, #tpu.memory_space<hbm>> -> memref<80x128xf32, #tpu.memory_space<hbm>>
    tpu.wait_dma2 semaphore(%arg12 : memref<!tpu.dma_semaphore, #tpu.memory_space<semaphore_mem>>) src(%dma_wait3A_108 : memref<80x128xf32, #tpu.memory_space<hbm>>) dst(%arg9 : memref<80x128xf32, #tpu.memory_space<vmem>>)
    %dma_wait3A_109 = arith.constant 0 : i32
    %dma_wait3A_110 = arith.constant 0 : i32
    %dma_wait3A_111 = tpu.memref_slice %arg10[%dma_wait3A_109, %dma_wait3A_110] : memref<10000x128xf32, #tpu.memory_space<vmem_shared>> -> memref<10000x128xf32, #tpu.memory_space<vmem_shared>>
    tpu.wait_indirect_dma semaphore(%arg13 : memref<!tpu.dma_semaphore, #tpu.memory_space<semaphore_mem>>) src(%arg8 : memref<80x128xf32, #tpu.memory_space<vmem>>) dst(%dma_wait3A_111 : memref<10000x128xf32, #tpu.memory_space<vmem_shared>>)
    %dma_start3A_112 = arith.constant 0 : i32
    %dma_start3A_113 = arith.constant 0 : i32
    %dma_start3A_114 = tpu.memref_slice %arg10[%dma_start3A_112, %dma_start3A_113] : memref<10000x128xf32, #tpu.memory_space<vmem_shared>> -> memref<10000x128xf32, #tpu.memory_space<vmem_shared>>
    tpu.enqueue_indirect_dma source(%arg9 : memref<80x128xf32, #tpu.memory_space<vmem>>) target(%dma_start3A_114 : memref<10000x128xf32, #tpu.memory_space<vmem_shared>>) offsets(%arg7 : memref<80xi32, #tpu.memory_space<vmem>>) semaphore(%arg14 : memref<!tpu.dma_semaphore, #tpu.memory_space<semaphore_mem>>) {add = true}
    %dma_wait3A_115 = arith.constant 0 : i32
    %dma_wait3A_116 = arith.constant 0 : i32
    %dma_wait3A_117 = tpu.memref_slice %arg10[%dma_wait3A_115, %dma_wait3A_116] : memref<10000x128xf32, #tpu.memory_space<vmem_shared>> -> memref<10000x128xf32, #tpu.memory_space<vmem_shared>>
    tpu.wait_indirect_dma semaphore(%arg14 : memref<!tpu.dma_semaphore, #tpu.memory_space<semaphore_mem>>) src(%arg9 : memref<80x128xf32, #tpu.memory_space<vmem>>) dst(%dma_wait3A_117 : memref<10000x128xf32, #tpu.memory_space<vmem_shared>>)
    %barrier3A_118 = arith.constant 0 : index
    tpu.barrier barrier_id(%barrier3A_118)
    %mul3A_119 = arith.constant 10000 : i32
    %mul3A_120 = arith.muli %arg0, %mul3A_119 : i32
    %add3A_121 = arith.addi %mul3A_120, %mul3A_8 : i32
    "tpu.region"() ({
      %run_scoped3A = tpu.sem_alloc : memref<!tpu.dma_semaphore, #tpu.memory_space<semaphore_mem>>
      %dma_start3A_127 = arith.constant 0 : i32
      %dma_start3A_128 = tpu.memref_slice %arg5[%add3A_121, %dma_start3A_127] : memref<20000x128xf32, #tpu.memory_space<hbm>> -> memref<624x128xf32, #tpu.memory_space<hbm>>
      %dma_start3A_129 = arith.constant 0 : i32
      %dma_start3A_130 = tpu.memref_slice %arg10[%mul3A_8, %dma_start3A_129] : memref<10000x128xf32, #tpu.memory_space<vmem_shared>> -> memref<624x128xf32, #tpu.memory_space<vmem_shared>>
      tpu.enqueue_dma source(%dma_start3A_130 : memref<624x128xf32, #tpu.memory_space<vmem_shared>>) target(%dma_start3A_128 : memref<624x128xf32, #tpu.memory_space<hbm>>) target_semaphore(%run_scoped3A : memref<!tpu.dma_semaphore, #tpu.memory_space<semaphore_mem>>)
      %dma_wait3A_131 = arith.constant 0 : i32
      %dma_wait3A_132 = tpu.memref_slice %arg5[%add3A_121, %dma_wait3A_131] : memref<20000x128xf32, #tpu.memory_space<hbm>> -> memref<624x128xf32, #tpu.memory_space<hbm>>
      %dma_wait3A_133 = arith.constant 0 : i32
      %dma_wait3A_134 = tpu.memref_slice %arg10[%mul3A_8, %dma_wait3A_133] : memref<10000x128xf32, #tpu.memory_space<vmem_shared>> -> memref<624x128xf32, #tpu.memory_space<vmem_shared>>
      tpu.wait_dma2 semaphore(%run_scoped3A : memref<!tpu.dma_semaphore, #tpu.memory_space<semaphore_mem>>) src(%dma_wait3A_134 : memref<624x128xf32, #tpu.memory_space<vmem_shared>>) dst(%dma_wait3A_132 : memref<624x128xf32, #tpu.memory_space<hbm>>)
      tpu.yield
    }) : () -> ()
    %eq3A_122 = arith.constant 15 : i32
    %eq3A_123 = arith.cmpi eq, %arg1, %eq3A_122 : i32
    %convert_element_type3A_124 = arith.extui %eq3A_123 : i1 to i32
    %cond3A_125 = arith.constant 0 : i32
    %cond3A_126 = arith.cmpi ne, %convert_element_type3A_124, %cond3A_125 : i32
    scf.if %cond3A_126 {
      %mul3A_127 = arith.constant 10000 : i32
      %mul3A_128 = arith.muli %arg0, %mul3A_127 : i32
      %add3A_129 = arith.constant 9984 : i32
      %add3A_130 = arith.addi %mul3A_128, %add3A_129 : i32
      "tpu.region"() ({
        %run_scoped3A = tpu.sem_alloc : memref<!tpu.dma_semaphore, #tpu.memory_space<semaphore_mem>>
        %dma_start3A_131 = arith.constant 0 : i32
        %dma_start3A_132 = tpu.memref_slice %arg5[%add3A_130, %dma_start3A_131] : memref<20000x128xf32, #tpu.memory_space<hbm>> -> memref<16x128xf32, #tpu.memory_space<hbm>>
        %dma_start3A_133 = arith.constant 9984 : i32
        %dma_start3A_134 = arith.constant 0 : i32
        %dma_start3A_135 = tpu.memref_slice %arg10[%dma_start3A_133, %dma_start3A_134] : memref<10000x128xf32, #tpu.memory_space<vmem_shared>> -> memref<16x128xf32, #tpu.memory_space<vmem_shared>>
        tpu.enqueue_dma source(%dma_start3A_135 : memref<16x128xf32, #tpu.memory_space<vmem_shared>>) target(%dma_start3A_132 : memref<16x128xf32, #tpu.memory_space<hbm>>) target_semaphore(%run_scoped3A : memref<!tpu.dma_semaphore, #tpu.memory_space<semaphore_mem>>)
        %dma_wait3A_136 = arith.constant 0 : i32
        %dma_wait3A_137 = tpu.memref_slice %arg5[%add3A_130, %dma_wait3A_136] : memref<20000x128xf32, #tpu.memory_space<hbm>> -> memref<16x128xf32, #tpu.memory_space<hbm>>
        %dma_wait3A_138 = arith.constant 9984 : i32
        %dma_wait3A_139 = arith.constant 0 : i32
        %dma_wait3A_140 = tpu.memref_slice %arg10[%dma_wait3A_138, %dma_wait3A_139] : memref<10000x128xf32, #tpu.memory_space<vmem_shared>> -> memref<16x128xf32, #tpu.memory_space<vmem_shared>>
        tpu.wait_dma2 semaphore(%run_scoped3A : memref<!tpu.dma_semaphore, #tpu.memory_space<semaphore_mem>>) src(%dma_wait3A_140 : memref<16x128xf32, #tpu.memory_space<vmem_shared>>) dst(%dma_wait3A_137 : memref<16x128xf32, #tpu.memory_space<hbm>>)
        tpu.yield
      }) : () -> ()
    } else {
    }
    return
  }
}

module attributes {stable_mosaic.version = 14 : i64} {
  func.func @_edge_mlp_body(%arg0: i32, %arg1: memref<2000x128xf32, #tpu.memory_space<vmem>>, %arg2: memref<128x128xf32, #tpu.memory_space<vmem>>, %arg3: memref<1x128xf32, #tpu.memory_space<vmem>>, %arg4: memref<2000x128xf32, #tpu.memory_space<vmem>>) attributes {dimension_semantics = [#tpu.dimension_semantics<arbitrary>], iteration_bounds = array<i64: 96>, scalar_prefetch = 0 : i64, scratch_operands = 0 : i64, tpu.core_type = #tpu.core_type<tc>, window_params = [{transform_indices = @transform_0, window_bounds = array<i64: 2000, 128>}, {pipeline_mode = #tpu.pipeline_mode<synchronous>, transform_indices = @transform_1, window_bounds = array<i64: 128, 128>}, {pipeline_mode = #tpu.pipeline_mode<synchronous>, transform_indices = @transform_2, window_bounds = array<i64: 1, 128>}, {transform_indices = @transform_3, window_bounds = array<i64: 2000, 128>}]} {
    %get3A = arith.constant 0 : index
    %get3A_0 = arith.constant 0 : index
    %get3A_1 = vector.load %arg1[%get3A, %get3A_0] : memref<2000x128xf32, #tpu.memory_space<vmem>>, vector<2000x128xf32>
    %max3A = arith.constant 0.000000e+00 : f32
    %max3A_2 = vector.broadcast %max3A : f32 to vector<2000x128xf32>
    %max3A_3 = arith.maximumf %get3A_1, %max3A_2 : vector<2000x128xf32>
    %get3A_4 = arith.constant 0 : index
    %get3A_5 = arith.constant 0 : index
    %get3A_6 = vector.load %arg2[%get3A_4, %get3A_5] : memref<128x128xf32, #tpu.memory_space<vmem>>, vector<128x128xf32>
    %dot_general3A = arith.constant dense<0.000000e+00> : vector<2000x128xf32>
    %dot_general3A_7 = tpu.matmul %max3A_3, %get3A_6, %dot_general3A {dimension_numbers = #tpu.dot_dimension_numbers<[1], [0], [0], [1], [0, 0, 1, 1], [], []>, transpose_lhs_hint = false} : vector<2000x128xf32>, vector<128x128xf32>, vector<2000x128xf32> -> vector<2000x128xf32>
    %get3A_8 = arith.constant 0 : index
    %get3A_9 = arith.constant 0 : index
    %get3A_10 = vector.load %arg3[%get3A_8, %get3A_9] : memref<1x128xf32, #tpu.memory_space<vmem>>, vector<1x128xf32>
    %add3A = vector.broadcast %get3A_10 : vector<1x128xf32> to vector<2000x128xf32>
    %add3A_11 = arith.addf %dot_general3A_7, %add3A : vector<2000x128xf32>
    %max3A_12 = arith.constant 0.000000e+00 : f32
    %max3A_13 = vector.broadcast %max3A_12 : f32 to vector<2000x128xf32>
    %max3A_14 = arith.maximumf %add3A_11, %max3A_13 : vector<2000x128xf32>
    %swap3A = arith.constant 0 : index
    %swap3A_15 = arith.constant 0 : index
    %swap3A_16 = vector.load %arg4[%swap3A, %swap3A_15] : memref<2000x128xf32, #tpu.memory_space<vmem>>, vector<2000x128xf32>
    tpu.vector_store %arg4[%swap3A, %swap3A_15], %max3A_14 {strides = array<i32>} : memref<2000x128xf32, #tpu.memory_space<vmem>>, vector<2000x128xf32>,
    return
  }
  func.func @transform_0(%arg0: i32) -> (i32, i32) {
    %c0_i32 = arith.constant 0 : i32
    %c0_i32_0 = arith.constant 0 : i32
    return %arg0, %c0_i32 : i32, i32
  }
  func.func @transform_1(%arg0: i32) -> (i32, i32) {
    %c0_i32 = arith.constant 0 : i32
    %c0_i32_0 = arith.constant 0 : i32
    %c0_i32_1 = arith.constant 0 : i32
    return %c0_i32, %c0_i32_0 : i32, i32
  }
  func.func @transform_2(%arg0: i32) -> (i32, i32) {
    %c0_i32 = arith.constant 0 : i32
    %c0_i32_0 = arith.constant 0 : i32
    %c0_i32_1 = arith.constant 0 : i32
    return %c0_i32, %c0_i32_0 : i32, i32
  }
  func.func @transform_3(%arg0: i32) -> (i32, i32) {
    %c0_i32 = arith.constant 0 : i32
    %c0_i32_0 = arith.constant 0 : i32
    return %arg0, %c0_i32 : i32, i32
  }
}

module attributes {stable_mosaic.version = 14 : i64} {
  func.func @_tables_body(%arg0: i32, %arg1: memref<1000x128xf32, #tpu.memory_space<vmem>>, %arg2: memref<128x128xf32, #tpu.memory_space<vmem>>, %arg3: memref<1x128xf32, #tpu.memory_space<vmem>>, %arg4: memref<128x128xf32, #tpu.memory_space<vmem>>, %arg5: memref<128x128xf32, #tpu.memory_space<vmem>>, %arg6: memref<1x128xf32, #tpu.memory_space<vmem>>, %arg7: memref<1000x128xf32, #tpu.memory_space<vmem>>, %arg8: memref<1000x128xf32, #tpu.memory_space<vmem>>) attributes {dimension_semantics = [#tpu.dimension_semantics<arbitrary>], iteration_bounds = array<i64: 10>, scalar_prefetch = 0 : i64, scratch_operands = 0 : i64, tpu.core_type = #tpu.core_type<tc>, window_params = [{transform_indices = @transform_0, window_bounds = array<i64: 1000, 128>}, {pipeline_mode = #tpu.pipeline_mode<synchronous>, transform_indices = @transform_1, window_bounds = array<i64: 128, 128>}, {pipeline_mode = #tpu.pipeline_mode<synchronous>, transform_indices = @transform_2, window_bounds = array<i64: 1, 128>}, {pipeline_mode = #tpu.pipeline_mode<synchronous>, transform_indices = @transform_3, window_bounds = array<i64: 128, 128>}, {pipeline_mode = #tpu.pipeline_mode<synchronous>, transform_indices = @transform_4, window_bounds = array<i64: 128, 128>}, {pipeline_mode = #tpu.pipeline_mode<synchronous>, transform_indices = @transform_5, window_bounds = array<i64: 1, 128>}, {transform_indices = @transform_6, window_bounds = array<i64: 1000, 128>}, {transform_indices = @transform_7, window_bounds = array<i64: 1000, 128>}]} {
    %get3A = arith.constant 0 : index
    %get3A_0 = arith.constant 0 : index
    %get3A_1 = vector.load %arg1[%get3A, %get3A_0] : memref<1000x128xf32, #tpu.memory_space<vmem>>, vector<1000x128xf32>
    %get3A_2 = arith.constant 0 : index
    %get3A_3 = arith.constant 0 : index
    %get3A_4 = vector.load %arg2[%get3A_2, %get3A_3] : memref<128x128xf32, #tpu.memory_space<vmem>>, vector<128x128xf32>
    %dot_general3A = arith.constant dense<0.000000e+00> : vector<1000x128xf32>
    %dot_general3A_5 = tpu.matmul %get3A_1, %get3A_4, %dot_general3A {dimension_numbers = #tpu.dot_dimension_numbers<[1], [0], [0], [1], [0, 0, 1, 1], [], []>, transpose_lhs_hint = false} : vector<1000x128xf32>, vector<128x128xf32>, vector<1000x128xf32> -> vector<1000x128xf32>
    %get3A_6 = arith.constant 0 : index
    %get3A_7 = arith.constant 0 : index
    %get3A_8 = vector.load %arg3[%get3A_6, %get3A_7] : memref<1x128xf32, #tpu.memory_space<vmem>>, vector<1x128xf32>
    %add3A = vector.broadcast %get3A_8 : vector<1x128xf32> to vector<1000x128xf32>
    %add3A_9 = arith.addf %dot_general3A_5, %add3A : vector<1000x128xf32>
    %get3A_10 = arith.constant 0 : index
    %get3A_11 = arith.constant 0 : index
    %get3A_12 = vector.load %arg4[%get3A_10, %get3A_11] : memref<128x128xf32, #tpu.memory_space<vmem>>, vector<128x128xf32>
    %dot_general3A_13 = arith.constant dense<0.000000e+00> : vector<1000x128xf32>
    %dot_general3A_14 = tpu.matmul %add3A_9, %get3A_12, %dot_general3A_13 {dimension_numbers = #tpu.dot_dimension_numbers<[1], [0], [0], [1], [0, 0, 1, 1], [], []>, transpose_lhs_hint = false} : vector<1000x128xf32>, vector<128x128xf32>, vector<1000x128xf32> -> vector<1000x128xf32>
    %get3A_15 = arith.constant 0 : index
    %get3A_16 = arith.constant 0 : index
    %get3A_17 = vector.load %arg6[%get3A_15, %get3A_16] : memref<1x128xf32, #tpu.memory_space<vmem>>, vector<1x128xf32>
    %add3A_18 = vector.broadcast %get3A_17 : vector<1x128xf32> to vector<1000x128xf32>
    %add3A_19 = arith.addf %dot_general3A_14, %add3A_18 : vector<1000x128xf32>
    %swap3A = arith.constant 0 : index
    %swap3A_20 = arith.constant 0 : index
    %swap3A_21 = vector.load %arg7[%swap3A, %swap3A_20] : memref<1000x128xf32, #tpu.memory_space<vmem>>, vector<1000x128xf32>
    tpu.vector_store %arg7[%swap3A, %swap3A_20], %add3A_19 {strides = array<i32>} : memref<1000x128xf32, #tpu.memory_space<vmem>>, vector<1000x128xf32>,
    %get3A_22 = arith.constant 0 : index
    %get3A_23 = arith.constant 0 : index
    %get3A_24 = vector.load %arg5[%get3A_22, %get3A_23] : memref<128x128xf32, #tpu.memory_space<vmem>>, vector<128x128xf32>
    %dot_general3A_25 = arith.constant dense<0.000000e+00> : vector<1000x128xf32>
    %dot_general3A_26 = tpu.matmul %add3A_9, %get3A_24, %dot_general3A_25 {dimension_numbers = #tpu.dot_dimension_numbers<[1], [0], [0], [1], [0, 0, 1, 1], [], []>, transpose_lhs_hint = false} : vector<1000x128xf32>, vector<128x128xf32>, vector<1000x128xf32> -> vector<1000x128xf32>
    %swap3A_27 = arith.constant 0 : index
    %swap3A_28 = arith.constant 0 : index
    %swap3A_29 = vector.load %arg8[%swap3A_27, %swap3A_28] : memref<1000x128xf32, #tpu.memory_space<vmem>>, vector<1000x128xf32>
    tpu.vector_store %arg8[%swap3A_27, %swap3A_28], %dot_general3A_26 {strides = array<i32>} : memref<1000x128xf32, #tpu.memory_space<vmem>>, vector<1000x128xf32>,
    return
  }
  func.func @transform_0(%arg0: i32) -> (i32, i32) {
    %c0_i32 = arith.constant 0 : i32
    %c0_i32_0 = arith.constant 0 : i32
    return %arg0, %c0_i32 : i32, i32
  }
  func.func @transform_1(%arg0: i32) -> (i32, i32) {
    %c0_i32 = arith.constant 0 : i32
    %c0_i32_0 = arith.constant 0 : i32
    %c0_i32_1 = arith.constant 0 : i32
    return %c0_i32, %c0_i32_0 : i32, i32
  }
  func.func @transform_2(%arg0: i32) -> (i32, i32) {
    %c0_i32 = arith.constant 0 : i32
    %c0_i32_0 = arith.constant 0 : i32
    %c0_i32_1 = arith.constant 0 : i32
    return %c0_i32, %c0_i32_0 : i32, i32
  }
  func.func @transform_3(%arg0: i32) -> (i32, i32) {
    %c0_i32 = arith.constant 0 : i32
    %c0_i32_0 = arith.constant 0 : i32
    %c0_i32_1 = arith.constant 0 : i32
    return %c0_i32, %c0_i32_0 : i32, i32
  }
  func.func @transform_4(%arg0: i32) -> (i32, i32) {
    %c0_i32 = arith.constant 0 : i32
    %c0_i32_0 = arith.constant 0 : i32
    %c0_i32_1 = arith.constant 0 : i32
    return %c0_i32, %c0_i32_0 : i32, i32
  }
  func.func @transform_5(%arg0: i32) -> (i32, i32) {
    %c0_i32 = arith.constant 0 : i32
    %c0_i32_0 = arith.constant 0 : i32
    %c0_i32_1 = arith.constant 0 : i32
    return %c0_i32, %c0_i32_0 : i32, i32
  }
  func.func @transform_6(%arg0: i32) -> (i32, i32) {
    %c0_i32 = arith.constant 0 : i32
    %c0_i32_0 = arith.constant 0 : i32
    return %arg0, %c0_i32 : i32, i32
  }
  func.func @transform_7(%arg0: i32) -> (i32, i32) {
    %c0_i32 = arith.constant 0 : i32
    %c0_i32_0 = arith.constant 0 : i32
    return %arg0, %c0_i32 : i32, i32
  }
}

module attributes {stable_mosaic.version = 14 : i64} {
  func.func @_edge_mlp_body(%arg0: i32, %arg1: memref<2000x128xf32, #tpu.memory_space<vmem>>, %arg2: memref<128x128xf32, #tpu.memory_space<vmem>>, %arg3: memref<1x128xf32, #tpu.memory_space<vmem>>, %arg4: memref<2000x128xf32, #tpu.memory_space<vmem>>) attributes {dimension_semantics = [#tpu.dimension_semantics<arbitrary>], iteration_bounds = array<i64: 64>, scalar_prefetch = 0 : i64, scratch_operands = 0 : i64, tpu.core_type = #tpu.core_type<tc>, window_params = [{transform_indices = @transform_0, window_bounds = array<i64: 2000, 128>}, {pipeline_mode = #tpu.pipeline_mode<synchronous>, transform_indices = @transform_1, window_bounds = array<i64: 128, 128>}, {pipeline_mode = #tpu.pipeline_mode<synchronous>, transform_indices = @transform_2, window_bounds = array<i64: 1, 128>}, {transform_indices = @transform_3, window_bounds = array<i64: 2000, 128>}]} {
    %get3A = arith.constant 0 : index
    %get3A_0 = arith.constant 0 : index
    %get3A_1 = vector.load %arg1[%get3A, %get3A_0] : memref<2000x128xf32, #tpu.memory_space<vmem>>, vector<2000x128xf32>
    %max3A = arith.constant 0.000000e+00 : f32
    %max3A_2 = vector.broadcast %max3A : f32 to vector<2000x128xf32>
    %max3A_3 = arith.maximumf %get3A_1, %max3A_2 : vector<2000x128xf32>
    %get3A_4 = arith.constant 0 : index
    %get3A_5 = arith.constant 0 : index
    %get3A_6 = vector.load %arg2[%get3A_4, %get3A_5] : memref<128x128xf32, #tpu.memory_space<vmem>>, vector<128x128xf32>
    %dot_general3A = arith.constant dense<0.000000e+00> : vector<2000x128xf32>
    %dot_general3A_7 = tpu.matmul %max3A_3, %get3A_6, %dot_general3A {dimension_numbers = #tpu.dot_dimension_numbers<[1], [0], [0], [1], [0, 0, 1, 1], [], []>, transpose_lhs_hint = false} : vector<2000x128xf32>, vector<128x128xf32>, vector<2000x128xf32> -> vector<2000x128xf32>
    %get3A_8 = arith.constant 0 : index
    %get3A_9 = arith.constant 0 : index
    %get3A_10 = vector.load %arg3[%get3A_8, %get3A_9] : memref<1x128xf32, #tpu.memory_space<vmem>>, vector<1x128xf32>
    %add3A = vector.broadcast %get3A_10 : vector<1x128xf32> to vector<2000x128xf32>
    %add3A_11 = arith.addf %dot_general3A_7, %add3A : vector<2000x128xf32>
    %max3A_12 = arith.constant 0.000000e+00 : f32
    %max3A_13 = vector.broadcast %max3A_12 : f32 to vector<2000x128xf32>
    %max3A_14 = arith.maximumf %add3A_11, %max3A_13 : vector<2000x128xf32>
    %swap3A = arith.constant 0 : index
    %swap3A_15 = arith.constant 0 : index
    %swap3A_16 = vector.load %arg4[%swap3A, %swap3A_15] : memref<2000x128xf32, #tpu.memory_space<vmem>>, vector<2000x128xf32>
    tpu.vector_store %arg4[%swap3A, %swap3A_15], %max3A_14 {strides = array<i32>} : memref<2000x128xf32, #tpu.memory_space<vmem>>, vector<2000x128xf32>,
    return
  }
  func.func @transform_0(%arg0: i32) -> (i32, i32) {
    %c0_i32 = arith.constant 0 : i32
    %c0_i32_0 = arith.constant 0 : i32
    return %arg0, %c0_i32 : i32, i32
  }
  func.func @transform_1(%arg0: i32) -> (i32, i32) {
    %c0_i32 = arith.constant 0 : i32
    %c0_i32_0 = arith.constant 0 : i32
    %c0_i32_1 = arith.constant 0 : i32
    return %c0_i32, %c0_i32_0 : i32, i32
  }
  func.func @transform_2(%arg0: i32) -> (i32, i32) {
    %c0_i32 = arith.constant 0 : i32
    %c0_i32_0 = arith.constant 0 : i32
    %c0_i32_1 = arith.constant 0 : i32
    return %c0_i32, %c0_i32_0 : i32, i32
  }
  func.func @transform_3(%arg0: i32) -> (i32, i32) {
    %c0_i32 = arith.constant 0 : i32
    %c0_i32_0 = arith.constant 0 : i32
    return %arg0, %c0_i32 : i32, i32
  }
}

module attributes {stable_mosaic.version = 14 : i64} {
  func.func @_decode_body(%arg0: i32, %arg1: memref<1000x128xf32, #tpu.memory_space<vmem>>, %arg2: memref<1x1000x128xf32, #tpu.memory_space<vmem>>, %arg3: memref<1x1000x128xf32, #tpu.memory_space<vmem>>, %arg4: memref<1x1000x128xf32, #tpu.memory_space<vmem>>, %arg5: memref<1x1000x128xf32, #tpu.memory_space<vmem>>, %arg6: memref<128x128xf32, #tpu.memory_space<vmem>>, %arg7: memref<128x128xf32, #tpu.memory_space<vmem>>, %arg8: memref<1x128xf32, #tpu.memory_space<vmem>>, %arg9: memref<128x128xf32, #tpu.memory_space<vmem>>, %arg10: memref<1x128xf32, #tpu.memory_space<vmem>>, %arg11: memref<1000x128xf32, #tpu.memory_space<vmem>>) attributes {dimension_semantics = [#tpu.dimension_semantics<arbitrary>], iteration_bounds = array<i64: 10>, scalar_prefetch = 0 : i64, scratch_operands = 0 : i64, tpu.core_type = #tpu.core_type<tc>, window_params = [{transform_indices = @transform_0, window_bounds = array<i64: 1000, 128>}, {transform_indices = @transform_1, window_bounds = array<i64: 1, 1000, 128>}, {transform_indices = @transform_2, window_bounds = array<i64: 1, 1000, 128>}, {transform_indices = @transform_3, window_bounds = array<i64: 1, 1000, 128>}, {transform_indices = @transform_4, window_bounds = array<i64: 1, 1000, 128>}, {pipeline_mode = #tpu.pipeline_mode<synchronous>, transform_indices = @transform_5, window_bounds = array<i64: 128, 128>}, {pipeline_mode = #tpu.pipeline_mode<synchronous>, transform_indices = @transform_6, window_bounds = array<i64: 128, 128>}, {pipeline_mode = #tpu.pipeline_mode<synchronous>, transform_indices = @transform_7, window_bounds = array<i64: 1, 128>}, {pipeline_mode = #tpu.pipeline_mode<synchronous>, transform_indices = @transform_8, window_bounds = array<i64: 128, 128>}, {pipeline_mode = #tpu.pipeline_mode<synchronous>, transform_indices = @transform_9, window_bounds = array<i64: 1, 128>}, {transform_indices = @transform_10, window_bounds = array<i64: 1000, 128>}]} {
    %get3A = arith.constant 0 : index
    %get3A_0 = arith.constant 0 : index
    %get3A_1 = arith.constant 0 : index
    %get3A_2 = vector.load %arg2[%get3A, %get3A_0, %get3A_1] : memref<1x1000x128xf32, #tpu.memory_space<vmem>>, vector<1x1000x128xf32>
    %get3A_3 = vector.shape_cast %get3A_2 : vector<1x1000x128xf32> to vector<1000x128xf32>
    %get3A_4 = arith.constant 0 : index
    %get3A_5 = arith.constant 0 : index
    %get3A_6 = arith.constant 0 : index
    %get3A_7 = vector.load %arg3[%get3A_4, %get3A_5, %get3A_6] : memref<1x1000x128xf32, #tpu.memory_space<vmem>>, vector<1x1000x128xf32>
    %get3A_8 = vector.shape_cast %get3A_7 : vector<1x1000x128xf32> to vector<1000x128xf32>
    %add3A = arith.addf %get3A_3, %get3A_8 : vector<1000x128xf32>
    %get3A_9 = arith.constant 0 : index
    %get3A_10 = arith.constant 0 : index
    %get3A_11 = arith.constant 0 : index
    %get3A_12 = vector.load %arg4[%get3A_9, %get3A_10, %get3A_11] : memref<1x1000x128xf32, #tpu.memory_space<vmem>>, vector<1x1000x128xf32>
    %get3A_13 = vector.shape_cast %get3A_12 : vector<1x1000x128xf32> to vector<1000x128xf32>
    %get3A_14 = arith.constant 0 : index
    %get3A_15 = arith.constant 0 : index
    %get3A_16 = arith.constant 0 : index
    %get3A_17 = vector.load %arg5[%get3A_14, %get3A_15, %get3A_16] : memref<1x1000x128xf32, #tpu.memory_space<vmem>>, vector<1x1000x128xf32>
    %get3A_18 = vector.shape_cast %get3A_17 : vector<1x1000x128xf32> to vector<1000x128xf32>
    %add3A_19 = arith.addf %get3A_13, %get3A_18 : vector<1000x128xf32>
    %add3A_20 = arith.addf %add3A, %add3A_19 : vector<1000x128xf32>
    %get3A_21 = arith.constant 0 : index
    %get3A_22 = arith.constant 0 : index
    %get3A_23 = vector.load %arg1[%get3A_21, %get3A_22] : memref<1000x128xf32, #tpu.memory_space<vmem>>, vector<1000x128xf32>
    %get3A_24 = arith.constant 0 : index
    %get3A_25 = arith.constant 0 : index
    %get3A_26 = vector.load %arg6[%get3A_24, %get3A_25] : memref<128x128xf32, #tpu.memory_space<vmem>>, vector<128x128xf32>
    %dot_general3A = arith.constant dense<0.000000e+00> : vector<1000x128xf32>
    %dot_general3A_27 = tpu.matmul %get3A_23, %get3A_26, %dot_general3A {dimension_numbers = #tpu.dot_dimension_numbers<[1], [0], [0], [1], [0, 0, 1, 1], [], []>, transpose_lhs_hint = false} : vector<1000x128xf32>, vector<128x128xf32>, vector<1000x128xf32> -> vector<1000x128xf32>
    %get3A_28 = arith.constant 0 : index
    %get3A_29 = arith.constant 0 : index
    %get3A_30 = vector.load %arg7[%get3A_28, %get3A_29] : memref<128x128xf32, #tpu.memory_space<vmem>>, vector<128x128xf32>
    %dot_general3A_31 = arith.constant dense<0.000000e+00> : vector<1000x128xf32>
    %dot_general3A_32 = tpu.matmul %add3A_20, %get3A_30, %dot_general3A_31 {dimension_numbers = #tpu.dot_dimension_numbers<[1], [0], [0], [1], [0, 0, 1, 1], [], []>, transpose_lhs_hint = false} : vector<1000x128xf32>, vector<128x128xf32>, vector<1000x128xf32> -> vector<1000x128xf32>
    %add3A_33 = arith.addf %dot_general3A_27, %dot_general3A_32 : vector<1000x128xf32>
    %get3A_34 = arith.constant 0 : index
    %get3A_35 = arith.constant 0 : index
    %get3A_36 = vector.load %arg8[%get3A_34, %get3A_35] : memref<1x128xf32, #tpu.memory_space<vmem>>, vector<1x128xf32>
    %add3A_37 = vector.broadcast %get3A_36 : vector<1x128xf32> to vector<1000x128xf32>
    %add3A_38 = arith.addf %add3A_33, %add3A_37 : vector<1000x128xf32>
    %max3A = arith.constant 0.000000e+00 : f32
    %max3A_39 = vector.broadcast %max3A : f32 to vector<1000x128xf32>
    %max3A_40 = arith.maximumf %add3A_38, %max3A_39 : vector<1000x128xf32>
    %get3A_41 = arith.constant 0 : index
    %get3A_42 = arith.constant 0 : index
    %get3A_43 = vector.load %arg9[%get3A_41, %get3A_42] : memref<128x128xf32, #tpu.memory_space<vmem>>, vector<128x128xf32>
    %dot_general3A_44 = arith.constant dense<0.000000e+00> : vector<1000x128xf32>
    %dot_general3A_45 = tpu.matmul %max3A_40, %get3A_43, %dot_general3A_44 {dimension_numbers = #tpu.dot_dimension_numbers<[1], [0], [0], [1], [0, 0, 1, 1], [], []>, transpose_lhs_hint = false} : vector<1000x128xf32>, vector<128x128xf32>, vector<1000x128xf32> -> vector<1000x128xf32>
    %get3A_46 = arith.constant 0 : index
    %get3A_47 = arith.constant 0 : index
    %get3A_48 = vector.load %arg10[%get3A_46, %get3A_47] : memref<1x128xf32, #tpu.memory_space<vmem>>, vector<1x128xf32>
    %add3A_49 = vector.broadcast %get3A_48 : vector<1x128xf32> to vector<1000x128xf32>
    %add3A_50 = arith.addf %dot_general3A_45, %add3A_49 : vector<1000x128xf32>
    %swap3A = arith.constant 0 : index
    %swap3A_51 = arith.constant 0 : index
    %swap3A_52 = vector.load %arg11[%swap3A, %swap3A_51] : memref<1000x128xf32, #tpu.memory_space<vmem>>, vector<1000x128xf32>
    tpu.vector_store %arg11[%swap3A, %swap3A_51], %add3A_50 {strides = array<i32>} : memref<1000x128xf32, #tpu.memory_space<vmem>>, vector<1000x128xf32>,
    return
  }
  func.func @transform_0(%arg0: i32) -> (i32, i32) {
    %c0_i32 = arith.constant 0 : i32
    %c0_i32_0 = arith.constant 0 : i32
    return %arg0, %c0_i32 : i32, i32
  }
  func.func @transform_1(%arg0: i32) -> (i32, i32, i32) {
    %c0_i32 = arith.constant 0 : i32
    %c0_i32_0 = arith.constant 0 : i32
    %c0_i32_1 = arith.constant 0 : i32
    return %c0_i32, %arg0, %c0_i32_0 : i32, i32, i32
  }
  func.func @transform_2(%arg0: i32) -> (i32, i32, i32) {
    %c1_i32 = arith.constant 1 : i32
    %c0_i32 = arith.constant 0 : i32
    %c0_i32_0 = arith.constant 0 : i32
    return %c1_i32, %arg0, %c0_i32 : i32, i32, i32
  }
  func.func @transform_3(%arg0: i32) -> (i32, i32, i32) {
    %c0_i32 = arith.constant 0 : i32
    %c0_i32_0 = arith.constant 0 : i32
    %c0_i32_1 = arith.constant 0 : i32
    return %c0_i32, %arg0, %c0_i32_0 : i32, i32, i32
  }
  func.func @transform_4(%arg0: i32) -> (i32, i32, i32) {
    %c1_i32 = arith.constant 1 : i32
    %c0_i32 = arith.constant 0 : i32
    %c0_i32_0 = arith.constant 0 : i32
    return %c1_i32, %arg0, %c0_i32 : i32, i32, i32
  }
  func.func @transform_5(%arg0: i32) -> (i32, i32) {
    %c0_i32 = arith.constant 0 : i32
    %c0_i32_0 = arith.constant 0 : i32
    %c0_i32_1 = arith.constant 0 : i32
    return %c0_i32, %c0_i32_0 : i32, i32
  }
  func.func @transform_6(%arg0: i32) -> (i32, i32) {
    %c0_i32 = arith.constant 0 : i32
    %c0_i32_0 = arith.constant 0 : i32
    %c0_i32_1 = arith.constant 0 : i32
    return %c0_i32, %c0_i32_0 : i32, i32
  }
  func.func @transform_7(%arg0: i32) -> (i32, i32) {
    %c0_i32 = arith.constant 0 : i32
    %c0_i32_0 = arith.constant 0 : i32
    %c0_i32_1 = arith.constant 0 : i32
    return %c0_i32, %c0_i32_0 : i32, i32
  }
  func.func @transform_8(%arg0: i32) -> (i32, i32) {
    %c0_i32 = arith.constant 0 : i32
    %c0_i32_0 = arith.constant 0 : i32
    %c0_i32_1 = arith.constant 0 : i32
    return %c0_i32, %c0_i32_0 : i32, i32
  }
  func.func @transform_9(%arg0: i32) -> (i32, i32) {
    %c0_i32 = arith.constant 0 : i32
    %c0_i32_0 = arith.constant 0 : i32
    %c0_i32_1 = arith.constant 0 : i32
    return %c0_i32, %c0_i32_0 : i32, i32
  }
  func.func @transform_10(%arg0: i32) -> (i32, i32) {
    %c0_i32 = arith.constant 0 : i32
    %c0_i32_0 = arith.constant 0 : i32
    return %arg0, %c0_i32 : i32, i32
  }
}

</mosaic_0001>

<sc_bundles>
// kernel: kernel.10.cloned.1.call-start
scs
__scs_entry_jumppad:
0x0: {  	(pc) =	sbr.rel $0x88, $3  }
0x1: {  	(tag) =	ssettag $0x0;
	lr =	simm.s32 $0x1  }
0x2: {  	[smem:$0x3F95] =	sst lr;
	_ =	strace $0xD0000000  }
0x3: {  	_ = 	snop  }
0x4: {  	_ = 	snop  }
0x5: {  	_ = 	snop  }
0x6: {  	_ = 	snop  }
0x7: {  	_ = 	snop  }
__scs_overlays_trampoline_lowered:
0x8: {  	[smem:$0x3FA4] =	sst s0  }
0x9: {  	[smem:$0x3FA5] =	sst s1  }
0xa: {  	[smem:$0x3FA6] =	sst s2  }
0xb: {  	[smem:$0x3FA7] =	sst s3  }
0xc: {  	[smem:$0x3FA8] =	sst s4  }
0xd: {  	[smem:$0x3FA9] =	sst s5  }
0xe: {  	[smem:$0x3FAA] =	sst s6  }
0xf: {  	[smem:$0x3FAB] =	sst s7  }
0x10: {  	[smem:$0x3FAC] =	sst s8  }
0x11: {  	[smem:$0x3FAD] =	sst s9;
	s0 =	simm.s32 @!p0 $0x0  }
0x12: {  	s1 =	sld [smem:$0x3F93];
	s0 =	simm.s32 @p0 $0x1  }
0x13: {  	[smem:$0x3FAE] =	sst s0;
	s0 =	simm.s32 @!p1 $0x0  }
0x14: {  	s2 =	sld [smem:$0x3F92];
	s0 =	simm.s32 @p1 $0x1  }
0x15: {  	[smem:$0x3FAF] =	sst s0;
	s0 =	simm.s32 @!p2 $0x0  }
0x16: {  	s3 =	sld [smem:$0x3FDB];
	s0 =	simm.s32 @p2 $0x1  }
0x17: {  	s4 =	simm.s32 $0x1BF5;
	[smem:$0x3FB1] =	sst s0  }
0x18: {  	s0 =	sld [smem:$0x3F94];
	_ =	swait.ge [sflag:s4], $0x0  }
0x19: {  	s7 =	sld [smem:$0x3F95]  }
0x1a: {  	s8 =	sadd.s32 $0xFFFFE003, lr  }
0x1b: {  	s9 =	sadd.s32 $0xFFFFFEF7, lr;
	s5 =	simm.s32 $0xFFFFFFFF;
	p2 =	slt.u32 s8, $0xFFFFF086  }
0x1c: {  	p1 =	slt.u32 s9, $0xF7A;
	s5 =	simm.s32 @!p2 $0x0  }
0x1d: {  	s5 =	simm.s32 @p1 $0x1;
	p0 =	seq.s32 s7, s2  }
0x1e: {  	s7 =	smul.u32 @!p0 $0xF7A, s2;
	p2 =	seq.s32 @!p0 s5, $0x0  }
0x1f: {  	s9 =	smul.u32 $0xF7A, s1;
	s8 =	simm.s32 @!p0 $0x1BF5;
	p2 =	por !p2, p0  }
0x20: {  	[sflag:s8] =	ssyncset.s32 @!p0 $0xFFFFF086;
	s6 =	sadd.s32 @!p0 s3, s7;
	s7 =	simm.s32 @!p0 $0x108  }
0x21: {  	s3 =	sadd.s32 s3, s9;
	s6 =	sadd.s32 @!p0 $0x88, s6;
	s7 =	simm.s32 @p2 $0x1082  }
0x22: {  	[simem:s7], [sflag:s8] =	dma.local @!p0 [hbm:s6], $0xF7A  }
0x23: {  	s9 =	sor.u32 $0xD0000000, s2;
	s6 =	simm.s32 $0x108;
	_ =	swait.ge @!p0 [sflag:s8], $0x0  }
0x24: {  	s3 =	sadd.s32 $0x88, s3;
	s6 =	simm.s32 @!p1 $0x1082;
	[sflag:s4] =	ssyncset.s32 $0xFFFFF086  }
0x25: {  	[simem:s6], [sflag:s4] =	dma.local [hbm:s3], $0xF7A  }
0x26: {  	[smem:$0x3F95] =	sst s1;
	(tag) =	ssettag s2;
	_ =	strace s9  }
0x27: {  	s1 =	sld [smem:$0x3FA5]  }
0x28: {  	s2 =	sld [smem:$0x3FA6]  }
0x29: {  	s4 =	sld [smem:$0x3FA8]  }
0x2a: {  	p0 =	seq.s32 s5, $0x0;
	s5 =	sld [smem:$0x3FA9]  }
0x2b: {  	s6 =	sld [smem:$0x3FAA]  }
0x2c: {  	s7 =	sld [smem:$0x3FAB]  }
0x2d: {  	s3 =	simm.s32 $0x108;
	s8 =	sld [smem:$0x3FAC]  }
0x2e: {  	s3 =	simm.s32 @!p0 $0x1082;
	s9 =	sld [smem:$0x3FAD]  }
0x2f: {  	lr =	sadd.s32 s0, s3;
	s0 =	sld [smem:$0x3FA4]  }
0x30: {  	s3 =	sld [smem:$0x3FA7]  }
0x31: {  	[smem:$0x3FB0] =	sst s10  }
0x32: {  	s10 =	sld [smem:$0x3FAE];
	_ =	sdelay $0x3  }
0x33: {  	p0 =	seq.s32 s10, $0x1;
	s10 =	sld [smem:$0x3FB0];
	_ =	sdelay $0x3  }
0x34: {  	[smem:$0x3FB0] =	sst s10  }
0x35: {  	s10 =	sld [smem:$0x3FAF];
	_ =	sdelay $0x3  }
0x36: {  	p1 =	seq.s32 s10, $0x1;
	s10 =	sld [smem:$0x3FB0];
	_ =	sdelay $0x3  }
0x37: {  	[smem:$0x3FB0] =	sst s10  }
0x38: {  	s10 =	sld [smem:$0x3FB1]  }
0x39: {  	_ = 	snop;
	(pc) =	sbr.ind lr, $3  }
0x3a: {  	_ = 	snop  }
0x3b: {  	_ = 	snop  }
0x3c: {  	p2 =	seq.s32 s10, $0x1;
	s10 =	sld [smem:$0x3FB0]  }
0x3d: {  	_ =	shalt  }
0x3e: {  	_ =	shalt  }
0x3f: {  	_ =	shalt  }
0x40: {  	_ =	shalt  }
0x41: {  	_ =	shalt  }
0x42: {  	_ =	shalt  }
0x43: {  	_ =	shalt  }
0x44: {  	_ =	shalt  }
0x45: {  	_ =	shalt  }
0x46: {  	_ =	shalt  }
0x47: {  	_ =	shalt  }
0x48: {  	_ =	shalt  }
0x49: {  	_ =	shalt  }
0x4a: {  	_ =	shalt  }
0x4b: {  	_ =	shalt  }
0x4c: {  	_ =	shalt  }
0x4d: {  	_ =	shalt  }
0x4e: {  	_ =	shalt  }
0x4f: {  	_ =	shalt  }
0x50: {  	_ =	shalt  }
0x51: {  	_ =	shalt  }
0x52: {  	_ =	shalt  }
0x53: {  	_ =	shalt  }
0x54: {  	_ =	shalt  }
0x55: {  	_ =	shalt  }
0x56: {  	_ =	shalt  }
0x57: {  	_ =	shalt  }
0x58: {  	_ =	shalt  }
0x59: {  	_ =	shalt  }
0x5a: {  	_ =	shalt  }
0x5b: {  	_ =	shalt  }
0x5c: {  	_ =	shalt  }
0x5d: {  	_ =	shalt  }
0x5e: {  	_ =	shalt  }
0x5f: {  	_ =	shalt  }
0x60: {  	_ =	shalt  }
0x61: {  	_ =	shalt  }
0x62: {  	_ =	shalt  }
0x63: {  	_ =	shalt  }
0x64: {  	_ =	shalt  }
0x65: {  	_ =	shalt  }
0x66: {  	_ =	shalt  }
0x67: {  	_ =	shalt  }
0x68: {  	_ =	shalt  }
0x69: {  	_ =	shalt  }
0x6a: {  	_ =	shalt  }
0x6b: {  	_ =	shalt  }
0x6c: {  	_ =	shalt  }
0x6d: {  	_ =	shalt  }
0x6e: {  	_ =	shalt  }
0x6f: {  	_ =	shalt  }
0x70: {  	_ =	shalt  }
0x71: {  	_ =	shalt  }
0x72: {  	_ =	shalt  }
0x73: {  	_ =	shalt  }
0x74: {  	_ =	shalt  }
0x75: {  	_ =	shalt  }
0x76: {  	_ =	shalt  }
0x77: {  	_ =	shalt  }
0x78: {  	_ =	shalt  }
0x79: {  	_ =	shalt  }
0x7a: {  	_ =	shalt  }
0x7b: {  	_ =	shalt  }
0x7c: {  	_ =	shalt  }
0x7d: {  	_ =	shalt  }
0x7e: {  	_ =	shalt  }
0x7f: {  	_ =	shalt  }
0x80: {  	_ =	shalt  }
0x81: {  	_ =	shalt  }
0x82: {  	_ =	shalt  }
0x83: {  	_ =	shalt  }
0x84: {  	_ =	shalt  }
0x85: {  	_ =	shalt  }
0x86: {  	_ =	shalt  }
0x87: {  	_ =	shalt  }
.Lfunc_end0:
.L_simem_size_0:
called_computation_lowered:
.L_overlay_start_0:
0x88: {  	s2 =	sld [smem:$0x3FD9]  }
0x89: {  	s3 =	sld [smem:$0x3FFE];
	_ =	sdelay $0x1  }
0x8a: {  	s1 =	srdreg.scid  }
0x8b: {  	s0 =	sand.u32 $0x1, s1  }
0x8c: {  	s17 =	sshll.u32 s0, $0xA;
	s2 =	sadd.s32 s3, s2  }
0x8d: {  	s2 =	sadd.s32 s2, s17  }
0x8e: {  	[smem:$0x3FBC] =	sst s2  }
0x8f: {  	_ = 	snop  }
0x90: {  	s18 =	sld [smem:$0x3FD0];
	(tm) =	ssettm $0x1  }
0x91: {  	s19 =	sld [smem:$0x3FFB];
	_ =	sdelay $0x3  }
0x92: {  	_ =	strace s19  }
0x93: {  	s2 =	sld [smem:$0x3FFC];
	_ =	sdelay $0x3  }
0x94: {  	_ =	strace s2  }
0x95: {  	s2 =	sld [smem:$0x3FFD];
	_ =	sdelay $0x3  }
0x96: {  	_ =	strace s2  }
0x97: {  	_ =	strace $0x8FFFFFFF  }
0x98: {  	s20 =	sld [smem:$0x3FDB];
	_ =	sdelay $0x1  }
0x99: {  	s4 =	simm.s32 $_scs_section_size  }
0x9a: {  	s5 =	simm.s32 $_size__tile_overlayer_lowered;
	s6 =	simm.s32 $_tile_overlayer_lowered  }
0x9b: {  	s7 =	simm.s32 $0x1BFF;
	s21 =	sshll.u32 s6, $0x1;
	s4 =	sadd.s32 s4, s20  }
0x9c: {  	s22 =	simm.s32 $0x0;
	s5 =	sshll.u32 s5, $0x1;
	s6 =	sadd.s32 s21, s4  }
0x9d: {  	[timem:s22], [sflag:s7] =	dma.local [hbm:s6], s5  }
0x9e: {  	_ =	swait.ge [sflag:s7], s5  }
0x9f: {  	s5 =	ssub.s32 $0x0, s5;
	[sflag:s7] =	ssyncset.done $0x0  }
0xa0: {  	[sflag:s7] =	ssyncadd.s32 s5;
	_ =	sdelay $0x1  }
0xa1: {  	s23 =	simm.s32 $0x1B8B  }
0xa2: {  	_ =	swait.ge [sflag:s23], $0x1  }
0xa3: {  	[sflag:s23] =	ssyncset.done $0x0  }
0xa4: {  	[sflag:s23] =	ssyncadd.s32 $0xFFFFFFFF  }
0xa5: {  	s5 =	sld [smem:$0x0]  }
0xa6: {  	s6 =	sand.u32 $0xFFFFFFFE, s1  }
0xa7: {  	p0 =	sne.s32 s1, s6  }
0xa8: {  	s6 =	sshll.u32 @p0 s6, $0xE  }
0xa9: {  	s6 =	sadd.s32 @p0 $0x11B8D, s6;
	s7 =	sshll.u32 @p0 s5, $0x11  }
0xaa: {  	s6 =	sor.u32 @p0 s7, s6  }
0xab: {  	[sflag:s6] =	ssyncadd.remote.s32 @p0 $0x1;
	_ =	sdelay $0x1  }
0xac: {  	s6 =	simm.s32 @p0 $0x1B8D  }
0xad: {  	_ =	swait.eq @p0 [sflag:s6], $0x1  }
0xae: {  	[sflag:s6] =	ssyncadd.s32 @p0 $0xFFFFFFFF  }
0xaf: {  	s7 =	sshll.u32 @!p0 s1, $0xE  }
0xb0: {  	s7 =	sor.u32 @!p0 $0x4000, s7;
	s6 =	simm.s32 @!p0 $0x1B8D  }
0xb1: {  	s5 =	sshll.u32 @!p0 s5, $0x11;
	s7 =	sadd.s32 @!p0 $0x11B8D, s7;
	_ =	swait.eq @!p0 [sflag:s6], $0x1  }
0xb2: {  	s5 =	sor.u32 @!p0 s5, s7;
	[sflag:s6] =	ssyncadd.s32 @!p0 $0xFFFFFFFF  }
0xb3: {  	s25 =	simm.s32 $0x1B8E;
	s24 =	sld [smem:$0x3FFE];
	[sflag:s5] =	ssyncadd.remote.s32 @!p0 $0x1  }
0xb4: {  	s26 =	simm.s32 $execute0_lowered;
	[smem:$0x3FD2] =	sst s25  }
0xb5: {  	s6 =	sshll.u32 s26, $0x1;
	_ =	strace $0x80000049;
	[dreg:$0x1] =	wrdreg $0xFFFFFFFF  }
0xb6: {  	s28 =	simm.s32 $_size_execute0_lowered;
	s4 =	sadd.s32 s4, s6;
	[dreg:$0x0] =	wrdreg $0x0  }
0xb7: {  	s6 =	sshll.u32 s28, $0x1;
	[dreg:$0x2] =	wrdreg s4  }
0xb8: {  	[dreg:$0x3] =	wrdreg s6  }
0xb9: {  	[dreg:$0x4] =	wrdreg $0xC0  }
0xba: {  	_ =	task [dreg:s22], $0x5FFFF  }
0xbb: {  	[dreg:$0x1] =	wrdreg $0xFFFFFFFF  }
0xbc: {  	[dreg:$0x0] =	wrdreg $0x60  }
0xbd: {  	[dreg:$0x2] =	wrdreg s18  }
0xbe: {  	[dreg:$0x3] =	wrdreg s24  }
0xbf: {  	[dreg:$0x4] =	wrdreg $0x9  }
0xc0: {  	_ =	task.clear_ibuf [dreg:s22], $0x5FFFF;
	_ =	strace $0x90000049  }
0xc1: {  	s29 =	simm.s32 $0x9;
	_ =	strace $0x8000004B  }
0xc2: {  	_ =	swait.ge [sflag:s29], $0x1  }
0xc3: {  	[sflag:s29] =	ssyncadd.s32 $0xFFFFFFFF  }
0xc4: {  	_ =	strace $0x9000004B  }
0xc5: {  	_ =	sfence  }
0xc6: {  	s30 =	sld [smem:$0x0];
	_ =	sdelay $0x2  }
0xc7: {  	s31 =	sshll.u32 s1, $0xD;
	s1 =	sshrl.u32 s1, $0x2  }
0xc8: {  	s4 =	sand.u32 $0x4000, s31;
	s1 =	sadd.s32 s1, s30  }
0xc9: {  	s0 =	sor.u32 s4, s0;
	s1 =	sshll.u32 s1, $0x11  }
0xca: {  	s0 =	sor.u32 s1, s0  }
0xcb: {  	s0 =	sadd.s32 $0x8F2B, s0  }
0xcc: {  	[sflag:s0] =	ssyncadd.remote.s32 $0x1  }
0xcd: {  	_ =	sfence.sel $0xFFFF  }
0xce: {  	[dreg:$0x0] =	wrdreg $0xFFFFFFFF;
	(pc) =	sbr.abs _section_cstart, $3  }
0xcf: {  	[dreg:$0x1] =	wrdreg $0xFFFFFFFF  }
0xd0: {  	_ =	task.clear_ibuf [dreg:s22], $0x2FFFF;
	_ =	strace $0x9FFFFFFF  }
0xd1: {  	(tm) =	ssettm $0x7FFFFFFF  }
tec
execute0_lowered:
.L_overlay_start_1:
0x0: {  	(tag) =	ssettag $0x1  }
0x1: {  	s1 =	rddreg [dreg:$0x0]  }
0x2: {  	s0 =	rddreg [dreg:$0x1];
	s3 =	simm.s32 $0x0;
	s2 =	srdreg.scid  }
0x3: {  	s4 =	stileid.u32;
	s28 =	simm.s32 $0x50;
	s29 =	simm.s32 $0x200  }
0x4: {  	s30 =	simm.s32 $0x5200;
	s31 =	simm.s32 $0x80;
	[smem:$0x7FF] =	sst s3  }
0x5: {  	s2 =	sand.u32 $0x1, s2;
	s4 =	sshll.u32 s4, $0x1;
	s5 =	sadd.s32 $0x3000, s0  }
0x6: {  	s6 =	sadd.s32 $0xCE00, s0;
	s7 =	sadd.s32 $0x32BE00, s0;
	s9 =	sor.u32 s2, s4  }
0x7: {  	_ =	strace $0x8000004A;
	s14 =	ssub.s32 $0x2, s2;
	s10 =	smul.u32 $0xFA0, s9  }
0x8: {  	s4 =	sadd.s32 $0x16C00, s0;
	s2 =	sshrl.u32 s14, $0x1;
	s19 =	smul.u32 $0xFA00, s9  }
0x9: {  	s20 =	smul.u32 $0x7D000, s9;
	s9 =	simm.s32 $0x2;
	s0 =	ssub.s32 s14, s2  }
0xa: {  	s14 =	simm.s32 $0x5;
	s11 =	sshrl.u32 s10, $0x3;
	s8 =	sadd.s32 $0x50, s10  }
0xb: {  	s12 =	sadd.s32 $0xA0, s10;
	s21 =	sadd.s32 s7, s19;
	s22 =	sadd.s32 $0xF50, s10  }
0xc: {  	s0 =	smax.u32 s0, $0x1;
	s19 =	simm.s32 $0x0;
	s15 =	sadd.s32 s5, s11  }
0xd: {  	s16 =	sshrl.u32 s8, $0x3;
	s11 =	sadd.s32 s6, s11;
	[dreg:$0x9] =	wrdreg s21  }
0xe: {  	s18 =	sshrl.u32 s12, $0x3;
	s23 =	sshrl.u32 s22, $0x3;
	[dreg:$0xf] =	wrdreg s0  }
0xf: {  	s26 =	sshll.u32 s22, $0x4;
	s0 =	simm.s32 $0x180;
	[dreg:$0x3] =	wrdreg s15  }
0x10: {  	[dreg:$0x4] =	wrdreg s11;
	s17 =	sadd.s32 s5, s16;
	s2 =	sadd.s32 s6, s16  }
0x11: {  	s13 =	sadd.s32 s5, s18;
	s24 =	sadd.s32 s5, s23;
	[dreg:$0x5] =	wrdreg s17  }
0x12: {  	s11 =	simm.s32 $0x7A00;
	s15 =	simm.s32 $0x1;
	[dreg:$0x6] =	wrdreg s2  }
0x13: {  	[dreg:$0x7] =	wrdreg s13;
	s2 =	sadd.s32 s6, s18;
	s17 =	sadd.s32 $0xF0, s10  }
0x14: {  	s18 =	sadd.s32 $0x140, s10;
	[dreg:$0x8] =	wrdreg s2;
	s2 =	sshrl.u32 s20, $0x3  }
0x15: {  	[dreg:$0xa] =	wrdreg s24;
	s10 =	sadd.s32 s6, s23;
	s2 =	sadd.s32 s7, s2  }
0x16: {  	s16 =	simm.s32 $0x6;
	[dreg:$0xb] =	wrdreg s10;
	s25 =	sadd.s32 $0xEB00, s2  }
0x17: {  	s13 =	simm.s32 $0x4;
	s2 =	sadd.s32 $0xF000, s2;
	[dreg:$0xc] =	wrdreg s25  }
0x18: {  	s10 =	simm.s32 $0x2A00;
	[dreg:$0xd] =	wrdreg s2;
	s2 =	sadd.s32 s7, s26  }
0x19: {  	s26 =	simm.s32 $0x100;
	[dreg:$0xe] =	wrdreg s2;
	s2 =	simm.s32 $0x3  }
.LBB2_1:
0x1a: {  	s20 =	rddreg [dreg:$0x3];
	s21 =	simm.s32 $0x7  }
0x1b: {  	[tilespmem:s3], [sflag:$0x7] =	stream.linear.gather [hbm4b:s20+s3], $0x50, $0x38;
	[tilespmem:$0xA200] =	vst v63  }
0x1c: {  	_ =	swait.ge [sflag:s21], $0x50  }
0x1d: {  	[sflag:s21] =	ssyncset.done $0x0  }
0x1e: {  	s25 =	rddreg [dreg:$0x4];
	[sflag:s21] =	ssyncadd.s32 $0xFFFFFFB0  }
0x1f: {  	[tilespmem:s26], [sflag:$0x7] =	stream.linear.gather [hbm4b:s25+s3], $0x50, $0x38;
	[tilespmem:$0xA200] =	vst v63  }
0x20: {  	_ =	swait.ge [sflag:s21], $0x50  }
0x21: {  	[sflag:s21] =	ssyncset.done $0x0  }
0x22: {  	[sflag:s21] =	ssyncadd.s32 $0xFFFFFFB0  }
0x23: {  	[tilespmem:s29], [sflag:$0x3] =	stream.indirect.gather [hbm4b:s1+s28], $0x80, s3, s28, $0xb8;
	[tilespmem:$0xA200] =	vst v63  }
0x24: {  	_ = 	snop  }
0x25: {  	[tilespmem:s30], [sflag:$0x3] =	stream.indirect.gather [hbm4b:s4+s28], $0x80, s26, s28, $0xb8;
	[tilespmem:$0xA200] =	vst v63  }
0x26: {  	s22 =	rddreg [dreg:$0x5]  }
0x27: {  	[tilespmem:s31], [sflag:$0x2] =	stream.linear.gather [hbm4b:s22+s3], $0x50, $0x38;
	[tilespmem:$0xA200] =	vst v63  }
0x28: {  	s23 =	rddreg [dreg:$0x6]  }
0x29: {  	[tilespmem:s0], [sflag:$0x2] =	stream.linear.gather [hbm4b:s23+s3], $0x50, $0x38;
	[tilespmem:$0xA200] =	vst v63  }
0x2a: {  	_ =	swait.ge [sflag:s2], $0x2800  }
0x2b: {  	[sflag:s2] =	ssyncset.done $0x0  }
0x2c: {  	[sflag:s2] =	ssyncadd.s32 $0xFFFFD800  }
0x2d: {  	_ =	swait.ge [sflag:s2], $0x2800  }
0x2e: {  	[sflag:s2] =	ssyncset.done $0x0  }
0x2f: {  	s24 =	rddreg [dreg:$0x7];
	[sflag:s2] =	ssyncadd.s32 $0xFFFFD800  }
0x30: {  	[tilespmem:s3], [sflag:$0x1] =	stream.linear.gather [hbm4b:s24+s3], $0x50, $0x38;
	[tilespmem:$0xA200] =	vst v63  }
0x31: {  	s25 =	rddreg [dreg:$0x8]  }
0x32: {  	[tilespmem:s26], [sflag:$0x1] =	stream.linear.gather [hbm4b:s25+s3], $0x50, $0x38;
	[tilespmem:$0xA200] =	vst v63  }
0x33: {  	_ =	swait.ge [sflag:s9], $0x50  }
0x34: {  	[sflag:s9] =	ssyncset.done $0x0  }
0x35: {  	[sflag:s9] =	ssyncadd.s32 $0xFFFFFFB0  }
0x36: {  	_ =	swait.ge [sflag:s9], $0x50  }
0x37: {  	[sflag:s9] =	ssyncset.done $0x0  }
0x38: {  	[sflag:s9] =	ssyncadd.s32 $0xFFFFFFB0  }
0x39: {  	[tilespmem:s10], [sflag:$0x4] =	stream.indirect.gather [hbm4b:s1+s28], $0x80, s31, s28, $0xb8;
	[tilespmem:$0xA200] =	vst v63  }
0x3a: {  	s20 =	simm.s32 $0x0  }
0x3b: {  	[tilespmem:s11], [sflag:$0x4] =	stream.indirect.gather [hbm4b:s4+s28], $0x80, s0, s28, $0xb8;
	[tilespmem:$0xA200] =	vst v63  }
0x3c: {  	v7 =	vld [tilespmem:s20+$0x5200]  }
0x3d: {  	v11 =	vld [tilespmem:s20+$0x5210]  }
0x3e: {  	v5 =	vld [tilespmem:s20+$0x5220]  }
0x3f: {  	v4 =	vld [tilespmem:s20+$0x5230]  }
0x40: {  	v3 =	vld [tilespmem:s20+$0x5240]  }
0x41: {  	v2 =	vld [tilespmem:s20+$0x5250]  }
0x42: {  	v1 =	vld [tilespmem:s20+$0x5260]  }
0x43: {  	v0 =	vld [tilespmem:s20+$0x5270]  }
0x44: {  	v12 =	vld [tilespmem:s20+$0x200]  }
0x45: {  	v13 =	vld [tilespmem:s20+$0x210]  }
0x46: {  	v10 =	vld [tilespmem:s20+$0x220]  }
0x47: {  	v9 =	vld [tilespmem:s20+$0x230]  }
0x48: {  	v8 =	vld [tilespmem:s20+$0x240]  }
0x49: {  	v6 =	vld [tilespmem:s20+$0x250];
	v12 =	vadd.f32 v7, v12  }
0x4a: {  	s21 =	simm.s32 $0x200;
	v11 =	vadd.f32 v11, v13;
	v7 =	vld [tilespmem:s20+$0x260]  }
.LBB2_2:
0x4b: {  	s22 =	sshra.s32 s21, $0x2;
	p0 =	sne.s32 s21, $0x9E00;
	[tilespmem:s20+$0x200] =	vst v12;
	v5 =	vadd.f32 v5, v10;
	v10 =	vld [tilespmem:s20+$0x270]  }
0x4c: {  	v12 =	vld [tilespmem:s22+$0x5200];
	[tilespmem:s20+$0x210] =	vst v11;
	v4 =	vadd.f32 v4, v9  }
0x4d: {  	v11 =	vld [tilespmem:s22+$0x5210];
	[tilespmem:s20+$0x220] =	vst v5;
	v3 =	vadd.f32 v3, v8  }
0x4e: {  	v5 =	vld [tilespmem:s22+$0x5220];
	[tilespmem:s20+$0x230] =	vst v4;
	v2 =	vadd.f32 v2, v6  }
0x4f: {  	v4 =	vld [tilespmem:s22+$0x5230];
	[tilespmem:s20+$0x240] =	vst v3;
	v1 =	vadd.f32 v1, v7  }
0x50: {  	v3 =	vld [tilespmem:s22+$0x5240];
	[tilespmem:s20+$0x250] =	vst v2;
	v0 =	vadd.f32 v0, v10  }
0x51: {  	v2 =	vld [tilespmem:s22+$0x5250];
	[tilespmem:s20+$0x260] =	vst v1  }
0x52: {  	v1 =	vld [tilespmem:s22+$0x5260];
	[tilespmem:s20+$0x270] =	vst v0;
	s20 =	smov.u32 s22  }
0x53: {  	v0 =	vld [tilespmem:s20+$0x5270]  }
0x54: {  	v6 =	vld [tilespmem:s20+$0x200]  }
0x55: {  	v7 =	vld [tilespmem:s20+$0x210]  }
.Ltmp0:
0x56: {  	v10 =	vld [tilespmem:s20+$0x220];
	(pc) =	sbr.rel @p0 .LBB2_2-.Ltmp0, $4  }
0x57: {  	v9 =	vld [tilespmem:s20+$0x230]  }
0x58: {  	v8 =	vld [tilespmem:s20+$0x240]  }
0x59: {  	v12 =	vadd.f32 v12, v6;
	v6 =	vld [tilespmem:s20+$0x250]  }
0x5a: {  	s21 =	sadd.s32 $0x200, s21;
	v11 =	vadd.f32 v11, v7;
	v7 =	vld [tilespmem:s20+$0x260]  }
0x5b: {  	[tilespmem:s20+$0x200] =	vst v12;
	v5 =	vadd.f32 v5, v10;
	v63 =	vld [tilespmem:s20+$0x270]  }
0x5c: {  	[tilespmem:s20+$0x210] =	vst v11;
	v4 =	vadd.f32 v4, v9  }
0x5d: {  	[tilespmem:s20+$0x220] =	vst v5;
	v3 =	vadd.f32 v3, v8  }
0x5e: {  	[tilespmem:s20+$0x230] =	vst v4;
	v2 =	vadd.f32 v2, v6  }
0x5f: {  	[tilespmem:s20+$0x240] =	vst v3;
	v1 =	vadd.f32 v1, v7  }
0x60: {  	[tilespmem:s20+$0x250] =	vst v2;
	v0 =	vadd.f32 v0, v63  }
0x61: {  	[tilespmem:s20+$0x260] =	vst v1  }
0x62: {  	s21 =	rddreg [dreg:$0x9];
	[tilespmem:s20+$0x270] =	vst v0;
	s20 =	simm.s32 $0x0  }
0x63: {  	[hbm4b:s21+s20] =	stream.linear.scatter [tilespmem:s29], [sflag:$0x5], $0x2800, $0x38;
	[tilespmem:$0xA200] =	vst v63  }
0x64: {  	s21 =	simm.s32 $0x0  }
.LBB2_4:
0x65: {  	_ =	swait.ge [sflag:s13], $0x2800  }
0x66: {  	s22 =	smul.u32 $0xA0, s21;
	[sflag:s13] =	ssyncset.done $0x0  }
0x67: {  	[sflag:s13] =	ssyncadd.s32 $0xFFFFD800  }
0x68: {  	s23 =	sadd.s32 s22, s17;
	_ =	swait.ge [sflag:s13], $0x2800  }
0x69: {  	s23 =	sshrl.u32 s23, $0x3;
	[sflag:s13] =	ssyncset.done $0x0  }
0x6a: {  	s24 =	sadd.s32 s5, s23;
	[sflag:s13] =	ssyncadd.s32 $0xFFFFD800  }
0x6b: {  	[tilespmem:s31], [sflag:$0x2] =	stream.linear.gather [hbm4b:s24+s20], $0x50, $0x38;
	[tilespmem:$0xA200] =	vst v63  }
0x6c: {  	s23 =	sadd.s32 s6, s23  }
0x6d: {  	[tilespmem:s0], [sflag:$0x2] =	stream.linear.gather [hbm4b:s23+s20], $0x50, $0x38;
	[tilespmem:$0xA200] =	vst v63  }
0x6e: {  	_ =	swait.ge [sflag:s14], $0x2800  }
0x6f: {  	[sflag:s14] =	ssyncset.done $0x0  }
0x70: {  	[sflag:s14] =	ssyncadd.s32 $0xFFFFD800  }
0x71: {  	_ =	swait.ge [sflag:s15], $0x50  }
0x72: {  	[sflag:s15] =	ssyncset.done $0x0  }
0x73: {  	[sflag:s15] =	ssyncadd.s32 $0xFFFFFFB0  }
0x74: {  	_ =	swait.ge [sflag:s15], $0x50  }
0x75: {  	[sflag:s15] =	ssyncset.done $0x0  }
0x76: {  	[sflag:s15] =	ssyncadd.s32 $0xFFFFFFB0  }
0x77: {  	[tilespmem:s29], [sflag:$0x3] =	stream.indirect.gather [hbm4b:s1+s28], $0x80, s20, s28, $0xb8;
	[tilespmem:$0xA200] =	vst v63  }
0x78: {  	s23 =	simm.s32 $0x0  }
0x79: {  	[tilespmem:s30], [sflag:$0x3] =	stream.indirect.gather [hbm4b:s4+s28], $0x80, s26, s28, $0xb8;
	[tilespmem:$0xA200] =	vst v63  }
0x7a: {  	v7 =	vld [tilespmem:s23+$0x7A00]  }
0x7b: {  	v11 =	vld [tilespmem:s23+$0x7A10]  }
0x7c: {  	v5 =	vld [tilespmem:s23+$0x7A20]  }
0x7d: {  	v4 =	vld [tilespmem:s23+$0x7A30]  }
0x7e: {  	v3 =	vld [tilespmem:s23+$0x7A40]  }
0x7f: {  	v2 =	vld [tilespmem:s23+$0x7A50]  }
0x80: {  	v1 =	vld [tilespmem:s23+$0x7A60]  }
0x81: {  	v0 =	vld [tilespmem:s23+$0x7A70]  }
0x82: {  	v12 =	vld [tilespmem:s23+$0x2A00]  }
0x83: {  	v13 =	vld [tilespmem:s23+$0x2A10]  }
0x84: {  	v10 =	vld [tilespmem:s23+$0x2A20]  }
0x85: {  	v9 =	vld [tilespmem:s23+$0x2A30]  }
0x86: {  	v8 =	vld [tilespmem:s23+$0x2A40]  }
0x87: {  	v6 =	vld [tilespmem:s23+$0x2A50];
	v12 =	vadd.f32 v7, v12  }
0x88: {  	s24 =	simm.s32 $0x200;
	v11 =	vadd.f32 v11, v13;
	v7 =	vld [tilespmem:s23+$0x2A60]  }
.LBB2_5:
0x89: {  	s25 =	sshra.s32 s24, $0x2;
	p0 =	sne.s32 s24, $0x9E00;
	[tilespmem:s23+$0x2A00] =	vst v12;
	v5 =	vadd.f32 v5, v10;
	v10 =	vld [tilespmem:s23+$0x2A70]  }
0x8a: {  	v12 =	vld [tilespmem:s25+$0x7A00];
	[tilespmem:s23+$0x2A10] =	vst v11;
	v4 =	vadd.f32 v4, v9  }
0x8b: {  	v11 =	vld [tilespmem:s25+$0x7A10];
	[tilespmem:s23+$0x2A20] =	vst v5;
	v3 =	vadd.f32 v3, v8  }
0x8c: {  	v5 =	vld [tilespmem:s25+$0x7A20];
	[tilespmem:s23+$0x2A30] =	vst v4;
	v2 =	vadd.f32 v2, v6  }
0x8d: {  	v4 =	vld [tilespmem:s25+$0x7A30];
	[tilespmem:s23+$0x2A40] =	vst v3;
	v1 =	vadd.f32 v1, v7  }
0x8e: {  	v3 =	vld [tilespmem:s25+$0x7A40];
	[tilespmem:s23+$0x2A50] =	vst v2;
	v0 =	vadd.f32 v0, v10  }
0x8f: {  	v2 =	vld [tilespmem:s25+$0x7A50];
	[tilespmem:s23+$0x2A60] =	vst v1  }
0x90: {  	v1 =	vld [tilespmem:s25+$0x7A60];
	[tilespmem:s23+$0x2A70] =	vst v0;
	s23 =	smov.u32 s25  }
0x91: {  	v0 =	vld [tilespmem:s23+$0x7A70]  }
0x92: {  	v6 =	vld [tilespmem:s23+$0x2A00]  }
0x93: {  	v7 =	vld [tilespmem:s23+$0x2A10]  }
.Ltmp1:
0x94: {  	v10 =	vld [tilespmem:s23+$0x2A20];
	(pc) =	sbr.rel @p0 .LBB2_5-.Ltmp1, $4  }
0x95: {  	v9 =	vld [tilespmem:s23+$0x2A30]  }
0x96: {  	v8 =	vld [tilespmem:s23+$0x2A40]  }
0x97: {  	v12 =	vadd.f32 v12, v6;
	v6 =	vld [tilespmem:s23+$0x2A50]  }
0x98: {  	s24 =	sadd.s32 $0x200, s24;
	v11 =	vadd.f32 v11, v7;
	v7 =	vld [tilespmem:s23+$0x2A60]  }
0x99: {  	[tilespmem:s23+$0x2A00] =	vst v12;
	v5 =	vadd.f32 v5, v10;
	v10 =	vld [tilespmem:s23+$0x2A70]  }
0x9a: {  	[tilespmem:s23+$0x2A10] =	vst v11;
	v4 =	vadd.f32 v4, v9  }
0x9b: {  	[tilespmem:s23+$0x2A20] =	vst v5;
	v3 =	vadd.f32 v3, v8  }
0x9c: {  	[tilespmem:s23+$0x2A30] =	vst v4;
	v2 =	vadd.f32 v2, v6  }
0x9d: {  	[tilespmem:s23+$0x2A40] =	vst v3;
	v1 =	vadd.f32 v1, v7  }
0x9e: {  	s24 =	sadd.s32 s22, s8;
	[tilespmem:s23+$0x2A50] =	vst v2;
	v0 =	vadd.f32 v0, v10  }
0x9f: {  	s24 =	sshll.u32 s24, $0x4;
	[tilespmem:s23+$0x2A60] =	vst v1  }
0xa0: {  	s25 =	sadd.s32 s7, s24;
	s24 =	simm.s32 $0x0;
	[tilespmem:s23+$0x2A70] =	vst v0  }
0xa1: {  	[hbm4b:s25+s24] =	stream.linear.scatter [tilespmem:s10], [sflag:$0x6], $0x2800, $0x38;
	[tilespmem:$0xA200] =	vst v63  }
0xa2: {  	_ =	swait.ge [sflag:s2], $0x2800  }
0xa3: {  	[sflag:s2] =	ssyncset.done $0x0  }
0xa4: {  	[sflag:s2] =	ssyncadd.s32 $0xFFFFD800  }
0xa5: {  	s25 =	sadd.s32 s22, s18;
	_ =	swait.ge [sflag:s2], $0x2800  }
0xa6: {  	s23 =	sshrl.u32 s25, $0x3;
	[sflag:s2] =	ssyncset.done $0x0  }
0xa7: {  	s25 =	sadd.s32 s5, s23;
	[sflag:s2] =	ssyncadd.s32 $0xFFFFD800  }
0xa8: {  	[tilespmem:s24], [sflag:$0x1] =	stream.linear.gather [hbm4b:s25+s24], $0x50, $0x38;
	[tilespmem:$0xA200] =	vst v63  }
0xa9: {  	s23 =	sadd.s32 s6, s23  }
0xaa: {  	[tilespmem:s26], [sflag:$0x1] =	stream.linear.gather [hbm4b:s23+s24], $0x50, $0x38;
	[tilespmem:$0xA200] =	vst v63  }
0xab: {  	_ =	swait.ge [sflag:s16], $0x2800  }
0xac: {  	[sflag:s16] =	ssyncset.done $0x0  }
0xad: {  	[sflag:s16] =	ssyncadd.s32 $0xFFFFD800  }
0xae: {  	_ =	swait.ge [sflag:s9], $0x50  }
0xaf: {  	[sflag:s9] =	ssyncset.done $0x0  }
0xb0: {  	[sflag:s9] =	ssyncadd.s32 $0xFFFFFFB0  }
0xb1: {  	_ =	swait.ge [sflag:s9], $0x50  }
0xb2: {  	[sflag:s9] =	ssyncset.done $0x0  }
0xb3: {  	[sflag:s9] =	ssyncadd.s32 $0xFFFFFFB0  }
0xb4: {  	[tilespmem:s10], [sflag:$0x4] =	stream.indirect.gather [hbm4b:s1+s28], $0x80, s31, s28, $0xb8;
	[tilespmem:$0xA200] =	vst v63  }
0xb5: {  	s23 =	simm.s32 $0x0  }
0xb6: {  	[tilespmem:s11], [sflag:$0x4] =	stream.indirect.gather [hbm4b:s4+s28], $0x80, s0, s28, $0xb8;
	[tilespmem:$0xA200] =	vst v63  }
0xb7: {  	v7 =	vld [tilespmem:s23+$0x5200]  }
0xb8: {  	v11 =	vld [tilespmem:s23+$0x5210]  }
0xb9: {  	v5 =	vld [tilespmem:s23+$0x5220]  }
0xba: {  	v4 =	vld [tilespmem:s23+$0x5230]  }
0xbb: {  	v3 =	vld [tilespmem:s23+$0x5240]  }
0xbc: {  	v2 =	vld [tilespmem:s23+$0x5250]  }
0xbd: {  	v1 =	vld [tilespmem:s23+$0x5260]  }
0xbe: {  	v0 =	vld [tilespmem:s23+$0x5270]  }
0xbf: {  	v12 =	vld [tilespmem:s23+$0x200]  }
0xc0: {  	v13 =	vld [tilespmem:s23+$0x210]  }
0xc1: {  	v10 =	vld [tilespmem:s23+$0x220]  }
0xc2: {  	v9 =	vld [tilespmem:s23+$0x230]  }
0xc3: {  	v8 =	vld [tilespmem:s23+$0x240]  }
0xc4: {  	v6 =	vld [tilespmem:s23+$0x250];
	v12 =	vadd.f32 v7, v12  }
0xc5: {  	s24 =	simm.s32 $0x200;
	v11 =	vadd.f32 v11, v13;
	v7 =	vld [tilespmem:s23+$0x260]  }
.LBB2_7:
0xc6: {  	s25 =	sshra.s32 s24, $0x2;
	p0 =	sne.s32 s24, $0x9E00;
	[tilespmem:s23+$0x200] =	vst v12;
	v5 =	vadd.f32 v5, v10;
	v10 =	vld [tilespmem:s23+$0x270]  }
0xc7: {  	v12 =	vld [tilespmem:s25+$0x5200];
	[tilespmem:s23+$0x210] =	vst v11;
	v4 =	vadd.f32 v4, v9  }
0xc8: {  	v11 =	vld [tilespmem:s25+$0x5210];
	[tilespmem:s23+$0x220] =	vst v5;
	v3 =	vadd.f32 v3, v8  }
0xc9: {  	v5 =	vld [tilespmem:s25+$0x5220];
	[tilespmem:s23+$0x230] =	vst v4;
	v2 =	vadd.f32 v2, v6  }
0xca: {  	v4 =	vld [tilespmem:s25+$0x5230];
	[tilespmem:s23+$0x240] =	vst v3;
	v1 =	vadd.f32 v1, v7  }
0xcb: {  	v3 =	vld [tilespmem:s25+$0x5240];
	[tilespmem:s23+$0x250] =	vst v2;
	v0 =	vadd.f32 v0, v10  }
0xcc: {  	v2 =	vld [tilespmem:s25+$0x5250];
	[tilespmem:s23+$0x260] =	vst v1  }
0xcd: {  	v1 =	vld [tilespmem:s25+$0x5260];
	[tilespmem:s23+$0x270] =	vst v0;
	s23 =	smov.u32 s25  }
0xce: {  	v0 =	vld [tilespmem:s23+$0x5270]  }
0xcf: {  	v6 =	vld [tilespmem:s23+$0x200]  }
0xd0: {  	v7 =	vld [tilespmem:s23+$0x210]  }
.Ltmp2:
0xd1: {  	v10 =	vld [tilespmem:s23+$0x220];
	(pc) =	sbr.rel @p0 .LBB2_7-.Ltmp2, $4  }
0xd2: {  	v9 =	vld [tilespmem:s23+$0x230]  }
0xd3: {  	v8 =	vld [tilespmem:s23+$0x240]  }
0xd4: {  	v12 =	vadd.f32 v12, v6;
	v6 =	vld [tilespmem:s23+$0x250]  }
0xd5: {  	s24 =	sadd.s32 $0x200, s24;
	v11 =	vadd.f32 v11, v7;
	v7 =	vld [tilespmem:s23+$0x260]  }
0xd6: {  	[tilespmem:s23+$0x200] =	vst v12;
	v5 =	vadd.f32 v5, v10;
	v63 =	vld [tilespmem:s23+$0x270]  }
0xd7: {  	[tilespmem:s23+$0x210] =	vst v11;
	v4 =	vadd.f32 v4, v9  }
0xd8: {  	s21 =	sadd.s32 $0x1, s21;
	[tilespmem:s23+$0x220] =	vst v5;
	v3 =	vadd.f32 v3, v8  }
0xd9: {  	p0 =	sne.s32 s21, $0x17;
	[tilespmem:s23+$0x230] =	vst v4;
	v2 =	vadd.f32 v2, v6  }
.Ltmp3:
0xda: {  	[tilespmem:s23+$0x240] =	vst v3;
	v1 =	vadd.f32 v1, v7;
	(pc) =	sbr.rel @p0 .LBB2_4-.Ltmp3, $4  }
0xdb: {  	s22 =	sadd.s32 s22, s12;
	[tilespmem:s23+$0x250] =	vst v2;
	v0 =	vadd.f32 v0, v63  }
0xdc: {  	s22 =	sshll.u32 s22, $0x4;
	[tilespmem:s23+$0x260] =	vst v1  }
0xdd: {  	s22 =	sadd.s32 s7, s22;
	[tilespmem:s23+$0x270] =	vst v0  }
0xde: {  	[hbm4b:s22+s3] =	stream.linear.scatter [tilespmem:s29], [sflag:$0x5], $0x2800, $0x38;
	[tilespmem:$0xA200] =	vst v63  }
0xdf: {  	_ =	swait.ge [sflag:s13], $0x2800  }
0xe0: {  	[sflag:s13] =	ssyncset.done $0x0  }
0xe1: {  	[sflag:s13] =	ssyncadd.s32 $0xFFFFD800  }
0xe2: {  	_ =	swait.ge [sflag:s13], $0x2800  }
0xe3: {  	[sflag:s13] =	ssyncset.done $0x0  }
0xe4: {  	s20 =	simm.s32 $0x0;
	s21 =	rddreg [dreg:$0xa];
	[sflag:s13] =	ssyncadd.s32 $0xFFFFD800  }
0xe5: {  	[tilespmem:s31], [sflag:$0x2] =	stream.linear.gather [hbm4b:s21+s20], $0x50, $0x38;
	[tilespmem:$0xA200] =	vst v63  }
0xe6: {  	s25 =	rddreg [dreg:$0xb]  }
0xe7: {  	[tilespmem:s0], [sflag:$0x2] =	stream.linear.gather [hbm4b:s25+s20], $0x50, $0x38;
	[tilespmem:$0xA200] =	vst v63  }
0xe8: {  	_ =	swait.ge [sflag:s14], $0x2800  }
0xe9: {  	[sflag:s14] =	ssyncset.done $0x0  }
0xea: {  	[sflag:s14] =	ssyncadd.s32 $0xFFFFD800  }
0xeb: {  	_ =	swait.ge [sflag:s15], $0x50  }
0xec: {  	[sflag:s15] =	ssyncset.done $0x0  }
0xed: {  	[sflag:s15] =	ssyncadd.s32 $0xFFFFFFB0  }
0xee: {  	_ =	swait.ge [sflag:s15], $0x50  }
0xef: {  	[sflag:s15] =	ssyncset.done $0x0  }
0xf0: {  	[sflag:s15] =	ssyncadd.s32 $0xFFFFFFB0  }
0xf1: {  	[tilespmem:s29], [sflag:$0x3] =	stream.indirect.gather [hbm4b:s1+s28], $0x80, s20, s28, $0xb8;
	[tilespmem:$0xA200] =	vst v63  }
0xf2: {  	s20 =	simm.s32 $0x0  }
0xf3: {  	[tilespmem:s30], [sflag:$0x3] =	stream.indirect.gather [hbm4b:s4+s28], $0x80, s26, s28, $0xb8;
	[tilespmem:$0xA200] =	vst v63  }
0xf4: {  	v7 =	vld [tilespmem:s20+$0x7A00]  }
0xf5: {  	v11 =	vld [tilespmem:s20+$0x7A10]  }
0xf6: {  	v5 =	vld [tilespmem:s20+$0x7A20]  }
0xf7: {  	v4 =	vld [tilespmem:s20+$0x7A30]  }
0xf8: {  	v3 =	vld [tilespmem:s20+$0x7A40]  }
0xf9: {  	v2 =	vld [tilespmem:s20+$0x7A50]  }
0xfa: {  	v1 =	vld [tilespmem:s20+$0x7A60]  }
0xfb: {  	v0 =	vld [tilespmem:s20+$0x7A70]  }
0xfc: {  	v12 =	vld [tilespmem:s20+$0x2A00]  }
0xfd: {  	v13 =	vld [tilespmem:s20+$0x2A10]  }
0xfe: {  	v10 =	vld [tilespmem:s20+$0x2A20]  }
0xff: {  	v9 =	vld [tilespmem:s20+$0x2A30]  }
0x100: {  	v8 =	vld [tilespmem:s20+$0x2A40]  }
0x101: {  	v6 =	vld [tilespmem:s20+$0x2A50];
	v12 =	vadd.f32 v7, v12  }
0x102: {  	s21 =	simm.s32 $0x200;
	v11 =	vadd.f32 v11, v13;
	v7 =	vld [tilespmem:s20+$0x2A60]  }
.LBB2_10:
0x103: {  	s22 =	sshra.s32 s21, $0x2;
	p0 =	sne.s32 s21, $0x9E00;
	[tilespmem:s20+$0x2A00] =	vst v12;
	v5 =	vadd.f32 v5, v10;
	v10 =	vld [tilespmem:s20+$0x2A70]  }
0x104: {  	v12 =	vld [tilespmem:s22+$0x7A00];
	[tilespmem:s20+$0x2A10] =	vst v11;
	v4 =	vadd.f32 v4, v9  }
0x105: {  	v11 =	vld [tilespmem:s22+$0x7A10];
	[tilespmem:s20+$0x2A20] =	vst v5;
	v3 =	vadd.f32 v3, v8  }
0x106: {  	v5 =	vld [tilespmem:s22+$0x7A20];
	[tilespmem:s20+$0x2A30] =	vst v4;
	v2 =	vadd.f32 v2, v6  }
0x107: {  	v4 =	vld [tilespmem:s22+$0x7A30];
	[tilespmem:s20+$0x2A40] =	vst v3;
	v1 =	vadd.f32 v1, v7  }
0x108: {  	v3 =	vld [tilespmem:s22+$0x7A40];
	[tilespmem:s20+$0x2A50] =	vst v2;
	v0 =	vadd.f32 v0, v10  }
0x109: {  	v2 =	vld [tilespmem:s22+$0x7A50];
	[tilespmem:s20+$0x2A60] =	vst v1  }
0x10a: {  	v1 =	vld [tilespmem:s22+$0x7A60];
	[tilespmem:s20+$0x2A70] =	vst v0;
	s20 =	smov.u32 s22  }
0x10b: {  	v0 =	vld [tilespmem:s20+$0x7A70]  }
0x10c: {  	v6 =	vld [tilespmem:s20+$0x2A00]  }
0x10d: {  	v7 =	vld [tilespmem:s20+$0x2A10]  }
.Ltmp4:
0x10e: {  	v10 =	vld [tilespmem:s20+$0x2A20];
	(pc) =	sbr.rel @p0 .LBB2_10-.Ltmp4, $4  }
0x10f: {  	v9 =	vld [tilespmem:s20+$0x2A30]  }
0x110: {  	v8 =	vld [tilespmem:s20+$0x2A40]  }
0x111: {  	v12 =	vadd.f32 v12, v6;
	v6 =	vld [tilespmem:s20+$0x2A50]  }
0x112: {  	s21 =	sadd.s32 $0x200, s21;
	v11 =	vadd.f32 v11, v7;
	v7 =	vld [tilespmem:s20+$0x2A60]  }
0x113: {  	[tilespmem:s20+$0x2A00] =	vst v12;
	v5 =	vadd.f32 v5, v10;
	v10 =	vld [tilespmem:s20+$0x2A70]  }
0x114: {  	[tilespmem:s20+$0x2A10] =	vst v11;
	v4 =	vadd.f32 v4, v9  }
0x115: {  	[tilespmem:s20+$0x2A20] =	vst v5;
	v3 =	vadd.f32 v3, v8  }
0x116: {  	[tilespmem:s20+$0x2A30] =	vst v4;
	v2 =	vadd.f32 v2, v6  }
0x117: {  	[tilespmem:s20+$0x2A40] =	vst v3;
	v1 =	vadd.f32 v1, v7  }
0x118: {  	[tilespmem:s20+$0x2A50] =	vst v2;
	v0 =	vadd.f32 v0, v10  }
0x119: {  	[tilespmem:s20+$0x2A60] =	vst v1  }
0x11a: {  	s25 =	simm.s32 $0x0;
	s21 =	rddreg [dreg:$0xc];
	[tilespmem:s20+$0x2A70] =	vst v0  }
0x11b: {  	[hbm4b:s21+s25] =	stream.linear.scatter [tilespmem:s10], [sflag:$0x6], $0x2800, $0x38;
	[tilespmem:$0xA200] =	vst v63  }
0x11c: {  	_ =	swait.ge [sflag:s2], $0x2800  }
0x11d: {  	[sflag:s2] =	ssyncset.done $0x0  }
0x11e: {  	[sflag:s2] =	ssyncadd.s32 $0xFFFFD800  }
0x11f: {  	_ =	swait.ge [sflag:s2], $0x2800  }
0x120: {  	[sflag:s2] =	ssyncset.done $0x0  }
0x121: {  	[sflag:s2] =	ssyncadd.s32 $0xFFFFD800  }
0x122: {  	_ =	swait.ge [sflag:s16], $0x2800  }
0x123: {  	[sflag:s16] =	ssyncset.done $0x0  }
0x124: {  	[sflag:s16] =	ssyncadd.s32 $0xFFFFD800  }
0x125: {  	_ =	swait.ge [sflag:s9], $0x50  }
0x126: {  	[sflag:s9] =	ssyncset.done $0x0  }
0x127: {  	[sflag:s9] =	ssyncadd.s32 $0xFFFFFFB0  }
0x128: {  	_ =	swait.ge [sflag:s9], $0x50  }
0x129: {  	[sflag:s9] =	ssyncset.done $0x0  }
0x12a: {  	[sflag:s9] =	ssyncadd.s32 $0xFFFFFFB0  }
0x12b: {  	[tilespmem:s10], [sflag:$0x4] =	stream.indirect.gather [hbm4b:s1+s28], $0x80, s31, s28, $0xb8;
	[tilespmem:$0xA200] =	vst v63  }
0x12c: {  	s20 =	simm.s32 $0x0  }
0x12d: {  	[tilespmem:s11], [sflag:$0x4] =	stream.indirect.gather [hbm4b:s4+s28], $0x80, s0, s28, $0xb8;
	[tilespmem:$0xA200] =	vst v63  }
0x12e: {  	v7 =	vld [tilespmem:s20+$0x5200]  }
0x12f: {  	v11 =	vld [tilespmem:s20+$0x5210]  }
0x130: {  	v5 =	vld [tilespmem:s20+$0x5220]  }
0x131: {  	v4 =	vld [tilespmem:s20+$0x5230]  }
0x132: {  	v3 =	vld [tilespmem:s20+$0x5240]  }
0x133: {  	v2 =	vld [tilespmem:s20+$0x5250]  }
0x134: {  	v1 =	vld [tilespmem:s20+$0x5260]  }
0x135: {  	v0 =	vld [tilespmem:s20+$0x5270]  }
0x136: {  	v12 =	vld [tilespmem:s20+$0x200]  }
0x137: {  	v13 =	vld [tilespmem:s20+$0x210]  }
0x138: {  	v10 =	vld [tilespmem:s20+$0x220]  }
0x139: {  	v9 =	vld [tilespmem:s20+$0x230]  }
0x13a: {  	v8 =	vld [tilespmem:s20+$0x240]  }
0x13b: {  	v6 =	vld [tilespmem:s20+$0x250];
	v12 =	vadd.f32 v7, v12  }
0x13c: {  	s21 =	simm.s32 $0x200;
	v11 =	vadd.f32 v11, v13;
	v7 =	vld [tilespmem:s20+$0x260]  }
.LBB2_12:
0x13d: {  	s22 =	sshra.s32 s21, $0x2;
	p0 =	sne.s32 s21, $0x9E00;
	[tilespmem:s20+$0x200] =	vst v12;
	v5 =	vadd.f32 v5, v10;
	v10 =	vld [tilespmem:s20+$0x270]  }
0x13e: {  	v12 =	vld [tilespmem:s22+$0x5200];
	[tilespmem:s20+$0x210] =	vst v11;
	v4 =	vadd.f32 v4, v9  }
0x13f: {  	v11 =	vld [tilespmem:s22+$0x5210];
	[tilespmem:s20+$0x220] =	vst v5;
	v3 =	vadd.f32 v3, v8  }
0x140: {  	v5 =	vld [tilespmem:s22+$0x5220];
	[tilespmem:s20+$0x230] =	vst v4;
	v2 =	vadd.f32 v2, v6  }
0x141: {  	v4 =	vld [tilespmem:s22+$0x5230];
	[tilespmem:s20+$0x240] =	vst v3;
	v1 =	vadd.f32 v1, v7  }
0x142: {  	v3 =	vld [tilespmem:s22+$0x5240];
	[tilespmem:s20+$0x250] =	vst v2;
	v0 =	vadd.f32 v0, v10  }
0x143: {  	v2 =	vld [tilespmem:s22+$0x5250];
	[tilespmem:s20+$0x260] =	vst v1  }
0x144: {  	v1 =	vld [tilespmem:s22+$0x5260];
	[tilespmem:s20+$0x270] =	vst v0;
	s20 =	smov.u32 s22  }
0x145: {  	v0 =	vld [tilespmem:s20+$0x5270]  }
0x146: {  	v6 =	vld [tilespmem:s20+$0x200]  }
0x147: {  	v7 =	vld [tilespmem:s20+$0x210]  }
.Ltmp5:
0x148: {  	v10 =	vld [tilespmem:s20+$0x220];
	(pc) =	sbr.rel @p0 .LBB2_12-.Ltmp5, $4  }
0x149: {  	v9 =	vld [tilespmem:s20+$0x230]  }
0x14a: {  	v8 =	vld [tilespmem:s20+$0x240]  }
0x14b: {  	v12 =	vadd.f32 v12, v6;
	v6 =	vld [tilespmem:s20+$0x250]  }
0x14c: {  	s21 =	sadd.s32 $0x200, s21;
	v11 =	vadd.f32 v11, v7;
	v7 =	vld [tilespmem:s20+$0x260]  }
0x14d: {  	[tilespmem:s20+$0x200] =	vst v12;
	v5 =	vadd.f32 v5, v10;
	v10 =	vld [tilespmem:s20+$0x270]  }
0x14e: {  	[tilespmem:s20+$0x210] =	vst v11;
	v4 =	vadd.f32 v4, v9  }
0x14f: {  	[tilespmem:s20+$0x220] =	vst v5;
	v3 =	vadd.f32 v3, v8  }
0x150: {  	[tilespmem:s20+$0x230] =	vst v4;
	v2 =	vadd.f32 v2, v6  }
0x151: {  	[tilespmem:s20+$0x240] =	vst v3;
	v1 =	vadd.f32 v1, v7  }
0x152: {  	[tilespmem:s20+$0x250] =	vst v2;
	v0 =	vadd.f32 v0, v10  }
0x153: {  	[tilespmem:s20+$0x260] =	vst v1  }
0x154: {  	s25 =	simm.s32 $0x0;
	s21 =	rddreg [dreg:$0xd];
	[tilespmem:s20+$0x270] =	vst v0  }
0x155: {  	[hbm4b:s21+s25] =	stream.linear.scatter [tilespmem:s29], [sflag:$0x5], $0x2800, $0x38;
	[tilespmem:$0xA200] =	vst v63  }
0x156: {  	_ =	swait.ge [sflag:s13], $0x2800  }
0x157: {  	[sflag:s13] =	ssyncset.done $0x0  }
0x158: {  	[sflag:s13] =	ssyncadd.s32 $0xFFFFD800  }
0x159: {  	_ =	swait.ge [sflag:s13], $0x2800  }
0x15a: {  	[sflag:s13] =	ssyncset.done $0x0  }
0x15b: {  	[sflag:s13] =	ssyncadd.s32 $0xFFFFD800  }
0x15c: {  	_ =	swait.ge [sflag:s14], $0x2800  }
0x15d: {  	[sflag:s14] =	ssyncset.done $0x0  }
0x15e: {  	s20 =	simm.s32 $0x0;
	[sflag:s14] =	ssyncadd.s32 $0xFFFFD800  }
0x15f: {  	v7 =	vld [tilespmem:s20+$0x7A00]  }
0x160: {  	v11 =	vld [tilespmem:s20+$0x7A10]  }
0x161: {  	v5 =	vld [tilespmem:s20+$0x7A20]  }
0x162: {  	v4 =	vld [tilespmem:s20+$0x7A30]  }
0x163: {  	v3 =	vld [tilespmem:s20+$0x7A40]  }
0x164: {  	v2 =	vld [tilespmem:s20+$0x7A50]  }
0x165: {  	v1 =	vld [tilespmem:s20+$0x7A60]  }
0x166: {  	v0 =	vld [tilespmem:s20+$0x7A70]  }
0x167: {  	v12 =	vld [tilespmem:s20+$0x2A00]  }
0x168: {  	v13 =	vld [tilespmem:s20+$0x2A10]  }
0x169: {  	v10 =	vld [tilespmem:s20+$0x2A20]  }
0x16a: {  	v9 =	vld [tilespmem:s20+$0x2A30]  }
0x16b: {  	v8 =	vld [tilespmem:s20+$0x2A40]  }
0x16c: {  	v6 =	vld [tilespmem:s20+$0x2A50];
	v12 =	vadd.f32 v7, v12  }
0x16d: {  	s21 =	simm.s32 $0x200;
	v11 =	vadd.f32 v11, v13;
	v7 =	vld [tilespmem:s20+$0x2A60]  }
.LBB2_14:
0x16e: {  	s22 =	sshra.s32 s21, $0x2;
	p0 =	sne.s32 s21, $0x9E00;
	[tilespmem:s20+$0x2A00] =	vst v12;
	v5 =	vadd.f32 v5, v10;
	v10 =	vld [tilespmem:s20+$0x2A70]  }
0x16f: {  	v12 =	vld [tilespmem:s22+$0x7A00];
	[tilespmem:s20+$0x2A10] =	vst v11;
	v4 =	vadd.f32 v4, v9  }
0x170: {  	v11 =	vld [tilespmem:s22+$0x7A10];
	[tilespmem:s20+$0x2A20] =	vst v5;
	v3 =	vadd.f32 v3, v8  }
0x171: {  	v5 =	vld [tilespmem:s22+$0x7A20];
	[tilespmem:s20+$0x2A30] =	vst v4;
	v2 =	vadd.f32 v2, v6  }
0x172: {  	v4 =	vld [tilespmem:s22+$0x7A30];
	[tilespmem:s20+$0x2A40] =	vst v3;
	v1 =	vadd.f32 v1, v7  }
0x173: {  	v3 =	vld [tilespmem:s22+$0x7A40];
	[tilespmem:s20+$0x2A50] =	vst v2;
	v0 =	vadd.f32 v0, v10  }
0x174: {  	v2 =	vld [tilespmem:s22+$0x7A50];
	[tilespmem:s20+$0x2A60] =	vst v1  }
0x175: {  	v1 =	vld [tilespmem:s22+$0x7A60];
	[tilespmem:s20+$0x2A70] =	vst v0;
	s20 =	smov.u32 s22  }
0x176: {  	v0 =	vld [tilespmem:s20+$0x7A70]  }
0x177: {  	v6 =	vld [tilespmem:s20+$0x2A00]  }
0x178: {  	v7 =	vld [tilespmem:s20+$0x2A10]  }
.Ltmp6:
0x179: {  	v10 =	vld [tilespmem:s20+$0x2A20];
	(pc) =	sbr.rel @p0 .LBB2_14-.Ltmp6, $4  }
0x17a: {  	v9 =	vld [tilespmem:s20+$0x2A30]  }
0x17b: {  	v8 =	vld [tilespmem:s20+$0x2A40]  }
0x17c: {  	v12 =	vadd.f32 v12, v6;
	v6 =	vld [tilespmem:s20+$0x2A50]  }
0x17d: {  	s21 =	sadd.s32 $0x200, s21;
	v11 =	vadd.f32 v11, v7;
	v7 =	vld [tilespmem:s20+$0x2A60]  }
0x17e: {  	[tilespmem:s20+$0x2A00] =	vst v12;
	v5 =	vadd.f32 v5, v10;
	v63 =	vld [tilespmem:s20+$0x2A70]  }
0x17f: {  	[tilespmem:s20+$0x2A10] =	vst v11;
	v4 =	vadd.f32 v4, v9  }
0x180: {  	[tilespmem:s20+$0x2A20] =	vst v5;
	v3 =	vadd.f32 v3, v8  }
0x181: {  	[tilespmem:s20+$0x2A30] =	vst v4;
	v2 =	vadd.f32 v2, v6  }
0x182: {  	[tilespmem:s20+$0x2A40] =	vst v3;
	v1 =	vadd.f32 v1, v7  }
0x183: {  	[tilespmem:s20+$0x2A50] =	vst v2;
	v0 =	vadd.f32 v0, v63  }
0x184: {  	[tilespmem:s20+$0x2A60] =	vst v1  }
0x185: {  	s24 =	rddreg [dreg:$0xe];
	[tilespmem:s20+$0x2A70] =	vst v0  }
0x186: {  	[hbm4b:s24+s3] =	stream.linear.scatter [tilespmem:s10], [sflag:$0x6], $0x2800, $0x38;
	[tilespmem:$0xA200] =	vst v63  }
0x187: {  	_ =	swait.ge [sflag:s16], $0x2800  }
0x188: {  	s19 =	sadd.s32 $0x1, s19;
	s25 =	rddreg [dreg:$0xf]  }
0x189: {  	p0 =	sne.s32 s19, s25  }
.Ltmp7:
0x18a: {  	_ = 	snop;
	(pc) =	sbr.rel @p0 .LBB2_1-.Ltmp7, $3  }
0x18b: {  	_ =	sdelay $0x1  }
0x18c: {  	[sflag:s16] =	ssyncset.done $0x0  }
0x18d: {  	[sflag:s16] =	ssyncadd.s32 $0xFFFFD800  }
0x18e: {  	_ =	sfence.sel $0x180000  }
0x18f: {  	[bflag:$0x0] =	sbarrier.arrive $0xFFFF  }
0x190: {  	_ =	strace $0x9000004A  }
0x191: {  	s0 =	stileid.u32;
	[bflag:$0x2] =	sbarrier.arrive $0xFFFF  }
0x192: {  	p0 =	sne.s32 s0, $0x0;
	s0 =	rddreg [dreg:$0x2]  }
0x193: {  	s0 =	sadd.s32 @!p0 $0x100000, s0  }
0x194: {  	[sflag:s0] =	ssyncadd.tile.s32 @!p0 $0x1;
	_ =	shalt  }
.Lfunc_end2:
_tile_overlayer_lowered:
.L_overlay_start_2:
0x195: {  	(tag) =	ssettag $0x2  }
0x196: {  	s0 =	rddreg [dreg:$0x0];
	s2 =	stileid.u32  }
0x197: {  	s1 =	rddreg [dreg:$0x1];
	p0 =	sne.s32 s2, $0x0  }
0x198: {  	s3 =	rddreg [dreg:$0x2];
	[bflag:$0x3] =	sbarrier.arrive $0xFFFF;
	s2 =	simm.s32 @!p0 $0x1C07  }
0x199: {  	[timem:s3], [sflag:s2] =	dma.local @!p0 [hbm:s0], s1  }
0x19a: {  	s0 =	simm.s32 @!p0 $0x7  }
0x19b: {  	_ =	swait.ge @!p0 [sflag:s0], s1  }
0x19c: {  	s1 =	ssub.s32 @!p0 $0x0, s1;
	[sflag:s0] =	ssyncset.done @!p0 $0x0  }
0x19d: {  	[sflag:s0] =	ssyncadd.s32 @!p0 s1  }
0x19e: {  	[bflag:$0x3] =	sbarrier.arrive $0xFFFF  }
0x19f: {  	_ =	shalt  }

// kernel: kernel.13.cloned.1.call-start
scs
__scs_entry_jumppad:
0x0: {  	(pc) =	sbr.rel $0x88, $3  }
0x1: {  	(tag) =	ssettag $0x0;
	lr =	simm.s32 $0x1  }
0x2: {  	[smem:$0x3F95] =	sst lr;
	_ =	strace $0xD0000000  }
0x3: {  	_ = 	snop  }
0x4: {  	_ = 	snop  }
0x5: {  	_ = 	snop  }
0x6: {  	_ = 	snop  }
0x7: {  	_ = 	snop  }
__scs_overlays_trampoline_lowered:
0x8: {  	[smem:$0x3FA4] =	sst s0  }
0x9: {  	[smem:$0x3FA5] =	sst s1  }
0xa: {  	[smem:$0x3FA6] =	sst s2  }
0xb: {  	[smem:$0x3FA7] =	sst s3  }
0xc: {  	[smem:$0x3FA8] =	sst s4  }
0xd: {  	[smem:$0x3FA9] =	sst s5  }
0xe: {  	[smem:$0x3FAA] =	sst s6  }
0xf: {  	[smem:$0x3FAB] =	sst s7  }
0x10: {  	[smem:$0x3FAC] =	sst s8  }
0x11: {  	[smem:$0x3FAD] =	sst s9;
	s0 =	simm.s32 @!p0 $0x0  }
0x12: {  	s1 =	sld [smem:$0x3F93];
	s0 =	simm.s32 @p0 $0x1  }
0x13: {  	[smem:$0x3FAE] =	sst s0;
	s0 =	simm.s32 @!p1 $0x0  }
0x14: {  	s2 =	sld [smem:$0x3F92];
	s0 =	simm.s32 @p1 $0x1  }
0x15: {  	[smem:$0x3FAF] =	sst s0;
	s0 =	simm.s32 @!p2 $0x0  }
0x16: {  	s3 =	sld [smem:$0x3FDB];
	s0 =	simm.s32 @p2 $0x1  }
0x17: {  	s4 =	simm.s32 $0x1BF5;
	[smem:$0x3FB1] =	sst s0  }
0x18: {  	s0 =	sld [smem:$0x3F94];
	_ =	swait.ge [sflag:s4], $0x0  }
0x19: {  	s7 =	sld [smem:$0x3F95]  }
0x1a: {  	s8 =	sadd.s32 $0xFFFFE003, lr  }
0x1b: {  	s9 =	sadd.s32 $0xFFFFFEF7, lr;
	s5 =	simm.s32 $0xFFFFFFFF;
	p2 =	slt.u32 s8, $0xFFFFF086  }
0x1c: {  	p1 =	slt.u32 s9, $0xF7A;
	s5 =	simm.s32 @!p2 $0x0  }
0x1d: {  	s5 =	simm.s32 @p1 $0x1;
	p0 =	seq.s32 s7, s2  }
0x1e: {  	s7 =	smul.u32 @!p0 $0xF7A, s2;
	p2 =	seq.s32 @!p0 s5, $0x0  }
0x1f: {  	s9 =	smul.u32 $0xF7A, s1;
	s8 =	simm.s32 @!p0 $0x1BF5;
	p2 =	por !p2, p0  }
0x20: {  	[sflag:s8] =	ssyncset.s32 @!p0 $0xFFFFF086;
	s6 =	sadd.s32 @!p0 s3, s7;
	s7 =	simm.s32 @!p0 $0x108  }
0x21: {  	s3 =	sadd.s32 s3, s9;
	s6 =	sadd.s32 @!p0 $0x88, s6;
	s7 =	simm.s32 @p2 $0x1082  }
0x22: {  	[simem:s7], [sflag:s8] =	dma.local @!p0 [hbm:s6], $0xF7A  }
0x23: {  	s9 =	sor.u32 $0xD0000000, s2;
	s6 =	simm.s32 $0x108;
	_ =	swait.ge @!p0 [sflag:s8], $0x0  }
0x24: {  	s3 =	sadd.s32 $0x88, s3;
	s6 =	simm.s32 @!p1 $0x1082;
	[sflag:s4] =	ssyncset.s32 $0xFFFFF086  }
0x25: {  	[simem:s6], [sflag:s4] =	dma.local [hbm:s3], $0xF7A  }
0x26: {  	[smem:$0x3F95] =	sst s1;
	(tag) =	ssettag s2;
	_ =	strace s9  }
0x27: {  	s1 =	sld [smem:$0x3FA5]  }
0x28: {  	s2 =	sld [smem:$0x3FA6]  }
0x29: {  	s4 =	sld [smem:$0x3FA8]  }
0x2a: {  	p0 =	seq.s32 s5, $0x0;
	s5 =	sld [smem:$0x3FA9]  }
0x2b: {  	s6 =	sld [smem:$0x3FAA]  }
0x2c: {  	s7 =	sld [smem:$0x3FAB]  }
0x2d: {  	s3 =	simm.s32 $0x108;
	s8 =	sld [smem:$0x3FAC]  }
0x2e: {  	s3 =	simm.s32 @!p0 $0x1082;
	s9 =	sld [smem:$0x3FAD]  }
0x2f: {  	lr =	sadd.s32 s0, s3;
	s0 =	sld [smem:$0x3FA4]  }
0x30: {  	s3 =	sld [smem:$0x3FA7]  }
0x31: {  	[smem:$0x3FB0] =	sst s10  }
0x32: {  	s10 =	sld [smem:$0x3FAE];
	_ =	sdelay $0x3  }
0x33: {  	p0 =	seq.s32 s10, $0x1;
	s10 =	sld [smem:$0x3FB0];
	_ =	sdelay $0x3  }
0x34: {  	[smem:$0x3FB0] =	sst s10  }
0x35: {  	s10 =	sld [smem:$0x3FAF];
	_ =	sdelay $0x3  }
0x36: {  	p1 =	seq.s32 s10, $0x1;
	s10 =	sld [smem:$0x3FB0];
	_ =	sdelay $0x3  }
0x37: {  	[smem:$0x3FB0] =	sst s10  }
0x38: {  	s10 =	sld [smem:$0x3FB1]  }
0x39: {  	_ = 	snop;
	(pc) =	sbr.ind lr, $3  }
0x3a: {  	_ = 	snop  }
0x3b: {  	_ = 	snop  }
0x3c: {  	p2 =	seq.s32 s10, $0x1;
	s10 =	sld [smem:$0x3FB0]  }
0x3d: {  	_ =	shalt  }
0x3e: {  	_ =	shalt  }
0x3f: {  	_ =	shalt  }
0x40: {  	_ =	shalt  }
0x41: {  	_ =	shalt  }
0x42: {  	_ =	shalt  }
0x43: {  	_ =	shalt  }
0x44: {  	_ =	shalt  }
0x45: {  	_ =	shalt  }
0x46: {  	_ =	shalt  }
0x47: {  	_ =	shalt  }
0x48: {  	_ =	shalt  }
0x49: {  	_ =	shalt  }
0x4a: {  	_ =	shalt  }
0x4b: {  	_ =	shalt  }
0x4c: {  	_ =	shalt  }
0x4d: {  	_ =	shalt  }
0x4e: {  	_ =	shalt  }
0x4f: {  	_ =	shalt  }
0x50: {  	_ =	shalt  }
0x51: {  	_ =	shalt  }
0x52: {  	_ =	shalt  }
0x53: {  	_ =	shalt  }
0x54: {  	_ =	shalt  }
0x55: {  	_ =	shalt  }
0x56: {  	_ =	shalt  }
0x57: {  	_ =	shalt  }
0x58: {  	_ =	shalt  }
0x59: {  	_ =	shalt  }
0x5a: {  	_ =	shalt  }
0x5b: {  	_ =	shalt  }
0x5c: {  	_ =	shalt  }
0x5d: {  	_ =	shalt  }
0x5e: {  	_ =	shalt  }
0x5f: {  	_ =	shalt  }
0x60: {  	_ =	shalt  }
0x61: {  	_ =	shalt  }
0x62: {  	_ =	shalt  }
0x63: {  	_ =	shalt  }
0x64: {  	_ =	shalt  }
0x65: {  	_ =	shalt  }
0x66: {  	_ =	shalt  }
0x67: {  	_ =	shalt  }
0x68: {  	_ =	shalt  }
0x69: {  	_ =	shalt  }
0x6a: {  	_ =	shalt  }
0x6b: {  	_ =	shalt  }
0x6c: {  	_ =	shalt  }
0x6d: {  	_ =	shalt  }
0x6e: {  	_ =	shalt  }
0x6f: {  	_ =	shalt  }
0x70: {  	_ =	shalt  }
0x71: {  	_ =	shalt  }
0x72: {  	_ =	shalt  }
0x73: {  	_ =	shalt  }
0x74: {  	_ =	shalt  }
0x75: {  	_ =	shalt  }
0x76: {  	_ =	shalt  }
0x77: {  	_ =	shalt  }
0x78: {  	_ =	shalt  }
0x79: {  	_ =	shalt  }
0x7a: {  	_ =	shalt  }
0x7b: {  	_ =	shalt  }
0x7c: {  	_ =	shalt  }
0x7d: {  	_ =	shalt  }
0x7e: {  	_ =	shalt  }
0x7f: {  	_ =	shalt  }
0x80: {  	_ =	shalt  }
0x81: {  	_ =	shalt  }
0x82: {  	_ =	shalt  }
0x83: {  	_ =	shalt  }
0x84: {  	_ =	shalt  }
0x85: {  	_ =	shalt  }
0x86: {  	_ =	shalt  }
0x87: {  	_ =	shalt  }
.Lfunc_end0:
.L_simem_size_0:
called_computation.1_lowered:
.L_overlay_start_0:
0x88: {  	s2 =	sld [smem:$0x3FD9]  }
0x89: {  	s3 =	sld [smem:$0x3FFE];
	_ =	sdelay $0x1  }
0x8a: {  	s1 =	srdreg.scid  }
0x8b: {  	s0 =	sand.u32 $0x1, s1  }
0x8c: {  	s17 =	sshll.u32 s0, $0xA;
	s2 =	sadd.s32 s3, s2  }
0x8d: {  	s2 =	sadd.s32 s2, s17  }
0x8e: {  	[smem:$0x3FBC] =	sst s2  }
0x8f: {  	_ = 	snop  }
0x90: {  	s2 =	sld [smem:$0x3FD0];
	(tm) =	ssettm $0x1  }
0x91: {  	s18 =	sld [smem:$0x3FFB];
	_ =	sdelay $0x3  }
0x92: {  	_ =	strace s18  }
0x93: {  	s3 =	sld [smem:$0x3FFC];
	_ =	sdelay $0x3  }
0x94: {  	_ =	strace s3  }
0x95: {  	s3 =	sld [smem:$0x3FFD];
	_ =	sdelay $0x3  }
0x96: {  	_ =	strace s3  }
0x97: {  	_ =	strace $0x8FFFFFFF  }
0x98: {  	s19 =	sld [smem:$0x3FDB];
	_ =	sdelay $0x1  }
0x99: {  	s4 =	simm.s32 $_scs_section_size  }
0x9a: {  	s5 =	simm.s32 $_size__tile_overlayer_lowered;
	s6 =	simm.s32 $_tile_overlayer_lowered  }
0x9b: {  	s22 =	simm.s32 $0x1BFF;
	s21 =	sshll.u32 s6, $0x1;
	s3 =	sadd.s32 s4, s19  }
0x9c: {  	s7 =	simm.s32 $0x0;
	s20 =	sshll.u32 s5, $0x1;
	s5 =	sadd.s32 s21, s3  }
0x9d: {  	[timem:s7], [sflag:s22] =	dma.local [hbm:s5], s20  }
0x9e: {  	_ =	swait.ge [sflag:s22], s20  }
0x9f: {  	s4 =	ssub.s32 $0x0, s20;
	[sflag:s22] =	ssyncset.done $0x0  }
0xa0: {  	[sflag:s22] =	ssyncadd.s32 s4;
	_ =	sdelay $0x1  }
0xa1: {  	s23 =	simm.s32 $0x1B8B  }
0xa2: {  	_ =	swait.ge [sflag:s23], $0x1  }
0xa3: {  	[sflag:s23] =	ssyncset.done $0x0  }
0xa4: {  	s25 =	simm.s32 $0x1B8E;
	s24 =	sld [smem:$0x3FFE];
	[sflag:s23] =	ssyncadd.s32 $0xFFFFFFFF  }
0xa5: {  	s26 =	simm.s32 $execute0_lowered;
	[smem:$0x3FD2] =	sst s25  }
0xa6: {  	s5 =	sshll.u32 s26, $0x1;
	_ =	strace $0x80000046;
	[dreg:$0x1] =	wrdreg $0xFFFFFFFF  }
0xa7: {  	s28 =	simm.s32 $_size_execute0_lowered;
	s3 =	sadd.s32 s3, s5;
	[dreg:$0x0] =	wrdreg $0x0  }
0xa8: {  	s5 =	sshll.u32 s28, $0x1;
	[dreg:$0x2] =	wrdreg s3  }
0xa9: {  	[dreg:$0x3] =	wrdreg s5  }
0xaa: {  	[dreg:$0x4] =	wrdreg $0xC0  }
0xab: {  	_ =	task [dreg:s7], $0x5FFFF  }
0xac: {  	[dreg:$0x1] =	wrdreg $0xFFFFFFFF  }
0xad: {  	[dreg:$0x0] =	wrdreg $0x60  }
0xae: {  	[dreg:$0x2] =	wrdreg s2  }
0xaf: {  	[dreg:$0x3] =	wrdreg s24  }
0xb0: {  	[dreg:$0x4] =	wrdreg $0xA  }
0xb1: {  	_ =	task.clear_ibuf [dreg:s7], $0x5FFFF;
	_ =	strace $0x90000046  }
0xb2: {  	s29 =	simm.s32 $0xA;
	_ =	strace $0x80000048  }
0xb3: {  	_ =	swait.ge [sflag:s29], $0x1  }
0xb4: {  	[sflag:s29] =	ssyncadd.s32 $0xFFFFFFFF  }
0xb5: {  	_ =	strace $0x90000048  }
0xb6: {  	_ =	sfence  }
0xb7: {  	s30 =	sld [smem:$0x0];
	_ =	sdelay $0x2  }
0xb8: {  	s31 =	sshll.u32 s1, $0xD;
	s1 =	sshrl.u32 s1, $0x2  }
0xb9: {  	s3 =	sand.u32 $0x4000, s31;
	s1 =	sadd.s32 s1, s30  }
0xba: {  	s0 =	sor.u32 s3, s0;
	s1 =	sshll.u32 s1, $0x11  }
0xbb: {  	s0 =	sor.u32 s1, s0  }
0xbc: {  	s0 =	sadd.s32 $0x8F2B, s0  }
0xbd: {  	[sflag:s0] =	ssyncadd.remote.s32 $0x1  }
0xbe: {  	_ =	sfence.sel $0xFFFF  }
0xbf: {  	[dreg:$0x0] =	wrdreg $0xFFFFFFFF;
	(pc) =	sbr.abs _section_cstart, $3  }
0xc0: {  	[dreg:$0x1] =	wrdreg $0xFFFFFFFF  }
0xc1: {  	_ =	task.clear_ibuf [dreg:s7], $0x2FFFF;
	_ =	strace $0x9FFFFFFF  }
0xc2: {  	(tm) =	ssettm $0x7FFFFFFF  }
0xc3: {  	_ =	shalt  }
tec
execute0_lowered:
.L_overlay_start_1:
0x0: {  	(tag) =	ssettag $0x1  }
0x1: {  	s2 =	rddreg [dreg:$0x0]  }
0x2: {  	s0 =	rddreg [dreg:$0x1]  }
0x3: {  	s1 =	srdreg.scid;
	s4 =	stileid.u32;
	s3 =	simm.s32 $0x0  }
0x4: {  	s28 =	simm.s32 $0x78;
	s29 =	simm.s32 $0x200;
	s30 =	simm.s32 $0x7A00  }
0x5: {  	s31 =	simm.s32 $0x80;
	s1 =	sand.u32 $0x1, s1;
	s4 =	sshll.u32 s4, $0x1  }
0x6: {  	[smem:$0x7FF] =	sst s3;
	s5 =	sadd.s32 $0x3000, s0;
	s8 =	sor.u32 s1, s4  }
0x7: {  	s6 =	sadd.s32 $0xCE00, s0;
	s7 =	sadd.s32 $0x3DE00, s0;
	s9 =	smul.u32 $0x1770, s8  }
0x8: {  	_ =	strace $0x80000047;
	s1 =	ssub.s32 $0x2, s1;
	s18 =	smul.u32 $0x17700, s8  }
0x9: {  	s4 =	sadd.s32 $0x16C00, s0;
	s10 =	sshrl.u32 s1, $0x1;
	s22 =	smul.u32 $0xBB800, s8  }
0xa: {  	s13 =	ssub.s32 s1, s10;
	s10 =	simm.s32 $0xB600;
	s11 =	sshrl.u32 s9, $0x3  }
0xb: {  	s16 =	sadd.s32 $0x1F478, s9;
	s21 =	sadd.s32 s7, s18;
	s23 =	sadd.s32 $0x20AF8, s9  }
0xc: {  	s18 =	sadd.s32 $0xF0, s9;
	s0 =	smax.u32 s13, $0x1;
	s13 =	simm.s32 $0x1  }
0xd: {  	s14 =	sadd.s32 $0x3E80, s11;
	s17 =	sadd.s32 $0x3E9E, s11;
	[dreg:$0x9] =	wrdreg s21  }
0xe: {  	s8 =	sshrl.u32 s23, $0x3;
	[dreg:$0xf] =	wrdreg s0;
	s0 =	simm.s32 $0x180  }
0xf: {  	s11 =	simm.s32 $0x4;
	s15 =	sadd.s32 s5, s14;
	s1 =	sadd.s32 s6, s14  }
0x10: {  	s19 =	sadd.s32 s5, s17;
	s20 =	sadd.s32 s6, s17;
	[dreg:$0x3] =	wrdreg s15  }
0x11: {  	s17 =	sadd.s32 $0x1F5E0, s9;
	s24 =	sadd.s32 s5, s8;
	[dreg:$0x4] =	wrdreg s1  }
0x12: {  	s8 =	sadd.s32 s6, s8;
	s14 =	simm.s32 $0x6;
	[dreg:$0x7] =	wrdreg s19  }
0x13: {  	s1 =	sshrl.u32 s16, $0x3;
	[dreg:$0x8] =	wrdreg s20;
	s15 =	sadd.s32 $0x1F568, s9  }
0x14: {  	[dreg:$0xa] =	wrdreg s24;
	s12 =	sadd.s32 s5, s1;
	s1 =	sadd.s32 s6, s1  }
0x15: {  	s16 =	sadd.s32 $0x78, s9;
	[dreg:$0x6] =	wrdreg s1;
	s1 =	sshrl.u32 s22, $0x3  }
0x16: {  	[dreg:$0xb] =	wrdreg s8;
	s8 =	simm.s32 $0x2;
	s1 =	sadd.s32 s7, s1  }
0x17: {  	s9 =	simm.s32 $0x3E00;
	[dreg:$0x5] =	wrdreg s12;
	s25 =	sadd.s32 $0x16080, s1  }
0x18: {  	s19 =	simm.s32 $0x0;
	s26 =	sadd.s32 $0x16800, s1;
	[dreg:$0xc] =	wrdreg s25  }
0x19: {  	s12 =	simm.s32 $0x5;
	s1 =	sadd.s32 $0x16F80, s1;
	[dreg:$0xd] =	wrdreg s26  }
0x1a: {  	[dreg:$0xe] =	wrdreg s1;
	s26 =	simm.s32 $0x100;
	s1 =	simm.s32 $0x3  }
.LBB2_1:
0x1b: {  	s20 =	rddreg [dreg:$0x3];
	s21 =	simm.s32 $0x7  }
0x1c: {  	[tilespmem:s3], [sflag:$0x7] =	stream.linear.gather [hbm4b:s20+s3], $0x78, $0x38;
	[tilespmem:$0xF200] =	vst v63  }
0x1d: {  	_ =	swait.ge [sflag:s21], $0x78  }
0x1e: {  	[sflag:s21] =	ssyncset.done $0x0  }
0x1f: {  	s25 =	rddreg [dreg:$0x4];
	[sflag:s21] =	ssyncadd.s32 $0xFFFFFF88  }
0x20: {  	[tilespmem:s26], [sflag:$0x7] =	stream.linear.gather [hbm4b:s25+s3], $0x78, $0x38;
	[tilespmem:$0xF200] =	vst v63  }
0x21: {  	_ =	swait.ge [sflag:s21], $0x78  }
0x22: {  	[sflag:s21] =	ssyncset.done $0x0  }
0x23: {  	[sflag:s21] =	ssyncadd.s32 $0xFFFFFF88  }
0x24: {  	[tilespmem:s29], [sflag:$0x3] =	stream.indirect.gather [hbm4b:s2+s28], $0x80, s3, s28, $0xb8;
	[tilespmem:$0xF200] =	vst v63  }
0x25: {  	_ = 	snop  }
0x26: {  	[tilespmem:s30], [sflag:$0x3] =	stream.indirect.gather [hbm4b:s4+s28], $0x80, s26, s28, $0xb8;
	[tilespmem:$0xF200] =	vst v63  }
0x27: {  	s22 =	rddreg [dreg:$0x5]  }
0x28: {  	[tilespmem:s31], [sflag:$0x2] =	stream.linear.gather [hbm4b:s22+s3], $0x78, $0x38;
	[tilespmem:$0xF200] =	vst v63  }
0x29: {  	s23 =	rddreg [dreg:$0x6]  }
0x2a: {  	[tilespmem:s0], [sflag:$0x2] =	stream.linear.gather [hbm4b:s23+s3], $0x78, $0x38;
	[tilespmem:$0xF200] =	vst v63  }
0x2b: {  	_ =	swait.ge [sflag:s1], $0x3C00  }
0x2c: {  	[sflag:s1] =	ssyncset.done $0x0  }
0x2d: {  	[sflag:s1] =	ssyncadd.s32 $0xFFFFC400  }
0x2e: {  	_ =	swait.ge [sflag:s1], $0x3C00  }
0x2f: {  	[sflag:s1] =	ssyncset.done $0x0  }
0x30: {  	s24 =	rddreg [dreg:$0x7];
	[sflag:s1] =	ssyncadd.s32 $0xFFFFC400  }
0x31: {  	[tilespmem:s3], [sflag:$0x1] =	stream.linear.gather [hbm4b:s24+s3], $0x78, $0x38;
	[tilespmem:$0xF200] =	vst v63  }
0x32: {  	s25 =	rddreg [dreg:$0x8]  }
0x33: {  	[tilespmem:s26], [sflag:$0x1] =	stream.linear.gather [hbm4b:s25+s3], $0x78, $0x38;
	[tilespmem:$0xF200] =	vst v63  }
0x34: {  	_ =	swait.ge [sflag:s8], $0x78  }
0x35: {  	[sflag:s8] =	ssyncset.done $0x0  }
0x36: {  	[sflag:s8] =	ssyncadd.s32 $0xFFFFFF88  }
0x37: {  	_ =	swait.ge [sflag:s8], $0x78  }
0x38: {  	[sflag:s8] =	ssyncset.done $0x0  }
0x39: {  	[sflag:s8] =	ssyncadd.s32 $0xFFFFFF88  }
0x3a: {  	[tilespmem:s9], [sflag:$0x4] =	stream.indirect.gather [hbm4b:s2+s28], $0x80, s31, s28, $0xb8;
	[tilespmem:$0xF200] =	vst v63  }
0x3b: {  	s20 =	simm.s32 $0x0  }
0x3c: {  	[tilespmem:s10], [sflag:$0x4] =	stream.indirect.gather [hbm4b:s4+s28], $0x80, s0, s28, $0xb8;
	[tilespmem:$0xF200] =	vst v63  }
0x3d: {  	v7 =	vld [tilespmem:s20+$0x7A00]  }
0x3e: {  	v11 =	vld [tilespmem:s20+$0x7A10]  }
0x3f: {  	v5 =	vld [tilespmem:s20+$0x7A20]  }
0x40: {  	v4 =	vld [tilespmem:s20+$0x7A30]  }
0x41: {  	v3 =	vld [tilespmem:s20+$0x7A40]  }
0x42: {  	v2 =	vld [tilespmem:s20+$0x7A50]  }
0x43: {  	v1 =	vld [tilespmem:s20+$0x7A60]  }
0x44: {  	v0 =	vld [tilespmem:s20+$0x7A70]  }
0x45: {  	v12 =	vld [tilespmem:s20+$0x200]  }
0x46: {  	v13 =	vld [tilespmem:s20+$0x210]  }
0x47: {  	v10 =	vld [tilespmem:s20+$0x220]  }
0x48: {  	v9 =	vld [tilespmem:s20+$0x230]  }
0x49: {  	v8 =	vld [tilespmem:s20+$0x240]  }
0x4a: {  	v6 =	vld [tilespmem:s20+$0x250];
	v12 =	vadd.f32 v7, v12  }
0x4b: {  	s21 =	simm.s32 $0x200;
	v11 =	vadd.f32 v11, v13;
	v7 =	vld [tilespmem:s20+$0x260]  }
.LBB2_2:
0x4c: {  	s22 =	sshra.s32 s21, $0x2;
	p0 =	sne.s32 s21, $0xEE00;
	[tilespmem:s20+$0x200] =	vst v12;
	v5 =	vadd.f32 v5, v10;
	v10 =	vld [tilespmem:s20+$0x270]  }
0x4d: {  	v12 =	vld [tilespmem:s22+$0x7A00];
	[tilespmem:s20+$0x210] =	vst v11;
	v4 =	vadd.f32 v4, v9  }
0x4e: {  	v11 =	vld [tilespmem:s22+$0x7A10];
	[tilespmem:s20+$0x220] =	vst v5;
	v3 =	vadd.f32 v3, v8  }
0x4f: {  	v5 =	vld [tilespmem:s22+$0x7A20];
	[tilespmem:s20+$0x230] =	vst v4;
	v2 =	vadd.f32 v2, v6  }
0x50: {  	v4 =	vld [tilespmem:s22+$0x7A30];
	[tilespmem:s20+$0x240] =	vst v3;
	v1 =	vadd.f32 v1, v7  }
0x51: {  	v3 =	vld [tilespmem:s22+$0x7A40];
	[tilespmem:s20+$0x250] =	vst v2;
	v0 =	vadd.f32 v0, v10  }
0x52: {  	v2 =	vld [tilespmem:s22+$0x7A50];
	[tilespmem:s20+$0x260] =	vst v1  }
0x53: {  	v1 =	vld [tilespmem:s22+$0x7A60];
	[tilespmem:s20+$0x270] =	vst v0;
	s20 =	smov.u32 s22  }
0x54: {  	v0 =	vld [tilespmem:s20+$0x7A70]  }
0x55: {  	v6 =	vld [tilespmem:s20+$0x200]  }
0x56: {  	v7 =	vld [tilespmem:s20+$0x210]  }
.Ltmp0:
0x57: {  	v10 =	vld [tilespmem:s20+$0x220];
	(pc) =	sbr.rel @p0 .LBB2_2-.Ltmp0, $4  }
0x58: {  	v9 =	vld [tilespmem:s20+$0x230]  }
0x59: {  	v8 =	vld [tilespmem:s20+$0x240]  }
0x5a: {  	v12 =	vadd.f32 v12, v6;
	v6 =	vld [tilespmem:s20+$0x250]  }
0x5b: {  	s21 =	sadd.s32 $0x200, s21;
	v11 =	vadd.f32 v11, v7;
	v7 =	vld [tilespmem:s20+$0x260]  }
0x5c: {  	[tilespmem:s20+$0x200] =	vst v12;
	v5 =	vadd.f32 v5, v10;
	v63 =	vld [tilespmem:s20+$0x270]  }
0x5d: {  	[tilespmem:s20+$0x210] =	vst v11;
	v4 =	vadd.f32 v4, v9  }
0x5e: {  	[tilespmem:s20+$0x220] =	vst v5;
	v3 =	vadd.f32 v3, v8  }
0x5f: {  	[tilespmem:s20+$0x230] =	vst v4;
	v2 =	vadd.f32 v2, v6  }
0x60: {  	[tilespmem:s20+$0x240] =	vst v3;
	v1 =	vadd.f32 v1, v7  }
0x61: {  	[tilespmem:s20+$0x250] =	vst v2;
	v0 =	vadd.f32 v0, v63  }
0x62: {  	[tilespmem:s20+$0x260] =	vst v1  }
0x63: {  	s21 =	rddreg [dreg:$0x9];
	[tilespmem:s20+$0x270] =	vst v0;
	s20 =	simm.s32 $0x0  }
0x64: {  	[hbm4b:s21+s20] =	stream.linear.scatter [tilespmem:s29], [sflag:$0x5], $0x3C00, $0x38;
	[tilespmem:$0xF200] =	vst v63  }
0x65: {  	s21 =	simm.s32 $0x0  }
.LBB2_4:
0x66: {  	_ =	swait.ge [sflag:s11], $0x3C00  }
0x67: {  	s22 =	smul.u32 $0xF0, s21;
	[sflag:s11] =	ssyncset.done $0x0  }
0x68: {  	[sflag:s11] =	ssyncadd.s32 $0xFFFFC400  }
0x69: {  	s23 =	sadd.s32 s22, s15;
	_ =	swait.ge [sflag:s11], $0x3C00  }
0x6a: {  	s23 =	sshrl.u32 s23, $0x3;
	[sflag:s11] =	ssyncset.done $0x0  }
0x6b: {  	s24 =	sadd.s32 s5, s23;
	[sflag:s11] =	ssyncadd.s32 $0xFFFFC400  }
0x6c: {  	[tilespmem:s31], [sflag:$0x2] =	stream.linear.gather [hbm4b:s24+s20], $0x78, $0x38;
	[tilespmem:$0xF200] =	vst v63  }
0x6d: {  	s23 =	sadd.s32 s6, s23  }
0x6e: {  	[tilespmem:s0], [sflag:$0x2] =	stream.linear.gather [hbm4b:s23+s20], $0x78, $0x38;
	[tilespmem:$0xF200] =	vst v63  }
0x6f: {  	_ =	swait.ge [sflag:s12], $0x3C00  }
0x70: {  	[sflag:s12] =	ssyncset.done $0x0  }
0x71: {  	[sflag:s12] =	ssyncadd.s32 $0xFFFFC400  }
0x72: {  	_ =	swait.ge [sflag:s13], $0x78  }
0x73: {  	[sflag:s13] =	ssyncset.done $0x0  }
0x74: {  	[sflag:s13] =	ssyncadd.s32 $0xFFFFFF88  }
0x75: {  	_ =	swait.ge [sflag:s13], $0x78  }
0x76: {  	[sflag:s13] =	ssyncset.done $0x0  }
0x77: {  	[sflag:s13] =	ssyncadd.s32 $0xFFFFFF88  }
0x78: {  	[tilespmem:s29], [sflag:$0x3] =	stream.indirect.gather [hbm4b:s2+s28], $0x80, s20, s28, $0xb8;
	[tilespmem:$0xF200] =	vst v63  }
0x79: {  	s23 =	simm.s32 $0x0  }
0x7a: {  	[tilespmem:s30], [sflag:$0x3] =	stream.indirect.gather [hbm4b:s4+s28], $0x80, s26, s28, $0xb8;
	[tilespmem:$0xF200] =	vst v63  }
0x7b: {  	v7 =	vld [tilespmem:s23+$0xB600]  }
0x7c: {  	v11 =	vld [tilespmem:s23+$0xB610]  }
0x7d: {  	v5 =	vld [tilespmem:s23+$0xB620]  }
0x7e: {  	v4 =	vld [tilespmem:s23+$0xB630]  }
0x7f: {  	v3 =	vld [tilespmem:s23+$0xB640]  }
0x80: {  	v2 =	vld [tilespmem:s23+$0xB650]  }
0x81: {  	v1 =	vld [tilespmem:s23+$0xB660]  }
0x82: {  	v0 =	vld [tilespmem:s23+$0xB670]  }
0x83: {  	v12 =	vld [tilespmem:s23+$0x3E00]  }
0x84: {  	v13 =	vld [tilespmem:s23+$0x3E10]  }
0x85: {  	v10 =	vld [tilespmem:s23+$0x3E20]  }
0x86: {  	v9 =	vld [tilespmem:s23+$0x3E30]  }
0x87: {  	v8 =	vld [tilespmem:s23+$0x3E40]  }
0x88: {  	v6 =	vld [tilespmem:s23+$0x3E50];
	v12 =	vadd.f32 v7, v12  }
0x89: {  	s24 =	simm.s32 $0x200;
	v11 =	vadd.f32 v11, v13;
	v7 =	vld [tilespmem:s23+$0x3E60]  }
.LBB2_5:
0x8a: {  	s25 =	sshra.s32 s24, $0x2;
	p0 =	sne.s32 s24, $0xEE00;
	[tilespmem:s23+$0x3E00] =	vst v12;
	v5 =	vadd.f32 v5, v10;
	v10 =	vld [tilespmem:s23+$0x3E70]  }
0x8b: {  	v12 =	vld [tilespmem:s25+$0xB600];
	[tilespmem:s23+$0x3E10] =	vst v11;
	v4 =	vadd.f32 v4, v9  }
0x8c: {  	v11 =	vld [tilespmem:s25+$0xB610];
	[tilespmem:s23+$0x3E20] =	vst v5;
	v3 =	vadd.f32 v3, v8  }
0x8d: {  	v5 =	vld [tilespmem:s25+$0xB620];
	[tilespmem:s23+$0x3E30] =	vst v4;
	v2 =	vadd.f32 v2, v6  }
0x8e: {  	v4 =	vld [tilespmem:s25+$0xB630];
	[tilespmem:s23+$0x3E40] =	vst v3;
	v1 =	vadd.f32 v1, v7  }
0x8f: {  	v3 =	vld [tilespmem:s25+$0xB640];
	[tilespmem:s23+$0x3E50] =	vst v2;
	v0 =	vadd.f32 v0, v10  }
0x90: {  	v2 =	vld [tilespmem:s25+$0xB650];
	[tilespmem:s23+$0x3E60] =	vst v1  }
0x91: {  	v1 =	vld [tilespmem:s25+$0xB660];
	[tilespmem:s23+$0x3E70] =	vst v0;
	s23 =	smov.u32 s25  }
0x92: {  	v0 =	vld [tilespmem:s23+$0xB670]  }
0x93: {  	v6 =	vld [tilespmem:s23+$0x3E00]  }
0x94: {  	v7 =	vld [tilespmem:s23+$0x3E10]  }
.Ltmp1:
0x95: {  	v10 =	vld [tilespmem:s23+$0x3E20];
	(pc) =	sbr.rel @p0 .LBB2_5-.Ltmp1, $4  }
0x96: {  	v9 =	vld [tilespmem:s23+$0x3E30]  }
0x97: {  	v8 =	vld [tilespmem:s23+$0x3E40]  }
0x98: {  	v12 =	vadd.f32 v12, v6;
	v6 =	vld [tilespmem:s23+$0x3E50]  }
0x99: {  	s24 =	sadd.s32 $0x200, s24;
	v11 =	vadd.f32 v11, v7;
	v7 =	vld [tilespmem:s23+$0x3E60]  }
0x9a: {  	[tilespmem:s23+$0x3E00] =	vst v12;
	v5 =	vadd.f32 v5, v10;
	v10 =	vld [tilespmem:s23+$0x3E70]  }
0x9b: {  	[tilespmem:s23+$0x3E10] =	vst v11;
	v4 =	vadd.f32 v4, v9  }
0x9c: {  	[tilespmem:s23+$0x3E20] =	vst v5;
	v3 =	vadd.f32 v3, v8  }
0x9d: {  	[tilespmem:s23+$0x3E30] =	vst v4;
	v2 =	vadd.f32 v2, v6  }
0x9e: {  	[tilespmem:s23+$0x3E40] =	vst v3;
	v1 =	vadd.f32 v1, v7  }
0x9f: {  	s24 =	sadd.s32 s22, s16;
	[tilespmem:s23+$0x3E50] =	vst v2;
	v0 =	vadd.f32 v0, v10  }
0xa0: {  	s24 =	sshll.u32 s24, $0x4;
	[tilespmem:s23+$0x3E60] =	vst v1  }
0xa1: {  	s25 =	sadd.s32 s7, s24;
	s24 =	simm.s32 $0x0;
	[tilespmem:s23+$0x3E70] =	vst v0  }
0xa2: {  	[hbm4b:s25+s24] =	stream.linear.scatter [tilespmem:s9], [sflag:$0x6], $0x3C00, $0x38;
	[tilespmem:$0xF200] =	vst v63  }
0xa3: {  	_ =	swait.ge [sflag:s1], $0x3C00  }
0xa4: {  	[sflag:s1] =	ssyncset.done $0x0  }
0xa5: {  	[sflag:s1] =	ssyncadd.s32 $0xFFFFC400  }
0xa6: {  	s25 =	sadd.s32 s22, s17;
	_ =	swait.ge [sflag:s1], $0x3C00  }
0xa7: {  	s23 =	sshrl.u32 s25, $0x3;
	[sflag:s1] =	ssyncset.done $0x0  }
0xa8: {  	s25 =	sadd.s32 s5, s23;
	[sflag:s1] =	ssyncadd.s32 $0xFFFFC400  }
0xa9: {  	[tilespmem:s24], [sflag:$0x1] =	stream.linear.gather [hbm4b:s25+s24], $0x78, $0x38;
	[tilespmem:$0xF200] =	vst v63  }
0xaa: {  	s23 =	sadd.s32 s6, s23  }
0xab: {  	[tilespmem:s26], [sflag:$0x1] =	stream.linear.gather [hbm4b:s23+s24], $0x78, $0x38;
	[tilespmem:$0xF200] =	vst v63  }
0xac: {  	_ =	swait.ge [sflag:s14], $0x3C00  }
0xad: {  	[sflag:s14] =	ssyncset.done $0x0  }
0xae: {  	[sflag:s14] =	ssyncadd.s32 $0xFFFFC400  }
0xaf: {  	_ =	swait.ge [sflag:s8], $0x78  }
0xb0: {  	[sflag:s8] =	ssyncset.done $0x0  }
0xb1: {  	[sflag:s8] =	ssyncadd.s32 $0xFFFFFF88  }
0xb2: {  	_ =	swait.ge [sflag:s8], $0x78  }
0xb3: {  	[sflag:s8] =	ssyncset.done $0x0  }
0xb4: {  	[sflag:s8] =	ssyncadd.s32 $0xFFFFFF88  }
0xb5: {  	[tilespmem:s9], [sflag:$0x4] =	stream.indirect.gather [hbm4b:s2+s28], $0x80, s31, s28, $0xb8;
	[tilespmem:$0xF200] =	vst v63  }
0xb6: {  	s23 =	simm.s32 $0x0  }
0xb7: {  	[tilespmem:s10], [sflag:$0x4] =	stream.indirect.gather [hbm4b:s4+s28], $0x80, s0, s28, $0xb8;
	[tilespmem:$0xF200] =	vst v63  }
0xb8: {  	v7 =	vld [tilespmem:s23+$0x7A00]  }
0xb9: {  	v11 =	vld [tilespmem:s23+$0x7A10]  }
0xba: {  	v5 =	vld [tilespmem:s23+$0x7A20]  }
0xbb: {  	v4 =	vld [tilespmem:s23+$0x7A30]  }
0xbc: {  	v3 =	vld [tilespmem:s23+$0x7A40]  }
0xbd: {  	v2 =	vld [tilespmem:s23+$0x7A50]  }
0xbe: {  	v1 =	vld [tilespmem:s23+$0x7A60]  }
0xbf: {  	v0 =	vld [tilespmem:s23+$0x7A70]  }
0xc0: {  	v12 =	vld [tilespmem:s23+$0x200]  }
0xc1: {  	v13 =	vld [tilespmem:s23+$0x210]  }
0xc2: {  	v10 =	vld [tilespmem:s23+$0x220]  }
0xc3: {  	v9 =	vld [tilespmem:s23+$0x230]  }
0xc4: {  	v8 =	vld [tilespmem:s23+$0x240]  }
0xc5: {  	v6 =	vld [tilespmem:s23+$0x250];
	v12 =	vadd.f32 v7, v12  }
0xc6: {  	s24 =	simm.s32 $0x200;
	v11 =	vadd.f32 v11, v13;
	v7 =	vld [tilespmem:s23+$0x260]  }
.LBB2_7:
0xc7: {  	s25 =	sshra.s32 s24, $0x2;
	p0 =	sne.s32 s24, $0xEE00;
	[tilespmem:s23+$0x200] =	vst v12;
	v5 =	vadd.f32 v5, v10;
	v10 =	vld [tilespmem:s23+$0x270]  }
0xc8: {  	v12 =	vld [tilespmem:s25+$0x7A00];
	[tilespmem:s23+$0x210] =	vst v11;
	v4 =	vadd.f32 v4, v9  }
0xc9: {  	v11 =	vld [tilespmem:s25+$0x7A10];
	[tilespmem:s23+$0x220] =	vst v5;
	v3 =	vadd.f32 v3, v8  }
0xca: {  	v5 =	vld [tilespmem:s25+$0x7A20];
	[tilespmem:s23+$0x230] =	vst v4;
	v2 =	vadd.f32 v2, v6  }
0xcb: {  	v4 =	vld [tilespmem:s25+$0x7A30];
	[tilespmem:s23+$0x240] =	vst v3;
	v1 =	vadd.f32 v1, v7  }
0xcc: {  	v3 =	vld [tilespmem:s25+$0x7A40];
	[tilespmem:s23+$0x250] =	vst v2;
	v0 =	vadd.f32 v0, v10  }
0xcd: {  	v2 =	vld [tilespmem:s25+$0x7A50];
	[tilespmem:s23+$0x260] =	vst v1  }
0xce: {  	v1 =	vld [tilespmem:s25+$0x7A60];
	[tilespmem:s23+$0x270] =	vst v0;
	s23 =	smov.u32 s25  }
0xcf: {  	v0 =	vld [tilespmem:s23+$0x7A70]  }
0xd0: {  	v6 =	vld [tilespmem:s23+$0x200]  }
0xd1: {  	v7 =	vld [tilespmem:s23+$0x210]  }
.Ltmp2:
0xd2: {  	v10 =	vld [tilespmem:s23+$0x220];
	(pc) =	sbr.rel @p0 .LBB2_7-.Ltmp2, $4  }
0xd3: {  	v9 =	vld [tilespmem:s23+$0x230]  }
0xd4: {  	v8 =	vld [tilespmem:s23+$0x240]  }
0xd5: {  	v12 =	vadd.f32 v12, v6;
	v6 =	vld [tilespmem:s23+$0x250]  }
0xd6: {  	s24 =	sadd.s32 $0x200, s24;
	v11 =	vadd.f32 v11, v7;
	v7 =	vld [tilespmem:s23+$0x260]  }
0xd7: {  	[tilespmem:s23+$0x200] =	vst v12;
	v5 =	vadd.f32 v5, v10;
	v63 =	vld [tilespmem:s23+$0x270]  }
0xd8: {  	[tilespmem:s23+$0x210] =	vst v11;
	v4 =	vadd.f32 v4, v9  }
0xd9: {  	s21 =	sadd.s32 $0x1, s21;
	[tilespmem:s23+$0x220] =	vst v5;
	v3 =	vadd.f32 v3, v8  }
0xda: {  	p0 =	sne.s32 s21, $0x17;
	[tilespmem:s23+$0x230] =	vst v4;
	v2 =	vadd.f32 v2, v6  }
.Ltmp3:
0xdb: {  	[tilespmem:s23+$0x240] =	vst v3;
	v1 =	vadd.f32 v1, v7;
	(pc) =	sbr.rel @p0 .LBB2_4-.Ltmp3, $4  }
0xdc: {  	s22 =	sadd.s32 s22, s18;
	[tilespmem:s23+$0x250] =	vst v2;
	v0 =	vadd.f32 v0, v63  }
0xdd: {  	s22 =	sshll.u32 s22, $0x4;
	[tilespmem:s23+$0x260] =	vst v1  }
0xde: {  	s22 =	sadd.s32 s7, s22;
	[tilespmem:s23+$0x270] =	vst v0  }
0xdf: {  	[hbm4b:s22+s3] =	stream.linear.scatter [tilespmem:s29], [sflag:$0x5], $0x3C00, $0x38;
	[tilespmem:$0xF200] =	vst v63  }
0xe0: {  	_ =	swait.ge [sflag:s11], $0x3C00  }
0xe1: {  	[sflag:s11] =	ssyncset.done $0x0  }
0xe2: {  	[sflag:s11] =	ssyncadd.s32 $0xFFFFC400  }
0xe3: {  	_ =	swait.ge [sflag:s11], $0x3C00  }
0xe4: {  	[sflag:s11] =	ssyncset.done $0x0  }
0xe5: {  	s20 =	simm.s32 $0x0;
	s21 =	rddreg [dreg:$0xa];
	[sflag:s11] =	ssyncadd.s32 $0xFFFFC400  }
0xe6: {  	[tilespmem:s31], [sflag:$0x2] =	stream.linear.gather [hbm4b:s21+s20], $0x78, $0x38;
	[tilespmem:$0xF200] =	vst v63  }
0xe7: {  	s25 =	rddreg [dreg:$0xb]  }
0xe8: {  	[tilespmem:s0], [sflag:$0x2] =	stream.linear.gather [hbm4b:s25+s20], $0x78, $0x38;
	[tilespmem:$0xF200] =	vst v63  }
0xe9: {  	_ =	swait.ge [sflag:s12], $0x3C00  }
0xea: {  	[sflag:s12] =	ssyncset.done $0x0  }
0xeb: {  	[sflag:s12] =	ssyncadd.s32 $0xFFFFC400  }
0xec: {  	_ =	swait.ge [sflag:s13], $0x78  }
0xed: {  	[sflag:s13] =	ssyncset.done $0x0  }
0xee: {  	[sflag:s13] =	ssyncadd.s32 $0xFFFFFF88  }
0xef: {  	_ =	swait.ge [sflag:s13], $0x78  }
0xf0: {  	[sflag:s13] =	ssyncset.done $0x0  }
0xf1: {  	[sflag:s13] =	ssyncadd.s32 $0xFFFFFF88  }
0xf2: {  	[tilespmem:s29], [sflag:$0x3] =	stream.indirect.gather [hbm4b:s2+s28], $0x80, s20, s28, $0xb8;
	[tilespmem:$0xF200] =	vst v63  }
0xf3: {  	s20 =	simm.s32 $0x0  }
0xf4: {  	[tilespmem:s30], [sflag:$0x3] =	stream.indirect.gather [hbm4b:s4+s28], $0x80, s26, s28, $0xb8;
	[tilespmem:$0xF200] =	vst v63  }
0xf5: {  	v7 =	vld [tilespmem:s20+$0xB600]  }
0xf6: {  	v11 =	vld [tilespmem:s20+$0xB610]  }
0xf7: {  	v5 =	vld [tilespmem:s20+$0xB620]  }
0xf8: {  	v4 =	vld [tilespmem:s20+$0xB630]  }
0xf9: {  	v3 =	vld [tilespmem:s20+$0xB640]  }
0xfa: {  	v2 =	vld [tilespmem:s20+$0xB650]  }
0xfb: {  	v1 =	vld [tilespmem:s20+$0xB660]  }
0xfc: {  	v0 =	vld [tilespmem:s20+$0xB670]  }
0xfd: {  	v12 =	vld [tilespmem:s20+$0x3E00]  }
0xfe: {  	v13 =	vld [tilespmem:s20+$0x3E10]  }
0xff: {  	v10 =	vld [tilespmem:s20+$0x3E20]  }
0x100: {  	v9 =	vld [tilespmem:s20+$0x3E30]  }
0x101: {  	v8 =	vld [tilespmem:s20+$0x3E40]  }
0x102: {  	v6 =	vld [tilespmem:s20+$0x3E50];
	v12 =	vadd.f32 v7, v12  }
0x103: {  	s21 =	simm.s32 $0x200;
	v11 =	vadd.f32 v11, v13;
	v7 =	vld [tilespmem:s20+$0x3E60]  }
.LBB2_10:
0x104: {  	s22 =	sshra.s32 s21, $0x2;
	p0 =	sne.s32 s21, $0xEE00;
	[tilespmem:s20+$0x3E00] =	vst v12;
	v5 =	vadd.f32 v5, v10;
	v10 =	vld [tilespmem:s20+$0x3E70]  }
0x105: {  	v12 =	vld [tilespmem:s22+$0xB600];
	[tilespmem:s20+$0x3E10] =	vst v11;
	v4 =	vadd.f32 v4, v9  }
0x106: {  	v11 =	vld [tilespmem:s22+$0xB610];
	[tilespmem:s20+$0x3E20] =	vst v5;
	v3 =	vadd.f32 v3, v8  }
0x107: {  	v5 =	vld [tilespmem:s22+$0xB620];
	[tilespmem:s20+$0x3E30] =	vst v4;
	v2 =	vadd.f32 v2, v6  }
0x108: {  	v4 =	vld [tilespmem:s22+$0xB630];
	[tilespmem:s20+$0x3E40] =	vst v3;
	v1 =	vadd.f32 v1, v7  }
0x109: {  	v3 =	vld [tilespmem:s22+$0xB640];
	[tilespmem:s20+$0x3E50] =	vst v2;
	v0 =	vadd.f32 v0, v10  }
0x10a: {  	v2 =	vld [tilespmem:s22+$0xB650];
	[tilespmem:s20+$0x3E60] =	vst v1  }
0x10b: {  	v1 =	vld [tilespmem:s22+$0xB660];
	[tilespmem:s20+$0x3E70] =	vst v0;
	s20 =	smov.u32 s22  }
0x10c: {  	v0 =	vld [tilespmem:s20+$0xB670]  }
0x10d: {  	v6 =	vld [tilespmem:s20+$0x3E00]  }
0x10e: {  	v7 =	vld [tilespmem:s20+$0x3E10]  }
.Ltmp4:
0x10f: {  	v10 =	vld [tilespmem:s20+$0x3E20];
	(pc) =	sbr.rel @p0 .LBB2_10-.Ltmp4, $4  }
0x110: {  	v9 =	vld [tilespmem:s20+$0x3E30]  }
0x111: {  	v8 =	vld [tilespmem:s20+$0x3E40]  }
0x112: {  	v12 =	vadd.f32 v12, v6;
	v6 =	vld [tilespmem:s20+$0x3E50]  }
0x113: {  	s21 =	sadd.s32 $0x200, s21;
	v11 =	vadd.f32 v11, v7;
	v7 =	vld [tilespmem:s20+$0x3E60]  }
0x114: {  	[tilespmem:s20+$0x3E00] =	vst v12;
	v5 =	vadd.f32 v5, v10;
	v10 =	vld [tilespmem:s20+$0x3E70]  }
0x115: {  	[tilespmem:s20+$0x3E10] =	vst v11;
	v4 =	vadd.f32 v4, v9  }
0x116: {  	[tilespmem:s20+$0x3E20] =	vst v5;
	v3 =	vadd.f32 v3, v8  }
0x117: {  	[tilespmem:s20+$0x3E30] =	vst v4;
	v2 =	vadd.f32 v2, v6  }
0x118: {  	[tilespmem:s20+$0x3E40] =	vst v3;
	v1 =	vadd.f32 v1, v7  }
0x119: {  	[tilespmem:s20+$0x3E50] =	vst v2;
	v0 =	vadd.f32 v0, v10  }
0x11a: {  	[tilespmem:s20+$0x3E60] =	vst v1  }
0x11b: {  	s25 =	simm.s32 $0x0;
	s21 =	rddreg [dreg:$0xc];
	[tilespmem:s20+$0x3E70] =	vst v0  }
0x11c: {  	[hbm4b:s21+s25] =	stream.linear.scatter [tilespmem:s9], [sflag:$0x6], $0x3C00, $0x38;
	[tilespmem:$0xF200] =	vst v63  }
0x11d: {  	_ =	swait.ge [sflag:s1], $0x3C00  }
0x11e: {  	[sflag:s1] =	ssyncset.done $0x0  }
0x11f: {  	[sflag:s1] =	ssyncadd.s32 $0xFFFFC400  }
0x120: {  	_ =	swait.ge [sflag:s1], $0x3C00  }
0x121: {  	[sflag:s1] =	ssyncset.done $0x0  }
0x122: {  	[sflag:s1] =	ssyncadd.s32 $0xFFFFC400  }
0x123: {  	_ =	swait.ge [sflag:s14], $0x3C00  }
0x124: {  	[sflag:s14] =	ssyncset.done $0x0  }
0x125: {  	[sflag:s14] =	ssyncadd.s32 $0xFFFFC400  }
0x126: {  	_ =	swait.ge [sflag:s8], $0x78  }
0x127: {  	[sflag:s8] =	ssyncset.done $0x0  }
0x128: {  	[sflag:s8] =	ssyncadd.s32 $0xFFFFFF88  }
0x129: {  	_ =	swait.ge [sflag:s8], $0x78  }
0x12a: {  	[sflag:s8] =	ssyncset.done $0x0  }
0x12b: {  	[sflag:s8] =	ssyncadd.s32 $0xFFFFFF88  }
0x12c: {  	[tilespmem:s9], [sflag:$0x4] =	stream.indirect.gather [hbm4b:s2+s28], $0x80, s31, s28, $0xb8;
	[tilespmem:$0xF200] =	vst v63  }
0x12d: {  	s20 =	simm.s32 $0x0  }
0x12e: {  	[tilespmem:s10], [sflag:$0x4] =	stream.indirect.gather [hbm4b:s4+s28], $0x80, s0, s28, $0xb8;
	[tilespmem:$0xF200] =	vst v63  }
0x12f: {  	v7 =	vld [tilespmem:s20+$0x7A00]  }
0x130: {  	v11 =	vld [tilespmem:s20+$0x7A10]  }
0x131: {  	v5 =	vld [tilespmem:s20+$0x7A20]  }
0x132: {  	v4 =	vld [tilespmem:s20+$0x7A30]  }
0x133: {  	v3 =	vld [tilespmem:s20+$0x7A40]  }
0x134: {  	v2 =	vld [tilespmem:s20+$0x7A50]  }
0x135: {  	v1 =	vld [tilespmem:s20+$0x7A60]  }
0x136: {  	v0 =	vld [tilespmem:s20+$0x7A70]  }
0x137: {  	v12 =	vld [tilespmem:s20+$0x200]  }
0x138: {  	v13 =	vld [tilespmem:s20+$0x210]  }
0x139: {  	v10 =	vld [tilespmem:s20+$0x220]  }
0x13a: {  	v9 =	vld [tilespmem:s20+$0x230]  }
0x13b: {  	v8 =	vld [tilespmem:s20+$0x240]  }
0x13c: {  	v6 =	vld [tilespmem:s20+$0x250];
	v12 =	vadd.f32 v7, v12  }
0x13d: {  	s21 =	simm.s32 $0x200;
	v11 =	vadd.f32 v11, v13;
	v7 =	vld [tilespmem:s20+$0x260]  }
.LBB2_12:
0x13e: {  	s22 =	sshra.s32 s21, $0x2;
	p0 =	sne.s32 s21, $0xEE00;
	[tilespmem:s20+$0x200] =	vst v12;
	v5 =	vadd.f32 v5, v10;
	v10 =	vld [tilespmem:s20+$0x270]  }
0x13f: {  	v12 =	vld [tilespmem:s22+$0x7A00];
	[tilespmem:s20+$0x210] =	vst v11;
	v4 =	vadd.f32 v4, v9  }
0x140: {  	v11 =	vld [tilespmem:s22+$0x7A10];
	[tilespmem:s20+$0x220] =	vst v5;
	v3 =	vadd.f32 v3, v8  }
0x141: {  	v5 =	vld [tilespmem:s22+$0x7A20];
	[tilespmem:s20+$0x230] =	vst v4;
	v2 =	vadd.f32 v2, v6  }
0x142: {  	v4 =	vld [tilespmem:s22+$0x7A30];
	[tilespmem:s20+$0x240] =	vst v3;
	v1 =	vadd.f32 v1, v7  }
0x143: {  	v3 =	vld [tilespmem:s22+$0x7A40];
	[tilespmem:s20+$0x250] =	vst v2;
	v0 =	vadd.f32 v0, v10  }
0x144: {  	v2 =	vld [tilespmem:s22+$0x7A50];
	[tilespmem:s20+$0x260] =	vst v1  }
0x145: {  	v1 =	vld [tilespmem:s22+$0x7A60];
	[tilespmem:s20+$0x270] =	vst v0;
	s20 =	smov.u32 s22  }
0x146: {  	v0 =	vld [tilespmem:s20+$0x7A70]  }
0x147: {  	v6 =	vld [tilespmem:s20+$0x200]  }
0x148: {  	v7 =	vld [tilespmem:s20+$0x210]  }
.Ltmp5:
0x149: {  	v10 =	vld [tilespmem:s20+$0x220];
	(pc) =	sbr.rel @p0 .LBB2_12-.Ltmp5, $4  }
0x14a: {  	v9 =	vld [tilespmem:s20+$0x230]  }
0x14b: {  	v8 =	vld [tilespmem:s20+$0x240]  }
0x14c: {  	v12 =	vadd.f32 v12, v6;
	v6 =	vld [tilespmem:s20+$0x250]  }
0x14d: {  	s21 =	sadd.s32 $0x200, s21;
	v11 =	vadd.f32 v11, v7;
	v7 =	vld [tilespmem:s20+$0x260]  }
0x14e: {  	[tilespmem:s20+$0x200] =	vst v12;
	v5 =	vadd.f32 v5, v10;
	v10 =	vld [tilespmem:s20+$0x270]  }
0x14f: {  	[tilespmem:s20+$0x210] =	vst v11;
	v4 =	vadd.f32 v4, v9  }
0x150: {  	[tilespmem:s20+$0x220] =	vst v5;
	v3 =	vadd.f32 v3, v8  }
0x151: {  	[tilespmem:s20+$0x230] =	vst v4;
	v2 =	vadd.f32 v2, v6  }
0x152: {  	[tilespmem:s20+$0x240] =	vst v3;
	v1 =	vadd.f32 v1, v7  }
0x153: {  	[tilespmem:s20+$0x250] =	vst v2;
	v0 =	vadd.f32 v0, v10  }
0x154: {  	[tilespmem:s20+$0x260] =	vst v1  }
0x155: {  	s25 =	simm.s32 $0x0;
	s21 =	rddreg [dreg:$0xd];
	[tilespmem:s20+$0x270] =	vst v0  }
0x156: {  	[hbm4b:s21+s25] =	stream.linear.scatter [tilespmem:s29], [sflag:$0x5], $0x3C00, $0x38;
	[tilespmem:$0xF200] =	vst v63  }
0x157: {  	_ =	swait.ge [sflag:s11], $0x3C00  }
0x158: {  	[sflag:s11] =	ssyncset.done $0x0  }
0x159: {  	[sflag:s11] =	ssyncadd.s32 $0xFFFFC400  }
0x15a: {  	_ =	swait.ge [sflag:s11], $0x3C00  }
0x15b: {  	[sflag:s11] =	ssyncset.done $0x0  }
0x15c: {  	[sflag:s11] =	ssyncadd.s32 $0xFFFFC400  }
0x15d: {  	_ =	swait.ge [sflag:s12], $0x3C00  }
0x15e: {  	[sflag:s12] =	ssyncset.done $0x0  }
0x15f: {  	s20 =	simm.s32 $0x0;
	[sflag:s12] =	ssyncadd.s32 $0xFFFFC400  }
0x160: {  	v7 =	vld [tilespmem:s20+$0xB600]  }
0x161: {  	v11 =	vld [tilespmem:s20+$0xB610]  }
0x162: {  	v5 =	vld [tilespmem:s20+$0xB620]  }
0x163: {  	v4 =	vld [tilespmem:s20+$0xB630]  }
0x164: {  	v3 =	vld [tilespmem:s20+$0xB640]  }
0x165: {  	v2 =	vld [tilespmem:s20+$0xB650]  }
0x166: {  	v1 =	vld [tilespmem:s20+$0xB660]  }
0x167: {  	v0 =	vld [tilespmem:s20+$0xB670]  }
0x168: {  	v12 =	vld [tilespmem:s20+$0x3E00]  }
0x169: {  	v13 =	vld [tilespmem:s20+$0x3E10]  }
0x16a: {  	v10 =	vld [tilespmem:s20+$0x3E20]  }
0x16b: {  	v9 =	vld [tilespmem:s20+$0x3E30]  }
0x16c: {  	v8 =	vld [tilespmem:s20+$0x3E40]  }
0x16d: {  	v6 =	vld [tilespmem:s20+$0x3E50];
	v12 =	vadd.f32 v7, v12  }
0x16e: {  	s21 =	simm.s32 $0x200;
	v11 =	vadd.f32 v11, v13;
	v7 =	vld [tilespmem:s20+$0x3E60]  }
.LBB2_14:
0x16f: {  	s22 =	sshra.s32 s21, $0x2;
	p0 =	sne.s32 s21, $0xEE00;
	[tilespmem:s20+$0x3E00] =	vst v12;
	v5 =	vadd.f32 v5, v10;
	v10 =	vld [tilespmem:s20+$0x3E70]  }
0x170: {  	v12 =	vld [tilespmem:s22+$0xB600];
	[tilespmem:s20+$0x3E10] =	vst v11;
	v4 =	vadd.f32 v4, v9  }
0x171: {  	v11 =	vld [tilespmem:s22+$0xB610];
	[tilespmem:s20+$0x3E20] =	vst v5;
	v3 =	vadd.f32 v3, v8  }
0x172: {  	v5 =	vld [tilespmem:s22+$0xB620];
	[tilespmem:s20+$0x3E30] =	vst v4;
	v2 =	vadd.f32 v2, v6  }
0x173: {  	v4 =	vld [tilespmem:s22+$0xB630];
	[tilespmem:s20+$0x3E40] =	vst v3;
	v1 =	vadd.f32 v1, v7  }
0x174: {  	v3 =	vld [tilespmem:s22+$0xB640];
	[tilespmem:s20+$0x3E50] =	vst v2;
	v0 =	vadd.f32 v0, v10  }
0x175: {  	v2 =	vld [tilespmem:s22+$0xB650];
	[tilespmem:s20+$0x3E60] =	vst v1  }
0x176: {  	v1 =	vld [tilespmem:s22+$0xB660];
	[tilespmem:s20+$0x3E70] =	vst v0;
	s20 =	smov.u32 s22  }
0x177: {  	v0 =	vld [tilespmem:s20+$0xB670]  }
0x178: {  	v6 =	vld [tilespmem:s20+$0x3E00]  }
0x179: {  	v7 =	vld [tilespmem:s20+$0x3E10]  }
.Ltmp6:
0x17a: {  	v10 =	vld [tilespmem:s20+$0x3E20];
	(pc) =	sbr.rel @p0 .LBB2_14-.Ltmp6, $4  }
0x17b: {  	v9 =	vld [tilespmem:s20+$0x3E30]  }
0x17c: {  	v8 =	vld [tilespmem:s20+$0x3E40]  }
0x17d: {  	v12 =	vadd.f32 v12, v6;
	v6 =	vld [tilespmem:s20+$0x3E50]  }
0x17e: {  	s21 =	sadd.s32 $0x200, s21;
	v11 =	vadd.f32 v11, v7;
	v7 =	vld [tilespmem:s20+$0x3E60]  }
0x17f: {  	[tilespmem:s20+$0x3E00] =	vst v12;
	v5 =	vadd.f32 v5, v10;
	v63 =	vld [tilespmem:s20+$0x3E70]  }
0x180: {  	[tilespmem:s20+$0x3E10] =	vst v11;
	v4 =	vadd.f32 v4, v9  }
0x181: {  	[tilespmem:s20+$0x3E20] =	vst v5;
	v3 =	vadd.f32 v3, v8  }
0x182: {  	[tilespmem:s20+$0x3E30] =	vst v4;
	v2 =	vadd.f32 v2, v6  }
0x183: {  	[tilespmem:s20+$0x3E40] =	vst v3;
	v1 =	vadd.f32 v1, v7  }
0x184: {  	[tilespmem:s20+$0x3E50] =	vst v2;
	v0 =	vadd.f32 v0, v63  }
0x185: {  	[tilespmem:s20+$0x3E60] =	vst v1  }
0x186: {  	s24 =	rddreg [dreg:$0xe];
	[tilespmem:s20+$0x3E70] =	vst v0  }
0x187: {  	[hbm4b:s24+s3] =	stream.linear.scatter [tilespmem:s9], [sflag:$0x6], $0x3C00, $0x38;
	[tilespmem:$0xF200] =	vst v63  }
0x188: {  	_ =	swait.ge [sflag:s14], $0x3C00  }
0x189: {  	s19 =	sadd.s32 $0x1, s19;
	s25 =	rddreg [dreg:$0xf]  }
0x18a: {  	p0 =	sne.s32 s19, s25  }
.Ltmp7:
0x18b: {  	_ = 	snop;
	(pc) =	sbr.rel @p0 .LBB2_1-.Ltmp7, $3  }
0x18c: {  	_ =	sdelay $0x1  }
0x18d: {  	[sflag:s14] =	ssyncset.done $0x0  }
0x18e: {  	[sflag:s14] =	ssyncadd.s32 $0xFFFFC400  }
0x18f: {  	_ =	sfence.sel $0x180000  }
0x190: {  	[bflag:$0x0] =	sbarrier.arrive $0xFFFF  }
0x191: {  	_ =	strace $0x90000047  }
0x192: {  	s0 =	stileid.u32;
	[bflag:$0x2] =	sbarrier.arrive $0xFFFF  }
0x193: {  	p0 =	sne.s32 s0, $0x0;
	s0 =	rddreg [dreg:$0x2]  }
0x194: {  	s0 =	sadd.s32 @!p0 $0x100000, s0  }
0x195: {  	[sflag:s0] =	ssyncadd.tile.s32 @!p0 $0x1;
	_ =	shalt  }
.Lfunc_end2:
_tile_overlayer_lowered:
.L_overlay_start_2:
0x196: {  	(tag) =	ssettag $0x2  }
0x197: {  	s0 =	rddreg [dreg:$0x0];
	s2 =	stileid.u32  }
0x198: {  	s1 =	rddreg [dreg:$0x1];
	p0 =	sne.s32 s2, $0x0  }
0x199: {  	s3 =	rddreg [dreg:$0x2];
	[bflag:$0x3] =	sbarrier.arrive $0xFFFF;
	s2 =	simm.s32 @!p0 $0x1C07  }
0x19a: {  	[timem:s3], [sflag:s2] =	dma.local @!p0 [hbm:s0], s1  }
0x19b: {  	s0 =	simm.s32 @!p0 $0x7  }
0x19c: {  	_ =	swait.ge @!p0 [sflag:s0], s1  }
0x19d: {  	s1 =	ssub.s32 @!p0 $0x0, s1;
	[sflag:s0] =	ssyncset.done @!p0 $0x0  }
0x19e: {  	[sflag:s0] =	ssyncadd.s32 @!p0 s1  }
0x19f: {  	[bflag:$0x3] =	sbarrier.arrive $0xFFFF  }
0x1a0: {  	_ =	shalt  }

// kernel: kernel.16.cloned.1.call-start
scs
__scs_entry_jumppad:
0x0: {  	(pc) =	sbr.rel $0x88, $3  }
0x1: {  	(tag) =	ssettag $0x0;
	lr =	simm.s32 $0x1  }
0x2: {  	[smem:$0x3F95] =	sst lr;
	_ =	strace $0xD0000000  }
0x3: {  	_ = 	snop  }
0x4: {  	_ = 	snop  }
0x5: {  	_ = 	snop  }
0x6: {  	_ = 	snop  }
0x7: {  	_ = 	snop  }
__scs_overlays_trampoline_lowered:
0x8: {  	[smem:$0x3FA4] =	sst s0  }
0x9: {  	[smem:$0x3FA5] =	sst s1  }
0xa: {  	[smem:$0x3FA6] =	sst s2  }
0xb: {  	[smem:$0x3FA7] =	sst s3  }
0xc: {  	[smem:$0x3FA8] =	sst s4  }
0xd: {  	[smem:$0x3FA9] =	sst s5  }
0xe: {  	[smem:$0x3FAA] =	sst s6  }
0xf: {  	[smem:$0x3FAB] =	sst s7  }
0x10: {  	[smem:$0x3FAC] =	sst s8  }
0x11: {  	[smem:$0x3FAD] =	sst s9;
	s0 =	simm.s32 @!p0 $0x0  }
0x12: {  	s1 =	sld [smem:$0x3F93];
	s0 =	simm.s32 @p0 $0x1  }
0x13: {  	[smem:$0x3FAE] =	sst s0;
	s0 =	simm.s32 @!p1 $0x0  }
0x14: {  	s2 =	sld [smem:$0x3F92];
	s0 =	simm.s32 @p1 $0x1  }
0x15: {  	[smem:$0x3FAF] =	sst s0;
	s0 =	simm.s32 @!p2 $0x0  }
0x16: {  	s3 =	sld [smem:$0x3FDB];
	s0 =	simm.s32 @p2 $0x1  }
0x17: {  	s4 =	simm.s32 $0x1BF5;
	[smem:$0x3FB1] =	sst s0  }
0x18: {  	s0 =	sld [smem:$0x3F94];
	_ =	swait.ge [sflag:s4], $0x0  }
0x19: {  	s7 =	sld [smem:$0x3F95]  }
0x1a: {  	s8 =	sadd.s32 $0xFFFFE003, lr  }
0x1b: {  	s9 =	sadd.s32 $0xFFFFFEF7, lr;
	s5 =	simm.s32 $0xFFFFFFFF;
	p2 =	slt.u32 s8, $0xFFFFF086  }
0x1c: {  	p1 =	slt.u32 s9, $0xF7A;
	s5 =	simm.s32 @!p2 $0x0  }
0x1d: {  	s5 =	simm.s32 @p1 $0x1;
	p0 =	seq.s32 s7, s2  }
0x1e: {  	s7 =	smul.u32 @!p0 $0xF7A, s2;
	p2 =	seq.s32 @!p0 s5, $0x0  }
0x1f: {  	s9 =	smul.u32 $0xF7A, s1;
	s8 =	simm.s32 @!p0 $0x1BF5;
	p2 =	por !p2, p0  }
0x20: {  	[sflag:s8] =	ssyncset.s32 @!p0 $0xFFFFF086;
	s6 =	sadd.s32 @!p0 s3, s7;
	s7 =	simm.s32 @!p0 $0x108  }
0x21: {  	s3 =	sadd.s32 s3, s9;
	s6 =	sadd.s32 @!p0 $0x88, s6;
	s7 =	simm.s32 @p2 $0x1082  }
0x22: {  	[simem:s7], [sflag:s8] =	dma.local @!p0 [hbm:s6], $0xF7A  }
0x23: {  	s9 =	sor.u32 $0xD0000000, s2;
	s6 =	simm.s32 $0x108;
	_ =	swait.ge @!p0 [sflag:s8], $0x0  }
0x24: {  	s3 =	sadd.s32 $0x88, s3;
	s6 =	simm.s32 @!p1 $0x1082;
	[sflag:s4] =	ssyncset.s32 $0xFFFFF086  }
0x25: {  	[simem:s6], [sflag:s4] =	dma.local [hbm:s3], $0xF7A  }
0x26: {  	[smem:$0x3F95] =	sst s1;
	(tag) =	ssettag s2;
	_ =	strace s9  }
0x27: {  	s1 =	sld [smem:$0x3FA5]  }
0x28: {  	s2 =	sld [smem:$0x3FA6]  }
0x29: {  	s4 =	sld [smem:$0x3FA8]  }
0x2a: {  	p0 =	seq.s32 s5, $0x0;
	s5 =	sld [smem:$0x3FA9]  }
0x2b: {  	s6 =	sld [smem:$0x3FAA]  }
0x2c: {  	s7 =	sld [smem:$0x3FAB]  }
0x2d: {  	s3 =	simm.s32 $0x108;
	s8 =	sld [smem:$0x3FAC]  }
0x2e: {  	s3 =	simm.s32 @!p0 $0x1082;
	s9 =	sld [smem:$0x3FAD]  }
0x2f: {  	lr =	sadd.s32 s0, s3;
	s0 =	sld [smem:$0x3FA4]  }
0x30: {  	s3 =	sld [smem:$0x3FA7]  }
0x31: {  	[smem:$0x3FB0] =	sst s10  }
0x32: {  	s10 =	sld [smem:$0x3FAE];
	_ =	sdelay $0x3  }
0x33: {  	p0 =	seq.s32 s10, $0x1;
	s10 =	sld [smem:$0x3FB0];
	_ =	sdelay $0x3  }
0x34: {  	[smem:$0x3FB0] =	sst s10  }
0x35: {  	s10 =	sld [smem:$0x3FAF];
	_ =	sdelay $0x3  }
0x36: {  	p1 =	seq.s32 s10, $0x1;
	s10 =	sld [smem:$0x3FB0];
	_ =	sdelay $0x3  }
0x37: {  	[smem:$0x3FB0] =	sst s10  }
0x38: {  	s10 =	sld [smem:$0x3FB1]  }
0x39: {  	_ = 	snop;
	(pc) =	sbr.ind lr, $3  }
0x3a: {  	_ = 	snop  }
0x3b: {  	_ = 	snop  }
0x3c: {  	p2 =	seq.s32 s10, $0x1;
	s10 =	sld [smem:$0x3FB0]  }
0x3d: {  	_ =	shalt  }
0x3e: {  	_ =	shalt  }
0x3f: {  	_ =	shalt  }
0x40: {  	_ =	shalt  }
0x41: {  	_ =	shalt  }
0x42: {  	_ =	shalt  }
0x43: {  	_ =	shalt  }
0x44: {  	_ =	shalt  }
0x45: {  	_ =	shalt  }
0x46: {  	_ =	shalt  }
0x47: {  	_ =	shalt  }
0x48: {  	_ =	shalt  }
0x49: {  	_ =	shalt  }
0x4a: {  	_ =	shalt  }
0x4b: {  	_ =	shalt  }
0x4c: {  	_ =	shalt  }
0x4d: {  	_ =	shalt  }
0x4e: {  	_ =	shalt  }
0x4f: {  	_ =	shalt  }
0x50: {  	_ =	shalt  }
0x51: {  	_ =	shalt  }
0x52: {  	_ =	shalt  }
0x53: {  	_ =	shalt  }
0x54: {  	_ =	shalt  }
0x55: {  	_ =	shalt  }
0x56: {  	_ =	shalt  }
0x57: {  	_ =	shalt  }
0x58: {  	_ =	shalt  }
0x59: {  	_ =	shalt  }
0x5a: {  	_ =	shalt  }
0x5b: {  	_ =	shalt  }
0x5c: {  	_ =	shalt  }
0x5d: {  	_ =	shalt  }
0x5e: {  	_ =	shalt  }
0x5f: {  	_ =	shalt  }
0x60: {  	_ =	shalt  }
0x61: {  	_ =	shalt  }
0x62: {  	_ =	shalt  }
0x63: {  	_ =	shalt  }
0x64: {  	_ =	shalt  }
0x65: {  	_ =	shalt  }
0x66: {  	_ =	shalt  }
0x67: {  	_ =	shalt  }
0x68: {  	_ =	shalt  }
0x69: {  	_ =	shalt  }
0x6a: {  	_ =	shalt  }
0x6b: {  	_ =	shalt  }
0x6c: {  	_ =	shalt  }
0x6d: {  	_ =	shalt  }
0x6e: {  	_ =	shalt  }
0x6f: {  	_ =	shalt  }
0x70: {  	_ =	shalt  }
0x71: {  	_ =	shalt  }
0x72: {  	_ =	shalt  }
0x73: {  	_ =	shalt  }
0x74: {  	_ =	shalt  }
0x75: {  	_ =	shalt  }
0x76: {  	_ =	shalt  }
0x77: {  	_ =	shalt  }
0x78: {  	_ =	shalt  }
0x79: {  	_ =	shalt  }
0x7a: {  	_ =	shalt  }
0x7b: {  	_ =	shalt  }
0x7c: {  	_ =	shalt  }
0x7d: {  	_ =	shalt  }
0x7e: {  	_ =	shalt  }
0x7f: {  	_ =	shalt  }
0x80: {  	_ =	shalt  }
0x81: {  	_ =	shalt  }
0x82: {  	_ =	shalt  }
0x83: {  	_ =	shalt  }
0x84: {  	_ =	shalt  }
0x85: {  	_ =	shalt  }
0x86: {  	_ =	shalt  }
0x87: {  	_ =	shalt  }
.Lfunc_end0:
.L_simem_size_0:
called_computation.2_lowered:
.L_overlay_start_0:
0x88: {  	s2 =	sld [smem:$0x3FD9]  }
0x89: {  	s3 =	sld [smem:$0x3FFE];
	_ =	sdelay $0x1  }
0x8a: {  	s1 =	srdreg.scid  }
0x8b: {  	s0 =	sand.u32 $0x1, s1  }
0x8c: {  	s17 =	sshll.u32 s0, $0xA;
	s2 =	sadd.s32 s3, s2  }
0x8d: {  	s2 =	sadd.s32 s2, s17  }
0x8e: {  	[smem:$0x3FBC] =	sst s2  }
0x8f: {  	_ = 	snop  }
0x90: {  	(tm) =	ssettm $0x1  }
0x91: {  	s18 =	sld [smem:$0x3FFB];
	_ =	sdelay $0x3  }
0x92: {  	_ =	strace s18  }
0x93: {  	s2 =	sld [smem:$0x3FFC];
	_ =	sdelay $0x3  }
0x94: {  	_ =	strace s2  }
0x95: {  	s2 =	sld [smem:$0x3FFD];
	_ =	sdelay $0x3  }
0x96: {  	_ =	strace s2  }
0x97: {  	_ =	strace $0x8FFFFFFF  }
0x98: {  	s19 =	sld [smem:$0x3FDB];
	_ =	sdelay $0x1  }
0x99: {  	s20 =	simm.s32 $_scs_section_size  }
0x9a: {  	s4 =	simm.s32 $_size__tile_overlayer_lowered;
	s5 =	simm.s32 $_tile_overlayer_lowered  }
0x9b: {  	s6 =	simm.s32 $0x1BFF;
	s21 =	sshll.u32 s5, $0x1;
	s3 =	sadd.s32 s20, s19  }
0x9c: {  	s22 =	simm.s32 $0x0;
	s4 =	sshll.u32 s4, $0x1;
	s5 =	sadd.s32 s21, s3  }
0x9d: {  	[timem:s22], [sflag:s6] =	dma.local [hbm:s5], s4  }
0x9e: {  	_ =	swait.ge [sflag:s6], s4  }
0x9f: {  	s4 =	ssub.s32 $0x0, s4;
	[sflag:s6] =	ssyncset.done $0x0  }
0xa0: {  	[sflag:s6] =	ssyncadd.s32 s4;
	_ =	sdelay $0x1  }
0xa1: {  	s23 =	simm.s32 $0x1B8B  }
0xa2: {  	_ =	swait.ge [sflag:s23], $0x1  }
0xa3: {  	[sflag:s23] =	ssyncset.done $0x0  }
0xa4: {  	[sflag:s23] =	ssyncadd.s32 $0xFFFFFFFF  }
0xa5: {  	s4 =	sld [smem:$0x0]  }
0xa6: {  	s5 =	sand.u32 $0xFFFFFFFE, s1  }
0xa7: {  	p0 =	sne.s32 s1, s5  }
0xa8: {  	s5 =	sshll.u32 @p0 s5, $0xE  }
0xa9: {  	s5 =	sadd.s32 @p0 $0x11B8D, s5;
	s6 =	sshll.u32 @p0 s4, $0x11  }
0xaa: {  	s5 =	sor.u32 @p0 s6, s5  }
0xab: {  	[sflag:s5] =	ssyncadd.remote.s32 @p0 $0x1;
	_ =	sdelay $0x1  }
0xac: {  	s5 =	simm.s32 @p0 $0x1B8D  }
0xad: {  	_ =	swait.eq @p0 [sflag:s5], $0x1  }
0xae: {  	[sflag:s5] =	ssyncadd.s32 @p0 $0xFFFFFFFF  }
0xaf: {  	s6 =	sshll.u32 @!p0 s1, $0xE  }
0xb0: {  	s6 =	sor.u32 @!p0 $0x4000, s6;
	s5 =	simm.s32 @!p0 $0x1B8D  }
0xb1: {  	s4 =	sshll.u32 @!p0 s4, $0x11;
	s6 =	sadd.s32 @!p0 $0x11B8D, s6;
	_ =	swait.eq @!p0 [sflag:s5], $0x1  }
0xb2: {  	s4 =	sor.u32 @!p0 s4, s6;
	[sflag:s5] =	ssyncadd.s32 @!p0 $0xFFFFFFFF  }
0xb3: {  	s25 =	simm.s32 $0x1B8E;
	s24 =	sld [smem:$0x3FFE];
	[sflag:s4] =	ssyncadd.remote.s32 @!p0 $0x1  }
0xb4: {  	s26 =	simm.s32 $execute0_lowered;
	[smem:$0x3FD2] =	sst s25  }
0xb5: {  	s5 =	sshll.u32 s26, $0x1;
	_ =	strace $0x8000004F;
	[dreg:$0x1] =	wrdreg $0xFFFFFFFF  }
0xb6: {  	s28 =	simm.s32 $_size_execute0_lowered;
	s3 =	sadd.s32 s3, s5;
	[dreg:$0x0] =	wrdreg $0x0  }
0xb7: {  	s5 =	sshll.u32 s28, $0x1;
	[dreg:$0x2] =	wrdreg s3  }
0xb8: {  	[dreg:$0x3] =	wrdreg s5  }
0xb9: {  	[dreg:$0x4] =	wrdreg $0xC0  }
0xba: {  	_ =	task [dreg:s22], $0x5FFFF  }
0xbb: {  	[dreg:$0x1] =	wrdreg $0xFFFFFFFF  }
0xbc: {  	[dreg:$0x0] =	wrdreg $0x60  }
0xbd: {  	[dreg:$0x2] =	wrdreg s24  }
0xbe: {  	[dreg:$0x3] =	wrdreg $0x51000  }
0xbf: {  	[dreg:$0x4] =	wrdreg $0x9  }
0xc0: {  	_ =	task.clear_ibuf [dreg:s22], $0x5FFFF;
	_ =	strace $0x9000004F  }
0xc1: {  	s29 =	simm.s32 $0x9;
	_ =	strace $0x80000051  }
0xc2: {  	_ =	swait.ge [sflag:s29], $0x1  }
0xc3: {  	[sflag:s29] =	ssyncadd.s32 $0xFFFFFFFF  }
0xc4: {  	_ =	strace $0x90000051  }
0xc5: {  	_ =	sfence  }
0xc6: {  	s30 =	sld [smem:$0x0];
	_ =	sdelay $0x2  }
0xc7: {  	s31 =	sshll.u32 s1, $0xD;
	s1 =	sshrl.u32 s1, $0x2  }
0xc8: {  	s4 =	sand.u32 $0x4000, s31;
	s1 =	sadd.s32 s1, s30  }
0xc9: {  	s0 =	sor.u32 s4, s0;
	s1 =	sshll.u32 s1, $0x11  }
0xca: {  	s0 =	sor.u32 s1, s0  }
0xcb: {  	s0 =	sadd.s32 $0x8F2B, s0  }
0xcc: {  	[sflag:s0] =	ssyncadd.remote.s32 $0x1  }
0xcd: {  	_ =	sfence.sel $0xFFFF  }
0xce: {  	[dreg:$0x0] =	wrdreg $0xFFFFFFFF;
	(pc) =	sbr.abs _section_cstart, $3  }
0xcf: {  	[dreg:$0x1] =	wrdreg $0xFFFFFFFF  }
0xd0: {  	_ =	task.clear_ibuf [dreg:s22], $0x2FFFF;
	_ =	strace $0x9FFFFFFF  }
0xd1: {  	(tm) =	ssettm $0x7FFFFFFF  }
tec
execute0_lowered:
.L_overlay_start_1:
0x0: {  	(tag) =	ssettag $0x1  }
0x1: {  	s0 =	rddreg [dreg:$0x0]  }
0x2: {  	s2 =	rddreg [dreg:$0x1];
	s3 =	simm.s32 $0x0;
	s13 =	stileid.u32  }
0x3: {  	s5 =	srdreg.scid;
	s28 =	simm.s32 $0x80;
	s29 =	simm.s32 $0x2900  }
0x4: {  	s30 =	simm.s32 $0x50;
	s31 =	simm.s32 $0x2;
	[smem:$0x7FF] =	sst s3  }
0x5: {  	s1 =	smul.u32 $0x2700, s13;
	s6 =	sadd.s32 $0xB3200, s0;
	s4 =	sadd.s32 $0xCE00, s0  }
0x6: {  	s5 =	sand.u32 $0x1, s5;
	s9 =	smul.u32 $0x4E000, s13;
	s10 =	sadd.s32 $0x2A7200, s0  }
0x7: {  	s12 =	sshll.u32 s13, $0x1;
	s16 =	sadd.s32 $0x138000, s2;
	s24 =	smul.u32 $0x27100, s5  }
0x8: {  	p0 =	sne.s32 s13, $0xF;
	s26 =	sor.u32 s5, s12;
	s25 =	smul.u32 $0xFA0, s5  }
0x9: {  	_ =	strace $0x80000050;
	s8 =	ssub.s32 $0x2, s5;
	s15 =	smul.u32 $0xFA0, s26  }
0xa: {  	s12 =	sshll.u32 s13, $0x6;
	[dreg:$0x5] =	wrdreg s16;
	s14 =	smul.u32 $0xFA00, s26  }
0xb: {  	s7 =	sadd.s32 s1, s0;
	s11 =	sshrl.u32 s8, $0x1;
	s26 =	smul.u32 $0x138800, s5  }
0xc: {  	s9 =	sshrl.u32 s9, $0x2;
	s0 =	sadd.s32 $0x64E00, s0;
	s5 =	smul.u32 $0xFA00, s5  }
0xd: {  	s8 =	ssub.s32 s8, s11;
	s9 =	sadd.s32 s9, s2;
	[dreg:$0x6] =	wrdreg s0  }
0xe: {  	s7 =	sadd.s32 $0x3DE00, s7;
	s1 =	sadd.s32 s1, s24;
	[dreg:$0x3] =	wrdreg s9  }
0xf: {  	[dreg:$0x4] =	wrdreg s7;
	s7 =	sor.u32 $0x1C05, s12;
	s17 =	sshrl.u32 s15, $0x3  }
0x10: {  	s18 =	sadd.s32 s6, s14;
	s19 =	sadd.s32 $0x50, s15;
	s21 =	sadd.s32 $0xF00, s15  }
0x11: {  	s23 =	sadd.s32 $0xF50, s15;
	s0 =	sadd.s32 s4, s17;
	[dreg:$0x8] =	wrdreg s18  }
0x12: {  	s20 =	sshrl.u32 s19, $0x3;
	s22 =	sshrl.u32 s21, $0x3;
	s11 =	sshll.u32 s21, $0x4  }
0x13: {  	s16 =	sshrl.u32 s23, $0x3;
	s18 =	smul.u32 $0x1F40, s13;
	[dreg:$0x7] =	wrdreg s0  }
0x14: {  	s0 =	sshll.u32 s19, $0x4;
	s9 =	sadd.s32 s4, s20;
	s14 =	sadd.s32 s4, s22  }
0x15: {  	s15 =	sadd.s32 s6, s11;
	s16 =	sadd.s32 s4, s16;
	s22 =	smul.u32 $0x1F400, s13  }
0x16: {  	s20 =	smax.u32 s8, $0x1;
	[dreg:$0x9] =	wrdreg s9;
	s0 =	sadd.s32 s6, s0  }
0x17: {  	s12 =	sadd.s32 s25, s18;
	s18 =	sadd.s32 s10, s1;
	[dreg:$0xa] =	wrdreg s0  }
0x18: {  	s0 =	sshll.u32 s23, $0x4;
	s23 =	sshrl.u32 s26, $0x3;
	s24 =	sadd.s32 $0xF0, s12  }
0x19: {  	s17 =	sadd.s32 s6, s0;
	s1 =	sadd.s32 s10, s23;
	s6 =	sadd.s32 s22, s6  }
0x1a: {  	s26 =	sshrl.u32 s24, $0x3;
	s23 =	sadd.s32 $0xA0, s12;
	s24 =	simm.s32 $0x5  }
0x1b: {  	s0 =	simm.s32 $0x3;
	s19 =	sadd.s32 $0x27000, s1;
	s25 =	sadd.s32 s5, s6  }
0x1c: {  	s22 =	sadd.s32 s26, s4;
	s26 =	simm.s32 $0x1;
	s1 =	simm.s32 $0x4  }
0x1d: {  	s5 =	simm.s32 $0x0;
	s21 =	sadd.s32 $0xF00, s25;
	s25 =	simm.s32 $0x100  }
.LBB2_1:
0x1e: {  	s6 =	rddreg [dreg:$0x3]  }
0x1f: {  	s8 =	rddreg [dreg:$0x4];
	s6 =	sshrl.u32 s6, $0x3  }
0x20: {  	[spmem:s6], [sflag:s7] =	dma.local [hbm:s8], $0x2700  }
0x21: {  	_ =	swait.ge [sflag:s24], $0x2700  }
0x22: {  	[sflag:s24] =	ssyncset.done $0x0;
	s8 =	rddreg [dreg:$0x5]  }
0x23: {  	s9 =	rddreg [dreg:$0x6];
	[sflag:s24] =	ssyncadd.s32 $0xFFFFD900;
	s8 =	sshrl.u32 @!p0 s8, $0x3  }
0x24: {  	[spmem:s8], [sflag:s7] =	dma.local @!p0 [hbm:s9], $0x100  }
0x25: {  	s9 =	simm.s32 @!p0 $0x5  }
0x26: {  	_ =	swait.ge @!p0 [sflag:s9], $0x100  }
0x27: {  	[sflag:s9] =	ssyncset.done @!p0 $0x0  }
0x28: {  	[sflag:s9] =	ssyncadd.s32 @!p0 $0xFFFFFF00  }
0x29: {  	[bflag:$0x0] =	sbarrier.arrive $0xFFFF  }
0x2a: {  	s11 =	rddreg [dreg:$0x7]  }
0x2b: {  	[tilespmem:s3], [sflag:$0x1] =	stream.linear.gather [hbm4b:s11+s3], $0x50, $0x38;
	[tilespmem:$0x18980] =	vst v63  }
0x2c: {  	s12 =	rddreg [dreg:$0x8]  }
0x2d: {  	[tilespmem:s25], [sflag:$0x1] =	stream.linear.gather [hbm4b:s12+s3], $0x2800, $0x38;
	[tilespmem:$0x18980] =	vst v63  }
0x2e: {  	_ =	swait.ge [sflag:s26], $0x50  }
0x2f: {  	[sflag:s26] =	ssyncset.done $0x0  }
0x30: {  	[sflag:s26] =	ssyncadd.s32 $0xFFFFFFB0  }
0x31: {  	_ =	swait.ge [sflag:s26], $0x2800  }
0x32: {  	[sflag:s26] =	ssyncset.done $0x0  }
0x33: {  	s13 =	rddreg [dreg:$0x9];
	[sflag:s26] =	ssyncadd.s32 $0xFFFFD800  }
0x34: {  	[tilespmem:s28], [sflag:$0x2] =	stream.linear.gather [hbm4b:s13+s3], $0x50, $0x38;
	[tilespmem:$0x18980] =	vst v63  }
0x35: {  	s10 =	rddreg [dreg:$0xa]  }
0x36: {  	[tilespmem:s29], [sflag:$0x2] =	stream.linear.gather [hbm4b:s10+s3], $0x2800, $0x38;
	[tilespmem:$0x18980] =	vst v63  }
0x37: {  	_ = 	snop  }
0x38: {  	[spmem:s2] =	stream.indirect.scatter.add.f32 [tilespmem:s25], [sflag:$0x3], $0x80, s3, s30, $0xb8;
	[tilespmem:$0x18980] =	vst v63  }
0x39: {  	_ =	swait.ge [sflag:s31], $0x50  }
0x3a: {  	[sflag:s31] =	ssyncset.done $0x0  }
0x3b: {  	[sflag:s31] =	ssyncadd.s32 $0xFFFFFFB0  }
0x3c: {  	_ =	swait.ge [sflag:s31], $0x2800  }
0x3d: {  	[sflag:s31] =	ssyncset.done $0x0  }
0x3e: {  	[sflag:s31] =	ssyncadd.s32 $0xFFFFD800  }
0x3f: {  	_ =	swait.ge [sflag:s0], $0x2800  }
0x40: {  	s11 =	sshrl.u32 s23, $0x3;
	[sflag:s0] =	ssyncset.done $0x0  }
0x41: {  	s9 =	sadd.s32 s4, s11;
	[sflag:s0] =	ssyncadd.s32 $0xFFFFD800  }
0x42: {  	[tilespmem:s3], [sflag:$0x1] =	stream.linear.gather [hbm4b:s9+s3], $0x50, $0x38;
	[tilespmem:$0x18980] =	vst v63  }
0x43: {  	s12 =	sadd.s32 $0xFFFFFB00, s21  }
0x44: {  	[tilespmem:s25], [sflag:$0x1] =	stream.linear.gather [hbm4b:s12+s3], $0x2800, $0x38;
	[tilespmem:$0x18980] =	vst v63  }
0x45: {  	_ = 	snop  }
0x46: {  	[spmem:s2] =	stream.indirect.scatter.add.f32 [tilespmem:s29], [sflag:$0x4], $0x80, s28, s30, $0xb8;
	[tilespmem:$0x18980] =	vst v63  }
0x47: {  	_ =	swait.ge [sflag:s26], $0x50  }
0x48: {  	[sflag:s26] =	ssyncset.done $0x0  }
0x49: {  	[sflag:s26] =	ssyncadd.s32 $0xFFFFFFB0  }
0x4a: {  	_ =	swait.ge [sflag:s26], $0x2800  }
0x4b: {  	[sflag:s26] =	ssyncset.done $0x0  }
0x4c: {  	[sflag:s26] =	ssyncadd.s32 $0xFFFFD800  }
0x4d: {  	_ =	swait.ge [sflag:s1], $0x2800  }
0x4e: {  	[sflag:s1] =	ssyncset.done $0x0  }
0x4f: {  	s13 =	sadd.s32 $0x0, s22;
	[sflag:s1] =	ssyncadd.s32 $0xFFFFD800  }
0x50: {  	[tilespmem:s28], [sflag:$0x2] =	stream.linear.gather [hbm4b:s13+s3], $0x50, $0x38;
	[tilespmem:$0x18980] =	vst v63  }
0x51: {  	s11 =	sadd.s32 $0xA0, s23;
	s10 =	sadd.s32 $0xA00, s21;
	s9 =	simm.s32 $0x14  }
0x52: {  	[tilespmem:s29], [sflag:$0x2] =	stream.linear.gather [hbm4b:s21+s3], $0x2800, $0x38;
	[tilespmem:$0x18980] =	vst v63  }
.LBB2_2:
0x53: {  	[spmem:s2] =	stream.indirect.scatter.add.f32 [tilespmem:s25], [sflag:$0x3], $0x80, s3, s30, $0xb8;
	[tilespmem:$0x18980] =	vst v63  }
0x54: {  	s12 =	smov.u32 s9  }
0x55: {  	p1 =	sne.s32 s9, $0x1B8;
	s9 =	sadd.s32 $0x14, s9;
	_ =	swait.ge [sflag:s31], $0x50  }
0x56: {  	[sflag:s31] =	ssyncset.done $0x0  }
0x57: {  	[sflag:s31] =	ssyncadd.s32 $0xFFFFFFB0  }
0x58: {  	_ =	swait.ge [sflag:s31], $0x2800  }
0x59: {  	[sflag:s31] =	ssyncset.done $0x0  }
0x5a: {  	[sflag:s31] =	ssyncadd.s32 $0xFFFFD800  }
0x5b: {  	_ =	swait.ge [sflag:s0], $0x2800  }
0x5c: {  	s13 =	sshrl.u32 s11, $0x3;
	[sflag:s0] =	ssyncset.done $0x0  }
0x5d: {  	s13 =	sadd.s32 s4, s13;
	[sflag:s0] =	ssyncadd.s32 $0xFFFFD800  }
0x5e: {  	[tilespmem:s3], [sflag:$0x1] =	stream.linear.gather [hbm4b:s13+s3], $0x50, $0x38;
	[tilespmem:$0x18980] =	vst v63  }
0x5f: {  	s13 =	sadd.s32 $0xFFFFFB00, s10  }
0x60: {  	[tilespmem:s25], [sflag:$0x1] =	stream.linear.gather [hbm4b:s13+s3], $0x2800, $0x38;
	[tilespmem:$0x18980] =	vst v63  }
0x61: {  	_ = 	snop  }
0x62: {  	[spmem:s2] =	stream.indirect.scatter.add.f32 [tilespmem:s29], [sflag:$0x4], $0x80, s28, s30, $0xb8;
	[tilespmem:$0x18980] =	vst v63  }
0x63: {  	_ =	swait.ge [sflag:s26], $0x50  }
0x64: {  	[sflag:s26] =	ssyncset.done $0x0  }
0x65: {  	[sflag:s26] =	ssyncadd.s32 $0xFFFFFFB0  }
0x66: {  	_ =	swait.ge [sflag:s26], $0x2800  }
0x67: {  	[sflag:s26] =	ssyncset.done $0x0  }
0x68: {  	[sflag:s26] =	ssyncadd.s32 $0xFFFFD800  }
0x69: {  	_ =	swait.ge [sflag:s1], $0x2800  }
0x6a: {  	[sflag:s1] =	ssyncset.done $0x0  }
.Ltmp0:
0x6b: {  	s12 =	sadd.s32 s12, s22;
	[sflag:s1] =	ssyncadd.s32 $0xFFFFD800;
	(pc) =	sbr.rel @p1 .LBB2_2-.Ltmp0, $4  }
0x6c: {  	[tilespmem:s28], [sflag:$0x2] =	stream.linear.gather [hbm4b:s12+s3], $0x50, $0x38;
	[tilespmem:$0x18980] =	vst v63  }
0x6d: {  	_ = 	snop  }
0x6e: {  	[tilespmem:s29], [sflag:$0x2] =	stream.linear.gather [hbm4b:s10+s3], $0x2800, $0x38;
	[tilespmem:$0x18980] =	vst v63  }
0x6f: {  	s11 =	sadd.s32 $0xA0, s11;
	s10 =	sadd.s32 $0xA00, s10  }
0x70: {  	[spmem:s2] =	stream.indirect.scatter.add.f32 [tilespmem:s25], [sflag:$0x3], $0x80, s3, s30, $0xb8;
	[tilespmem:$0x18980] =	vst v63  }
0x71: {  	_ =	swait.ge [sflag:s31], $0x50  }
0x72: {  	[sflag:s31] =	ssyncset.done $0x0  }
0x73: {  	[sflag:s31] =	ssyncadd.s32 $0xFFFFFFB0  }
0x74: {  	_ =	swait.ge [sflag:s31], $0x2800  }
0x75: {  	[sflag:s31] =	ssyncset.done $0x0  }
0x76: {  	[sflag:s31] =	ssyncadd.s32 $0xFFFFD800  }
0x77: {  	_ =	swait.ge [sflag:s0], $0x2800  }
0x78: {  	[sflag:s0] =	ssyncset.done $0x0  }
0x79: {  	[sflag:s0] =	ssyncadd.s32 $0xFFFFD800  }
0x7a: {  	[tilespmem:s3], [sflag:$0x1] =	stream.linear.gather [hbm4b:s14+s3], $0x50, $0x38;
	[tilespmem:$0x18980] =	vst v63  }
0x7b: {  	_ = 	snop  }
0x7c: {  	[tilespmem:s25], [sflag:$0x1] =	stream.linear.gather [hbm4b:s15+s3], $0x2800, $0x38;
	[tilespmem:$0x18980] =	vst v63  }
0x7d: {  	_ = 	snop  }
0x7e: {  	[spmem:s2] =	stream.indirect.scatter.add.f32 [tilespmem:s29], [sflag:$0x4], $0x80, s28, s30, $0xb8;
	[tilespmem:$0x18980] =	vst v63  }
0x7f: {  	_ =	swait.ge [sflag:s26], $0x50  }
0x80: {  	[sflag:s26] =	ssyncset.done $0x0  }
0x81: {  	[sflag:s26] =	ssyncadd.s32 $0xFFFFFFB0  }
0x82: {  	_ =	swait.ge [sflag:s26], $0x2800  }
0x83: {  	[sflag:s26] =	ssyncset.done $0x0  }
0x84: {  	[sflag:s26] =	ssyncadd.s32 $0xFFFFD800  }
0x85: {  	_ =	swait.ge [sflag:s1], $0x2800  }
0x86: {  	[sflag:s1] =	ssyncset.done $0x0  }
0x87: {  	[sflag:s1] =	ssyncadd.s32 $0xFFFFD800  }
0x88: {  	[tilespmem:s28], [sflag:$0x2] =	stream.linear.gather [hbm4b:s16+s3], $0x50, $0x38;
	[tilespmem:$0x18980] =	vst v63  }
0x89: {  	_ = 	snop  }
0x8a: {  	[tilespmem:s29], [sflag:$0x2] =	stream.linear.gather [hbm4b:s17+s3], $0x2800, $0x38;
	[tilespmem:$0x18980] =	vst v63  }
0x8b: {  	_ = 	snop  }
0x8c: {  	[spmem:s2] =	stream.indirect.scatter.add.f32 [tilespmem:s25], [sflag:$0x3], $0x80, s3, s30, $0xb8;
	[tilespmem:$0x18980] =	vst v63  }
0x8d: {  	_ =	swait.ge [sflag:s31], $0x50  }
0x8e: {  	[sflag:s31] =	ssyncset.done $0x0  }
0x8f: {  	[sflag:s31] =	ssyncadd.s32 $0xFFFFFFB0  }
0x90: {  	_ =	swait.ge [sflag:s31], $0x2800  }
0x91: {  	[sflag:s31] =	ssyncset.done $0x0  }
0x92: {  	[sflag:s31] =	ssyncadd.s32 $0xFFFFD800  }
0x93: {  	_ =	swait.ge [sflag:s0], $0x2800  }
0x94: {  	[sflag:s0] =	ssyncset.done $0x0  }
0x95: {  	[sflag:s0] =	ssyncadd.s32 $0xFFFFD800  }
0x96: {  	[spmem:s2] =	stream.indirect.scatter.add.f32 [tilespmem:s29], [sflag:$0x4], $0x80, s28, s30, $0xb8;
	[tilespmem:$0x18980] =	vst v63  }
0x97: {  	_ =	swait.ge [sflag:s1], $0x2800  }
0x98: {  	[sflag:s1] =	ssyncset.done $0x0  }
0x99: {  	[sflag:s1] =	ssyncadd.s32 $0xFFFFD800  }
0x9a: {  	[bflag:$0x0] =	sbarrier.arrive $0xFFFF  }
0x9b: {  	[hbm:s18], [sflag:s7] =	dma.local [spmem:s6], $0x2700  }
0x9c: {  	s5 =	sadd.s32 $0x1, s5;
	_ =	swait.ge [sflag:s24], $0x2700  }
0x9d: {  	p1 =	sne.s32 s5, s20;
	[sflag:s24] =	ssyncset.done $0x0  }
.Ltmp1:
0x9e: {  	s6 =	simm.s32 @!p0 $0x5;
	[sflag:s24] =	ssyncadd.s32 $0xFFFFD900;
	(pc) =	sbr.rel @p1 .LBB2_1-.Ltmp1, $4  }
0x9f: {  	[hbm:s19], [sflag:s7] =	dma.local @!p0 [spmem:s8], $0x100  }
0xa0: {  	_ =	swait.ge @!p0 [sflag:s6], $0x100  }
0xa1: {  	[sflag:s6] =	ssyncset.done @!p0 $0x0  }
0xa2: {  	[sflag:s6] =	ssyncadd.s32 @!p0 $0xFFFFFF00  }
0xa3: {  	_ =	sfence.sel $0x180000  }
0xa4: {  	[bflag:$0x0] =	sbarrier.arrive $0xFFFF  }
0xa5: {  	_ =	strace $0x90000050  }
0xa6: {  	s0 =	stileid.u32;
	[bflag:$0x2] =	sbarrier.arrive $0xFFFF  }
0xa7: {  	p0 =	sne.s32 s0, $0x0;
	s0 =	rddreg [dreg:$0x2]  }
0xa8: {  	s0 =	sadd.s32 @!p0 $0x100000, s0  }
0xa9: {  	[sflag:s0] =	ssyncadd.tile.s32 @!p0 $0x1;
	_ =	shalt  }
.Lfunc_end2:
_tile_overlayer_lowered:
.L_overlay_start_2:
0xaa: {  	(tag) =	ssettag $0x2  }
0xab: {  	s0 =	rddreg [dreg:$0x0];
	s2 =	stileid.u32  }
0xac: {  	s1 =	rddreg [dreg:$0x1];
	p0 =	sne.s32 s2, $0x0  }
0xad: {  	s3 =	rddreg [dreg:$0x2];
	[bflag:$0x3] =	sbarrier.arrive $0xFFFF;
	s2 =	simm.s32 @!p0 $0x1C05  }
0xae: {  	[timem:s3], [sflag:s2] =	dma.local @!p0 [hbm:s0], s1  }
0xaf: {  	s0 =	simm.s32 @!p0 $0x5  }
0xb0: {  	_ =	swait.ge @!p0 [sflag:s0], s1  }
0xb1: {  	s1 =	ssub.s32 @!p0 $0x0, s1;
	[sflag:s0] =	ssyncset.done @!p0 $0x0  }
0xb2: {  	[sflag:s0] =	ssyncadd.s32 @!p0 s1  }
0xb3: {  	[bflag:$0x3] =	sbarrier.arrive $0xFFFF  }
0xb4: {  	_ =	shalt  }

// kernel: kernel.19.cloned.1.call-start
scs
__scs_entry_jumppad:
0x0: {  	(pc) =	sbr.rel $0x88, $3  }
0x1: {  	(tag) =	ssettag $0x0;
	lr =	simm.s32 $0x1  }
0x2: {  	[smem:$0x3F95] =	sst lr;
	_ =	strace $0xD0000000  }
0x3: {  	_ = 	snop  }
0x4: {  	_ = 	snop  }
0x5: {  	_ = 	snop  }
0x6: {  	_ = 	snop  }
0x7: {  	_ = 	snop  }
__scs_overlays_trampoline_lowered:
0x8: {  	[smem:$0x3FA4] =	sst s0  }
0x9: {  	[smem:$0x3FA5] =	sst s1  }
0xa: {  	[smem:$0x3FA6] =	sst s2  }
0xb: {  	[smem:$0x3FA7] =	sst s3  }
0xc: {  	[smem:$0x3FA8] =	sst s4  }
0xd: {  	[smem:$0x3FA9] =	sst s5  }
0xe: {  	[smem:$0x3FAA] =	sst s6  }
0xf: {  	[smem:$0x3FAB] =	sst s7  }
0x10: {  	[smem:$0x3FAC] =	sst s8  }
0x11: {  	[smem:$0x3FAD] =	sst s9;
	s0 =	simm.s32 @!p0 $0x0  }
0x12: {  	s1 =	sld [smem:$0x3F93];
	s0 =	simm.s32 @p0 $0x1  }
0x13: {  	[smem:$0x3FAE] =	sst s0;
	s0 =	simm.s32 @!p1 $0x0  }
0x14: {  	s2 =	sld [smem:$0x3F92];
	s0 =	simm.s32 @p1 $0x1  }
0x15: {  	[smem:$0x3FAF] =	sst s0;
	s0 =	simm.s32 @!p2 $0x0  }
0x16: {  	s3 =	sld [smem:$0x3FDB];
	s0 =	simm.s32 @p2 $0x1  }
0x17: {  	s4 =	simm.s32 $0x1BF5;
	[smem:$0x3FB1] =	sst s0  }
0x18: {  	s0 =	sld [smem:$0x3F94];
	_ =	swait.ge [sflag:s4], $0x0  }
0x19: {  	s7 =	sld [smem:$0x3F95]  }
0x1a: {  	s8 =	sadd.s32 $0xFFFFE003, lr  }
0x1b: {  	s9 =	sadd.s32 $0xFFFFFEF7, lr;
	s5 =	simm.s32 $0xFFFFFFFF;
	p2 =	slt.u32 s8, $0xFFFFF086  }
0x1c: {  	p1 =	slt.u32 s9, $0xF7A;
	s5 =	simm.s32 @!p2 $0x0  }
0x1d: {  	s5 =	simm.s32 @p1 $0x1;
	p0 =	seq.s32 s7, s2  }
0x1e: {  	s7 =	smul.u32 @!p0 $0xF7A, s2;
	p2 =	seq.s32 @!p0 s5, $0x0  }
0x1f: {  	s9 =	smul.u32 $0xF7A, s1;
	s8 =	simm.s32 @!p0 $0x1BF5;
	p2 =	por !p2, p0  }
0x20: {  	[sflag:s8] =	ssyncset.s32 @!p0 $0xFFFFF086;
	s6 =	sadd.s32 @!p0 s3, s7;
	s7 =	simm.s32 @!p0 $0x108  }
0x21: {  	s3 =	sadd.s32 s3, s9;
	s6 =	sadd.s32 @!p0 $0x88, s6;
	s7 =	simm.s32 @p2 $0x1082  }
0x22: {  	[simem:s7], [sflag:s8] =	dma.local @!p0 [hbm:s6], $0xF7A  }
0x23: {  	s9 =	sor.u32 $0xD0000000, s2;
	s6 =	simm.s32 $0x108;
	_ =	swait.ge @!p0 [sflag:s8], $0x0  }
0x24: {  	s3 =	sadd.s32 $0x88, s3;
	s6 =	simm.s32 @!p1 $0x1082;
	[sflag:s4] =	ssyncset.s32 $0xFFFFF086  }
0x25: {  	[simem:s6], [sflag:s4] =	dma.local [hbm:s3], $0xF7A  }
0x26: {  	[smem:$0x3F95] =	sst s1;
	(tag) =	ssettag s2;
	_ =	strace s9  }
0x27: {  	s1 =	sld [smem:$0x3FA5]  }
0x28: {  	s2 =	sld [smem:$0x3FA6]  }
0x29: {  	s4 =	sld [smem:$0x3FA8]  }
0x2a: {  	p0 =	seq.s32 s5, $0x0;
	s5 =	sld [smem:$0x3FA9]  }
0x2b: {  	s6 =	sld [smem:$0x3FAA]  }
0x2c: {  	s7 =	sld [smem:$0x3FAB]  }
0x2d: {  	s3 =	simm.s32 $0x108;
	s8 =	sld [smem:$0x3FAC]  }
0x2e: {  	s3 =	simm.s32 @!p0 $0x1082;
	s9 =	sld [smem:$0x3FAD]  }
0x2f: {  	lr =	sadd.s32 s0, s3;
	s0 =	sld [smem:$0x3FA4]  }
0x30: {  	s3 =	sld [smem:$0x3FA7]  }
0x31: {  	[smem:$0x3FB0] =	sst s10  }
0x32: {  	s10 =	sld [smem:$0x3FAE];
	_ =	sdelay $0x3  }
0x33: {  	p0 =	seq.s32 s10, $0x1;
	s10 =	sld [smem:$0x3FB0];
	_ =	sdelay $0x3  }
0x34: {  	[smem:$0x3FB0] =	sst s10  }
0x35: {  	s10 =	sld [smem:$0x3FAF];
	_ =	sdelay $0x3  }
0x36: {  	p1 =	seq.s32 s10, $0x1;
	s10 =	sld [smem:$0x3FB0];
	_ =	sdelay $0x3  }
0x37: {  	[smem:$0x3FB0] =	sst s10  }
0x38: {  	s10 =	sld [smem:$0x3FB1]  }
0x39: {  	_ = 	snop;
	(pc) =	sbr.ind lr, $3  }
0x3a: {  	_ = 	snop  }
0x3b: {  	_ = 	snop  }
0x3c: {  	p2 =	seq.s32 s10, $0x1;
	s10 =	sld [smem:$0x3FB0]  }
0x3d: {  	_ =	shalt  }
0x3e: {  	_ =	shalt  }
0x3f: {  	_ =	shalt  }
0x40: {  	_ =	shalt  }
0x41: {  	_ =	shalt  }
0x42: {  	_ =	shalt  }
0x43: {  	_ =	shalt  }
0x44: {  	_ =	shalt  }
0x45: {  	_ =	shalt  }
0x46: {  	_ =	shalt  }
0x47: {  	_ =	shalt  }
0x48: {  	_ =	shalt  }
0x49: {  	_ =	shalt  }
0x4a: {  	_ =	shalt  }
0x4b: {  	_ =	shalt  }
0x4c: {  	_ =	shalt  }
0x4d: {  	_ =	shalt  }
0x4e: {  	_ =	shalt  }
0x4f: {  	_ =	shalt  }
0x50: {  	_ =	shalt  }
0x51: {  	_ =	shalt  }
0x52: {  	_ =	shalt  }
0x53: {  	_ =	shalt  }
0x54: {  	_ =	shalt  }
0x55: {  	_ =	shalt  }
0x56: {  	_ =	shalt  }
0x57: {  	_ =	shalt  }
0x58: {  	_ =	shalt  }
0x59: {  	_ =	shalt  }
0x5a: {  	_ =	shalt  }
0x5b: {  	_ =	shalt  }
0x5c: {  	_ =	shalt  }
0x5d: {  	_ =	shalt  }
0x5e: {  	_ =	shalt  }
0x5f: {  	_ =	shalt  }
0x60: {  	_ =	shalt  }
0x61: {  	_ =	shalt  }
0x62: {  	_ =	shalt  }
0x63: {  	_ =	shalt  }
0x64: {  	_ =	shalt  }
0x65: {  	_ =	shalt  }
0x66: {  	_ =	shalt  }
0x67: {  	_ =	shalt  }
0x68: {  	_ =	shalt  }
0x69: {  	_ =	shalt  }
0x6a: {  	_ =	shalt  }
0x6b: {  	_ =	shalt  }
0x6c: {  	_ =	shalt  }
0x6d: {  	_ =	shalt  }
0x6e: {  	_ =	shalt  }
0x6f: {  	_ =	shalt  }
0x70: {  	_ =	shalt  }
0x71: {  	_ =	shalt  }
0x72: {  	_ =	shalt  }
0x73: {  	_ =	shalt  }
0x74: {  	_ =	shalt  }
0x75: {  	_ =	shalt  }
0x76: {  	_ =	shalt  }
0x77: {  	_ =	shalt  }
0x78: {  	_ =	shalt  }
0x79: {  	_ =	shalt  }
0x7a: {  	_ =	shalt  }
0x7b: {  	_ =	shalt  }
0x7c: {  	_ =	shalt  }
0x7d: {  	_ =	shalt  }
0x7e: {  	_ =	shalt  }
0x7f: {  	_ =	shalt  }
0x80: {  	_ =	shalt  }
0x81: {  	_ =	shalt  }
0x82: {  	_ =	shalt  }
0x83: {  	_ =	shalt  }
0x84: {  	_ =	shalt  }
0x85: {  	_ =	shalt  }
0x86: {  	_ =	shalt  }
0x87: {  	_ =	shalt  }
.Lfunc_end0:
.L_simem_size_0:
called_computation.3_lowered:
.L_overlay_start_0:
0x88: {  	s2 =	sld [smem:$0x3FD9]  }
0x89: {  	s3 =	sld [smem:$0x3FFE];
	_ =	sdelay $0x1  }
0x8a: {  	s1 =	srdreg.scid  }
0x8b: {  	s0 =	sand.u32 $0x1, s1  }
0x8c: {  	s17 =	sshll.u32 s0, $0xA;
	s2 =	sadd.s32 s3, s2  }
0x8d: {  	s2 =	sadd.s32 s2, s17  }
0x8e: {  	[smem:$0x3FBC] =	sst s2  }
0x8f: {  	_ = 	snop  }
0x90: {  	(tm) =	ssettm $0x1  }
0x91: {  	s18 =	sld [smem:$0x3FFB];
	_ =	sdelay $0x3  }
0x92: {  	_ =	strace s18  }
0x93: {  	s2 =	sld [smem:$0x3FFC];
	_ =	sdelay $0x3  }
0x94: {  	_ =	strace s2  }
0x95: {  	s2 =	sld [smem:$0x3FFD];
	_ =	sdelay $0x3  }
0x96: {  	_ =	strace s2  }
0x97: {  	_ =	strace $0x8FFFFFFF  }
0x98: {  	s19 =	sld [smem:$0x3FDB];
	_ =	sdelay $0x1  }
0x99: {  	s20 =	simm.s32 $_scs_section_size  }
0x9a: {  	s4 =	simm.s32 $_size__tile_overlayer_lowered;
	s5 =	simm.s32 $_tile_overlayer_lowered  }
0x9b: {  	s6 =	simm.s32 $0x1BFF;
	s21 =	sshll.u32 s5, $0x1;
	s3 =	sadd.s32 s20, s19  }
0x9c: {  	s22 =	simm.s32 $0x0;
	s4 =	sshll.u32 s4, $0x1;
	s5 =	sadd.s32 s21, s3  }
0x9d: {  	[timem:s22], [sflag:s6] =	dma.local [hbm:s5], s4  }
0x9e: {  	_ =	swait.ge [sflag:s6], s4  }
0x9f: {  	s4 =	ssub.s32 $0x0, s4;
	[sflag:s6] =	ssyncset.done $0x0  }
0xa0: {  	[sflag:s6] =	ssyncadd.s32 s4;
	_ =	sdelay $0x1  }
0xa1: {  	s23 =	simm.s32 $0x1B8B  }
0xa2: {  	_ =	swait.ge [sflag:s23], $0x1  }
0xa3: {  	[sflag:s23] =	ssyncset.done $0x0  }
0xa4: {  	[sflag:s23] =	ssyncadd.s32 $0xFFFFFFFF  }
0xa5: {  	s4 =	sld [smem:$0x0]  }
0xa6: {  	s5 =	sand.u32 $0xFFFFFFFE, s1  }
0xa7: {  	p0 =	sne.s32 s1, s5  }
0xa8: {  	s5 =	sshll.u32 @p0 s5, $0xE  }
0xa9: {  	s5 =	sadd.s32 @p0 $0x11B8D, s5;
	s6 =	sshll.u32 @p0 s4, $0x11  }
0xaa: {  	s5 =	sor.u32 @p0 s6, s5  }
0xab: {  	[sflag:s5] =	ssyncadd.remote.s32 @p0 $0x1;
	_ =	sdelay $0x1  }
0xac: {  	s5 =	simm.s32 @p0 $0x1B8D  }
0xad: {  	_ =	swait.eq @p0 [sflag:s5], $0x1  }
0xae: {  	[sflag:s5] =	ssyncadd.s32 @p0 $0xFFFFFFFF  }
0xaf: {  	s6 =	sshll.u32 @!p0 s1, $0xE  }
0xb0: {  	s6 =	sor.u32 @!p0 $0x4000, s6;
	s5 =	simm.s32 @!p0 $0x1B8D  }
0xb1: {  	s4 =	sshll.u32 @!p0 s4, $0x11;
	s6 =	sadd.s32 @!p0 $0x11B8D, s6;
	_ =	swait.eq @!p0 [sflag:s5], $0x1  }
0xb2: {  	s4 =	sor.u32 @!p0 s4, s6;
	[sflag:s5] =	ssyncadd.s32 @!p0 $0xFFFFFFFF  }
0xb3: {  	s25 =	simm.s32 $0x1B8E;
	s24 =	sld [smem:$0x3FFE];
	[sflag:s4] =	ssyncadd.remote.s32 @!p0 $0x1  }
0xb4: {  	s26 =	simm.s32 $execute0_lowered;
	[smem:$0x3FD2] =	sst s25  }
0xb5: {  	s5 =	sshll.u32 s26, $0x1;
	_ =	strace $0x8000004C;
	[dreg:$0x1] =	wrdreg $0xFFFFFFFF  }
0xb6: {  	s28 =	simm.s32 $_size_execute0_lowered;
	s3 =	sadd.s32 s3, s5;
	[dreg:$0x0] =	wrdreg $0x0  }
0xb7: {  	s5 =	sshll.u32 s28, $0x1;
	[dreg:$0x2] =	wrdreg s3  }
0xb8: {  	[dreg:$0x3] =	wrdreg s5  }
0xb9: {  	[dreg:$0x4] =	wrdreg $0xC0  }
0xba: {  	_ =	task [dreg:s22], $0x5FFFF  }
0xbb: {  	[dreg:$0x1] =	wrdreg $0xFFFFFFFF  }
0xbc: {  	[dreg:$0x0] =	wrdreg $0x60  }
0xbd: {  	[dreg:$0x2] =	wrdreg s24  }
0xbe: {  	[dreg:$0x3] =	wrdreg $0x79000  }
0xbf: {  	[dreg:$0x4] =	wrdreg $0xA  }
0xc0: {  	_ =	task.clear_ibuf [dreg:s22], $0x5FFFF;
	_ =	strace $0x9000004C  }
0xc1: {  	s29 =	simm.s32 $0xA;
	_ =	strace $0x8000004E  }
0xc2: {  	_ =	swait.ge [sflag:s29], $0x1  }
0xc3: {  	[sflag:s29] =	ssyncadd.s32 $0xFFFFFFFF  }
0xc4: {  	_ =	strace $0x9000004E  }
0xc5: {  	_ =	sfence  }
0xc6: {  	s30 =	sld [smem:$0x0];
	_ =	sdelay $0x2  }
0xc7: {  	s31 =	sshll.u32 s1, $0xD;
	s1 =	sshrl.u32 s1, $0x2  }
0xc8: {  	s4 =	sand.u32 $0x4000, s31;
	s1 =	sadd.s32 s1, s30  }
0xc9: {  	s0 =	sor.u32 s4, s0;
	s1 =	sshll.u32 s1, $0x11  }
0xca: {  	s0 =	sor.u32 s1, s0  }
0xcb: {  	s0 =	sadd.s32 $0x8F2B, s0  }
0xcc: {  	[sflag:s0] =	ssyncadd.remote.s32 $0x1  }
0xcd: {  	_ =	sfence.sel $0xFFFF  }
0xce: {  	[dreg:$0x0] =	wrdreg $0xFFFFFFFF;
	(pc) =	sbr.abs _section_cstart, $3  }
0xcf: {  	[dreg:$0x1] =	wrdreg $0xFFFFFFFF  }
0xd0: {  	_ =	task.clear_ibuf [dreg:s22], $0x2FFFF;
	_ =	strace $0x9FFFFFFF  }
0xd1: {  	(tm) =	ssettm $0x7FFFFFFF  }
tec
execute0_lowered:
.L_overlay_start_1:
0x0: {  	(tag) =	ssettag $0x1  }
0x1: {  	s0 =	rddreg [dreg:$0x0]  }
0x2: {  	s2 =	rddreg [dreg:$0x1];
	s3 =	simm.s32 $0x0  }
0x3: {  	s23 =	stileid.u32;
	s5 =	srdreg.scid;
	s28 =	simm.s32 $0x3D00  }
0x4: {  	s29 =	simm.s32 $0x78;
	s30 =	simm.s32 $0x2;
	s31 =	simm.s32 $0x3  }
0x5: {  	[smem:$0x7FF] =	sst s3;
	s1 =	smul.u32 $0x2700, s23;
	s4 =	sadd.s32 $0x51FE00, s0  }
0x6: {  	s7 =	sadd.s32 $0xCE00, s0;
	s5 =	sand.u32 $0x1, s5;
	s9 =	sshll.u32 s23, $0x1  }
0x7: {  	s10 =	smul.u32 $0x4E000, s23;
	s18 =	sadd.s32 $0x65000, s0;
	s24 =	sshll.u32 s23, $0x6  }
0x8: {  	s12 =	sadd.s32 $0x138000, s2;
	s22 =	smul.u32 $0x2EE0, s23;
	p0 =	sne.s32 s23, $0xF  }
0x9: {  	_ =	strace $0x8000004D;
	s8 =	ssub.s32 $0x2, s5;
	s9 =	sor.u32 s5, s9  }
0xa: {  	[dreg:$0x5] =	wrdreg s12;
	s6 =	sadd.s32 s1, s0;
	s11 =	sshrl.u32 s8, $0x1  }
0xb: {  	s14 =	smul.u32 $0x1770, s9;
	s10 =	sshrl.u32 s10, $0x2;
	s0 =	sadd.s32 $0x64E00, s0  }
0xc: {  	s26 =	smul.u32 $0xBB800, s9;
	s10 =	sadd.s32 s10, s2;
	[dreg:$0x6] =	wrdreg s0  }
0xd: {  	s15 =	smul.u32 $0x17700, s9;
	s6 =	sadd.s32 $0x3DE00, s6;
	[dreg:$0x3] =	wrdreg s10  }
0xe: {  	s8 =	ssub.s32 s8, s11;
	[dreg:$0x4] =	wrdreg s6;
	s6 =	sor.u32 $0x1C05, s24  }
0xf: {  	s25 =	sshrl.u32 s14, $0x3;
	s17 =	sadd.s32 $0x1F478, s14;
	s11 =	sshrl.u32 s26, $0x3  }
0x10: {  	s20 =	sadd.s32 s4, s15;
	s12 =	sshrl.u32 s17, $0x3;
	s17 =	smul.u32 $0x27100, s5  }
0x11: {  	s21 =	sadd.s32 $0x20AF8, s14;
	[dreg:$0x8] =	wrdreg s20;
	s20 =	smul.u32 $0x1770, s5  }
0x12: {  	s13 =	sadd.s32 s7, s25;
	s0 =	sshrl.u32 s21, $0x3;
	s21 =	smul.u32 $0x2EE00, s23  }
0x13: {  	s16 =	sadd.s32 s4, s11;
	s25 =	smul.u32 $0x17700, s5;
	s23 =	simm.s32 $0x5  }
0x14: {  	s19 =	sadd.s32 $0x3E80, s13;
	s11 =	sadd.s32 s7, s12;
	s12 =	sadd.s32 $0x780, s16  }
0x15: {  	s13 =	sadd.s32 $0x4150, s13;
	s14 =	sadd.s32 $0x16800, s16;
	s15 =	sadd.s32 s7, s0  }
0x16: {  	s16 =	sadd.s32 $0x16F80, s16;
	[dreg:$0x7] =	wrdreg s19;
	s19 =	smul.u32 $0x138800, s5  }
0x17: {  	s1 =	sadd.s32 s1, s17;
	s0 =	sadd.s32 s20, s22;
	s4 =	sadd.s32 s21, s4  }
0x18: {  	s17 =	sadd.s32 s18, s1;
	s26 =	sadd.s32 $0x1F568, s0;
	s1 =	sadd.s32 s25, s4  }
0x19: {  	s0 =	sadd.s32 $0x1F4F0, s0;
	s25 =	simm.s32 $0x1;
	s19 =	sshrl.u32 s19, $0x3  }
0x1a: {  	s5 =	sshrl.u32 s26, $0x3;
	s21 =	sadd.s32 $0x1680, s1;
	s0 =	sshrl.u32 s0, $0x3  }
0x1b: {  	s26 =	simm.s32 $0x80;
	s1 =	simm.s32 $0x0;
	s24 =	sadd.s32 s18, s19  }
0x1c: {  	s19 =	smax.u32 s8, $0x1;
	s20 =	sadd.s32 s5, s7;
	s22 =	sadd.s32 s0, s7  }
0x1d: {  	s0 =	simm.s32 $0x4;
	s18 =	sadd.s32 $0x27000, s24;
	s24 =	simm.s32 $0x100  }
.LBB2_1:
0x1e: {  	s4 =	rddreg [dreg:$0x3]  }
0x1f: {  	s5 =	rddreg [dreg:$0x4];
	s4 =	sshrl.u32 s4, $0x3  }
0x20: {  	[spmem:s4], [sflag:s6] =	dma.local [hbm:s5], $0x2700  }
0x21: {  	_ =	swait.ge [sflag:s23], $0x2700  }
0x22: {  	[sflag:s23] =	ssyncset.done $0x0;
	s5 =	rddreg [dreg:$0x5]  }
0x23: {  	s7 =	rddreg [dreg:$0x6];
	[sflag:s23] =	ssyncadd.s32 $0xFFFFD900;
	s5 =	sshrl.u32 @!p0 s5, $0x3  }
0x24: {  	[spmem:s5], [sflag:s6] =	dma.local @!p0 [hbm:s7], $0x100  }
0x25: {  	s7 =	simm.s32 @!p0 $0x5  }
0x26: {  	_ =	swait.ge @!p0 [sflag:s7], $0x100  }
0x27: {  	[sflag:s7] =	ssyncset.done @!p0 $0x0  }
0x28: {  	[sflag:s7] =	ssyncadd.s32 @!p0 $0xFFFFFF00  }
0x29: {  	[bflag:$0x0] =	sbarrier.arrive $0xFFFF  }
0x2a: {  	s9 =	rddreg [dreg:$0x7]  }
0x2b: {  	[tilespmem:s3], [sflag:$0x1] =	stream.linear.gather [hbm4b:s9+s3], $0x78, $0x38;
	[tilespmem:$0x1B180] =	vst v63  }
0x2c: {  	s10 =	rddreg [dreg:$0x8]  }
0x2d: {  	[tilespmem:s24], [sflag:$0x1] =	stream.linear.gather [hbm4b:s10+s3], $0x3C00, $0x38;
	[tilespmem:$0x1B180] =	vst v63  }
0x2e: {  	_ =	swait.ge [sflag:s25], $0x78  }
0x2f: {  	[sflag:s25] =	ssyncset.done $0x0  }
0x30: {  	[sflag:s25] =	ssyncadd.s32 $0xFFFFFF88  }
0x31: {  	_ =	swait.ge [sflag:s25], $0x3C00  }
0x32: {  	[sflag:s25] =	ssyncset.done $0x0  }
0x33: {  	[sflag:s25] =	ssyncadd.s32 $0xFFFFC400  }
0x34: {  	[tilespmem:s26], [sflag:$0x2] =	stream.linear.gather [hbm4b:s11+s3], $0x78, $0x38;
	[tilespmem:$0x1B180] =	vst v63  }
0x35: {  	_ = 	snop  }
0x36: {  	[tilespmem:s28], [sflag:$0x2] =	stream.linear.gather [hbm4b:s12+s3], $0x3C00, $0x38;
	[tilespmem:$0x1B180] =	vst v63  }
0x37: {  	_ = 	snop  }
0x38: {  	[spmem:s2] =	stream.indirect.scatter.add.f32 [tilespmem:s24], [sflag:$0x3], $0x80, s3, s29, $0xb8;
	[tilespmem:$0x1B180] =	vst v63  }
0x39: {  	_ =	swait.ge [sflag:s30], $0x78  }
0x3a: {  	[sflag:s30] =	ssyncset.done $0x0  }
0x3b: {  	[sflag:s30] =	ssyncadd.s32 $0xFFFFFF88  }
0x3c: {  	_ =	swait.ge [sflag:s30], $0x3C00  }
0x3d: {  	[sflag:s30] =	ssyncset.done $0x0  }
0x3e: {  	[sflag:s30] =	ssyncadd.s32 $0xFFFFC400  }
0x3f: {  	_ =	swait.ge [sflag:s31], $0x3C00  }
0x40: {  	[sflag:s31] =	ssyncset.done $0x0  }
0x41: {  	s8 =	sadd.s32 $0x0, s22;
	[sflag:s31] =	ssyncadd.s32 $0xFFFFC400  }
0x42: {  	[tilespmem:s3], [sflag:$0x1] =	stream.linear.gather [hbm4b:s8+s3], $0x78, $0x38;
	[tilespmem:$0x1B180] =	vst v63  }
0x43: {  	s9 =	sadd.s32 $0xFFFFF880, s21  }
0x44: {  	[tilespmem:s24], [sflag:$0x1] =	stream.linear.gather [hbm4b:s9+s3], $0x3C00, $0x38;
	[tilespmem:$0x1B180] =	vst v63  }
0x45: {  	_ = 	snop  }
0x46: {  	[spmem:s2] =	stream.indirect.scatter.add.f32 [tilespmem:s28], [sflag:$0x4], $0x80, s26, s29, $0xb8;
	[tilespmem:$0x1B180] =	vst v63  }
0x47: {  	_ =	swait.ge [sflag:s25], $0x78  }
0x48: {  	[sflag:s25] =	ssyncset.done $0x0  }
0x49: {  	[sflag:s25] =	ssyncadd.s32 $0xFFFFFF88  }
0x4a: {  	_ =	swait.ge [sflag:s25], $0x3C00  }
0x4b: {  	[sflag:s25] =	ssyncset.done $0x0  }
0x4c: {  	[sflag:s25] =	ssyncadd.s32 $0xFFFFC400  }
0x4d: {  	_ =	swait.ge [sflag:s0], $0x3C00  }
0x4e: {  	[sflag:s0] =	ssyncset.done $0x0  }
0x4f: {  	s10 =	sadd.s32 $0x0, s20;
	[sflag:s0] =	ssyncadd.s32 $0xFFFFC400  }
0x50: {  	[tilespmem:s26], [sflag:$0x2] =	stream.linear.gather [hbm4b:s10+s3], $0x78, $0x38;
	[tilespmem:$0x1B180] =	vst v63  }
0x51: {  	s7 =	simm.s32 $0x1E;
	s8 =	sadd.s32 $0xF00, s21  }
0x52: {  	[tilespmem:s28], [sflag:$0x2] =	stream.linear.gather [hbm4b:s21+s3], $0x3C00, $0x38;
	[tilespmem:$0x1B180] =	vst v63  }
.LBB2_2:
0x53: {  	[spmem:s2] =	stream.indirect.scatter.add.f32 [tilespmem:s24], [sflag:$0x3], $0x80, s3, s29, $0xb8;
	[tilespmem:$0x1B180] =	vst v63  }
0x54: {  	s9 =	smov.u32 s7  }
0x55: {  	p1 =	sne.s32 s7, $0x294;
	s7 =	sadd.s32 $0x1E, s7;
	_ =	swait.ge [sflag:s30], $0x78  }
0x56: {  	[sflag:s30] =	ssyncset.done $0x0  }
0x57: {  	[sflag:s30] =	ssyncadd.s32 $0xFFFFFF88  }
0x58: {  	_ =	swait.ge [sflag:s30], $0x3C00  }
0x59: {  	[sflag:s30] =	ssyncset.done $0x0  }
0x5a: {  	[sflag:s30] =	ssyncadd.s32 $0xFFFFC400  }
0x5b: {  	_ =	swait.ge [sflag:s31], $0x3C00  }
0x5c: {  	[sflag:s31] =	ssyncset.done $0x0  }
0x5d: {  	s10 =	sadd.s32 s9, s22;
	[sflag:s31] =	ssyncadd.s32 $0xFFFFC400  }
0x5e: {  	[tilespmem:s3], [sflag:$0x1] =	stream.linear.gather [hbm4b:s10+s3], $0x78, $0x38;
	[tilespmem:$0x1B180] =	vst v63  }
0x5f: {  	s10 =	sadd.s32 $0xFFFFF880, s8  }
0x60: {  	[tilespmem:s24], [sflag:$0x1] =	stream.linear.gather [hbm4b:s10+s3], $0x3C00, $0x38;
	[tilespmem:$0x1B180] =	vst v63  }
0x61: {  	_ = 	snop  }
0x62: {  	[spmem:s2] =	stream.indirect.scatter.add.f32 [tilespmem:s28], [sflag:$0x4], $0x80, s26, s29, $0xb8;
	[tilespmem:$0x1B180] =	vst v63  }
0x63: {  	_ =	swait.ge [sflag:s25], $0x78  }
0x64: {  	[sflag:s25] =	ssyncset.done $0x0  }
0x65: {  	[sflag:s25] =	ssyncadd.s32 $0xFFFFFF88  }
0x66: {  	_ =	swait.ge [sflag:s25], $0x3C00  }
0x67: {  	[sflag:s25] =	ssyncset.done $0x0  }
0x68: {  	[sflag:s25] =	ssyncadd.s32 $0xFFFFC400  }
0x69: {  	_ =	swait.ge [sflag:s0], $0x3C00  }
0x6a: {  	[sflag:s0] =	ssyncset.done $0x0  }
.Ltmp0:
0x6b: {  	s9 =	sadd.s32 s9, s20;
	[sflag:s0] =	ssyncadd.s32 $0xFFFFC400;
	(pc) =	sbr.rel @p1 .LBB2_2-.Ltmp0, $4  }
0x6c: {  	[tilespmem:s26], [sflag:$0x2] =	stream.linear.gather [hbm4b:s9+s3], $0x78, $0x38;
	[tilespmem:$0x1B180] =	vst v63  }
0x6d: {  	_ = 	snop  }
0x6e: {  	[tilespmem:s28], [sflag:$0x2] =	stream.linear.gather [hbm4b:s8+s3], $0x3C00, $0x38;
	[tilespmem:$0x1B180] =	vst v63  }
0x6f: {  	s8 =	sadd.s32 $0xF00, s8  }
0x70: {  	[spmem:s2] =	stream.indirect.scatter.add.f32 [tilespmem:s24], [sflag:$0x3], $0x80, s3, s29, $0xb8;
	[tilespmem:$0x1B180] =	vst v63  }
0x71: {  	_ =	swait.ge [sflag:s30], $0x78  }
0x72: {  	[sflag:s30] =	ssyncset.done $0x0  }
0x73: {  	[sflag:s30] =	ssyncadd.s32 $0xFFFFFF88  }
0x74: {  	_ =	swait.ge [sflag:s30], $0x3C00  }
0x75: {  	[sflag:s30] =	ssyncset.done $0x0  }
0x76: {  	[sflag:s30] =	ssyncadd.s32 $0xFFFFC400  }
0x77: {  	_ =	swait.ge [sflag:s31], $0x3C00  }
0x78: {  	[sflag:s31] =	ssyncset.done $0x0  }
0x79: {  	[sflag:s31] =	ssyncadd.s32 $0xFFFFC400  }
0x7a: {  	[tilespmem:s3], [sflag:$0x1] =	stream.linear.gather [hbm4b:s13+s3], $0x78, $0x38;
	[tilespmem:$0x1B180] =	vst v63  }
0x7b: {  	_ = 	snop  }
0x7c: {  	[tilespmem:s24], [sflag:$0x1] =	stream.linear.gather [hbm4b:s14+s3], $0x3C00, $0x38;
	[tilespmem:$0x1B180] =	vst v63  }
0x7d: {  	_ = 	snop  }
0x7e: {  	[spmem:s2] =	stream.indirect.scatter.add.f32 [tilespmem:s28], [sflag:$0x4], $0x80, s26, s29, $0xb8;
	[tilespmem:$0x1B180] =	vst v63  }
0x7f: {  	_ =	swait.ge [sflag:s25], $0x78  }
0x80: {  	[sflag:s25] =	ssyncset.done $0x0  }
0x81: {  	[sflag:s25] =	ssyncadd.s32 $0xFFFFFF88  }
0x82: {  	_ =	swait.ge [sflag:s25], $0x3C00  }
0x83: {  	[sflag:s25] =	ssyncset.done $0x0  }
0x84: {  	[sflag:s25] =	ssyncadd.s32 $0xFFFFC400  }
0x85: {  	_ =	swait.ge [sflag:s0], $0x3C00  }
0x86: {  	[sflag:s0] =	ssyncset.done $0x0  }
0x87: {  	[sflag:s0] =	ssyncadd.s32 $0xFFFFC400  }
0x88: {  	[tilespmem:s26], [sflag:$0x2] =	stream.linear.gather [hbm4b:s15+s3], $0x78, $0x38;
	[tilespmem:$0x1B180] =	vst v63  }
0x89: {  	_ = 	snop  }
0x8a: {  	[tilespmem:s28], [sflag:$0x2] =	stream.linear.gather [hbm4b:s16+s3], $0x3C00, $0x38;
	[tilespmem:$0x1B180] =	vst v63  }
0x8b: {  	_ = 	snop  }
0x8c: {  	[spmem:s2] =	stream.indirect.scatter.add.f32 [tilespmem:s24], [sflag:$0x3], $0x80, s3, s29, $0xb8;
	[tilespmem:$0x1B180] =	vst v63  }
0x8d: {  	_ =	swait.ge [sflag:s30], $0x78  }
0x8e: {  	[sflag:s30] =	ssyncset.done $0x0  }
0x8f: {  	[sflag:s30] =	ssyncadd.s32 $0xFFFFFF88  }
0x90: {  	_ =	swait.ge [sflag:s30], $0x3C00  }
0x91: {  	[sflag:s30] =	ssyncset.done $0x0  }
0x92: {  	[sflag:s30] =	ssyncadd.s32 $0xFFFFC400  }
0x93: {  	_ =	swait.ge [sflag:s31], $0x3C00  }
0x94: {  	[sflag:s31] =	ssyncset.done $0x0  }
0x95: {  	[sflag:s31] =	ssyncadd.s32 $0xFFFFC400  }
0x96: {  	[spmem:s2] =	stream.indirect.scatter.add.f32 [tilespmem:s28], [sflag:$0x4], $0x80, s26, s29, $0xb8;
	[tilespmem:$0x1B180] =	vst v63  }
0x97: {  	_ =	swait.ge [sflag:s0], $0x3C00  }
0x98: {  	[sflag:s0] =	ssyncset.done $0x0  }
0x99: {  	[sflag:s0] =	ssyncadd.s32 $0xFFFFC400  }
0x9a: {  	[bflag:$0x0] =	sbarrier.arrive $0xFFFF  }
0x9b: {  	[hbm:s17], [sflag:s6] =	dma.local [spmem:s4], $0x2700  }
0x9c: {  	s1 =	sadd.s32 $0x1, s1;
	_ =	swait.ge [sflag:s23], $0x2700  }
0x9d: {  	p1 =	sne.s32 s1, s19;
	[sflag:s23] =	ssyncset.done $0x0  }
.Ltmp1:
0x9e: {  	s4 =	simm.s32 @!p0 $0x5;
	[sflag:s23] =	ssyncadd.s32 $0xFFFFD900;
	(pc) =	sbr.rel @p1 .LBB2_1-.Ltmp1, $4  }
0x9f: {  	[hbm:s18], [sflag:s6] =	dma.local @!p0 [spmem:s5], $0x100  }
0xa0: {  	_ =	swait.ge @!p0 [sflag:s4], $0x100  }
0xa1: {  	[sflag:s4] =	ssyncset.done @!p0 $0x0  }
0xa2: {  	[sflag:s4] =	ssyncadd.s32 @!p0 $0xFFFFFF00  }
0xa3: {  	_ =	sfence.sel $0x180000  }
0xa4: {  	[bflag:$0x0] =	sbarrier.arrive $0xFFFF  }
0xa5: {  	_ =	strace $0x9000004D  }
0xa6: {  	s0 =	stileid.u32;
	[bflag:$0x2] =	sbarrier.arrive $0xFFFF  }
0xa7: {  	p0 =	sne.s32 s0, $0x0;
	s0 =	rddreg [dreg:$0x2]  }
0xa8: {  	s0 =	sadd.s32 @!p0 $0x100000, s0  }
0xa9: {  	[sflag:s0] =	ssyncadd.tile.s32 @!p0 $0x1;
	_ =	shalt  }
.Lfunc_end2:
_tile_overlayer_lowered:
.L_overlay_start_2:
0xaa: {  	(tag) =	ssettag $0x2  }
0xab: {  	s0 =	rddreg [dreg:$0x0];
	s2 =	stileid.u32  }
0xac: {  	s1 =	rddreg [dreg:$0x1];
	p0 =	sne.s32 s2, $0x0  }
0xad: {  	s3 =	rddreg [dreg:$0x2];
	[bflag:$0x3] =	sbarrier.arrive $0xFFFF;
	s2 =	simm.s32 @!p0 $0x1C05  }
0xae: {  	[timem:s3], [sflag:s2] =	dma.local @!p0 [hbm:s0], s1  }
0xaf: {  	s0 =	simm.s32 @!p0 $0x5  }
0xb0: {  	_ =	swait.ge @!p0 [sflag:s0], s1  }
0xb1: {  	s1 =	ssub.s32 @!p0 $0x0, s1;
	[sflag:s0] =	ssyncset.done @!p0 $0x0  }
0xb2: {  	[sflag:s0] =	ssyncadd.s32 @!p0 s1  }
0xb3: {  	[bflag:$0x3] =	sbarrier.arrive $0xFFFF  }
0xb4: {  	_ =	shalt  }

</sc_bundles>
